<compile_context>
chip_gen: v7x
topology: tpu7x:2x2x1
jax: 0.10.2.dev20260603
libtpu: 0.0.44.dev20260713+nightly
codegen_flags: <defaults>
</compile_context>

<pallas_src>
import functools

import jax
import jax.numpy as jnp
from jax import lax
from jax.experimental import pallas as pl
from jax.experimental.pallas import tpu as pltpu
from jax.experimental.pallas import tpu_sc as plsc

N = 10000
E = 320000
DH = 128
DZ = 32
NC = 2
NS = 16
ACC_N = 10240
RPT = ACC_N // NS
EPT = E // (NC * NS)
K = 80
NCHUNK = EPT // K
ZR = 128

_mesh = plsc.VectorSubcoreMesh(
    core_axis_name="c", subcore_axis_name="s", num_cores=NC, num_subcores=NS
)


def _vcopy_chunk(src_all, off, dstbuf):
    for i in range(K // 16):
        dstbuf[pl.ds(i * 16, 16)] = src_all[pl.ds(off + i * 16, 16)]


@functools.partial(
    pl.kernel,
    out_type=jax.ShapeDtypeStruct((NC, ACC_N), jnp.float32),
    mesh=_mesh,
    scratch_types=[
        pltpu.VMEM((EPT,), jnp.int32),
        pltpu.VMEM((4, K), jnp.int32),
        pltpu.VMEM((K,), jnp.float32),
        pltpu.VMEM((RPT,), jnp.float32),
        pltpu.VMEM_SHARED((ACC_N,), jnp.float32),
        pltpu.SemaphoreType.DMA,
        pltpu.SemaphoreType.DMA,
    ],
)
def _deg_kernel(dst_hbm, out_hbm, didx_all, dbuf, ones, zbuf, acc, isem, ssem):
    c = lax.axis_index("c")
    s = lax.axis_index("s")
    ebase = (c * NS + s) * EPT
    pltpu.async_copy(dst_hbm.at[pl.ds(ebase, EPT)], didx_all, isem)

    zero16 = jnp.zeros((16,), jnp.float32)
    one16 = jnp.ones((16,), jnp.float32)

    def _init(i, carry):
        zbuf[pl.ds(i * 16, 16)] = zero16
        return carry

    lax.fori_loop(0, RPT // 16, _init, 0)
    for j in range(K // 16):
        ones[pl.ds(j * 16, 16)] = one16

    pltpu.sync_copy(zbuf, acc.at[pl.ds(s * RPT, RPT)])
    pltpu.make_async_copy(dst_hbm.at[pl.ds(ebase, EPT)], didx_all, isem).wait()
    plsc.subcore_barrier()

    for q in range(4):
        _vcopy_chunk(didx_all, q * K, dbuf.at[q])
        pltpu.async_copy(ones, acc.at[dbuf.at[q]], ssem, add=True)

    def _quad(j, carry):
        i0 = 4 * j + 4
        for q in range(4):
            pltpu.make_async_copy(ones, acc.at[dbuf.at[q]], ssem).wait()
            _vcopy_chunk(didx_all, (i0 + q) * K, dbuf.at[q])
            pltpu.async_copy(ones, acc.at[dbuf.at[q]], ssem, add=True)
        return carry

    lax.fori_loop(0, (NCHUNK - 1) // 4 - 1, _quad, 0)
    for q in range(4):
        pltpu.make_async_copy(ones, acc.at[dbuf.at[q]], ssem).wait()
    _vcopy_chunk(didx_all, (NCHUNK - 1) * K, dbuf.at[0])
    pltpu.sync_copy(ones, acc.at[dbuf.at[0]], add=True)

    plsc.subcore_barrier()
    pltpu.sync_copy(acc.at[pl.ds(s * RPT, RPT)], out_hbm.at[c, pl.ds(s * RPT, RPT)])


@functools.partial(
    pl.kernel,
    out_type=jax.ShapeDtypeStruct((NC, ACC_N, DH), jnp.float32),
    mesh=_mesh,
    scratch_types=[
        pltpu.VMEM((EPT,), jnp.int32),
        pltpu.VMEM((3, K), jnp.int32),
        pltpu.VMEM((3, K, DH), jnp.float32),
        pltpu.VMEM_SHARED((ACC_N, DH), jnp.float32),
        pltpu.SemaphoreType.DMA,
        pltpu.SemaphoreType.DMA,
        pltpu.SemaphoreType.DMA,
    ],
)
def _scatter_kernel(y_hbm, src_hbm, dst_hbm, out_hbm, sidx_all, dbuf,
                    rows, acc, isem, dsem, gsem):
    c = lax.axis_index("c")
    s = lax.axis_index("s")
    tile = c * NS + s
    ebase = tile * EPT
    pltpu.async_copy(src_hbm.at[pl.ds(ebase, EPT)], sidx_all, isem)

    zero16 = jnp.zeros((16,), jnp.float32)

    def _zrow(i, carry):
        for j in range(DH // 16):
            rows[0, i, pl.ds(j * 16, 16)] = zero16
            rows[1, i, pl.ds(j * 16, 16)] = zero16
        return carry

    lax.fori_loop(0, K, _zrow, 0)
    for t in range(RPT // K):
        pltpu.sync_copy(rows.at[t % 2], acc.at[pl.ds(s * RPT + t * K, K)])
    pltpu.make_async_copy(src_hbm.at[pl.ds(ebase, EPT)], sidx_all, isem).wait()
    plsc.subcore_barrier()

    def _dload(i, buf):
        pltpu.async_copy(dst_hbm.at[pl.ds(ebase + i * K, K)], dbuf.at[buf],
                         dsem)

    def _dwait(i, buf):
        pltpu.make_async_copy(dst_hbm.at[pl.ds(ebase + i * K, K)],
                              dbuf.at[buf], dsem).wait()

    def _gather(i, buf):
        pltpu.async_copy(y_hbm.at[sidx_all.at[pl.ds(i * K, K)]], rows.at[buf],
                         gsem)

    def _gwait(i, buf):
        pltpu.make_async_copy(y_hbm.at[sidx_all.at[pl.ds(i * K, K)]],
                              rows.at[buf], gsem).wait()

    for q in range(3):
        _dload(q, q)
        _gather(q, q)

    def _step(i, buf, more):
        _gwait(i, buf)
        _dwait(i, buf)
        pltpu.sync_copy(rows.at[buf], acc.at[dbuf.at[buf]], add=True)
        if more:
            _dload(i + 3, buf)
            _gather(i + 3, buf)

    def _tri(j, carry):
        i0 = 3 * j
        _step(i0, 0, True)
        _step(i0 + 1, 1, True)
        _step(i0 + 2, 2, True)
        return carry

    lax.fori_loop(0, (NCHUNK - 5) // 3, _tri, 0)
    _step(NCHUNK - 5, 0, True)
    _step(NCHUNK - 4, 1, True)
    _step(NCHUNK - 3, 2, False)
    _step(NCHUNK - 2, 0, False)
    _step(NCHUNK - 1, 1, False)
    plsc.subcore_barrier()
    pltpu.sync_copy(acc.at[pl.ds(s * RPT, RPT)], out_hbm.at[c, pl.ds(s * RPT, RPT)])


def _tc1_body(x_ref, w1_ref, dp0_ref, dp1_ref, y_ref, dinv_ref):
    deg = dp0_ref[pl.ds(0, N), :] + dp1_ref[pl.ds(0, N), :] + 1.0
    dinv = lax.rsqrt(deg)
    xw = jnp.dot(x_ref[...], w1_ref[...], preferred_element_type=jnp.float32)
    y_ref[...] = xw * dinv
    dinv_ref[...] = dinv


_tc1 = pl.pallas_call(
    _tc1_body,
    out_shape=[
        jax.ShapeDtypeStruct((N, DH), jnp.float32),
        jax.ShapeDtypeStruct((N, 1), jnp.float32),
    ],
)


def _tc2_body(s_ref, y_ref, dinv_ref, b1_ref, w2_ref, y2_ref):
    dinv = dinv_ref[...]
    ssum = s_ref[0, pl.ds(0, N), :] + s_ref[1, pl.ds(0, N), :]
    h = jnp.maximum(dinv * (ssum + y_ref[...]) + b1_ref[...], 0.0)
    y2_ref[...] = jnp.dot(h, w2_ref[...], preferred_element_type=jnp.float32) * dinv


_tc2 = pl.pallas_call(
    _tc2_body,
    out_shape=jax.ShapeDtypeStruct((N, DH), jnp.float32),
)


def _tc3_body(s_ref, y2_ref, dinv_ref, b2_ref, wmu_ref, bmu_ref, wlv_ref, blv_ref,
              mu_ref, lv_ref):
    dinv = dinv_ref[...]
    ssum = s_ref[0, pl.ds(0, N), :] + s_ref[1, pl.ds(0, N), :]
    h = jnp.maximum(dinv * (ssum + y2_ref[...]) + b2_ref[...], 0.0)
    mu_ref[...] = jnp.dot(h, wmu_ref[...], preferred_element_type=jnp.float32) + bmu_ref[...]
    lv_ref[...] = jnp.dot(h, wlv_ref[...], preferred_element_type=jnp.float32) + blv_ref[...]


_tc3 = pl.pallas_call(
    _tc3_body,
    out_shape=[
        jax.ShapeDtypeStruct((N, DZ), jnp.float32),
        jax.ShapeDtypeStruct((N, DZ), jnp.float32),
    ],
)


def kernel(x, edge_index, W1, b1, W2, b2, Wmu, bmu, Wlv, blv):
    srcc = edge_index[0]
    dstc = edge_index[1]
    degp = _deg_kernel(dstc)
    dp0 = degp[0].reshape(ACC_N, 1)
    dp1 = degp[1].reshape(ACC_N, 1)
    y1, dinv = _tc1(x, W1, dp0, dp1)
    s1 = _scatter_kernel(y1, srcc, dstc)
    y2 = _tc2(s1, y1, dinv, b1.reshape(1, DH), W2)
    s2 = _scatter_kernel(y2, srcc, dstc)
    mu, lv = _tc3(s2, y2, dinv, b2.reshape(1, DH), Wmu, bmu.reshape(1, DZ), Wlv, blv.reshape(1, DZ))
    return (mu, lv)

# --- scband reference (transcript-rebuilt; emitter-appended) ---
"""Pipeline reference for scband-graph-vaeencoder-41635412967592 (READ-ONLY COPY).

The authoritative reference and input builder live on the scoring server;
editing this copy changes nothing except your own understanding.
"""

import jax, jax.numpy as jnp
import numpy as np

N = 10000
E = 320000
D_IN = 128
D_H = 128
D_Z = 32


def _gcn_conv(x, edge_index, W, b):
    # Faithful PyG GCNConv: add self-loops, symmetric gcn_norm, linear transform,
    # message = norm * x_src[W], scatter-add aggregation at dst.
    n = x.shape[0]
    src = edge_index[0]
    dst = edge_index[1]
    loop = jnp.arange(n, dtype=src.dtype)
    src = jnp.concatenate([src, loop])
    dst = jnp.concatenate([dst, loop])
    ew = jnp.ones(src.shape[0], dtype=x.dtype)
    deg = jnp.zeros((n,), dtype=x.dtype).at[dst].add(ew)
    dinv = jnp.where(deg > 0, jax.lax.rsqrt(deg), 0.0)
    norm = dinv[src] * ew * dinv[dst]
    xw = x @ W
    msgs = xw[src] * norm[:, None]
    out = jnp.zeros_like(xw).at[dst].add(msgs)
    return out + b


def setup_inputs(seed: int = 0) -> dict:
    key = jax.random.key(seed)
    ks = jax.random.split(key, 12)
    x = jax.random.normal(ks[0], (N, D_IN), dtype=jnp.float32)
    edge_index = jax.random.randint(ks[1], (2, E), 0, N, dtype=jnp.int32)
    W1 = jax.random.normal(ks[2], (D_IN, D_H), dtype=jnp.float32) * 0.05
    b1 = jnp.zeros((D_H,), dtype=jnp.float32)
    W2 = jax.random.normal(ks[3], (D_H, D_H), dtype=jnp.float32) * 0.05
    b2 = jnp.zeros((D_H,), dtype=jnp.float32)
    Wmu = jax.random.normal(ks[4], (D_H, D_Z), dtype=jnp.float32) * 0.05
    bmu = jnp.zeros((D_Z,), dtype=jnp.float32)
    Wlv = jax.random.normal(ks[5], (D_H, D_Z), dtype=jnp.float32) * 0.05
    blv = jnp.zeros((D_Z,), dtype=jnp.float32)
    return {"x": x, "edge_index": edge_index, "W1": W1, "b1": b1, "W2": W2, "b2": b2, "Wmu": Wmu, "bmu": bmu, "Wlv": Wlv, "blv": blv}


def reference(x, edge_index, W1, b1, W2, b2, Wmu, bmu, Wlv, blv):
    h = jax.nn.relu(_gcn_conv(x, edge_index, W1, b1))
    h = jax.nn.relu(_gcn_conv(h, edge_index, W2, b2))
    mu = h @ Wmu + bmu
    logvar = h @ Wlv + blv
    return (mu, logvar)

if __name__ == "__main__":
    import jax
    _d = setup_inputs()
    print(jax.jit(kernel)(*tuple(_d.values())))

</pallas_src>

<mosaic_0001>
#map = affine_map<(d0, d1) -> (0)>
#map1 = affine_map<(d0, d1) -> (0, 0)>
module attributes {stable_mosaic.version = 14 : i64} {
  func.func @_deg_kernel(%arg0: i32, %arg1: i32, %arg2: memref<320000xi32, #tpu.memory_space<hbm>>, %arg3: memref<2x10240xf32, #tpu.memory_space<hbm>>, %arg4: memref<10000xi32, #tpu.memory_space<vmem>>, %arg5: memref<4x80xi32, #tpu.memory_space<vmem>>, %arg6: memref<80xf32, #tpu.memory_space<vmem>>, %arg7: memref<640xf32, #tpu.memory_space<vmem>>, %arg8: memref<10240xf32, #tpu.memory_space<vmem_shared>>, %arg9: memref<!tpu.dma_semaphore, #tpu.memory_space<semaphore_mem>>, %arg10: memref<!tpu.dma_semaphore, #tpu.memory_space<semaphore_mem>>) attributes {dimension_semantics = [#tpu.dimension_semantics<core_parallel>, #tpu.dimension_semantics<subcore_parallel>], iteration_bounds = array<i64: 2, 16>, scalar_prefetch = 0 : i64, scratch_operands = 7 : i64, tpu.core_type = #tpu.core_type<sc_vector_subcore>, window_params = [{transform_indices = #map}, {transform_indices = #map1}]} {
    %mul3A = arith.constant 16 : i32
    %mul3A_0 = arith.muli %arg0, %mul3A : i32
    %add3A = arith.addi %mul3A_0, %arg1 : i32
    %mul3A_1 = arith.constant 10000 : i32
    %mul3A_2 = arith.muli %add3A, %mul3A_1 : i32
    %dma_start3A = tpu.memref_slice %arg2[%mul3A_2] : memref<320000xi32, #tpu.memory_space<hbm>> -> memref<10000xi32, #tpu.memory_space<hbm>>
    %dma_start3A_3 = tpu.memref_slice %arg2[%mul3A_2] : memref<320000xi32, #tpu.memory_space<hbm>> -> memref<10000xi32, #tpu.memory_space<hbm>>
    tpu.enqueue_dma source(%dma_start3A_3 : memref<10000xi32, #tpu.memory_space<hbm>>) target(%arg4 : memref<10000xi32, #tpu.memory_space<vmem>>) target_semaphore(%arg9 : memref<!tpu.dma_semaphore, #tpu.memory_space<semaphore_mem>>)
    %broadcast_in_dim3A = arith.constant 0.000000e+00 : f32
    %broadcast_in_dim3A_4 = vector.broadcast %broadcast_in_dim3A : f32 to vector<16xf32>
    %broadcast_in_dim3A_5 = arith.constant 1.000000e+00 : f32
    %broadcast_in_dim3A_6 = vector.broadcast %broadcast_in_dim3A_5 : f32 to vector<16xf32>
    %scan3A = arith.constant 0 : i32
    %scan3A_7 = arith.constant 0 : i32
    %scan3A_8 = arith.constant 40 : i32
    %scan3A_9 = arith.addi %scan3A_7, %scan3A_8 : i32
    %scan3A_10 = arith.constant 1 : i32
    scf.for %scan3A_367 = %scan3A_7 to %scan3A_9 step %scan3A_10  : i32 {
      %mul3A_368 = arith.constant 16 : i32
      %mul3A_369 = arith.muli %scan3A_367, %mul3A_368 : i32
      %swap3A_370 = arith.index_cast %mul3A_369 : i32 to index
      %swap3A_371 = tpu.vector_load %arg7[%swap3A_370] {strides = array<i32>} : memref<640xf32, #tpu.memory_space<vmem>>, vector<16xf32>,
      %swap3A_372 = vector.shape_cast %swap3A_371 : vector<16xf32> to vector<16xf32>
      %swap3A_373 = vector.shape_cast %broadcast_in_dim3A_4 : vector<16xf32> to vector<16xf32>
      tpu.vector_store %arg7[%swap3A_370], %swap3A_373 {strides = array<i32>} : memref<640xf32, #tpu.memory_space<vmem>>, vector<16xf32>,
    }
    %scan3A_11 = arith.constant 40 : i32
    %swap3A = arith.constant 0 : index
    %swap3A_12 = tpu.vector_load %arg6[%swap3A] {strides = array<i32>} : memref<80xf32, #tpu.memory_space<vmem>>, vector<16xf32>,
    %swap3A_13 = vector.shape_cast %swap3A_12 : vector<16xf32> to vector<16xf32>
    %swap3A_14 = vector.shape_cast %broadcast_in_dim3A_6 : vector<16xf32> to vector<16xf32>
    tpu.vector_store %arg6[%swap3A], %swap3A_14 {strides = array<i32>} : memref<80xf32, #tpu.memory_space<vmem>>, vector<16xf32>,
    %swap3A_15 = arith.constant 16 : index
    %swap3A_16 = tpu.vector_load %arg6[%swap3A_15] {strides = array<i32>} : memref<80xf32, #tpu.memory_space<vmem>>, vector<16xf32>,
    %swap3A_17 = vector.shape_cast %swap3A_16 : vector<16xf32> to vector<16xf32>
    %swap3A_18 = vector.shape_cast %broadcast_in_dim3A_6 : vector<16xf32> to vector<16xf32>
    tpu.vector_store %arg6[%swap3A_15], %swap3A_18 {strides = array<i32>} : memref<80xf32, #tpu.memory_space<vmem>>, vector<16xf32>,
    %swap3A_19 = arith.constant 32 : index
    %swap3A_20 = tpu.vector_load %arg6[%swap3A_19] {strides = array<i32>} : memref<80xf32, #tpu.memory_space<vmem>>, vector<16xf32>,
    %swap3A_21 = vector.shape_cast %swap3A_20 : vector<16xf32> to vector<16xf32>
    %swap3A_22 = vector.shape_cast %broadcast_in_dim3A_6 : vector<16xf32> to vector<16xf32>
    tpu.vector_store %arg6[%swap3A_19], %swap3A_22 {strides = array<i32>} : memref<80xf32, #tpu.memory_space<vmem>>, vector<16xf32>,
    %swap3A_23 = arith.constant 48 : index
    %swap3A_24 = tpu.vector_load %arg6[%swap3A_23] {strides = array<i32>} : memref<80xf32, #tpu.memory_space<vmem>>, vector<16xf32>,
    %swap3A_25 = vector.shape_cast %swap3A_24 : vector<16xf32> to vector<16xf32>
    %swap3A_26 = vector.shape_cast %broadcast_in_dim3A_6 : vector<16xf32> to vector<16xf32>
    tpu.vector_store %arg6[%swap3A_23], %swap3A_26 {strides = array<i32>} : memref<80xf32, #tpu.memory_space<vmem>>, vector<16xf32>,
    %swap3A_27 = arith.constant 64 : index
    %swap3A_28 = tpu.vector_load %arg6[%swap3A_27] {strides = array<i32>} : memref<80xf32, #tpu.memory_space<vmem>>, vector<16xf32>,
    %swap3A_29 = vector.shape_cast %swap3A_28 : vector<16xf32> to vector<16xf32>
    %swap3A_30 = vector.shape_cast %broadcast_in_dim3A_6 : vector<16xf32> to vector<16xf32>
    tpu.vector_store %arg6[%swap3A_27], %swap3A_30 {strides = array<i32>} : memref<80xf32, #tpu.memory_space<vmem>>, vector<16xf32>,
    %mul3A_31 = arith.constant 640 : i32
    %mul3A_32 = arith.muli %arg1, %mul3A_31 : i32
    "tpu.region"() ({
      %run_scoped3A_367 = tpu.sem_alloc : memref<!tpu.dma_semaphore, #tpu.memory_space<semaphore_mem>>
      %dma_start3A_368 = tpu.memref_slice %arg8[%mul3A_32] : memref<10240xf32, #tpu.memory_space<vmem_shared>> -> memref<640xf32, #tpu.memory_space<vmem_shared>>
      %dma_start3A_369 = tpu.memref_slice %arg8[%mul3A_32] : memref<10240xf32, #tpu.memory_space<vmem_shared>> -> memref<640xf32, #tpu.memory_space<vmem_shared>>
      tpu.enqueue_dma source(%arg7 : memref<640xf32, #tpu.memory_space<vmem>>) target(%dma_start3A_369 : memref<640xf32, #tpu.memory_space<vmem_shared>>) target_semaphore(%run_scoped3A_367 : memref<!tpu.dma_semaphore, #tpu.memory_space<semaphore_mem>>)
      %dma_wait3A_370 = tpu.memref_slice %arg8[%mul3A_32] : memref<10240xf32, #tpu.memory_space<vmem_shared>> -> memref<640xf32, #tpu.memory_space<vmem_shared>>
      %dma_wait3A_371 = tpu.memref_slice %arg8[%mul3A_32] : memref<10240xf32, #tpu.memory_space<vmem_shared>> -> memref<640xf32, #tpu.memory_space<vmem_shared>>
      tpu.wait_dma2 semaphore(%run_scoped3A_367 : memref<!tpu.dma_semaphore, #tpu.memory_space<semaphore_mem>>) src(%arg7 : memref<640xf32, #tpu.memory_space<vmem>>) dst(%dma_wait3A_371 : memref<640xf32, #tpu.memory_space<vmem_shared>>)
      tpu.yield
    }) : () -> ()
    %dma_wait3A = tpu.memref_slice %arg2[%mul3A_2] : memref<320000xi32, #tpu.memory_space<hbm>> -> memref<10000xi32, #tpu.memory_space<hbm>>
    %dma_wait3A_33 = tpu.memref_slice %arg2[%mul3A_2] : memref<320000xi32, #tpu.memory_space<hbm>> -> memref<10000xi32, #tpu.memory_space<hbm>>
    tpu.wait_dma2 semaphore(%arg9 : memref<!tpu.dma_semaphore, #tpu.memory_space<semaphore_mem>>) src(%dma_wait3A_33 : memref<10000xi32, #tpu.memory_space<hbm>>) dst(%arg4 : memref<10000xi32, #tpu.memory_space<vmem>>)
    %barrier3A = arith.constant 0 : index
    tpu.barrier barrier_id(%barrier3A)
    %get3A = arith.constant 0 : index
    %get3A_34 = tpu.vector_load %arg4[%get3A] {strides = array<i32>} : memref<10000xi32, #tpu.memory_space<vmem>>, vector<16xi32>,
    %get3A_35 = vector.shape_cast %get3A_34 : vector<16xi32> to vector<16xi32>
    %swap3A_36 = arith.constant 0 : i32
    %swap3A_37 = arith.constant 0 : i32
    %swap3A_38 = tpu.memref_slice %arg5[%swap3A_36, %swap3A_37] : memref<4x80xi32, #tpu.memory_space<vmem>> -> memref<1x80xi32, #tpu.memory_space<vmem>>
    %swap3A_39 = tpu.memref_squeeze %swap3A_38 : memref<1x80xi32, #tpu.memory_space<vmem>> -> memref<80xi32, #tpu.memory_space<vmem>>
    %swap3A_40 = arith.constant 0 : index
    %swap3A_41 = tpu.vector_load %swap3A_39[%swap3A_40] {strides = array<i32>} : memref<80xi32, #tpu.memory_space<vmem>>, vector<16xi32>,
    %swap3A_42 = vector.shape_cast %swap3A_41 : vector<16xi32> to vector<16xi32>
    %swap3A_43 = vector.shape_cast %get3A_35 : vector<16xi32> to vector<16xi32>
    tpu.vector_store %swap3A_39[%swap3A_40], %swap3A_43 {strides = array<i32>} : memref<80xi32, #tpu.memory_space<vmem>>, vector<16xi32>,
    %get3A_44 = arith.constant 16 : index
    %get3A_45 = tpu.vector_load %arg4[%get3A_44] {strides = array<i32>} : memref<10000xi32, #tpu.memory_space<vmem>>, vector<16xi32>,
    %get3A_46 = vector.shape_cast %get3A_45 : vector<16xi32> to vector<16xi32>
    %swap3A_47 = arith.constant 0 : i32
    %swap3A_48 = arith.constant 0 : i32
    %swap3A_49 = tpu.memref_slice %arg5[%swap3A_47, %swap3A_48] : memref<4x80xi32, #tpu.memory_space<vmem>> -> memref<1x80xi32, #tpu.memory_space<vmem>>
    %swap3A_50 = tpu.memref_squeeze %swap3A_49 : memref<1x80xi32, #tpu.memory_space<vmem>> -> memref<80xi32, #tpu.memory_space<vmem>>
    %swap3A_51 = arith.constant 16 : index
    %swap3A_52 = tpu.vector_load %swap3A_50[%swap3A_51] {strides = array<i32>} : memref<80xi32, #tpu.memory_space<vmem>>, vector<16xi32>,
    %swap3A_53 = vector.shape_cast %swap3A_52 : vector<16xi32> to vector<16xi32>
    %swap3A_54 = vector.shape_cast %get3A_46 : vector<16xi32> to vector<16xi32>
    tpu.vector_store %swap3A_50[%swap3A_51], %swap3A_54 {strides = array<i32>} : memref<80xi32, #tpu.memory_space<vmem>>, vector<16xi32>,
    %get3A_55 = arith.constant 32 : index
    %get3A_56 = tpu.vector_load %arg4[%get3A_55] {strides = array<i32>} : memref<10000xi32, #tpu.memory_space<vmem>>, vector<16xi32>,
    %get3A_57 = vector.shape_cast %get3A_56 : vector<16xi32> to vector<16xi32>
    %swap3A_58 = arith.constant 0 : i32
    %swap3A_59 = arith.constant 0 : i32
    %swap3A_60 = tpu.memref_slice %arg5[%swap3A_58, %swap3A_59] : memref<4x80xi32, #tpu.memory_space<vmem>> -> memref<1x80xi32, #tpu.memory_space<vmem>>
    %swap3A_61 = tpu.memref_squeeze %swap3A_60 : memref<1x80xi32, #tpu.memory_space<vmem>> -> memref<80xi32, #tpu.memory_space<vmem>>
    %swap3A_62 = arith.constant 32 : index
    %swap3A_63 = tpu.vector_load %swap3A_61[%swap3A_62] {strides = array<i32>} : memref<80xi32, #tpu.memory_space<vmem>>, vector<16xi32>,
    %swap3A_64 = vector.shape_cast %swap3A_63 : vector<16xi32> to vector<16xi32>
    %swap3A_65 = vector.shape_cast %get3A_57 : vector<16xi32> to vector<16xi32>
    tpu.vector_store %swap3A_61[%swap3A_62], %swap3A_65 {strides = array<i32>} : memref<80xi32, #tpu.memory_space<vmem>>, vector<16xi32>,
    %get3A_66 = arith.constant 48 : index
    %get3A_67 = tpu.vector_load %arg4[%get3A_66] {strides = array<i32>} : memref<10000xi32, #tpu.memory_space<vmem>>, vector<16xi32>,
    %get3A_68 = vector.shape_cast %get3A_67 : vector<16xi32> to vector<16xi32>
    %swap3A_69 = arith.constant 0 : i32
    %swap3A_70 = arith.constant 0 : i32
    %swap3A_71 = tpu.memref_slice %arg5[%swap3A_69, %swap3A_70] : memref<4x80xi32, #tpu.memory_space<vmem>> -> memref<1x80xi32, #tpu.memory_space<vmem>>
    %swap3A_72 = tpu.memref_squeeze %swap3A_71 : memref<1x80xi32, #tpu.memory_space<vmem>> -> memref<80xi32, #tpu.memory_space<vmem>>
    %swap3A_73 = arith.constant 48 : index
    %swap3A_74 = tpu.vector_load %swap3A_72[%swap3A_73] {strides = array<i32>} : memref<80xi32, #tpu.memory_space<vmem>>, vector<16xi32>,
    %swap3A_75 = vector.shape_cast %swap3A_74 : vector<16xi32> to vector<16xi32>
    %swap3A_76 = vector.shape_cast %get3A_68 : vector<16xi32> to vector<16xi32>
    tpu.vector_store %swap3A_72[%swap3A_73], %swap3A_76 {strides = array<i32>} : memref<80xi32, #tpu.memory_space<vmem>>, vector<16xi32>,
    %get3A_77 = arith.constant 64 : index
    %get3A_78 = tpu.vector_load %arg4[%get3A_77] {strides = array<i32>} : memref<10000xi32, #tpu.memory_space<vmem>>, vector<16xi32>,
    %get3A_79 = vector.shape_cast %get3A_78 : vector<16xi32> to vector<16xi32>
    %swap3A_80 = arith.constant 0 : i32
    %swap3A_81 = arith.constant 0 : i32
    %swap3A_82 = tpu.memref_slice %arg5[%swap3A_80, %swap3A_81] : memref<4x80xi32, #tpu.memory_space<vmem>> -> memref<1x80xi32, #tpu.memory_space<vmem>>
    %swap3A_83 = tpu.memref_squeeze %swap3A_82 : memref<1x80xi32, #tpu.memory_space<vmem>> -> memref<80xi32, #tpu.memory_space<vmem>>
    %swap3A_84 = arith.constant 64 : index
    %swap3A_85 = tpu.vector_load %swap3A_83[%swap3A_84] {strides = array<i32>} : memref<80xi32, #tpu.memory_space<vmem>>, vector<16xi32>,
    %swap3A_86 = vector.shape_cast %swap3A_85 : vector<16xi32> to vector<16xi32>
    %swap3A_87 = vector.shape_cast %get3A_79 : vector<16xi32> to vector<16xi32>
    tpu.vector_store %swap3A_83[%swap3A_84], %swap3A_87 {strides = array<i32>} : memref<80xi32, #tpu.memory_space<vmem>>, vector<16xi32>,
    %dma_start3A_88 = arith.constant 0 : i32
    %dma_start3A_89 = arith.constant 0 : i32
    %dma_start3A_90 = tpu.memref_slice %arg5[%dma_start3A_88, %dma_start3A_89] : memref<4x80xi32, #tpu.memory_space<vmem>> -> memref<1x80xi32, #tpu.memory_space<vmem>>
    %dma_start3A_91 = tpu.memref_squeeze %dma_start3A_90 : memref<1x80xi32, #tpu.memory_space<vmem>> -> memref<80xi32, #tpu.memory_space<vmem>>
    %dma_start3A_92 = arith.constant 0 : i32
    %dma_start3A_93 = tpu.memref_slice %arg8[%dma_start3A_92] : memref<10240xf32, #tpu.memory_space<vmem_shared>> -> memref<10240xf32, #tpu.memory_space<vmem_shared>>
    tpu.enqueue_indirect_dma source(%arg6 : memref<80xf32, #tpu.memory_space<vmem>>) target(%dma_start3A_93 : memref<10240xf32, #tpu.memory_space<vmem_shared>>) offsets(%dma_start3A_91 : memref<80xi32, #tpu.memory_space<vmem>>) semaphore(%arg10 : memref<!tpu.dma_semaphore, #tpu.memory_space<semaphore_mem>>) {add = true}
    %get3A_94 = arith.constant 80 : index
    %get3A_95 = tpu.vector_load %arg4[%get3A_94] {strides = array<i32>} : memref<10000xi32, #tpu.memory_space<vmem>>, vector<16xi32>,
    %get3A_96 = vector.shape_cast %get3A_95 : vector<16xi32> to vector<16xi32>
    %swap3A_97 = arith.constant 1 : i32
    %swap3A_98 = arith.constant 0 : i32
    %swap3A_99 = tpu.memref_slice %arg5[%swap3A_97, %swap3A_98] : memref<4x80xi32, #tpu.memory_space<vmem>> -> memref<1x80xi32, #tpu.memory_space<vmem>>
    %swap3A_100 = tpu.memref_squeeze %swap3A_99 : memref<1x80xi32, #tpu.memory_space<vmem>> -> memref<80xi32, #tpu.memory_space<vmem>>
    %swap3A_101 = arith.constant 0 : index
    %swap3A_102 = tpu.vector_load %swap3A_100[%swap3A_101] {strides = array<i32>} : memref<80xi32, #tpu.memory_space<vmem>>, vector<16xi32>,
    %swap3A_103 = vector.shape_cast %swap3A_102 : vector<16xi32> to vector<16xi32>
    %swap3A_104 = vector.shape_cast %get3A_96 : vector<16xi32> to vector<16xi32>
    tpu.vector_store %swap3A_100[%swap3A_101], %swap3A_104 {strides = array<i32>} : memref<80xi32, #tpu.memory_space<vmem>>, vector<16xi32>,
    %get3A_105 = arith.constant 96 : index
    %get3A_106 = tpu.vector_load %arg4[%get3A_105] {strides = array<i32>} : memref<10000xi32, #tpu.memory_space<vmem>>, vector<16xi32>,
    %get3A_107 = vector.shape_cast %get3A_106 : vector<16xi32> to vector<16xi32>
    %swap3A_108 = arith.constant 1 : i32
    %swap3A_109 = arith.constant 0 : i32
    %swap3A_110 = tpu.memref_slice %arg5[%swap3A_108, %swap3A_109] : memref<4x80xi32, #tpu.memory_space<vmem>> -> memref<1x80xi32, #tpu.memory_space<vmem>>
    %swap3A_111 = tpu.memref_squeeze %swap3A_110 : memref<1x80xi32, #tpu.memory_space<vmem>> -> memref<80xi32, #tpu.memory_space<vmem>>
    %swap3A_112 = arith.constant 16 : index
    %swap3A_113 = tpu.vector_load %swap3A_111[%swap3A_112] {strides = array<i32>} : memref<80xi32, #tpu.memory_space<vmem>>, vector<16xi32>,
    %swap3A_114 = vector.shape_cast %swap3A_113 : vector<16xi32> to vector<16xi32>
    %swap3A_115 = vector.shape_cast %get3A_107 : vector<16xi32> to vector<16xi32>
    tpu.vector_store %swap3A_111[%swap3A_112], %swap3A_115 {strides = array<i32>} : memref<80xi32, #tpu.memory_space<vmem>>, vector<16xi32>,
    %get3A_116 = arith.constant 112 : index
    %get3A_117 = tpu.vector_load %arg4[%get3A_116] {strides = array<i32>} : memref<10000xi32, #tpu.memory_space<vmem>>, vector<16xi32>,
    %get3A_118 = vector.shape_cast %get3A_117 : vector<16xi32> to vector<16xi32>
    %swap3A_119 = arith.constant 1 : i32
    %swap3A_120 = arith.constant 0 : i32
    %swap3A_121 = tpu.memref_slice %arg5[%swap3A_119, %swap3A_120] : memref<4x80xi32, #tpu.memory_space<vmem>> -> memref<1x80xi32, #tpu.memory_space<vmem>>
    %swap3A_122 = tpu.memref_squeeze %swap3A_121 : memref<1x80xi32, #tpu.memory_space<vmem>> -> memref<80xi32, #tpu.memory_space<vmem>>
    %swap3A_123 = arith.constant 32 : index
    %swap3A_124 = tpu.vector_load %swap3A_122[%swap3A_123] {strides = array<i32>} : memref<80xi32, #tpu.memory_space<vmem>>, vector<16xi32>,
    %swap3A_125 = vector.shape_cast %swap3A_124 : vector<16xi32> to vector<16xi32>
    %swap3A_126 = vector.shape_cast %get3A_118 : vector<16xi32> to vector<16xi32>
    tpu.vector_store %swap3A_122[%swap3A_123], %swap3A_126 {strides = array<i32>} : memref<80xi32, #tpu.memory_space<vmem>>, vector<16xi32>,
    %get3A_127 = arith.constant 128 : index
    %get3A_128 = tpu.vector_load %arg4[%get3A_127] {strides = array<i32>} : memref<10000xi32, #tpu.memory_space<vmem>>, vector<16xi32>,
    %get3A_129 = vector.shape_cast %get3A_128 : vector<16xi32> to vector<16xi32>
    %swap3A_130 = arith.constant 1 : i32
    %swap3A_131 = arith.constant 0 : i32
    %swap3A_132 = tpu.memref_slice %arg5[%swap3A_130, %swap3A_131] : memref<4x80xi32, #tpu.memory_space<vmem>> -> memref<1x80xi32, #tpu.memory_space<vmem>>
    %swap3A_133 = tpu.memref_squeeze %swap3A_132 : memref<1x80xi32, #tpu.memory_space<vmem>> -> memref<80xi32, #tpu.memory_space<vmem>>
    %swap3A_134 = arith.constant 48 : index
    %swap3A_135 = tpu.vector_load %swap3A_133[%swap3A_134] {strides = array<i32>} : memref<80xi32, #tpu.memory_space<vmem>>, vector<16xi32>,
    %swap3A_136 = vector.shape_cast %swap3A_135 : vector<16xi32> to vector<16xi32>
    %swap3A_137 = vector.shape_cast %get3A_129 : vector<16xi32> to vector<16xi32>
    tpu.vector_store %swap3A_133[%swap3A_134], %swap3A_137 {strides = array<i32>} : memref<80xi32, #tpu.memory_space<vmem>>, vector<16xi32>,
    %get3A_138 = arith.constant 144 : index
    %get3A_139 = tpu.vector_load %arg4[%get3A_138] {strides = array<i32>} : memref<10000xi32, #tpu.memory_space<vmem>>, vector<16xi32>,
    %get3A_140 = vector.shape_cast %get3A_139 : vector<16xi32> to vector<16xi32>
    %swap3A_141 = arith.constant 1 : i32
    %swap3A_142 = arith.constant 0 : i32
    %swap3A_143 = tpu.memref_slice %arg5[%swap3A_141, %swap3A_142] : memref<4x80xi32, #tpu.memory_space<vmem>> -> memref<1x80xi32, #tpu.memory_space<vmem>>
    %swap3A_144 = tpu.memref_squeeze %swap3A_143 : memref<1x80xi32, #tpu.memory_space<vmem>> -> memref<80xi32, #tpu.memory_space<vmem>>
    %swap3A_145 = arith.constant 64 : index
    %swap3A_146 = tpu.vector_load %swap3A_144[%swap3A_145] {strides = array<i32>} : memref<80xi32, #tpu.memory_space<vmem>>, vector<16xi32>,
    %swap3A_147 = vector.shape_cast %swap3A_146 : vector<16xi32> to vector<16xi32>
    %swap3A_148 = vector.shape_cast %get3A_140 : vector<16xi32> to vector<16xi32>
    tpu.vector_store %swap3A_144[%swap3A_145], %swap3A_148 {strides = array<i32>} : memref<80xi32, #tpu.memory_space<vmem>>, vector<16xi32>,
    %dma_start3A_149 = arith.constant 1 : i32
    %dma_start3A_150 = arith.constant 0 : i32
    %dma_start3A_151 = tpu.memref_slice %arg5[%dma_start3A_149, %dma_start3A_150] : memref<4x80xi32, #tpu.memory_space<vmem>> -> memref<1x80xi32, #tpu.memory_space<vmem>>
    %dma_start3A_152 = tpu.memref_squeeze %dma_start3A_151 : memref<1x80xi32, #tpu.memory_space<vmem>> -> memref<80xi32, #tpu.memory_space<vmem>>
    %dma_start3A_153 = arith.constant 0 : i32
    %dma_start3A_154 = tpu.memref_slice %arg8[%dma_start3A_153] : memref<10240xf32, #tpu.memory_space<vmem_shared>> -> memref<10240xf32, #tpu.memory_space<vmem_shared>>
    tpu.enqueue_indirect_dma source(%arg6 : memref<80xf32, #tpu.memory_space<vmem>>) target(%dma_start3A_154 : memref<10240xf32, #tpu.memory_space<vmem_shared>>) offsets(%dma_start3A_152 : memref<80xi32, #tpu.memory_space<vmem>>) semaphore(%arg10 : memref<!tpu.dma_semaphore, #tpu.memory_space<semaphore_mem>>) {add = true}
    %get3A_155 = arith.constant 160 : index
    %get3A_156 = tpu.vector_load %arg4[%get3A_155] {strides = array<i32>} : memref<10000xi32, #tpu.memory_space<vmem>>, vector<16xi32>,
    %get3A_157 = vector.shape_cast %get3A_156 : vector<16xi32> to vector<16xi32>
    %swap3A_158 = arith.constant 2 : i32
    %swap3A_159 = arith.constant 0 : i32
    %swap3A_160 = tpu.memref_slice %arg5[%swap3A_158, %swap3A_159] : memref<4x80xi32, #tpu.memory_space<vmem>> -> memref<1x80xi32, #tpu.memory_space<vmem>>
    %swap3A_161 = tpu.memref_squeeze %swap3A_160 : memref<1x80xi32, #tpu.memory_space<vmem>> -> memref<80xi32, #tpu.memory_space<vmem>>
    %swap3A_162 = arith.constant 0 : index
    %swap3A_163 = tpu.vector_load %swap3A_161[%swap3A_162] {strides = array<i32>} : memref<80xi32, #tpu.memory_space<vmem>>, vector<16xi32>,
    %swap3A_164 = vector.shape_cast %swap3A_163 : vector<16xi32> to vector<16xi32>
    %swap3A_165 = vector.shape_cast %get3A_157 : vector<16xi32> to vector<16xi32>
    tpu.vector_store %swap3A_161[%swap3A_162], %swap3A_165 {strides = array<i32>} : memref<80xi32, #tpu.memory_space<vmem>>, vector<16xi32>,
    %get3A_166 = arith.constant 176 : index
    %get3A_167 = tpu.vector_load %arg4[%get3A_166] {strides = array<i32>} : memref<10000xi32, #tpu.memory_space<vmem>>, vector<16xi32>,
    %get3A_168 = vector.shape_cast %get3A_167 : vector<16xi32> to vector<16xi32>
    %swap3A_169 = arith.constant 2 : i32
    %swap3A_170 = arith.constant 0 : i32
    %swap3A_171 = tpu.memref_slice %arg5[%swap3A_169, %swap3A_170] : memref<4x80xi32, #tpu.memory_space<vmem>> -> memref<1x80xi32, #tpu.memory_space<vmem>>
    %swap3A_172 = tpu.memref_squeeze %swap3A_171 : memref<1x80xi32, #tpu.memory_space<vmem>> -> memref<80xi32, #tpu.memory_space<vmem>>
    %swap3A_173 = arith.constant 16 : index
    %swap3A_174 = tpu.vector_load %swap3A_172[%swap3A_173] {strides = array<i32>} : memref<80xi32, #tpu.memory_space<vmem>>, vector<16xi32>,
    %swap3A_175 = vector.shape_cast %swap3A_174 : vector<16xi32> to vector<16xi32>
    %swap3A_176 = vector.shape_cast %get3A_168 : vector<16xi32> to vector<16xi32>
    tpu.vector_store %swap3A_172[%swap3A_173], %swap3A_176 {strides = array<i32>} : memref<80xi32, #tpu.memory_space<vmem>>, vector<16xi32>,
    %get3A_177 = arith.constant 192 : index
    %get3A_178 = tpu.vector_load %arg4[%get3A_177] {strides = array<i32>} : memref<10000xi32, #tpu.memory_space<vmem>>, vector<16xi32>,
    %get3A_179 = vector.shape_cast %get3A_178 : vector<16xi32> to vector<16xi32>
    %swap3A_180 = arith.constant 2 : i32
    %swap3A_181 = arith.constant 0 : i32
    %swap3A_182 = tpu.memref_slice %arg5[%swap3A_180, %swap3A_181] : memref<4x80xi32, #tpu.memory_space<vmem>> -> memref<1x80xi32, #tpu.memory_space<vmem>>
    %swap3A_183 = tpu.memref_squeeze %swap3A_182 : memref<1x80xi32, #tpu.memory_space<vmem>> -> memref<80xi32, #tpu.memory_space<vmem>>
    %swap3A_184 = arith.constant 32 : index
    %swap3A_185 = tpu.vector_load %swap3A_183[%swap3A_184] {strides = array<i32>} : memref<80xi32, #tpu.memory_space<vmem>>, vector<16xi32>,
    %swap3A_186 = vector.shape_cast %swap3A_185 : vector<16xi32> to vector<16xi32>
    %swap3A_187 = vector.shape_cast %get3A_179 : vector<16xi32> to vector<16xi32>
    tpu.vector_store %swap3A_183[%swap3A_184], %swap3A_187 {strides = array<i32>} : memref<80xi32, #tpu.memory_space<vmem>>, vector<16xi32>,
    %get3A_188 = arith.constant 208 : index
    %get3A_189 = tpu.vector_load %arg4[%get3A_188] {strides = array<i32>} : memref<10000xi32, #tpu.memory_space<vmem>>, vector<16xi32>,
    %get3A_190 = vector.shape_cast %get3A_189 : vector<16xi32> to vector<16xi32>
    %swap3A_191 = arith.constant 2 : i32
    %swap3A_192 = arith.constant 0 : i32
    %swap3A_193 = tpu.memref_slice %arg5[%swap3A_191, %swap3A_192] : memref<4x80xi32, #tpu.memory_space<vmem>> -> memref<1x80xi32, #tpu.memory_space<vmem>>
    %swap3A_194 = tpu.memref_squeeze %swap3A_193 : memref<1x80xi32, #tpu.memory_space<vmem>> -> memref<80xi32, #tpu.memory_space<vmem>>
    %swap3A_195 = arith.constant 48 : index
    %swap3A_196 = tpu.vector_load %swap3A_194[%swap3A_195] {strides = array<i32>} : memref<80xi32, #tpu.memory_space<vmem>>, vector<16xi32>,
    %swap3A_197 = vector.shape_cast %swap3A_196 : vector<16xi32> to vector<16xi32>
    %swap3A_198 = vector.shape_cast %get3A_190 : vector<16xi32> to vector<16xi32>
    tpu.vector_store %swap3A_194[%swap3A_195], %swap3A_198 {strides = array<i32>} : memref<80xi32, #tpu.memory_space<vmem>>, vector<16xi32>,
    %get3A_199 = arith.constant 224 : index
    %get3A_200 = tpu.vector_load %arg4[%get3A_199] {strides = array<i32>} : memref<10000xi32, #tpu.memory_space<vmem>>, vector<16xi32>,
    %get3A_201 = vector.shape_cast %get3A_200 : vector<16xi32> to vector<16xi32>
    %swap3A_202 = arith.constant 2 : i32
    %swap3A_203 = arith.constant 0 : i32
    %swap3A_204 = tpu.memref_slice %arg5[%swap3A_202, %swap3A_203] : memref<4x80xi32, #tpu.memory_space<vmem>> -> memref<1x80xi32, #tpu.memory_space<vmem>>
    %swap3A_205 = tpu.memref_squeeze %swap3A_204 : memref<1x80xi32, #tpu.memory_space<vmem>> -> memref<80xi32, #tpu.memory_space<vmem>>
    %swap3A_206 = arith.constant 64 : index
    %swap3A_207 = tpu.vector_load %swap3A_205[%swap3A_206] {strides = array<i32>} : memref<80xi32, #tpu.memory_space<vmem>>, vector<16xi32>,
    %swap3A_208 = vector.shape_cast %swap3A_207 : vector<16xi32> to vector<16xi32>
    %swap3A_209 = vector.shape_cast %get3A_201 : vector<16xi32> to vector<16xi32>
    tpu.vector_store %swap3A_205[%swap3A_206], %swap3A_209 {strides = array<i32>} : memref<80xi32, #tpu.memory_space<vmem>>, vector<16xi32>,
    %dma_start3A_210 = arith.constant 2 : i32
    %dma_start3A_211 = arith.constant 0 : i32
    %dma_start3A_212 = tpu.memref_slice %arg5[%dma_start3A_210, %dma_start3A_211] : memref<4x80xi32, #tpu.memory_space<vmem>> -> memref<1x80xi32, #tpu.memory_space<vmem>>
    %dma_start3A_213 = tpu.memref_squeeze %dma_start3A_212 : memref<1x80xi32, #tpu.memory_space<vmem>> -> memref<80xi32, #tpu.memory_space<vmem>>
    %dma_start3A_214 = arith.constant 0 : i32
    %dma_start3A_215 = tpu.memref_slice %arg8[%dma_start3A_214] : memref<10240xf32, #tpu.memory_space<vmem_shared>> -> memref<10240xf32, #tpu.memory_space<vmem_shared>>
    tpu.enqueue_indirect_dma source(%arg6 : memref<80xf32, #tpu.memory_space<vmem>>) target(%dma_start3A_215 : memref<10240xf32, #tpu.memory_space<vmem_shared>>) offsets(%dma_start3A_213 : memref<80xi32, #tpu.memory_space<vmem>>) semaphore(%arg10 : memref<!tpu.dma_semaphore, #tpu.memory_space<semaphore_mem>>) {add = true}
    %get3A_216 = arith.constant 240 : index
    %get3A_217 = tpu.vector_load %arg4[%get3A_216] {strides = array<i32>} : memref<10000xi32, #tpu.memory_space<vmem>>, vector<16xi32>,
    %get3A_218 = vector.shape_cast %get3A_217 : vector<16xi32> to vector<16xi32>
    %swap3A_219 = arith.constant 3 : i32
    %swap3A_220 = arith.constant 0 : i32
    %swap3A_221 = tpu.memref_slice %arg5[%swap3A_219, %swap3A_220] : memref<4x80xi32, #tpu.memory_space<vmem>> -> memref<1x80xi32, #tpu.memory_space<vmem>>
    %swap3A_222 = tpu.memref_squeeze %swap3A_221 : memref<1x80xi32, #tpu.memory_space<vmem>> -> memref<80xi32, #tpu.memory_space<vmem>>
    %swap3A_223 = arith.constant 0 : index
    %swap3A_224 = tpu.vector_load %swap3A_222[%swap3A_223] {strides = array<i32>} : memref<80xi32, #tpu.memory_space<vmem>>, vector<16xi32>,
    %swap3A_225 = vector.shape_cast %swap3A_224 : vector<16xi32> to vector<16xi32>
    %swap3A_226 = vector.shape_cast %get3A_218 : vector<16xi32> to vector<16xi32>
    tpu.vector_store %swap3A_222[%swap3A_223], %swap3A_226 {strides = array<i32>} : memref<80xi32, #tpu.memory_space<vmem>>, vector<16xi32>,
    %get3A_227 = arith.constant 256 : index
    %get3A_228 = tpu.vector_load %arg4[%get3A_227] {strides = array<i32>} : memref<10000xi32, #tpu.memory_space<vmem>>, vector<16xi32>,
    %get3A_229 = vector.shape_cast %get3A_228 : vector<16xi32> to vector<16xi32>
    %swap3A_230 = arith.constant 3 : i32
    %swap3A_231 = arith.constant 0 : i32
    %swap3A_232 = tpu.memref_slice %arg5[%swap3A_230, %swap3A_231] : memref<4x80xi32, #tpu.memory_space<vmem>> -> memref<1x80xi32, #tpu.memory_space<vmem>>
    %swap3A_233 = tpu.memref_squeeze %swap3A_232 : memref<1x80xi32, #tpu.memory_space<vmem>> -> memref<80xi32, #tpu.memory_space<vmem>>
    %swap3A_234 = arith.constant 16 : index
    %swap3A_235 = tpu.vector_load %swap3A_233[%swap3A_234] {strides = array<i32>} : memref<80xi32, #tpu.memory_space<vmem>>, vector<16xi32>,
    %swap3A_236 = vector.shape_cast %swap3A_235 : vector<16xi32> to vector<16xi32>
    %swap3A_237 = vector.shape_cast %get3A_229 : vector<16xi32> to vector<16xi32>
    tpu.vector_store %swap3A_233[%swap3A_234], %swap3A_237 {strides = array<i32>} : memref<80xi32, #tpu.memory_space<vmem>>, vector<16xi32>,
    %get3A_238 = arith.constant 272 : index
    %get3A_239 = tpu.vector_load %arg4[%get3A_238] {strides = array<i32>} : memref<10000xi32, #tpu.memory_space<vmem>>, vector<16xi32>,
    %get3A_240 = vector.shape_cast %get3A_239 : vector<16xi32> to vector<16xi32>
    %swap3A_241 = arith.constant 3 : i32
    %swap3A_242 = arith.constant 0 : i32
    %swap3A_243 = tpu.memref_slice %arg5[%swap3A_241, %swap3A_242] : memref<4x80xi32, #tpu.memory_space<vmem>> -> memref<1x80xi32, #tpu.memory_space<vmem>>
    %swap3A_244 = tpu.memref_squeeze %swap3A_243 : memref<1x80xi32, #tpu.memory_space<vmem>> -> memref<80xi32, #tpu.memory_space<vmem>>
    %swap3A_245 = arith.constant 32 : index
    %swap3A_246 = tpu.vector_load %swap3A_244[%swap3A_245] {strides = array<i32>} : memref<80xi32, #tpu.memory_space<vmem>>, vector<16xi32>,
    %swap3A_247 = vector.shape_cast %swap3A_246 : vector<16xi32> to vector<16xi32>
    %swap3A_248 = vector.shape_cast %get3A_240 : vector<16xi32> to vector<16xi32>
    tpu.vector_store %swap3A_244[%swap3A_245], %swap3A_248 {strides = array<i32>} : memref<80xi32, #tpu.memory_space<vmem>>, vector<16xi32>,
    %get3A_249 = arith.constant 288 : index
    %get3A_250 = tpu.vector_load %arg4[%get3A_249] {strides = array<i32>} : memref<10000xi32, #tpu.memory_space<vmem>>, vector<16xi32>,
    %get3A_251 = vector.shape_cast %get3A_250 : vector<16xi32> to vector<16xi32>
    %swap3A_252 = arith.constant 3 : i32
    %swap3A_253 = arith.constant 0 : i32
    %swap3A_254 = tpu.memref_slice %arg5[%swap3A_252, %swap3A_253] : memref<4x80xi32, #tpu.memory_space<vmem>> -> memref<1x80xi32, #tpu.memory_space<vmem>>
    %swap3A_255 = tpu.memref_squeeze %swap3A_254 : memref<1x80xi32, #tpu.memory_space<vmem>> -> memref<80xi32, #tpu.memory_space<vmem>>
    %swap3A_256 = arith.constant 48 : index
    %swap3A_257 = tpu.vector_load %swap3A_255[%swap3A_256] {strides = array<i32>} : memref<80xi32, #tpu.memory_space<vmem>>, vector<16xi32>,
    %swap3A_258 = vector.shape_cast %swap3A_257 : vector<16xi32> to vector<16xi32>
    %swap3A_259 = vector.shape_cast %get3A_251 : vector<16xi32> to vector<16xi32>
    tpu.vector_store %swap3A_255[%swap3A_256], %swap3A_259 {strides = array<i32>} : memref<80xi32, #tpu.memory_space<vmem>>, vector<16xi32>,
    %get3A_260 = arith.constant 304 : index
    %get3A_261 = tpu.vector_load %arg4[%get3A_260] {strides = array<i32>} : memref<10000xi32, #tpu.memory_space<vmem>>, vector<16xi32>,
    %get3A_262 = vector.shape_cast %get3A_261 : vector<16xi32> to vector<16xi32>
    %swap3A_263 = arith.constant 3 : i32
    %swap3A_264 = arith.constant 0 : i32
    %swap3A_265 = tpu.memref_slice %arg5[%swap3A_263, %swap3A_264] : memref<4x80xi32, #tpu.memory_space<vmem>> -> memref<1x80xi32, #tpu.memory_space<vmem>>
    %swap3A_266 = tpu.memref_squeeze %swap3A_265 : memref<1x80xi32, #tpu.memory_space<vmem>> -> memref<80xi32, #tpu.memory_space<vmem>>
    %swap3A_267 = arith.constant 64 : index
    %swap3A_268 = tpu.vector_load %swap3A_266[%swap3A_267] {strides = array<i32>} : memref<80xi32, #tpu.memory_space<vmem>>, vector<16xi32>,
    %swap3A_269 = vector.shape_cast %swap3A_268 : vector<16xi32> to vector<16xi32>
    %swap3A_270 = vector.shape_cast %get3A_262 : vector<16xi32> to vector<16xi32>
    tpu.vector_store %swap3A_266[%swap3A_267], %swap3A_270 {strides = array<i32>} : memref<80xi32, #tpu.memory_space<vmem>>, vector<16xi32>,
    %dma_start3A_271 = arith.constant 3 : i32
    %dma_start3A_272 = arith.constant 0 : i32
    %dma_start3A_273 = tpu.memref_slice %arg5[%dma_start3A_271, %dma_start3A_272] : memref<4x80xi32, #tpu.memory_space<vmem>> -> memref<1x80xi32, #tpu.memory_space<vmem>>
    %dma_start3A_274 = tpu.memref_squeeze %dma_start3A_273 : memref<1x80xi32, #tpu.memory_space<vmem>> -> memref<80xi32, #tpu.memory_space<vmem>>
    %dma_start3A_275 = arith.constant 0 : i32
    %dma_start3A_276 = tpu.memref_slice %arg8[%dma_start3A_275] : memref<10240xf32, #tpu.memory_space<vmem_shared>> -> memref<10240xf32, #tpu.memory_space<vmem_shared>>
    tpu.enqueue_indirect_dma source(%arg6 : memref<80xf32, #tpu.memory_space<vmem>>) target(%dma_start3A_276 : memref<10240xf32, #tpu.memory_space<vmem_shared>>) offsets(%dma_start3A_274 : memref<80xi32, #tpu.memory_space<vmem>>) semaphore(%arg10 : memref<!tpu.dma_semaphore, #tpu.memory_space<semaphore_mem>>) {add = true}
    %scan3A_277 = arith.constant 0 : i32
    %scan3A_278 = arith.constant 0 : i32
    %scan3A_279 = arith.constant 30 : i32
    %scan3A_280 = arith.addi %scan3A_278, %scan3A_279 : i32
    %scan3A_281 = arith.constant 1 : i32
    scf.for %scan3A_367 = %scan3A_278 to %scan3A_280 step %scan3A_281  : i32 {
      %mul3A_368 = arith.constant 4 : i32
      %mul3A_369 = arith.muli %mul3A_368, %scan3A_367 : i32
      %add3A_370 = arith.constant 4 : i32
      %add3A_371 = arith.addi %mul3A_369, %add3A_370 : i32
      %dma_wait3A_372 = arith.constant 0 : i32
      %dma_wait3A_373 = arith.constant 0 : i32
      %dma_wait3A_374 = tpu.memref_slice %arg5[%dma_wait3A_372, %dma_wait3A_373] : memref<4x80xi32, #tpu.memory_space<vmem>> -> memref<1x80xi32, #tpu.memory_space<vmem>>
      %dma_wait3A_375 = tpu.memref_squeeze %dma_wait3A_374 : memref<1x80xi32, #tpu.memory_space<vmem>> -> memref<80xi32, #tpu.memory_space<vmem>>
      %dma_wait3A_376 = arith.constant 0 : i32
      %dma_wait3A_377 = tpu.memref_slice %arg8[%dma_wait3A_376] : memref<10240xf32, #tpu.memory_space<vmem_shared>> -> memref<10240xf32, #tpu.memory_space<vmem_shared>>
      tpu.wait_indirect_dma semaphore(%arg10 : memref<!tpu.dma_semaphore, #tpu.memory_space<semaphore_mem>>) src(%arg6 : memref<80xf32, #tpu.memory_space<vmem>>) dst(%dma_wait3A_377 : memref<10240xf32, #tpu.memory_space<vmem_shared>>)
      %add3A_378 = arith.constant 0 : i32
      %add3A_379 = arith.addi %add3A_371, %add3A_378 : i32
      %mul3A_380 = arith.constant 80 : i32
      %mul3A_381 = arith.muli %add3A_379, %mul3A_380 : i32
      %add3A_382 = arith.constant 0 : i32
      %add3A_383 = arith.addi %mul3A_381, %add3A_382 : i32
      %get3A_384 = arith.index_cast %add3A_383 : i32 to index
      %get3A_385 = tpu.vector_load %arg4[%get3A_384] {strides = array<i32>} : memref<10000xi32, #tpu.memory_space<vmem>>, vector<16xi32>,
      %get3A_386 = vector.shape_cast %get3A_385 : vector<16xi32> to vector<16xi32>
      %swap3A_387 = arith.constant 0 : i32
      %swap3A_388 = arith.constant 0 : i32
      %swap3A_389 = tpu.memref_slice %arg5[%swap3A_387, %swap3A_388] : memref<4x80xi32, #tpu.memory_space<vmem>> -> memref<1x80xi32, #tpu.memory_space<vmem>>
      %swap3A_390 = tpu.memref_squeeze %swap3A_389 : memref<1x80xi32, #tpu.memory_space<vmem>> -> memref<80xi32, #tpu.memory_space<vmem>>
      %swap3A_391 = arith.constant 0 : index
      %swap3A_392 = tpu.vector_load %swap3A_390[%swap3A_391] {strides = array<i32>} : memref<80xi32, #tpu.memory_space<vmem>>, vector<16xi32>,
      %swap3A_393 = vector.shape_cast %swap3A_392 : vector<16xi32> to vector<16xi32>
      %swap3A_394 = vector.shape_cast %get3A_386 : vector<16xi32> to vector<16xi32>
      tpu.vector_store %swap3A_390[%swap3A_391], %swap3A_394 {strides = array<i32>} : memref<80xi32, #tpu.memory_space<vmem>>, vector<16xi32>,
      %add3A_395 = arith.constant 16 : i32
      %add3A_396 = arith.addi %mul3A_381, %add3A_395 : i32
      %get3A_397 = arith.index_cast %add3A_396 : i32 to index
      %get3A_398 = tpu.vector_load %arg4[%get3A_397] {strides = array<i32>} : memref<10000xi32, #tpu.memory_space<vmem>>, vector<16xi32>,
      %get3A_399 = vector.shape_cast %get3A_398 : vector<16xi32> to vector<16xi32>
      %swap3A_400 = arith.constant 0 : i32
      %swap3A_401 = arith.constant 0 : i32
      %swap3A_402 = tpu.memref_slice %arg5[%swap3A_400, %swap3A_401] : memref<4x80xi32, #tpu.memory_space<vmem>> -> memref<1x80xi32, #tpu.memory_space<vmem>>
      %swap3A_403 = tpu.memref_squeeze %swap3A_402 : memref<1x80xi32, #tpu.memory_space<vmem>> -> memref<80xi32, #tpu.memory_space<vmem>>
      %swap3A_404 = arith.constant 16 : index
      %swap3A_405 = tpu.vector_load %swap3A_403[%swap3A_404] {strides = array<i32>} : memref<80xi32, #tpu.memory_space<vmem>>, vector<16xi32>,
      %swap3A_406 = vector.shape_cast %swap3A_405 : vector<16xi32> to vector<16xi32>
      %swap3A_407 = vector.shape_cast %get3A_399 : vector<16xi32> to vector<16xi32>
      tpu.vector_store %swap3A_403[%swap3A_404], %swap3A_407 {strides = array<i32>} : memref<80xi32, #tpu.memory_space<vmem>>, vector<16xi32>,
      %add3A_408 = arith.constant 32 : i32
      %add3A_409 = arith.addi %mul3A_381, %add3A_408 : i32
      %get3A_410 = arith.index_cast %add3A_409 : i32 to index
      %get3A_411 = tpu.vector_load %arg4[%get3A_410] {strides = array<i32>} : memref<10000xi32, #tpu.memory_space<vmem>>, vector<16xi32>,
      %get3A_412 = vector.shape_cast %get3A_411 : vector<16xi32> to vector<16xi32>
      %swap3A_413 = arith.constant 0 : i32
      %swap3A_414 = arith.constant 0 : i32
      %swap3A_415 = tpu.memref_slice %arg5[%swap3A_413, %swap3A_414] : memref<4x80xi32, #tpu.memory_space<vmem>> -> memref<1x80xi32, #tpu.memory_space<vmem>>
      %swap3A_416 = tpu.memref_squeeze %swap3A_415 : memref<1x80xi32, #tpu.memory_space<vmem>> -> memref<80xi32, #tpu.memory_space<vmem>>
      %swap3A_417 = arith.constant 32 : index
      %swap3A_418 = tpu.vector_load %swap3A_416[%swap3A_417] {strides = array<i32>} : memref<80xi32, #tpu.memory_space<vmem>>, vector<16xi32>,
      %swap3A_419 = vector.shape_cast %swap3A_418 : vector<16xi32> to vector<16xi32>
      %swap3A_420 = vector.shape_cast %get3A_412 : vector<16xi32> to vector<16xi32>
      tpu.vector_store %swap3A_416[%swap3A_417], %swap3A_420 {strides = array<i32>} : memref<80xi32, #tpu.memory_space<vmem>>, vector<16xi32>,
      %add3A_421 = arith.constant 48 : i32
      %add3A_422 = arith.addi %mul3A_381, %add3A_421 : i32
      %get3A_423 = arith.index_cast %add3A_422 : i32 to index
      %get3A_424 = tpu.vector_load %arg4[%get3A_423] {strides = array<i32>} : memref<10000xi32, #tpu.memory_space<vmem>>, vector<16xi32>,
      %get3A_425 = vector.shape_cast %get3A_424 : vector<16xi32> to vector<16xi32>
      %swap3A_426 = arith.constant 0 : i32
      %swap3A_427 = arith.constant 0 : i32
      %swap3A_428 = tpu.memref_slice %arg5[%swap3A_426, %swap3A_427] : memref<4x80xi32, #tpu.memory_space<vmem>> -> memref<1x80xi32, #tpu.memory_space<vmem>>
      %swap3A_429 = tpu.memref_squeeze %swap3A_428 : memref<1x80xi32, #tpu.memory_space<vmem>> -> memref<80xi32, #tpu.memory_space<vmem>>
      %swap3A_430 = arith.constant 48 : index
      %swap3A_431 = tpu.vector_load %swap3A_429[%swap3A_430] {strides = array<i32>} : memref<80xi32, #tpu.memory_space<vmem>>, vector<16xi32>,
      %swap3A_432 = vector.shape_cast %swap3A_431 : vector<16xi32> to vector<16xi32>
      %swap3A_433 = vector.shape_cast %get3A_425 : vector<16xi32> to vector<16xi32>
      tpu.vector_store %swap3A_429[%swap3A_430], %swap3A_433 {strides = array<i32>} : memref<80xi32, #tpu.memory_space<vmem>>, vector<16xi32>,
      %add3A_434 = arith.constant 64 : i32
      %add3A_435 = arith.addi %mul3A_381, %add3A_434 : i32
      %get3A_436 = arith.index_cast %add3A_435 : i32 to index
      %get3A_437 = tpu.vector_load %arg4[%get3A_436] {strides = array<i32>} : memref<10000xi32, #tpu.memory_space<vmem>>, vector<16xi32>,
      %get3A_438 = vector.shape_cast %get3A_437 : vector<16xi32> to vector<16xi32>
      %swap3A_439 = arith.constant 0 : i32
      %swap3A_440 = arith.constant 0 : i32
      %swap3A_441 = tpu.memref_slice %arg5[%swap3A_439, %swap3A_440] : memref<4x80xi32, #tpu.memory_space<vmem>> -> memref<1x80xi32, #tpu.memory_space<vmem>>
      %swap3A_442 = tpu.memref_squeeze %swap3A_441 : memref<1x80xi32, #tpu.memory_space<vmem>> -> memref<80xi32, #tpu.memory_space<vmem>>
      %swap3A_443 = arith.constant 64 : index
      %swap3A_444 = tpu.vector_load %swap3A_442[%swap3A_443] {strides = array<i32>} : memref<80xi32, #tpu.memory_space<vmem>>, vector<16xi32>,
      %swap3A_445 = vector.shape_cast %swap3A_444 : vector<16xi32> to vector<16xi32>
      %swap3A_446 = vector.shape_cast %get3A_438 : vector<16xi32> to vector<16xi32>
      tpu.vector_store %swap3A_442[%swap3A_443], %swap3A_446 {strides = array<i32>} : memref<80xi32, #tpu.memory_space<vmem>>, vector<16xi32>,
      %dma_start3A_447 = arith.constant 0 : i32
      %dma_start3A_448 = arith.constant 0 : i32
      %dma_start3A_449 = tpu.memref_slice %arg5[%dma_start3A_447, %dma_start3A_448] : memref<4x80xi32, #tpu.memory_space<vmem>> -> memref<1x80xi32, #tpu.memory_space<vmem>>
      %dma_start3A_450 = tpu.memref_squeeze %dma_start3A_449 : memref<1x80xi32, #tpu.memory_space<vmem>> -> memref<80xi32, #tpu.memory_space<vmem>>
      %dma_start3A_451 = arith.constant 0 : i32
      %dma_start3A_452 = tpu.memref_slice %arg8[%dma_start3A_451] : memref<10240xf32, #tpu.memory_space<vmem_shared>> -> memref<10240xf32, #tpu.memory_space<vmem_shared>>
      tpu.enqueue_indirect_dma source(%arg6 : memref<80xf32, #tpu.memory_space<vmem>>) target(%dma_start3A_452 : memref<10240xf32, #tpu.memory_space<vmem_shared>>) offsets(%dma_start3A_450 : memref<80xi32, #tpu.memory_space<vmem>>) semaphore(%arg10 : memref<!tpu.dma_semaphore, #tpu.memory_space<semaphore_mem>>) {add = true}
      %dma_wait3A_453 = arith.constant 1 : i32
      %dma_wait3A_454 = arith.constant 0 : i32
      %dma_wait3A_455 = tpu.memref_slice %arg5[%dma_wait3A_453, %dma_wait3A_454] : memref<4x80xi32, #tpu.memory_space<vmem>> -> memref<1x80xi32, #tpu.memory_space<vmem>>
      %dma_wait3A_456 = tpu.memref_squeeze %dma_wait3A_455 : memref<1x80xi32, #tpu.memory_space<vmem>> -> memref<80xi32, #tpu.memory_space<vmem>>
      %dma_wait3A_457 = arith.constant 0 : i32
      %dma_wait3A_458 = tpu.memref_slice %arg8[%dma_wait3A_457] : memref<10240xf32, #tpu.memory_space<vmem_shared>> -> memref<10240xf32, #tpu.memory_space<vmem_shared>>
      tpu.wait_indirect_dma semaphore(%arg10 : memref<!tpu.dma_semaphore, #tpu.memory_space<semaphore_mem>>) src(%arg6 : memref<80xf32, #tpu.memory_space<vmem>>) dst(%dma_wait3A_458 : memref<10240xf32, #tpu.memory_space<vmem_shared>>)
      %add3A_459 = arith.constant 1 : i32
      %add3A_460 = arith.addi %add3A_371, %add3A_459 : i32
      %mul3A_461 = arith.constant 80 : i32
      %mul3A_462 = arith.muli %add3A_460, %mul3A_461 : i32
      %add3A_463 = arith.constant 0 : i32
      %add3A_464 = arith.addi %mul3A_462, %add3A_463 : i32
      %get3A_465 = arith.index_cast %add3A_464 : i32 to index
      %get3A_466 = tpu.vector_load %arg4[%get3A_465] {strides = array<i32>} : memref<10000xi32, #tpu.memory_space<vmem>>, vector<16xi32>,
      %get3A_467 = vector.shape_cast %get3A_466 : vector<16xi32> to vector<16xi32>
      %swap3A_468 = arith.constant 1 : i32
      %swap3A_469 = arith.constant 0 : i32
      %swap3A_470 = tpu.memref_slice %arg5[%swap3A_468, %swap3A_469] : memref<4x80xi32, #tpu.memory_space<vmem>> -> memref<1x80xi32, #tpu.memory_space<vmem>>
      %swap3A_471 = tpu.memref_squeeze %swap3A_470 : memref<1x80xi32, #tpu.memory_space<vmem>> -> memref<80xi32, #tpu.memory_space<vmem>>
      %swap3A_472 = arith.constant 0 : index
      %swap3A_473 = tpu.vector_load %swap3A_471[%swap3A_472] {strides = array<i32>} : memref<80xi32, #tpu.memory_space<vmem>>, vector<16xi32>,
      %swap3A_474 = vector.shape_cast %swap3A_473 : vector<16xi32> to vector<16xi32>
      %swap3A_475 = vector.shape_cast %get3A_467 : vector<16xi32> to vector<16xi32>
      tpu.vector_store %swap3A_471[%swap3A_472], %swap3A_475 {strides = array<i32>} : memref<80xi32, #tpu.memory_space<vmem>>, vector<16xi32>,
      %add3A_476 = arith.constant 16 : i32
      %add3A_477 = arith.addi %mul3A_462, %add3A_476 : i32
      %get3A_478 = arith.index_cast %add3A_477 : i32 to index
      %get3A_479 = tpu.vector_load %arg4[%get3A_478] {strides = array<i32>} : memref<10000xi32, #tpu.memory_space<vmem>>, vector<16xi32>,
      %get3A_480 = vector.shape_cast %get3A_479 : vector<16xi32> to vector<16xi32>
      %swap3A_481 = arith.constant 1 : i32
      %swap3A_482 = arith.constant 0 : i32
      %swap3A_483 = tpu.memref_slice %arg5[%swap3A_481, %swap3A_482] : memref<4x80xi32, #tpu.memory_space<vmem>> -> memref<1x80xi32, #tpu.memory_space<vmem>>
      %swap3A_484 = tpu.memref_squeeze %swap3A_483 : memref<1x80xi32, #tpu.memory_space<vmem>> -> memref<80xi32, #tpu.memory_space<vmem>>
      %swap3A_485 = arith.constant 16 : index
      %swap3A_486 = tpu.vector_load %swap3A_484[%swap3A_485] {strides = array<i32>} : memref<80xi32, #tpu.memory_space<vmem>>, vector<16xi32>,
      %swap3A_487 = vector.shape_cast %swap3A_486 : vector<16xi32> to vector<16xi32>
      %swap3A_488 = vector.shape_cast %get3A_480 : vector<16xi32> to vector<16xi32>
      tpu.vector_store %swap3A_484[%swap3A_485], %swap3A_488 {strides = array<i32>} : memref<80xi32, #tpu.memory_space<vmem>>, vector<16xi32>,
      %add3A_489 = arith.constant 32 : i32
      %add3A_490 = arith.addi %mul3A_462, %add3A_489 : i32
      %get3A_491 = arith.index_cast %add3A_490 : i32 to index
      %get3A_492 = tpu.vector_load %arg4[%get3A_491] {strides = array<i32>} : memref<10000xi32, #tpu.memory_space<vmem>>, vector<16xi32>,
      %get3A_493 = vector.shape_cast %get3A_492 : vector<16xi32> to vector<16xi32>
      %swap3A_494 = arith.constant 1 : i32
      %swap3A_495 = arith.constant 0 : i32
      %swap3A_496 = tpu.memref_slice %arg5[%swap3A_494, %swap3A_495] : memref<4x80xi32, #tpu.memory_space<vmem>> -> memref<1x80xi32, #tpu.memory_space<vmem>>
      %swap3A_497 = tpu.memref_squeeze %swap3A_496 : memref<1x80xi32, #tpu.memory_space<vmem>> -> memref<80xi32, #tpu.memory_space<vmem>>
      %swap3A_498 = arith.constant 32 : index
      %swap3A_499 = tpu.vector_load %swap3A_497[%swap3A_498] {strides = array<i32>} : memref<80xi32, #tpu.memory_space<vmem>>, vector<16xi32>,
      %swap3A_500 = vector.shape_cast %swap3A_499 : vector<16xi32> to vector<16xi32>
      %swap3A_501 = vector.shape_cast %get3A_493 : vector<16xi32> to vector<16xi32>
      tpu.vector_store %swap3A_497[%swap3A_498], %swap3A_501 {strides = array<i32>} : memref<80xi32, #tpu.memory_space<vmem>>, vector<16xi32>,
      %add3A_502 = arith.constant 48 : i32
      %add3A_503 = arith.addi %mul3A_462, %add3A_502 : i32
      %get3A_504 = arith.index_cast %add3A_503 : i32 to index
      %get3A_505 = tpu.vector_load %arg4[%get3A_504] {strides = array<i32>} : memref<10000xi32, #tpu.memory_space<vmem>>, vector<16xi32>,
      %get3A_506 = vector.shape_cast %get3A_505 : vector<16xi32> to vector<16xi32>
      %swap3A_507 = arith.constant 1 : i32
      %swap3A_508 = arith.constant 0 : i32
      %swap3A_509 = tpu.memref_slice %arg5[%swap3A_507, %swap3A_508] : memref<4x80xi32, #tpu.memory_space<vmem>> -> memref<1x80xi32, #tpu.memory_space<vmem>>
      %swap3A_510 = tpu.memref_squeeze %swap3A_509 : memref<1x80xi32, #tpu.memory_space<vmem>> -> memref<80xi32, #tpu.memory_space<vmem>>
      %swap3A_511 = arith.constant 48 : index
      %swap3A_512 = tpu.vector_load %swap3A_510[%swap3A_511] {strides = array<i32>} : memref<80xi32, #tpu.memory_space<vmem>>, vector<16xi32>,
      %swap3A_513 = vector.shape_cast %swap3A_512 : vector<16xi32> to vector<16xi32>
      %swap3A_514 = vector.shape_cast %get3A_506 : vector<16xi32> to vector<16xi32>
      tpu.vector_store %swap3A_510[%swap3A_511], %swap3A_514 {strides = array<i32>} : memref<80xi32, #tpu.memory_space<vmem>>, vector<16xi32>,
      %add3A_515 = arith.constant 64 : i32
      %add3A_516 = arith.addi %mul3A_462, %add3A_515 : i32
      %get3A_517 = arith.index_cast %add3A_516 : i32 to index
      %get3A_518 = tpu.vector_load %arg4[%get3A_517] {strides = array<i32>} : memref<10000xi32, #tpu.memory_space<vmem>>, vector<16xi32>,
      %get3A_519 = vector.shape_cast %get3A_518 : vector<16xi32> to vector<16xi32>
      %swap3A_520 = arith.constant 1 : i32
      %swap3A_521 = arith.constant 0 : i32
      %swap3A_522 = tpu.memref_slice %arg5[%swap3A_520, %swap3A_521] : memref<4x80xi32, #tpu.memory_space<vmem>> -> memref<1x80xi32, #tpu.memory_space<vmem>>
      %swap3A_523 = tpu.memref_squeeze %swap3A_522 : memref<1x80xi32, #tpu.memory_space<vmem>> -> memref<80xi32, #tpu.memory_space<vmem>>
      %swap3A_524 = arith.constant 64 : index
      %swap3A_525 = tpu.vector_load %swap3A_523[%swap3A_524] {strides = array<i32>} : memref<80xi32, #tpu.memory_space<vmem>>, vector<16xi32>,
      %swap3A_526 = vector.shape_cast %swap3A_525 : vector<16xi32> to vector<16xi32>
      %swap3A_527 = vector.shape_cast %get3A_519 : vector<16xi32> to vector<16xi32>
      tpu.vector_store %swap3A_523[%swap3A_524], %swap3A_527 {strides = array<i32>} : memref<80xi32, #tpu.memory_space<vmem>>, vector<16xi32>,
      %dma_start3A_528 = arith.constant 1 : i32
      %dma_start3A_529 = arith.constant 0 : i32
      %dma_start3A_530 = tpu.memref_slice %arg5[%dma_start3A_528, %dma_start3A_529] : memref<4x80xi32, #tpu.memory_space<vmem>> -> memref<1x80xi32, #tpu.memory_space<vmem>>
      %dma_start3A_531 = tpu.memref_squeeze %dma_start3A_530 : memref<1x80xi32, #tpu.memory_space<vmem>> -> memref<80xi32, #tpu.memory_space<vmem>>
      %dma_start3A_532 = arith.constant 0 : i32
      %dma_start3A_533 = tpu.memref_slice %arg8[%dma_start3A_532] : memref<10240xf32, #tpu.memory_space<vmem_shared>> -> memref<10240xf32, #tpu.memory_space<vmem_shared>>
      tpu.enqueue_indirect_dma source(%arg6 : memref<80xf32, #tpu.memory_space<vmem>>) target(%dma_start3A_533 : memref<10240xf32, #tpu.memory_space<vmem_shared>>) offsets(%dma_start3A_531 : memref<80xi32, #tpu.memory_space<vmem>>) semaphore(%arg10 : memref<!tpu.dma_semaphore, #tpu.memory_space<semaphore_mem>>) {add = true}
      %dma_wait3A_534 = arith.constant 2 : i32
      %dma_wait3A_535 = arith.constant 0 : i32
      %dma_wait3A_536 = tpu.memref_slice %arg5[%dma_wait3A_534, %dma_wait3A_535] : memref<4x80xi32, #tpu.memory_space<vmem>> -> memref<1x80xi32, #tpu.memory_space<vmem>>
      %dma_wait3A_537 = tpu.memref_squeeze %dma_wait3A_536 : memref<1x80xi32, #tpu.memory_space<vmem>> -> memref<80xi32, #tpu.memory_space<vmem>>
      %dma_wait3A_538 = arith.constant 0 : i32
      %dma_wait3A_539 = tpu.memref_slice %arg8[%dma_wait3A_538] : memref<10240xf32, #tpu.memory_space<vmem_shared>> -> memref<10240xf32, #tpu.memory_space<vmem_shared>>
      tpu.wait_indirect_dma semaphore(%arg10 : memref<!tpu.dma_semaphore, #tpu.memory_space<semaphore_mem>>) src(%arg6 : memref<80xf32, #tpu.memory_space<vmem>>) dst(%dma_wait3A_539 : memref<10240xf32, #tpu.memory_space<vmem_shared>>)
      %add3A_540 = arith.constant 2 : i32
      %add3A_541 = arith.addi %add3A_371, %add3A_540 : i32
      %mul3A_542 = arith.constant 80 : i32
      %mul3A_543 = arith.muli %add3A_541, %mul3A_542 : i32
      %add3A_544 = arith.constant 0 : i32
      %add3A_545 = arith.addi %mul3A_543, %add3A_544 : i32
      %get3A_546 = arith.index_cast %add3A_545 : i32 to index
      %get3A_547 = tpu.vector_load %arg4[%get3A_546] {strides = array<i32>} : memref<10000xi32, #tpu.memory_space<vmem>>, vector<16xi32>,
      %get3A_548 = vector.shape_cast %get3A_547 : vector<16xi32> to vector<16xi32>
      %swap3A_549 = arith.constant 2 : i32
      %swap3A_550 = arith.constant 0 : i32
      %swap3A_551 = tpu.memref_slice %arg5[%swap3A_549, %swap3A_550] : memref<4x80xi32, #tpu.memory_space<vmem>> -> memref<1x80xi32, #tpu.memory_space<vmem>>
      %swap3A_552 = tpu.memref_squeeze %swap3A_551 : memref<1x80xi32, #tpu.memory_space<vmem>> -> memref<80xi32, #tpu.memory_space<vmem>>
      %swap3A_553 = arith.constant 0 : index
      %swap3A_554 = tpu.vector_load %swap3A_552[%swap3A_553] {strides = array<i32>} : memref<80xi32, #tpu.memory_space<vmem>>, vector<16xi32>,
      %swap3A_555 = vector.shape_cast %swap3A_554 : vector<16xi32> to vector<16xi32>
      %swap3A_556 = vector.shape_cast %get3A_548 : vector<16xi32> to vector<16xi32>
      tpu.vector_store %swap3A_552[%swap3A_553], %swap3A_556 {strides = array<i32>} : memref<80xi32, #tpu.memory_space<vmem>>, vector<16xi32>,
      %add3A_557 = arith.constant 16 : i32
      %add3A_558 = arith.addi %mul3A_543, %add3A_557 : i32
      %get3A_559 = arith.index_cast %add3A_558 : i32 to index
      %get3A_560 = tpu.vector_load %arg4[%get3A_559] {strides = array<i32>} : memref<10000xi32, #tpu.memory_space<vmem>>, vector<16xi32>,
      %get3A_561 = vector.shape_cast %get3A_560 : vector<16xi32> to vector<16xi32>
      %swap3A_562 = arith.constant 2 : i32
      %swap3A_563 = arith.constant 0 : i32
      %swap3A_564 = tpu.memref_slice %arg5[%swap3A_562, %swap3A_563] : memref<4x80xi32, #tpu.memory_space<vmem>> -> memref<1x80xi32, #tpu.memory_space<vmem>>
      %swap3A_565 = tpu.memref_squeeze %swap3A_564 : memref<1x80xi32, #tpu.memory_space<vmem>> -> memref<80xi32, #tpu.memory_space<vmem>>
      %swap3A_566 = arith.constant 16 : index
      %swap3A_567 = tpu.vector_load %swap3A_565[%swap3A_566] {strides = array<i32>} : memref<80xi32, #tpu.memory_space<vmem>>, vector<16xi32>,
      %swap3A_568 = vector.shape_cast %swap3A_567 : vector<16xi32> to vector<16xi32>
      %swap3A_569 = vector.shape_cast %get3A_561 : vector<16xi32> to vector<16xi32>
      tpu.vector_store %swap3A_565[%swap3A_566], %swap3A_569 {strides = array<i32>} : memref<80xi32, #tpu.memory_space<vmem>>, vector<16xi32>,
      %add3A_570 = arith.constant 32 : i32
      %add3A_571 = arith.addi %mul3A_543, %add3A_570 : i32
      %get3A_572 = arith.index_cast %add3A_571 : i32 to index
      %get3A_573 = tpu.vector_load %arg4[%get3A_572] {strides = array<i32>} : memref<10000xi32, #tpu.memory_space<vmem>>, vector<16xi32>,
      %get3A_574 = vector.shape_cast %get3A_573 : vector<16xi32> to vector<16xi32>
      %swap3A_575 = arith.constant 2 : i32
      %swap3A_576 = arith.constant 0 : i32
      %swap3A_577 = tpu.memref_slice %arg5[%swap3A_575, %swap3A_576] : memref<4x80xi32, #tpu.memory_space<vmem>> -> memref<1x80xi32, #tpu.memory_space<vmem>>
      %swap3A_578 = tpu.memref_squeeze %swap3A_577 : memref<1x80xi32, #tpu.memory_space<vmem>> -> memref<80xi32, #tpu.memory_space<vmem>>
      %swap3A_579 = arith.constant 32 : index
      %swap3A_580 = tpu.vector_load %swap3A_578[%swap3A_579] {strides = array<i32>} : memref<80xi32, #tpu.memory_space<vmem>>, vector<16xi32>,
      %swap3A_581 = vector.shape_cast %swap3A_580 : vector<16xi32> to vector<16xi32>
      %swap3A_582 = vector.shape_cast %get3A_574 : vector<16xi32> to vector<16xi32>
      tpu.vector_store %swap3A_578[%swap3A_579], %swap3A_582 {strides = array<i32>} : memref<80xi32, #tpu.memory_space<vmem>>, vector<16xi32>,
      %add3A_583 = arith.constant 48 : i32
      %add3A_584 = arith.addi %mul3A_543, %add3A_583 : i32
      %get3A_585 = arith.index_cast %add3A_584 : i32 to index
      %get3A_586 = tpu.vector_load %arg4[%get3A_585] {strides = array<i32>} : memref<10000xi32, #tpu.memory_space<vmem>>, vector<16xi32>,
      %get3A_587 = vector.shape_cast %get3A_586 : vector<16xi32> to vector<16xi32>
      %swap3A_588 = arith.constant 2 : i32
      %swap3A_589 = arith.constant 0 : i32
      %swap3A_590 = tpu.memref_slice %arg5[%swap3A_588, %swap3A_589] : memref<4x80xi32, #tpu.memory_space<vmem>> -> memref<1x80xi32, #tpu.memory_space<vmem>>
      %swap3A_591 = tpu.memref_squeeze %swap3A_590 : memref<1x80xi32, #tpu.memory_space<vmem>> -> memref<80xi32, #tpu.memory_space<vmem>>
      %swap3A_592 = arith.constant 48 : index
      %swap3A_593 = tpu.vector_load %swap3A_591[%swap3A_592] {strides = array<i32>} : memref<80xi32, #tpu.memory_space<vmem>>, vector<16xi32>,
      %swap3A_594 = vector.shape_cast %swap3A_593 : vector<16xi32> to vector<16xi32>
      %swap3A_595 = vector.shape_cast %get3A_587 : vector<16xi32> to vector<16xi32>
      tpu.vector_store %swap3A_591[%swap3A_592], %swap3A_595 {strides = array<i32>} : memref<80xi32, #tpu.memory_space<vmem>>, vector<16xi32>,
      %add3A_596 = arith.constant 64 : i32
      %add3A_597 = arith.addi %mul3A_543, %add3A_596 : i32
      %get3A_598 = arith.index_cast %add3A_597 : i32 to index
      %get3A_599 = tpu.vector_load %arg4[%get3A_598] {strides = array<i32>} : memref<10000xi32, #tpu.memory_space<vmem>>, vector<16xi32>,
      %get3A_600 = vector.shape_cast %get3A_599 : vector<16xi32> to vector<16xi32>
      %swap3A_601 = arith.constant 2 : i32
      %swap3A_602 = arith.constant 0 : i32
      %swap3A_603 = tpu.memref_slice %arg5[%swap3A_601, %swap3A_602] : memref<4x80xi32, #tpu.memory_space<vmem>> -> memref<1x80xi32, #tpu.memory_space<vmem>>
      %swap3A_604 = tpu.memref_squeeze %swap3A_603 : memref<1x80xi32, #tpu.memory_space<vmem>> -> memref<80xi32, #tpu.memory_space<vmem>>
      %swap3A_605 = arith.constant 64 : index
      %swap3A_606 = tpu.vector_load %swap3A_604[%swap3A_605] {strides = array<i32>} : memref<80xi32, #tpu.memory_space<vmem>>, vector<16xi32>,
      %swap3A_607 = vector.shape_cast %swap3A_606 : vector<16xi32> to vector<16xi32>
      %swap3A_608 = vector.shape_cast %get3A_600 : vector<16xi32> to vector<16xi32>
      tpu.vector_store %swap3A_604[%swap3A_605], %swap3A_608 {strides = array<i32>} : memref<80xi32, #tpu.memory_space<vmem>>, vector<16xi32>,
      %dma_start3A_609 = arith.constant 2 : i32
      %dma_start3A_610 = arith.constant 0 : i32
      %dma_start3A_611 = tpu.memref_slice %arg5[%dma_start3A_609, %dma_start3A_610] : memref<4x80xi32, #tpu.memory_space<vmem>> -> memref<1x80xi32, #tpu.memory_space<vmem>>
      %dma_start3A_612 = tpu.memref_squeeze %dma_start3A_611 : memref<1x80xi32, #tpu.memory_space<vmem>> -> memref<80xi32, #tpu.memory_space<vmem>>
      %dma_start3A_613 = arith.constant 0 : i32
      %dma_start3A_614 = tpu.memref_slice %arg8[%dma_start3A_613] : memref<10240xf32, #tpu.memory_space<vmem_shared>> -> memref<10240xf32, #tpu.memory_space<vmem_shared>>
      tpu.enqueue_indirect_dma source(%arg6 : memref<80xf32, #tpu.memory_space<vmem>>) target(%dma_start3A_614 : memref<10240xf32, #tpu.memory_space<vmem_shared>>) offsets(%dma_start3A_612 : memref<80xi32, #tpu.memory_space<vmem>>) semaphore(%arg10 : memref<!tpu.dma_semaphore, #tpu.memory_space<semaphore_mem>>) {add = true}
      %dma_wait3A_615 = arith.constant 3 : i32
      %dma_wait3A_616 = arith.constant 0 : i32
      %dma_wait3A_617 = tpu.memref_slice %arg5[%dma_wait3A_615, %dma_wait3A_616] : memref<4x80xi32, #tpu.memory_space<vmem>> -> memref<1x80xi32, #tpu.memory_space<vmem>>
      %dma_wait3A_618 = tpu.memref_squeeze %dma_wait3A_617 : memref<1x80xi32, #tpu.memory_space<vmem>> -> memref<80xi32, #tpu.memory_space<vmem>>
      %dma_wait3A_619 = arith.constant 0 : i32
      %dma_wait3A_620 = tpu.memref_slice %arg8[%dma_wait3A_619] : memref<10240xf32, #tpu.memory_space<vmem_shared>> -> memref<10240xf32, #tpu.memory_space<vmem_shared>>
      tpu.wait_indirect_dma semaphore(%arg10 : memref<!tpu.dma_semaphore, #tpu.memory_space<semaphore_mem>>) src(%arg6 : memref<80xf32, #tpu.memory_space<vmem>>) dst(%dma_wait3A_620 : memref<10240xf32, #tpu.memory_space<vmem_shared>>)
      %add3A_621 = arith.constant 3 : i32
      %add3A_622 = arith.addi %add3A_371, %add3A_621 : i32
      %mul3A_623 = arith.constant 80 : i32
      %mul3A_624 = arith.muli %add3A_622, %mul3A_623 : i32
      %add3A_625 = arith.constant 0 : i32
      %add3A_626 = arith.addi %mul3A_624, %add3A_625 : i32
      %get3A_627 = arith.index_cast %add3A_626 : i32 to index
      %get3A_628 = tpu.vector_load %arg4[%get3A_627] {strides = array<i32>} : memref<10000xi32, #tpu.memory_space<vmem>>, vector<16xi32>,
      %get3A_629 = vector.shape_cast %get3A_628 : vector<16xi32> to vector<16xi32>
      %swap3A_630 = arith.constant 3 : i32
      %swap3A_631 = arith.constant 0 : i32
      %swap3A_632 = tpu.memref_slice %arg5[%swap3A_630, %swap3A_631] : memref<4x80xi32, #tpu.memory_space<vmem>> -> memref<1x80xi32, #tpu.memory_space<vmem>>
      %swap3A_633 = tpu.memref_squeeze %swap3A_632 : memref<1x80xi32, #tpu.memory_space<vmem>> -> memref<80xi32, #tpu.memory_space<vmem>>
      %swap3A_634 = arith.constant 0 : index
      %swap3A_635 = tpu.vector_load %swap3A_633[%swap3A_634] {strides = array<i32>} : memref<80xi32, #tpu.memory_space<vmem>>, vector<16xi32>,
      %swap3A_636 = vector.shape_cast %swap3A_635 : vector<16xi32> to vector<16xi32>
      %swap3A_637 = vector.shape_cast %get3A_629 : vector<16xi32> to vector<16xi32>
      tpu.vector_store %swap3A_633[%swap3A_634], %swap3A_637 {strides = array<i32>} : memref<80xi32, #tpu.memory_space<vmem>>, vector<16xi32>,
      %add3A_638 = arith.constant 16 : i32
      %add3A_639 = arith.addi %mul3A_624, %add3A_638 : i32
      %get3A_640 = arith.index_cast %add3A_639 : i32 to index
      %get3A_641 = tpu.vector_load %arg4[%get3A_640] {strides = array<i32>} : memref<10000xi32, #tpu.memory_space<vmem>>, vector<16xi32>,
      %get3A_642 = vector.shape_cast %get3A_641 : vector<16xi32> to vector<16xi32>
      %swap3A_643 = arith.constant 3 : i32
      %swap3A_644 = arith.constant 0 : i32
      %swap3A_645 = tpu.memref_slice %arg5[%swap3A_643, %swap3A_644] : memref<4x80xi32, #tpu.memory_space<vmem>> -> memref<1x80xi32, #tpu.memory_space<vmem>>
      %swap3A_646 = tpu.memref_squeeze %swap3A_645 : memref<1x80xi32, #tpu.memory_space<vmem>> -> memref<80xi32, #tpu.memory_space<vmem>>
      %swap3A_647 = arith.constant 16 : index
      %swap3A_648 = tpu.vector_load %swap3A_646[%swap3A_647] {strides = array<i32>} : memref<80xi32, #tpu.memory_space<vmem>>, vector<16xi32>,
      %swap3A_649 = vector.shape_cast %swap3A_648 : vector<16xi32> to vector<16xi32>
      %swap3A_650 = vector.shape_cast %get3A_642 : vector<16xi32> to vector<16xi32>
      tpu.vector_store %swap3A_646[%swap3A_647], %swap3A_650 {strides = array<i32>} : memref<80xi32, #tpu.memory_space<vmem>>, vector<16xi32>,
      %add3A_651 = arith.constant 32 : i32
      %add3A_652 = arith.addi %mul3A_624, %add3A_651 : i32
      %get3A_653 = arith.index_cast %add3A_652 : i32 to index
      %get3A_654 = tpu.vector_load %arg4[%get3A_653] {strides = array<i32>} : memref<10000xi32, #tpu.memory_space<vmem>>, vector<16xi32>,
      %get3A_655 = vector.shape_cast %get3A_654 : vector<16xi32> to vector<16xi32>
      %swap3A_656 = arith.constant 3 : i32
      %swap3A_657 = arith.constant 0 : i32
      %swap3A_658 = tpu.memref_slice %arg5[%swap3A_656, %swap3A_657] : memref<4x80xi32, #tpu.memory_space<vmem>> -> memref<1x80xi32, #tpu.memory_space<vmem>>
      %swap3A_659 = tpu.memref_squeeze %swap3A_658 : memref<1x80xi32, #tpu.memory_space<vmem>> -> memref<80xi32, #tpu.memory_space<vmem>>
      %swap3A_660 = arith.constant 32 : index
      %swap3A_661 = tpu.vector_load %swap3A_659[%swap3A_660] {strides = array<i32>} : memref<80xi32, #tpu.memory_space<vmem>>, vector<16xi32>,
      %swap3A_662 = vector.shape_cast %swap3A_661 : vector<16xi32> to vector<16xi32>
      %swap3A_663 = vector.shape_cast %get3A_655 : vector<16xi32> to vector<16xi32>
      tpu.vector_store %swap3A_659[%swap3A_660], %swap3A_663 {strides = array<i32>} : memref<80xi32, #tpu.memory_space<vmem>>, vector<16xi32>,
      %add3A_664 = arith.constant 48 : i32
      %add3A_665 = arith.addi %mul3A_624, %add3A_664 : i32
      %get3A_666 = arith.index_cast %add3A_665 : i32 to index
      %get3A_667 = tpu.vector_load %arg4[%get3A_666] {strides = array<i32>} : memref<10000xi32, #tpu.memory_space<vmem>>, vector<16xi32>,
      %get3A_668 = vector.shape_cast %get3A_667 : vector<16xi32> to vector<16xi32>
      %swap3A_669 = arith.constant 3 : i32
      %swap3A_670 = arith.constant 0 : i32
      %swap3A_671 = tpu.memref_slice %arg5[%swap3A_669, %swap3A_670] : memref<4x80xi32, #tpu.memory_space<vmem>> -> memref<1x80xi32, #tpu.memory_space<vmem>>
      %swap3A_672 = tpu.memref_squeeze %swap3A_671 : memref<1x80xi32, #tpu.memory_space<vmem>> -> memref<80xi32, #tpu.memory_space<vmem>>
      %swap3A_673 = arith.constant 48 : index
      %swap3A_674 = tpu.vector_load %swap3A_672[%swap3A_673] {strides = array<i32>} : memref<80xi32, #tpu.memory_space<vmem>>, vector<16xi32>,
      %swap3A_675 = vector.shape_cast %swap3A_674 : vector<16xi32> to vector<16xi32>
      %swap3A_676 = vector.shape_cast %get3A_668 : vector<16xi32> to vector<16xi32>
      tpu.vector_store %swap3A_672[%swap3A_673], %swap3A_676 {strides = array<i32>} : memref<80xi32, #tpu.memory_space<vmem>>, vector<16xi32>,
      %add3A_677 = arith.constant 64 : i32
      %add3A_678 = arith.addi %mul3A_624, %add3A_677 : i32
      %get3A_679 = arith.index_cast %add3A_678 : i32 to index
      %get3A_680 = tpu.vector_load %arg4[%get3A_679] {strides = array<i32>} : memref<10000xi32, #tpu.memory_space<vmem>>, vector<16xi32>,
      %get3A_681 = vector.shape_cast %get3A_680 : vector<16xi32> to vector<16xi32>
      %swap3A_682 = arith.constant 3 : i32
      %swap3A_683 = arith.constant 0 : i32
      %swap3A_684 = tpu.memref_slice %arg5[%swap3A_682, %swap3A_683] : memref<4x80xi32, #tpu.memory_space<vmem>> -> memref<1x80xi32, #tpu.memory_space<vmem>>
      %swap3A_685 = tpu.memref_squeeze %swap3A_684 : memref<1x80xi32, #tpu.memory_space<vmem>> -> memref<80xi32, #tpu.memory_space<vmem>>
      %swap3A_686 = arith.constant 64 : index
      %swap3A_687 = tpu.vector_load %swap3A_685[%swap3A_686] {strides = array<i32>} : memref<80xi32, #tpu.memory_space<vmem>>, vector<16xi32>,
      %swap3A_688 = vector.shape_cast %swap3A_687 : vector<16xi32> to vector<16xi32>
      %swap3A_689 = vector.shape_cast %get3A_681 : vector<16xi32> to vector<16xi32>
      tpu.vector_store %swap3A_685[%swap3A_686], %swap3A_689 {strides = array<i32>} : memref<80xi32, #tpu.memory_space<vmem>>, vector<16xi32>,
      %dma_start3A_690 = arith.constant 3 : i32
      %dma_start3A_691 = arith.constant 0 : i32
      %dma_start3A_692 = tpu.memref_slice %arg5[%dma_start3A_690, %dma_start3A_691] : memref<4x80xi32, #tpu.memory_space<vmem>> -> memref<1x80xi32, #tpu.memory_space<vmem>>
      %dma_start3A_693 = tpu.memref_squeeze %dma_start3A_692 : memref<1x80xi32, #tpu.memory_space<vmem>> -> memref<80xi32, #tpu.memory_space<vmem>>
      %dma_start3A_694 = arith.constant 0 : i32
      %dma_start3A_695 = tpu.memref_slice %arg8[%dma_start3A_694] : memref<10240xf32, #tpu.memory_space<vmem_shared>> -> memref<10240xf32, #tpu.memory_space<vmem_shared>>
      tpu.enqueue_indirect_dma source(%arg6 : memref<80xf32, #tpu.memory_space<vmem>>) target(%dma_start3A_695 : memref<10240xf32, #tpu.memory_space<vmem_shared>>) offsets(%dma_start3A_693 : memref<80xi32, #tpu.memory_space<vmem>>) semaphore(%arg10 : memref<!tpu.dma_semaphore, #tpu.memory_space<semaphore_mem>>) {add = true}
    }
    %scan3A_282 = arith.constant 30 : i32
    %dma_wait3A_283 = arith.constant 0 : i32
    %dma_wait3A_284 = arith.constant 0 : i32
    %dma_wait3A_285 = tpu.memref_slice %arg5[%dma_wait3A_283, %dma_wait3A_284] : memref<4x80xi32, #tpu.memory_space<vmem>> -> memref<1x80xi32, #tpu.memory_space<vmem>>
    %dma_wait3A_286 = tpu.memref_squeeze %dma_wait3A_285 : memref<1x80xi32, #tpu.memory_space<vmem>> -> memref<80xi32, #tpu.memory_space<vmem>>
    %dma_wait3A_287 = arith.constant 0 : i32
    %dma_wait3A_288 = tpu.memref_slice %arg8[%dma_wait3A_287] : memref<10240xf32, #tpu.memory_space<vmem_shared>> -> memref<10240xf32, #tpu.memory_space<vmem_shared>>
    tpu.wait_indirect_dma semaphore(%arg10 : memref<!tpu.dma_semaphore, #tpu.memory_space<semaphore_mem>>) src(%arg6 : memref<80xf32, #tpu.memory_space<vmem>>) dst(%dma_wait3A_288 : memref<10240xf32, #tpu.memory_space<vmem_shared>>)
    %dma_wait3A_289 = arith.constant 1 : i32
    %dma_wait3A_290 = arith.constant 0 : i32
    %dma_wait3A_291 = tpu.memref_slice %arg5[%dma_wait3A_289, %dma_wait3A_290] : memref<4x80xi32, #tpu.memory_space<vmem>> -> memref<1x80xi32, #tpu.memory_space<vmem>>
    %dma_wait3A_292 = tpu.memref_squeeze %dma_wait3A_291 : memref<1x80xi32, #tpu.memory_space<vmem>> -> memref<80xi32, #tpu.memory_space<vmem>>
    %dma_wait3A_293 = arith.constant 0 : i32
    %dma_wait3A_294 = tpu.memref_slice %arg8[%dma_wait3A_293] : memref<10240xf32, #tpu.memory_space<vmem_shared>> -> memref<10240xf32, #tpu.memory_space<vmem_shared>>
    tpu.wait_indirect_dma semaphore(%arg10 : memref<!tpu.dma_semaphore, #tpu.memory_space<semaphore_mem>>) src(%arg6 : memref<80xf32, #tpu.memory_space<vmem>>) dst(%dma_wait3A_294 : memref<10240xf32, #tpu.memory_space<vmem_shared>>)
    %dma_wait3A_295 = arith.constant 2 : i32
    %dma_wait3A_296 = arith.constant 0 : i32
    %dma_wait3A_297 = tpu.memref_slice %arg5[%dma_wait3A_295, %dma_wait3A_296] : memref<4x80xi32, #tpu.memory_space<vmem>> -> memref<1x80xi32, #tpu.memory_space<vmem>>
    %dma_wait3A_298 = tpu.memref_squeeze %dma_wait3A_297 : memref<1x80xi32, #tpu.memory_space<vmem>> -> memref<80xi32, #tpu.memory_space<vmem>>
    %dma_wait3A_299 = arith.constant 0 : i32
    %dma_wait3A_300 = tpu.memref_slice %arg8[%dma_wait3A_299] : memref<10240xf32, #tpu.memory_space<vmem_shared>> -> memref<10240xf32, #tpu.memory_space<vmem_shared>>
    tpu.wait_indirect_dma semaphore(%arg10 : memref<!tpu.dma_semaphore, #tpu.memory_space<semaphore_mem>>) src(%arg6 : memref<80xf32, #tpu.memory_space<vmem>>) dst(%dma_wait3A_300 : memref<10240xf32, #tpu.memory_space<vmem_shared>>)
    %dma_wait3A_301 = arith.constant 3 : i32
    %dma_wait3A_302 = arith.constant 0 : i32
    %dma_wait3A_303 = tpu.memref_slice %arg5[%dma_wait3A_301, %dma_wait3A_302] : memref<4x80xi32, #tpu.memory_space<vmem>> -> memref<1x80xi32, #tpu.memory_space<vmem>>
    %dma_wait3A_304 = tpu.memref_squeeze %dma_wait3A_303 : memref<1x80xi32, #tpu.memory_space<vmem>> -> memref<80xi32, #tpu.memory_space<vmem>>
    %dma_wait3A_305 = arith.constant 0 : i32
    %dma_wait3A_306 = tpu.memref_slice %arg8[%dma_wait3A_305] : memref<10240xf32, #tpu.memory_space<vmem_shared>> -> memref<10240xf32, #tpu.memory_space<vmem_shared>>
    tpu.wait_indirect_dma semaphore(%arg10 : memref<!tpu.dma_semaphore, #tpu.memory_space<semaphore_mem>>) src(%arg6 : memref<80xf32, #tpu.memory_space<vmem>>) dst(%dma_wait3A_306 : memref<10240xf32, #tpu.memory_space<vmem_shared>>)
    %get3A_307 = arith.constant 9920 : index
    %get3A_308 = tpu.vector_load %arg4[%get3A_307] {strides = array<i32>} : memref<10000xi32, #tpu.memory_space<vmem>>, vector<16xi32>,
    %get3A_309 = vector.shape_cast %get3A_308 : vector<16xi32> to vector<16xi32>
    %swap3A_310 = arith.constant 0 : i32
    %swap3A_311 = arith.constant 0 : i32
    %swap3A_312 = tpu.memref_slice %arg5[%swap3A_310, %swap3A_311] : memref<4x80xi32, #tpu.memory_space<vmem>> -> memref<1x80xi32, #tpu.memory_space<vmem>>
    %swap3A_313 = tpu.memref_squeeze %swap3A_312 : memref<1x80xi32, #tpu.memory_space<vmem>> -> memref<80xi32, #tpu.memory_space<vmem>>
    %swap3A_314 = arith.constant 0 : index
    %swap3A_315 = tpu.vector_load %swap3A_313[%swap3A_314] {strides = array<i32>} : memref<80xi32, #tpu.memory_space<vmem>>, vector<16xi32>,
    %swap3A_316 = vector.shape_cast %swap3A_315 : vector<16xi32> to vector<16xi32>
    %swap3A_317 = vector.shape_cast %get3A_309 : vector<16xi32> to vector<16xi32>
    tpu.vector_store %swap3A_313[%swap3A_314], %swap3A_317 {strides = array<i32>} : memref<80xi32, #tpu.memory_space<vmem>>, vector<16xi32>,
    %get3A_318 = arith.constant 9936 : index
    %get3A_319 = tpu.vector_load %arg4[%get3A_318] {strides = array<i32>} : memref<10000xi32, #tpu.memory_space<vmem>>, vector<16xi32>,
    %get3A_320 = vector.shape_cast %get3A_319 : vector<16xi32> to vector<16xi32>
    %swap3A_321 = arith.constant 0 : i32
    %swap3A_322 = arith.constant 0 : i32
    %swap3A_323 = tpu.memref_slice %arg5[%swap3A_321, %swap3A_322] : memref<4x80xi32, #tpu.memory_space<vmem>> -> memref<1x80xi32, #tpu.memory_space<vmem>>
    %swap3A_324 = tpu.memref_squeeze %swap3A_323 : memref<1x80xi32, #tpu.memory_space<vmem>> -> memref<80xi32, #tpu.memory_space<vmem>>
    %swap3A_325 = arith.constant 16 : index
    %swap3A_326 = tpu.vector_load %swap3A_324[%swap3A_325] {strides = array<i32>} : memref<80xi32, #tpu.memory_space<vmem>>, vector<16xi32>,
    %swap3A_327 = vector.shape_cast %swap3A_326 : vector<16xi32> to vector<16xi32>
    %swap3A_328 = vector.shape_cast %get3A_320 : vector<16xi32> to vector<16xi32>
    tpu.vector_store %swap3A_324[%swap3A_325], %swap3A_328 {strides = array<i32>} : memref<80xi32, #tpu.memory_space<vmem>>, vector<16xi32>,
    %get3A_329 = arith.constant 9952 : index
    %get3A_330 = tpu.vector_load %arg4[%get3A_329] {strides = array<i32>} : memref<10000xi32, #tpu.memory_space<vmem>>, vector<16xi32>,
    %get3A_331 = vector.shape_cast %get3A_330 : vector<16xi32> to vector<16xi32>
    %swap3A_332 = arith.constant 0 : i32
    %swap3A_333 = arith.constant 0 : i32
    %swap3A_334 = tpu.memref_slice %arg5[%swap3A_332, %swap3A_333] : memref<4x80xi32, #tpu.memory_space<vmem>> -> memref<1x80xi32, #tpu.memory_space<vmem>>
    %swap3A_335 = tpu.memref_squeeze %swap3A_334 : memref<1x80xi32, #tpu.memory_space<vmem>> -> memref<80xi32, #tpu.memory_space<vmem>>
    %swap3A_336 = arith.constant 32 : index
    %swap3A_337 = tpu.vector_load %swap3A_335[%swap3A_336] {strides = array<i32>} : memref<80xi32, #tpu.memory_space<vmem>>, vector<16xi32>,
    %swap3A_338 = vector.shape_cast %swap3A_337 : vector<16xi32> to vector<16xi32>
    %swap3A_339 = vector.shape_cast %get3A_331 : vector<16xi32> to vector<16xi32>
    tpu.vector_store %swap3A_335[%swap3A_336], %swap3A_339 {strides = array<i32>} : memref<80xi32, #tpu.memory_space<vmem>>, vector<16xi32>,
    %get3A_340 = arith.constant 9968 : index
    %get3A_341 = tpu.vector_load %arg4[%get3A_340] {strides = array<i32>} : memref<10000xi32, #tpu.memory_space<vmem>>, vector<16xi32>,
    %get3A_342 = vector.shape_cast %get3A_341 : vector<16xi32> to vector<16xi32>
    %swap3A_343 = arith.constant 0 : i32
    %swap3A_344 = arith.constant 0 : i32
    %swap3A_345 = tpu.memref_slice %arg5[%swap3A_343, %swap3A_344] : memref<4x80xi32, #tpu.memory_space<vmem>> -> memref<1x80xi32, #tpu.memory_space<vmem>>
    %swap3A_346 = tpu.memref_squeeze %swap3A_345 : memref<1x80xi32, #tpu.memory_space<vmem>> -> memref<80xi32, #tpu.memory_space<vmem>>
    %swap3A_347 = arith.constant 48 : index
    %swap3A_348 = tpu.vector_load %swap3A_346[%swap3A_347] {strides = array<i32>} : memref<80xi32, #tpu.memory_space<vmem>>, vector<16xi32>,
    %swap3A_349 = vector.shape_cast %swap3A_348 : vector<16xi32> to vector<16xi32>
    %swap3A_350 = vector.shape_cast %get3A_342 : vector<16xi32> to vector<16xi32>
    tpu.vector_store %swap3A_346[%swap3A_347], %swap3A_350 {strides = array<i32>} : memref<80xi32, #tpu.memory_space<vmem>>, vector<16xi32>,
    %get3A_351 = arith.constant 9984 : index
    %get3A_352 = tpu.vector_load %arg4[%get3A_351] {strides = array<i32>} : memref<10000xi32, #tpu.memory_space<vmem>>, vector<16xi32>,
    %get3A_353 = vector.shape_cast %get3A_352 : vector<16xi32> to vector<16xi32>
    %swap3A_354 = arith.constant 0 : i32
    %swap3A_355 = arith.constant 0 : i32
    %swap3A_356 = tpu.memref_slice %arg5[%swap3A_354, %swap3A_355] : memref<4x80xi32, #tpu.memory_space<vmem>> -> memref<1x80xi32, #tpu.memory_space<vmem>>
    %swap3A_357 = tpu.memref_squeeze %swap3A_356 : memref<1x80xi32, #tpu.memory_space<vmem>> -> memref<80xi32, #tpu.memory_space<vmem>>
    %swap3A_358 = arith.constant 64 : index
    %swap3A_359 = tpu.vector_load %swap3A_357[%swap3A_358] {strides = array<i32>} : memref<80xi32, #tpu.memory_space<vmem>>, vector<16xi32>,
    %swap3A_360 = vector.shape_cast %swap3A_359 : vector<16xi32> to vector<16xi32>
    %swap3A_361 = vector.shape_cast %get3A_353 : vector<16xi32> to vector<16xi32>
    tpu.vector_store %swap3A_357[%swap3A_358], %swap3A_361 {strides = array<i32>} : memref<80xi32, #tpu.memory_space<vmem>>, vector<16xi32>,
    %run_scoped3A = arith.constant 0 : i32
    "tpu.region"() ({
      %run_scoped3A_367 = tpu.sem_alloc : memref<!tpu.dma_semaphore, #tpu.memory_space<semaphore_mem>>
      %dma_start3A_368 = arith.constant 0 : i32
      %dma_start3A_369 = tpu.memref_slice %arg5[%run_scoped3A, %dma_start3A_368] : memref<4x80xi32, #tpu.memory_space<vmem>> -> memref<1x80xi32, #tpu.memory_space<vmem>>
      %dma_start3A_370 = tpu.memref_squeeze %dma_start3A_369 : memref<1x80xi32, #tpu.memory_space<vmem>> -> memref<80xi32, #tpu.memory_space<vmem>>
      %dma_start3A_371 = arith.constant 0 : i32
      %dma_start3A_372 = tpu.memref_slice %arg8[%dma_start3A_371] : memref<10240xf32, #tpu.memory_space<vmem_shared>> -> memref<10240xf32, #tpu.memory_space<vmem_shared>>
      tpu.enqueue_indirect_dma source(%arg6 : memref<80xf32, #tpu.memory_space<vmem>>) target(%dma_start3A_372 : memref<10240xf32, #tpu.memory_space<vmem_shared>>) offsets(%dma_start3A_370 : memref<80xi32, #tpu.memory_space<vmem>>) semaphore(%run_scoped3A_367 : memref<!tpu.dma_semaphore, #tpu.memory_space<semaphore_mem>>) {add = true}
      %dma_wait3A_373 = arith.constant 0 : i32
      %dma_wait3A_374 = tpu.memref_slice %arg5[%run_scoped3A, %dma_wait3A_373] : memref<4x80xi32, #tpu.memory_space<vmem>> -> memref<1x80xi32, #tpu.memory_space<vmem>>
      %dma_wait3A_375 = tpu.memref_squeeze %dma_wait3A_374 : memref<1x80xi32, #tpu.memory_space<vmem>> -> memref<80xi32, #tpu.memory_space<vmem>>
      %dma_wait3A_376 = arith.constant 0 : i32
      %dma_wait3A_377 = tpu.memref_slice %arg8[%dma_wait3A_376] : memref<10240xf32, #tpu.memory_space<vmem_shared>> -> memref<10240xf32, #tpu.memory_space<vmem_shared>>
      tpu.wait_indirect_dma semaphore(%run_scoped3A_367 : memref<!tpu.dma_semaphore, #tpu.memory_space<semaphore_mem>>) src(%arg6 : memref<80xf32, #tpu.memory_space<vmem>>) dst(%dma_wait3A_377 : memref<10240xf32, #tpu.memory_space<vmem_shared>>)
      tpu.yield
    }) : () -> ()
    %barrier3A_362 = arith.constant 0 : index
    tpu.barrier barrier_id(%barrier3A_362)
    %mul3A_363 = arith.constant 640 : i32
    %mul3A_364 = arith.muli %arg1, %mul3A_363 : i32
    %mul3A_365 = arith.constant 640 : i32
    %mul3A_366 = arith.muli %arg1, %mul3A_365 : i32
    "tpu.region"() ({
      %run_scoped3A_367 = tpu.sem_alloc : memref<!tpu.dma_semaphore, #tpu.memory_space<semaphore_mem>>
      %dma_start3A_368 = tpu.memref_slice %arg3[%arg0, %mul3A_366] : memref<2x10240xf32, #tpu.memory_space<hbm>> -> memref<1x640xf32, #tpu.memory_space<hbm>>
      %dma_start3A_369 = tpu.memref_squeeze %dma_start3A_368 : memref<1x640xf32, #tpu.memory_space<hbm>> -> memref<640xf32, #tpu.memory_space<hbm>>
      %dma_start3A_370 = tpu.memref_slice %arg8[%mul3A_364] : memref<10240xf32, #tpu.memory_space<vmem_shared>> -> memref<640xf32, #tpu.memory_space<vmem_shared>>
      tpu.enqueue_dma source(%dma_start3A_370 : memref<640xf32, #tpu.memory_space<vmem_shared>>) target(%dma_start3A_369 : memref<640xf32, #tpu.memory_space<hbm>>) target_semaphore(%run_scoped3A_367 : memref<!tpu.dma_semaphore, #tpu.memory_space<semaphore_mem>>)
      %dma_wait3A_371 = tpu.memref_slice %arg3[%arg0, %mul3A_366] : memref<2x10240xf32, #tpu.memory_space<hbm>> -> memref<1x640xf32, #tpu.memory_space<hbm>>
      %dma_wait3A_372 = tpu.memref_squeeze %dma_wait3A_371 : memref<1x640xf32, #tpu.memory_space<hbm>> -> memref<640xf32, #tpu.memory_space<hbm>>
      %dma_wait3A_373 = tpu.memref_slice %arg8[%mul3A_364] : memref<10240xf32, #tpu.memory_space<vmem_shared>> -> memref<640xf32, #tpu.memory_space<vmem_shared>>
      tpu.wait_dma2 semaphore(%run_scoped3A_367 : memref<!tpu.dma_semaphore, #tpu.memory_space<semaphore_mem>>) src(%dma_wait3A_373 : memref<640xf32, #tpu.memory_space<vmem_shared>>) dst(%dma_wait3A_372 : memref<640xf32, #tpu.memory_space<hbm>>)
      tpu.yield
    }) : () -> ()
    return
  }
}

#map = affine_map<(d0, d1) -> (0, 0)>
#map1 = affine_map<(d0, d1) -> (0)>
#map2 = affine_map<(d0, d1) -> (0, 0, 0)>
module attributes {stable_mosaic.version = 14 : i64} {
  func.func @_scatter_kernel(%arg0: i32, %arg1: i32, %arg2: memref<10000x128xf32, #tpu.memory_space<hbm>>, %arg3: memref<320000xi32, #tpu.memory_space<hbm>>, %arg4: memref<320000xi32, #tpu.memory_space<hbm>>, %arg5: memref<2x10240x128xf32, #tpu.memory_space<hbm>>, %arg6: memref<10000xi32, #tpu.memory_space<vmem>>, %arg7: memref<3x80xi32, #tpu.memory_space<vmem>>, %arg8: memref<3x80x128xf32, #tpu.memory_space<vmem>>, %arg9: memref<10240x128xf32, #tpu.memory_space<vmem_shared>>, %arg10: memref<!tpu.dma_semaphore, #tpu.memory_space<semaphore_mem>>, %arg11: memref<!tpu.dma_semaphore, #tpu.memory_space<semaphore_mem>>, %arg12: memref<!tpu.dma_semaphore, #tpu.memory_space<semaphore_mem>>) attributes {dimension_semantics = [#tpu.dimension_semantics<core_parallel>, #tpu.dimension_semantics<subcore_parallel>], iteration_bounds = array<i64: 2, 16>, scalar_prefetch = 0 : i64, scratch_operands = 7 : i64, tpu.core_type = #tpu.core_type<sc_vector_subcore>, window_params = [{transform_indices = #map}, {transform_indices = #map1}, {transform_indices = #map1}, {transform_indices = #map2}]} {
    %mul3A = arith.constant 16 : i32
    %mul3A_0 = arith.muli %arg0, %mul3A : i32
    %add3A = arith.addi %mul3A_0, %arg1 : i32
    %mul3A_1 = arith.constant 10000 : i32
    %mul3A_2 = arith.muli %add3A, %mul3A_1 : i32
    %dma_start3A = tpu.memref_slice %arg3[%mul3A_2] : memref<320000xi32, #tpu.memory_space<hbm>> -> memref<10000xi32, #tpu.memory_space<hbm>>
    %dma_start3A_3 = tpu.memref_slice %arg3[%mul3A_2] : memref<320000xi32, #tpu.memory_space<hbm>> -> memref<10000xi32, #tpu.memory_space<hbm>>
    tpu.enqueue_dma source(%dma_start3A_3 : memref<10000xi32, #tpu.memory_space<hbm>>) target(%arg6 : memref<10000xi32, #tpu.memory_space<vmem>>) target_semaphore(%arg10 : memref<!tpu.dma_semaphore, #tpu.memory_space<semaphore_mem>>)
    %broadcast_in_dim3A = arith.constant 0.000000e+00 : f32
    %broadcast_in_dim3A_4 = vector.broadcast %broadcast_in_dim3A : f32 to vector<16xf32>
    %scan3A = arith.constant 0 : i32
    %scan3A_5 = arith.constant 0 : i32
    %scan3A_6 = arith.constant 80 : i32
    %scan3A_7 = arith.addi %scan3A_5, %scan3A_6 : i32
    %scan3A_8 = arith.constant 1 : i32
    scf.for %scan3A_281 = %scan3A_5 to %scan3A_7 step %scan3A_8  : i32 {
      %swap3A = arith.constant 0 : i32
      %swap3A_282 = arith.index_cast %swap3A : i32 to index
      %swap3A_283 = arith.index_cast %scan3A_281 : i32 to index
      %swap3A_284 = arith.constant 0 : index
      %swap3A_285 = tpu.vector_load %arg8[%swap3A_282, %swap3A_283, %swap3A_284] {strides = array<i32>} : memref<3x80x128xf32, #tpu.memory_space<vmem>>, vector<1x1x16xf32>,
      %swap3A_286 = vector.shape_cast %swap3A_285 : vector<1x1x16xf32> to vector<16xf32>
      %swap3A_287 = vector.shape_cast %broadcast_in_dim3A_4 : vector<16xf32> to vector<1x1x16xf32>
      tpu.vector_store %arg8[%swap3A_282, %swap3A_283, %swap3A_284], %swap3A_287 {strides = array<i32>} : memref<3x80x128xf32, #tpu.memory_space<vmem>>, vector<1x1x16xf32>,
      %swap3A_288 = arith.constant 1 : i32
      %swap3A_289 = arith.index_cast %swap3A_288 : i32 to index
      %swap3A_290 = arith.index_cast %scan3A_281 : i32 to index
      %swap3A_291 = arith.constant 0 : index
      %swap3A_292 = tpu.vector_load %arg8[%swap3A_289, %swap3A_290, %swap3A_291] {strides = array<i32>} : memref<3x80x128xf32, #tpu.memory_space<vmem>>, vector<1x1x16xf32>,
      %swap3A_293 = vector.shape_cast %swap3A_292 : vector<1x1x16xf32> to vector<16xf32>
      %swap3A_294 = vector.shape_cast %broadcast_in_dim3A_4 : vector<16xf32> to vector<1x1x16xf32>
      tpu.vector_store %arg8[%swap3A_289, %swap3A_290, %swap3A_291], %swap3A_294 {strides = array<i32>} : memref<3x80x128xf32, #tpu.memory_space<vmem>>, vector<1x1x16xf32>,
      %swap3A_295 = arith.constant 0 : i32
      %swap3A_296 = arith.index_cast %swap3A_295 : i32 to index
      %swap3A_297 = arith.index_cast %scan3A_281 : i32 to index
      %swap3A_298 = arith.constant 16 : index
      %swap3A_299 = tpu.vector_load %arg8[%swap3A_296, %swap3A_297, %swap3A_298] {strides = array<i32>} : memref<3x80x128xf32, #tpu.memory_space<vmem>>, vector<1x1x16xf32>,
      %swap3A_300 = vector.shape_cast %swap3A_299 : vector<1x1x16xf32> to vector<16xf32>
      %swap3A_301 = vector.shape_cast %broadcast_in_dim3A_4 : vector<16xf32> to vector<1x1x16xf32>
      tpu.vector_store %arg8[%swap3A_296, %swap3A_297, %swap3A_298], %swap3A_301 {strides = array<i32>} : memref<3x80x128xf32, #tpu.memory_space<vmem>>, vector<1x1x16xf32>,
      %swap3A_302 = arith.constant 1 : i32
      %swap3A_303 = arith.index_cast %swap3A_302 : i32 to index
      %swap3A_304 = arith.index_cast %scan3A_281 : i32 to index
      %swap3A_305 = arith.constant 16 : index
      %swap3A_306 = tpu.vector_load %arg8[%swap3A_303, %swap3A_304, %swap3A_305] {strides = array<i32>} : memref<3x80x128xf32, #tpu.memory_space<vmem>>, vector<1x1x16xf32>,
      %swap3A_307 = vector.shape_cast %swap3A_306 : vector<1x1x16xf32> to vector<16xf32>
      %swap3A_308 = vector.shape_cast %broadcast_in_dim3A_4 : vector<16xf32> to vector<1x1x16xf32>
      tpu.vector_store %arg8[%swap3A_303, %swap3A_304, %swap3A_305], %swap3A_308 {strides = array<i32>} : memref<3x80x128xf32, #tpu.memory_space<vmem>>, vector<1x1x16xf32>,
      %swap3A_309 = arith.constant 0 : i32
      %swap3A_310 = arith.index_cast %swap3A_309 : i32 to index
      %swap3A_311 = arith.index_cast %scan3A_281 : i32 to index
      %swap3A_312 = arith.constant 32 : index
      %swap3A_313 = tpu.vector_load %arg8[%swap3A_310, %swap3A_311, %swap3A_312] {strides = array<i32>} : memref<3x80x128xf32, #tpu.memory_space<vmem>>, vector<1x1x16xf32>,
      %swap3A_314 = vector.shape_cast %swap3A_313 : vector<1x1x16xf32> to vector<16xf32>
      %swap3A_315 = vector.shape_cast %broadcast_in_dim3A_4 : vector<16xf32> to vector<1x1x16xf32>
      tpu.vector_store %arg8[%swap3A_310, %swap3A_311, %swap3A_312], %swap3A_315 {strides = array<i32>} : memref<3x80x128xf32, #tpu.memory_space<vmem>>, vector<1x1x16xf32>,
      %swap3A_316 = arith.constant 1 : i32
      %swap3A_317 = arith.index_cast %swap3A_316 : i32 to index
      %swap3A_318 = arith.index_cast %scan3A_281 : i32 to index
      %swap3A_319 = arith.constant 32 : index
      %swap3A_320 = tpu.vector_load %arg8[%swap3A_317, %swap3A_318, %swap3A_319] {strides = array<i32>} : memref<3x80x128xf32, #tpu.memory_space<vmem>>, vector<1x1x16xf32>,
      %swap3A_321 = vector.shape_cast %swap3A_320 : vector<1x1x16xf32> to vector<16xf32>
      %swap3A_322 = vector.shape_cast %broadcast_in_dim3A_4 : vector<16xf32> to vector<1x1x16xf32>
      tpu.vector_store %arg8[%swap3A_317, %swap3A_318, %swap3A_319], %swap3A_322 {strides = array<i32>} : memref<3x80x128xf32, #tpu.memory_space<vmem>>, vector<1x1x16xf32>,
      %swap3A_323 = arith.constant 0 : i32
      %swap3A_324 = arith.index_cast %swap3A_323 : i32 to index
      %swap3A_325 = arith.index_cast %scan3A_281 : i32 to index
      %swap3A_326 = arith.constant 48 : index
      %swap3A_327 = tpu.vector_load %arg8[%swap3A_324, %swap3A_325, %swap3A_326] {strides = array<i32>} : memref<3x80x128xf32, #tpu.memory_space<vmem>>, vector<1x1x16xf32>,
      %swap3A_328 = vector.shape_cast %swap3A_327 : vector<1x1x16xf32> to vector<16xf32>
      %swap3A_329 = vector.shape_cast %broadcast_in_dim3A_4 : vector<16xf32> to vector<1x1x16xf32>
      tpu.vector_store %arg8[%swap3A_324, %swap3A_325, %swap3A_326], %swap3A_329 {strides = array<i32>} : memref<3x80x128xf32, #tpu.memory_space<vmem>>, vector<1x1x16xf32>,
      %swap3A_330 = arith.constant 1 : i32
      %swap3A_331 = arith.index_cast %swap3A_330 : i32 to index
      %swap3A_332 = arith.index_cast %scan3A_281 : i32 to index
      %swap3A_333 = arith.constant 48 : index
      %swap3A_334 = tpu.vector_load %arg8[%swap3A_331, %swap3A_332, %swap3A_333] {strides = array<i32>} : memref<3x80x128xf32, #tpu.memory_space<vmem>>, vector<1x1x16xf32>,
      %swap3A_335 = vector.shape_cast %swap3A_334 : vector<1x1x16xf32> to vector<16xf32>
      %swap3A_336 = vector.shape_cast %broadcast_in_dim3A_4 : vector<16xf32> to vector<1x1x16xf32>
      tpu.vector_store %arg8[%swap3A_331, %swap3A_332, %swap3A_333], %swap3A_336 {strides = array<i32>} : memref<3x80x128xf32, #tpu.memory_space<vmem>>, vector<1x1x16xf32>,
      %swap3A_337 = arith.constant 0 : i32
      %swap3A_338 = arith.index_cast %swap3A_337 : i32 to index
      %swap3A_339 = arith.index_cast %scan3A_281 : i32 to index
      %swap3A_340 = arith.constant 64 : index
      %swap3A_341 = tpu.vector_load %arg8[%swap3A_338, %swap3A_339, %swap3A_340] {strides = array<i32>} : memref<3x80x128xf32, #tpu.memory_space<vmem>>, vector<1x1x16xf32>,
      %swap3A_342 = vector.shape_cast %swap3A_341 : vector<1x1x16xf32> to vector<16xf32>
      %swap3A_343 = vector.shape_cast %broadcast_in_dim3A_4 : vector<16xf32> to vector<1x1x16xf32>
      tpu.vector_store %arg8[%swap3A_338, %swap3A_339, %swap3A_340], %swap3A_343 {strides = array<i32>} : memref<3x80x128xf32, #tpu.memory_space<vmem>>, vector<1x1x16xf32>,
      %swap3A_344 = arith.constant 1 : i32
      %swap3A_345 = arith.index_cast %swap3A_344 : i32 to index
      %swap3A_346 = arith.index_cast %scan3A_281 : i32 to index
      %swap3A_347 = arith.constant 64 : index
      %swap3A_348 = tpu.vector_load %arg8[%swap3A_345, %swap3A_346, %swap3A_347] {strides = array<i32>} : memref<3x80x128xf32, #tpu.memory_space<vmem>>, vector<1x1x16xf32>,
      %swap3A_349 = vector.shape_cast %swap3A_348 : vector<1x1x16xf32> to vector<16xf32>
      %swap3A_350 = vector.shape_cast %broadcast_in_dim3A_4 : vector<16xf32> to vector<1x1x16xf32>
      tpu.vector_store %arg8[%swap3A_345, %swap3A_346, %swap3A_347], %swap3A_350 {strides = array<i32>} : memref<3x80x128xf32, #tpu.memory_space<vmem>>, vector<1x1x16xf32>,
      %swap3A_351 = arith.constant 0 : i32
      %swap3A_352 = arith.index_cast %swap3A_351 : i32 to index
      %swap3A_353 = arith.index_cast %scan3A_281 : i32 to index
      %swap3A_354 = arith.constant 80 : index
      %swap3A_355 = tpu.vector_load %arg8[%swap3A_352, %swap3A_353, %swap3A_354] {strides = array<i32>} : memref<3x80x128xf32, #tpu.memory_space<vmem>>, vector<1x1x16xf32>,
      %swap3A_356 = vector.shape_cast %swap3A_355 : vector<1x1x16xf32> to vector<16xf32>
      %swap3A_357 = vector.shape_cast %broadcast_in_dim3A_4 : vector<16xf32> to vector<1x1x16xf32>
      tpu.vector_store %arg8[%swap3A_352, %swap3A_353, %swap3A_354], %swap3A_357 {strides = array<i32>} : memref<3x80x128xf32, #tpu.memory_space<vmem>>, vector<1x1x16xf32>,
      %swap3A_358 = arith.constant 1 : i32
      %swap3A_359 = arith.index_cast %swap3A_358 : i32 to index
      %swap3A_360 = arith.index_cast %scan3A_281 : i32 to index
      %swap3A_361 = arith.constant 80 : index
      %swap3A_362 = tpu.vector_load %arg8[%swap3A_359, %swap3A_360, %swap3A_361] {strides = array<i32>} : memref<3x80x128xf32, #tpu.memory_space<vmem>>, vector<1x1x16xf32>,
      %swap3A_363 = vector.shape_cast %swap3A_362 : vector<1x1x16xf32> to vector<16xf32>
      %swap3A_364 = vector.shape_cast %broadcast_in_dim3A_4 : vector<16xf32> to vector<1x1x16xf32>
      tpu.vector_store %arg8[%swap3A_359, %swap3A_360, %swap3A_361], %swap3A_364 {strides = array<i32>} : memref<3x80x128xf32, #tpu.memory_space<vmem>>, vector<1x1x16xf32>,
      %swap3A_365 = arith.constant 0 : i32
      %swap3A_366 = arith.index_cast %swap3A_365 : i32 to index
      %swap3A_367 = arith.index_cast %scan3A_281 : i32 to index
      %swap3A_368 = arith.constant 96 : index
      %swap3A_369 = tpu.vector_load %arg8[%swap3A_366, %swap3A_367, %swap3A_368] {strides = array<i32>} : memref<3x80x128xf32, #tpu.memory_space<vmem>>, vector<1x1x16xf32>,
      %swap3A_370 = vector.shape_cast %swap3A_369 : vector<1x1x16xf32> to vector<16xf32>
      %swap3A_371 = vector.shape_cast %broadcast_in_dim3A_4 : vector<16xf32> to vector<1x1x16xf32>
      tpu.vector_store %arg8[%swap3A_366, %swap3A_367, %swap3A_368], %swap3A_371 {strides = array<i32>} : memref<3x80x128xf32, #tpu.memory_space<vmem>>, vector<1x1x16xf32>,
      %swap3A_372 = arith.constant 1 : i32
      %swap3A_373 = arith.index_cast %swap3A_372 : i32 to index
      %swap3A_374 = arith.index_cast %scan3A_281 : i32 to index
      %swap3A_375 = arith.constant 96 : index
      %swap3A_376 = tpu.vector_load %arg8[%swap3A_373, %swap3A_374, %swap3A_375] {strides = array<i32>} : memref<3x80x128xf32, #tpu.memory_space<vmem>>, vector<1x1x16xf32>,
      %swap3A_377 = vector.shape_cast %swap3A_376 : vector<1x1x16xf32> to vector<16xf32>
      %swap3A_378 = vector.shape_cast %broadcast_in_dim3A_4 : vector<16xf32> to vector<1x1x16xf32>
      tpu.vector_store %arg8[%swap3A_373, %swap3A_374, %swap3A_375], %swap3A_378 {strides = array<i32>} : memref<3x80x128xf32, #tpu.memory_space<vmem>>, vector<1x1x16xf32>,
      %swap3A_379 = arith.constant 0 : i32
      %swap3A_380 = arith.index_cast %swap3A_379 : i32 to index
      %swap3A_381 = arith.index_cast %scan3A_281 : i32 to index
      %swap3A_382 = arith.constant 112 : index
      %swap3A_383 = tpu.vector_load %arg8[%swap3A_380, %swap3A_381, %swap3A_382] {strides = array<i32>} : memref<3x80x128xf32, #tpu.memory_space<vmem>>, vector<1x1x16xf32>,
      %swap3A_384 = vector.shape_cast %swap3A_383 : vector<1x1x16xf32> to vector<16xf32>
      %swap3A_385 = vector.shape_cast %broadcast_in_dim3A_4 : vector<16xf32> to vector<1x1x16xf32>
      tpu.vector_store %arg8[%swap3A_380, %swap3A_381, %swap3A_382], %swap3A_385 {strides = array<i32>} : memref<3x80x128xf32, #tpu.memory_space<vmem>>, vector<1x1x16xf32>,
      %swap3A_386 = arith.constant 1 : i32
      %swap3A_387 = arith.index_cast %swap3A_386 : i32 to index
      %swap3A_388 = arith.index_cast %scan3A_281 : i32 to index
      %swap3A_389 = arith.constant 112 : index
      %swap3A_390 = tpu.vector_load %arg8[%swap3A_387, %swap3A_388, %swap3A_389] {strides = array<i32>} : memref<3x80x128xf32, #tpu.memory_space<vmem>>, vector<1x1x16xf32>,
      %swap3A_391 = vector.shape_cast %swap3A_390 : vector<1x1x16xf32> to vector<16xf32>
      %swap3A_392 = vector.shape_cast %broadcast_in_dim3A_4 : vector<16xf32> to vector<1x1x16xf32>
      tpu.vector_store %arg8[%swap3A_387, %swap3A_388, %swap3A_389], %swap3A_392 {strides = array<i32>} : memref<3x80x128xf32, #tpu.memory_space<vmem>>, vector<1x1x16xf32>,
    }
    %scan3A_9 = arith.constant 80 : i32
    %mul3A_10 = arith.constant 640 : i32
    %mul3A_11 = arith.muli %arg1, %mul3A_10 : i32
    %add3A_12 = arith.constant 0 : i32
    %add3A_13 = arith.addi %mul3A_11, %add3A_12 : i32
    %run_scoped3A = arith.constant 0 : i32
    "tpu.region"() ({
      %run_scoped3A_281 = tpu.sem_alloc : memref<!tpu.dma_semaphore, #tpu.memory_space<semaphore_mem>>
      %dma_start3A_282 = arith.constant 0 : i32
      %dma_start3A_283 = arith.constant 0 : i32
      %dma_start3A_284 = tpu.memref_slice %arg8[%run_scoped3A, %dma_start3A_282, %dma_start3A_283] : memref<3x80x128xf32, #tpu.memory_space<vmem>> -> memref<1x80x128xf32, #tpu.memory_space<vmem>>
      %dma_start3A_285 = tpu.memref_squeeze %dma_start3A_284 : memref<1x80x128xf32, #tpu.memory_space<vmem>> -> memref<80x128xf32, #tpu.memory_space<vmem>>
      %dma_start3A_286 = arith.constant 0 : i32
      %dma_start3A_287 = tpu.memref_slice %arg9[%add3A_13, %dma_start3A_286] : memref<10240x128xf32, #tpu.memory_space<vmem_shared>> -> memref<80x128xf32, #tpu.memory_space<vmem_shared>>
      %dma_start3A_288 = arith.constant 0 : i32
      %dma_start3A_289 = tpu.memref_slice %arg9[%add3A_13, %dma_start3A_288] : memref<10240x128xf32, #tpu.memory_space<vmem_shared>> -> memref<80x128xf32, #tpu.memory_space<vmem_shared>>
      %dma_start3A_290 = arith.constant 0 : i32
      %dma_start3A_291 = arith.constant 0 : i32
      %dma_start3A_292 = tpu.memref_slice %arg8[%run_scoped3A, %dma_start3A_290, %dma_start3A_291] : memref<3x80x128xf32, #tpu.memory_space<vmem>> -> memref<1x80x128xf32, #tpu.memory_space<vmem>>
      %dma_start3A_293 = tpu.memref_squeeze %dma_start3A_292 : memref<1x80x128xf32, #tpu.memory_space<vmem>> -> memref<80x128xf32, #tpu.memory_space<vmem>>
      tpu.enqueue_dma source(%dma_start3A_293 : memref<80x128xf32, #tpu.memory_space<vmem>>) target(%dma_start3A_289 : memref<80x128xf32, #tpu.memory_space<vmem_shared>>) target_semaphore(%run_scoped3A_281 : memref<!tpu.dma_semaphore, #tpu.memory_space<semaphore_mem>>)
      %dma_wait3A_294 = arith.constant 0 : i32
      %dma_wait3A_295 = arith.constant 0 : i32
      %dma_wait3A_296 = tpu.memref_slice %arg8[%run_scoped3A, %dma_wait3A_294, %dma_wait3A_295] : memref<3x80x128xf32, #tpu.memory_space<vmem>> -> memref<1x80x128xf32, #tpu.memory_space<vmem>>
      %dma_wait3A_297 = tpu.memref_squeeze %dma_wait3A_296 : memref<1x80x128xf32, #tpu.memory_space<vmem>> -> memref<80x128xf32, #tpu.memory_space<vmem>>
      %dma_wait3A_298 = arith.constant 0 : i32
      %dma_wait3A_299 = tpu.memref_slice %arg9[%add3A_13, %dma_wait3A_298] : memref<10240x128xf32, #tpu.memory_space<vmem_shared>> -> memref<80x128xf32, #tpu.memory_space<vmem_shared>>
      %dma_wait3A_300 = arith.constant 0 : i32
      %dma_wait3A_301 = tpu.memref_slice %arg9[%add3A_13, %dma_wait3A_300] : memref<10240x128xf32, #tpu.memory_space<vmem_shared>> -> memref<80x128xf32, #tpu.memory_space<vmem_shared>>
      %dma_wait3A_302 = arith.constant 0 : i32
      %dma_wait3A_303 = arith.constant 0 : i32
      %dma_wait3A_304 = tpu.memref_slice %arg8[%run_scoped3A, %dma_wait3A_302, %dma_wait3A_303] : memref<3x80x128xf32, #tpu.memory_space<vmem>> -> memref<1x80x128xf32, #tpu.memory_space<vmem>>
      %dma_wait3A_305 = tpu.memref_squeeze %dma_wait3A_304 : memref<1x80x128xf32, #tpu.memory_space<vmem>> -> memref<80x128xf32, #tpu.memory_space<vmem>>
      tpu.wait_dma2 semaphore(%run_scoped3A_281 : memref<!tpu.dma_semaphore, #tpu.memory_space<semaphore_mem>>) src(%dma_wait3A_305 : memref<80x128xf32, #tpu.memory_space<vmem>>) dst(%dma_wait3A_301 : memref<80x128xf32, #tpu.memory_space<vmem_shared>>)
      tpu.yield
    }) : () -> ()
    %mul3A_14 = arith.constant 640 : i32
    %mul3A_15 = arith.muli %arg1, %mul3A_14 : i32
    %add3A_16 = arith.constant 80 : i32
    %add3A_17 = arith.addi %mul3A_15, %add3A_16 : i32
    %run_scoped3A_18 = arith.constant 1 : i32
    "tpu.region"() ({
      %run_scoped3A_281 = tpu.sem_alloc : memref<!tpu.dma_semaphore, #tpu.memory_space<semaphore_mem>>
      %dma_start3A_282 = arith.constant 0 : i32
      %dma_start3A_283 = arith.constant 0 : i32
      %dma_start3A_284 = tpu.memref_slice %arg8[%run_scoped3A_18, %dma_start3A_282, %dma_start3A_283] : memref<3x80x128xf32, #tpu.memory_space<vmem>> -> memref<1x80x128xf32, #tpu.memory_space<vmem>>
      %dma_start3A_285 = tpu.memref_squeeze %dma_start3A_284 : memref<1x80x128xf32, #tpu.memory_space<vmem>> -> memref<80x128xf32, #tpu.memory_space<vmem>>
      %dma_start3A_286 = arith.constant 0 : i32
      %dma_start3A_287 = tpu.memref_slice %arg9[%add3A_17, %dma_start3A_286] : memref<10240x128xf32, #tpu.memory_space<vmem_shared>> -> memref<80x128xf32, #tpu.memory_space<vmem_shared>>
      %dma_start3A_288 = arith.constant 0 : i32
      %dma_start3A_289 = tpu.memref_slice %arg9[%add3A_17, %dma_start3A_288] : memref<10240x128xf32, #tpu.memory_space<vmem_shared>> -> memref<80x128xf32, #tpu.memory_space<vmem_shared>>
      %dma_start3A_290 = arith.constant 0 : i32
      %dma_start3A_291 = arith.constant 0 : i32
      %dma_start3A_292 = tpu.memref_slice %arg8[%run_scoped3A_18, %dma_start3A_290, %dma_start3A_291] : memref<3x80x128xf32, #tpu.memory_space<vmem>> -> memref<1x80x128xf32, #tpu.memory_space<vmem>>
      %dma_start3A_293 = tpu.memref_squeeze %dma_start3A_292 : memref<1x80x128xf32, #tpu.memory_space<vmem>> -> memref<80x128xf32, #tpu.memory_space<vmem>>
      tpu.enqueue_dma source(%dma_start3A_293 : memref<80x128xf32, #tpu.memory_space<vmem>>) target(%dma_start3A_289 : memref<80x128xf32, #tpu.memory_space<vmem_shared>>) target_semaphore(%run_scoped3A_281 : memref<!tpu.dma_semaphore, #tpu.memory_space<semaphore_mem>>)
      %dma_wait3A_294 = arith.constant 0 : i32
      %dma_wait3A_295 = arith.constant 0 : i32
      %dma_wait3A_296 = tpu.memref_slice %arg8[%run_scoped3A_18, %dma_wait3A_294, %dma_wait3A_295] : memref<3x80x128xf32, #tpu.memory_space<vmem>> -> memref<1x80x128xf32, #tpu.memory_space<vmem>>
      %dma_wait3A_297 = tpu.memref_squeeze %dma_wait3A_296 : memref<1x80x128xf32, #tpu.memory_space<vmem>> -> memref<80x128xf32, #tpu.memory_space<vmem>>
      %dma_wait3A_298 = arith.constant 0 : i32
      %dma_wait3A_299 = tpu.memref_slice %arg9[%add3A_17, %dma_wait3A_298] : memref<10240x128xf32, #tpu.memory_space<vmem_shared>> -> memref<80x128xf32, #tpu.memory_space<vmem_shared>>
      %dma_wait3A_300 = arith.constant 0 : i32
      %dma_wait3A_301 = tpu.memref_slice %arg9[%add3A_17, %dma_wait3A_300] : memref<10240x128xf32, #tpu.memory_space<vmem_shared>> -> memref<80x128xf32, #tpu.memory_space<vmem_shared>>
      %dma_wait3A_302 = arith.constant 0 : i32
      %dma_wait3A_303 = arith.constant 0 : i32
      %dma_wait3A_304 = tpu.memref_slice %arg8[%run_scoped3A_18, %dma_wait3A_302, %dma_wait3A_303] : memref<3x80x128xf32, #tpu.memory_space<vmem>> -> memref<1x80x128xf32, #tpu.memory_space<vmem>>
      %dma_wait3A_305 = tpu.memref_squeeze %dma_wait3A_304 : memref<1x80x128xf32, #tpu.memory_space<vmem>> -> memref<80x128xf32, #tpu.memory_space<vmem>>
      tpu.wait_dma2 semaphore(%run_scoped3A_281 : memref<!tpu.dma_semaphore, #tpu.memory_space<semaphore_mem>>) src(%dma_wait3A_305 : memref<80x128xf32, #tpu.memory_space<vmem>>) dst(%dma_wait3A_301 : memref<80x128xf32, #tpu.memory_space<vmem_shared>>)
      tpu.yield
    }) : () -> ()
    %mul3A_19 = arith.constant 640 : i32
    %mul3A_20 = arith.muli %arg1, %mul3A_19 : i32
    %add3A_21 = arith.constant 160 : i32
    %add3A_22 = arith.addi %mul3A_20, %add3A_21 : i32
    %run_scoped3A_23 = arith.constant 0 : i32
    "tpu.region"() ({
      %run_scoped3A_281 = tpu.sem_alloc : memref<!tpu.dma_semaphore, #tpu.memory_space<semaphore_mem>>
      %dma_start3A_282 = arith.constant 0 : i32
      %dma_start3A_283 = arith.constant 0 : i32
      %dma_start3A_284 = tpu.memref_slice %arg8[%run_scoped3A_23, %dma_start3A_282, %dma_start3A_283] : memref<3x80x128xf32, #tpu.memory_space<vmem>> -> memref<1x80x128xf32, #tpu.memory_space<vmem>>
      %dma_start3A_285 = tpu.memref_squeeze %dma_start3A_284 : memref<1x80x128xf32, #tpu.memory_space<vmem>> -> memref<80x128xf32, #tpu.memory_space<vmem>>
      %dma_start3A_286 = arith.constant 0 : i32
      %dma_start3A_287 = tpu.memref_slice %arg9[%add3A_22, %dma_start3A_286] : memref<10240x128xf32, #tpu.memory_space<vmem_shared>> -> memref<80x128xf32, #tpu.memory_space<vmem_shared>>
      %dma_start3A_288 = arith.constant 0 : i32
      %dma_start3A_289 = tpu.memref_slice %arg9[%add3A_22, %dma_start3A_288] : memref<10240x128xf32, #tpu.memory_space<vmem_shared>> -> memref<80x128xf32, #tpu.memory_space<vmem_shared>>
      %dma_start3A_290 = arith.constant 0 : i32
      %dma_start3A_291 = arith.constant 0 : i32
      %dma_start3A_292 = tpu.memref_slice %arg8[%run_scoped3A_23, %dma_start3A_290, %dma_start3A_291] : memref<3x80x128xf32, #tpu.memory_space<vmem>> -> memref<1x80x128xf32, #tpu.memory_space<vmem>>
      %dma_start3A_293 = tpu.memref_squeeze %dma_start3A_292 : memref<1x80x128xf32, #tpu.memory_space<vmem>> -> memref<80x128xf32, #tpu.memory_space<vmem>>
      tpu.enqueue_dma source(%dma_start3A_293 : memref<80x128xf32, #tpu.memory_space<vmem>>) target(%dma_start3A_289 : memref<80x128xf32, #tpu.memory_space<vmem_shared>>) target_semaphore(%run_scoped3A_281 : memref<!tpu.dma_semaphore, #tpu.memory_space<semaphore_mem>>)
      %dma_wait3A_294 = arith.constant 0 : i32
      %dma_wait3A_295 = arith.constant 0 : i32
      %dma_wait3A_296 = tpu.memref_slice %arg8[%run_scoped3A_23, %dma_wait3A_294, %dma_wait3A_295] : memref<3x80x128xf32, #tpu.memory_space<vmem>> -> memref<1x80x128xf32, #tpu.memory_space<vmem>>
      %dma_wait3A_297 = tpu.memref_squeeze %dma_wait3A_296 : memref<1x80x128xf32, #tpu.memory_space<vmem>> -> memref<80x128xf32, #tpu.memory_space<vmem>>
      %dma_wait3A_298 = arith.constant 0 : i32
      %dma_wait3A_299 = tpu.memref_slice %arg9[%add3A_22, %dma_wait3A_298] : memref<10240x128xf32, #tpu.memory_space<vmem_shared>> -> memref<80x128xf32, #tpu.memory_space<vmem_shared>>
      %dma_wait3A_300 = arith.constant 0 : i32
      %dma_wait3A_301 = tpu.memref_slice %arg9[%add3A_22, %dma_wait3A_300] : memref<10240x128xf32, #tpu.memory_space<vmem_shared>> -> memref<80x128xf32, #tpu.memory_space<vmem_shared>>
      %dma_wait3A_302 = arith.constant 0 : i32
      %dma_wait3A_303 = arith.constant 0 : i32
      %dma_wait3A_304 = tpu.memref_slice %arg8[%run_scoped3A_23, %dma_wait3A_302, %dma_wait3A_303] : memref<3x80x128xf32, #tpu.memory_space<vmem>> -> memref<1x80x128xf32, #tpu.memory_space<vmem>>
      %dma_wait3A_305 = tpu.memref_squeeze %dma_wait3A_304 : memref<1x80x128xf32, #tpu.memory_space<vmem>> -> memref<80x128xf32, #tpu.memory_space<vmem>>
      tpu.wait_dma2 semaphore(%run_scoped3A_281 : memref<!tpu.dma_semaphore, #tpu.memory_space<semaphore_mem>>) src(%dma_wait3A_305 : memref<80x128xf32, #tpu.memory_space<vmem>>) dst(%dma_wait3A_301 : memref<80x128xf32, #tpu.memory_space<vmem_shared>>)
      tpu.yield
    }) : () -> ()
    %mul3A_24 = arith.constant 640 : i32
    %mul3A_25 = arith.muli %arg1, %mul3A_24 : i32
    %add3A_26 = arith.constant 240 : i32
    %add3A_27 = arith.addi %mul3A_25, %add3A_26 : i32
    %run_scoped3A_28 = arith.constant 1 : i32
    "tpu.region"() ({
      %run_scoped3A_281 = tpu.sem_alloc : memref<!tpu.dma_semaphore, #tpu.memory_space<semaphore_mem>>
      %dma_start3A_282 = arith.constant 0 : i32
      %dma_start3A_283 = arith.constant 0 : i32
      %dma_start3A_284 = tpu.memref_slice %arg8[%run_scoped3A_28, %dma_start3A_282, %dma_start3A_283] : memref<3x80x128xf32, #tpu.memory_space<vmem>> -> memref<1x80x128xf32, #tpu.memory_space<vmem>>
      %dma_start3A_285 = tpu.memref_squeeze %dma_start3A_284 : memref<1x80x128xf32, #tpu.memory_space<vmem>> -> memref<80x128xf32, #tpu.memory_space<vmem>>
      %dma_start3A_286 = arith.constant 0 : i32
      %dma_start3A_287 = tpu.memref_slice %arg9[%add3A_27, %dma_start3A_286] : memref<10240x128xf32, #tpu.memory_space<vmem_shared>> -> memref<80x128xf32, #tpu.memory_space<vmem_shared>>
      %dma_start3A_288 = arith.constant 0 : i32
      %dma_start3A_289 = tpu.memref_slice %arg9[%add3A_27, %dma_start3A_288] : memref<10240x128xf32, #tpu.memory_space<vmem_shared>> -> memref<80x128xf32, #tpu.memory_space<vmem_shared>>
      %dma_start3A_290 = arith.constant 0 : i32
      %dma_start3A_291 = arith.constant 0 : i32
      %dma_start3A_292 = tpu.memref_slice %arg8[%run_scoped3A_28, %dma_start3A_290, %dma_start3A_291] : memref<3x80x128xf32, #tpu.memory_space<vmem>> -> memref<1x80x128xf32, #tpu.memory_space<vmem>>
      %dma_start3A_293 = tpu.memref_squeeze %dma_start3A_292 : memref<1x80x128xf32, #tpu.memory_space<vmem>> -> memref<80x128xf32, #tpu.memory_space<vmem>>
      tpu.enqueue_dma source(%dma_start3A_293 : memref<80x128xf32, #tpu.memory_space<vmem>>) target(%dma_start3A_289 : memref<80x128xf32, #tpu.memory_space<vmem_shared>>) target_semaphore(%run_scoped3A_281 : memref<!tpu.dma_semaphore, #tpu.memory_space<semaphore_mem>>)
      %dma_wait3A_294 = arith.constant 0 : i32
      %dma_wait3A_295 = arith.constant 0 : i32
      %dma_wait3A_296 = tpu.memref_slice %arg8[%run_scoped3A_28, %dma_wait3A_294, %dma_wait3A_295] : memref<3x80x128xf32, #tpu.memory_space<vmem>> -> memref<1x80x128xf32, #tpu.memory_space<vmem>>
      %dma_wait3A_297 = tpu.memref_squeeze %dma_wait3A_296 : memref<1x80x128xf32, #tpu.memory_space<vmem>> -> memref<80x128xf32, #tpu.memory_space<vmem>>
      %dma_wait3A_298 = arith.constant 0 : i32
      %dma_wait3A_299 = tpu.memref_slice %arg9[%add3A_27, %dma_wait3A_298] : memref<10240x128xf32, #tpu.memory_space<vmem_shared>> -> memref<80x128xf32, #tpu.memory_space<vmem_shared>>
      %dma_wait3A_300 = arith.constant 0 : i32
      %dma_wait3A_301 = tpu.memref_slice %arg9[%add3A_27, %dma_wait3A_300] : memref<10240x128xf32, #tpu.memory_space<vmem_shared>> -> memref<80x128xf32, #tpu.memory_space<vmem_shared>>
      %dma_wait3A_302 = arith.constant 0 : i32
      %dma_wait3A_303 = arith.constant 0 : i32
      %dma_wait3A_304 = tpu.memref_slice %arg8[%run_scoped3A_28, %dma_wait3A_302, %dma_wait3A_303] : memref<3x80x128xf32, #tpu.memory_space<vmem>> -> memref<1x80x128xf32, #tpu.memory_space<vmem>>
      %dma_wait3A_305 = tpu.memref_squeeze %dma_wait3A_304 : memref<1x80x128xf32, #tpu.memory_space<vmem>> -> memref<80x128xf32, #tpu.memory_space<vmem>>
      tpu.wait_dma2 semaphore(%run_scoped3A_281 : memref<!tpu.dma_semaphore, #tpu.memory_space<semaphore_mem>>) src(%dma_wait3A_305 : memref<80x128xf32, #tpu.memory_space<vmem>>) dst(%dma_wait3A_301 : memref<80x128xf32, #tpu.memory_space<vmem_shared>>)
      tpu.yield
    }) : () -> ()
    %mul3A_29 = arith.constant 640 : i32
    %mul3A_30 = arith.muli %arg1, %mul3A_29 : i32
    %add3A_31 = arith.constant 320 : i32
    %add3A_32 = arith.addi %mul3A_30, %add3A_31 : i32
    %run_scoped3A_33 = arith.constant 0 : i32
    "tpu.region"() ({
      %run_scoped3A_281 = tpu.sem_alloc : memref<!tpu.dma_semaphore, #tpu.memory_space<semaphore_mem>>
      %dma_start3A_282 = arith.constant 0 : i32
      %dma_start3A_283 = arith.constant 0 : i32
      %dma_start3A_284 = tpu.memref_slice %arg8[%run_scoped3A_33, %dma_start3A_282, %dma_start3A_283] : memref<3x80x128xf32, #tpu.memory_space<vmem>> -> memref<1x80x128xf32, #tpu.memory_space<vmem>>
      %dma_start3A_285 = tpu.memref_squeeze %dma_start3A_284 : memref<1x80x128xf32, #tpu.memory_space<vmem>> -> memref<80x128xf32, #tpu.memory_space<vmem>>
      %dma_start3A_286 = arith.constant 0 : i32
      %dma_start3A_287 = tpu.memref_slice %arg9[%add3A_32, %dma_start3A_286] : memref<10240x128xf32, #tpu.memory_space<vmem_shared>> -> memref<80x128xf32, #tpu.memory_space<vmem_shared>>
      %dma_start3A_288 = arith.constant 0 : i32
      %dma_start3A_289 = tpu.memref_slice %arg9[%add3A_32, %dma_start3A_288] : memref<10240x128xf32, #tpu.memory_space<vmem_shared>> -> memref<80x128xf32, #tpu.memory_space<vmem_shared>>
      %dma_start3A_290 = arith.constant 0 : i32
      %dma_start3A_291 = arith.constant 0 : i32
      %dma_start3A_292 = tpu.memref_slice %arg8[%run_scoped3A_33, %dma_start3A_290, %dma_start3A_291] : memref<3x80x128xf32, #tpu.memory_space<vmem>> -> memref<1x80x128xf32, #tpu.memory_space<vmem>>
      %dma_start3A_293 = tpu.memref_squeeze %dma_start3A_292 : memref<1x80x128xf32, #tpu.memory_space<vmem>> -> memref<80x128xf32, #tpu.memory_space<vmem>>
      tpu.enqueue_dma source(%dma_start3A_293 : memref<80x128xf32, #tpu.memory_space<vmem>>) target(%dma_start3A_289 : memref<80x128xf32, #tpu.memory_space<vmem_shared>>) target_semaphore(%run_scoped3A_281 : memref<!tpu.dma_semaphore, #tpu.memory_space<semaphore_mem>>)
      %dma_wait3A_294 = arith.constant 0 : i32
      %dma_wait3A_295 = arith.constant 0 : i32
      %dma_wait3A_296 = tpu.memref_slice %arg8[%run_scoped3A_33, %dma_wait3A_294, %dma_wait3A_295] : memref<3x80x128xf32, #tpu.memory_space<vmem>> -> memref<1x80x128xf32, #tpu.memory_space<vmem>>
      %dma_wait3A_297 = tpu.memref_squeeze %dma_wait3A_296 : memref<1x80x128xf32, #tpu.memory_space<vmem>> -> memref<80x128xf32, #tpu.memory_space<vmem>>
      %dma_wait3A_298 = arith.constant 0 : i32
      %dma_wait3A_299 = tpu.memref_slice %arg9[%add3A_32, %dma_wait3A_298] : memref<10240x128xf32, #tpu.memory_space<vmem_shared>> -> memref<80x128xf32, #tpu.memory_space<vmem_shared>>
      %dma_wait3A_300 = arith.constant 0 : i32
      %dma_wait3A_301 = tpu.memref_slice %arg9[%add3A_32, %dma_wait3A_300] : memref<10240x128xf32, #tpu.memory_space<vmem_shared>> -> memref<80x128xf32, #tpu.memory_space<vmem_shared>>
      %dma_wait3A_302 = arith.constant 0 : i32
      %dma_wait3A_303 = arith.constant 0 : i32
      %dma_wait3A_304 = tpu.memref_slice %arg8[%run_scoped3A_33, %dma_wait3A_302, %dma_wait3A_303] : memref<3x80x128xf32, #tpu.memory_space<vmem>> -> memref<1x80x128xf32, #tpu.memory_space<vmem>>
      %dma_wait3A_305 = tpu.memref_squeeze %dma_wait3A_304 : memref<1x80x128xf32, #tpu.memory_space<vmem>> -> memref<80x128xf32, #tpu.memory_space<vmem>>
      tpu.wait_dma2 semaphore(%run_scoped3A_281 : memref<!tpu.dma_semaphore, #tpu.memory_space<semaphore_mem>>) src(%dma_wait3A_305 : memref<80x128xf32, #tpu.memory_space<vmem>>) dst(%dma_wait3A_301 : memref<80x128xf32, #tpu.memory_space<vmem_shared>>)
      tpu.yield
    }) : () -> ()
    %mul3A_34 = arith.constant 640 : i32
    %mul3A_35 = arith.muli %arg1, %mul3A_34 : i32
    %add3A_36 = arith.constant 400 : i32
    %add3A_37 = arith.addi %mul3A_35, %add3A_36 : i32
    %run_scoped3A_38 = arith.constant 1 : i32
    "tpu.region"() ({
      %run_scoped3A_281 = tpu.sem_alloc : memref<!tpu.dma_semaphore, #tpu.memory_space<semaphore_mem>>
      %dma_start3A_282 = arith.constant 0 : i32
      %dma_start3A_283 = arith.constant 0 : i32
      %dma_start3A_284 = tpu.memref_slice %arg8[%run_scoped3A_38, %dma_start3A_282, %dma_start3A_283] : memref<3x80x128xf32, #tpu.memory_space<vmem>> -> memref<1x80x128xf32, #tpu.memory_space<vmem>>
      %dma_start3A_285 = tpu.memref_squeeze %dma_start3A_284 : memref<1x80x128xf32, #tpu.memory_space<vmem>> -> memref<80x128xf32, #tpu.memory_space<vmem>>
      %dma_start3A_286 = arith.constant 0 : i32
      %dma_start3A_287 = tpu.memref_slice %arg9[%add3A_37, %dma_start3A_286] : memref<10240x128xf32, #tpu.memory_space<vmem_shared>> -> memref<80x128xf32, #tpu.memory_space<vmem_shared>>
      %dma_start3A_288 = arith.constant 0 : i32
      %dma_start3A_289 = tpu.memref_slice %arg9[%add3A_37, %dma_start3A_288] : memref<10240x128xf32, #tpu.memory_space<vmem_shared>> -> memref<80x128xf32, #tpu.memory_space<vmem_shared>>
      %dma_start3A_290 = arith.constant 0 : i32
      %dma_start3A_291 = arith.constant 0 : i32
      %dma_start3A_292 = tpu.memref_slice %arg8[%run_scoped3A_38, %dma_start3A_290, %dma_start3A_291] : memref<3x80x128xf32, #tpu.memory_space<vmem>> -> memref<1x80x128xf32, #tpu.memory_space<vmem>>
      %dma_start3A_293 = tpu.memref_squeeze %dma_start3A_292 : memref<1x80x128xf32, #tpu.memory_space<vmem>> -> memref<80x128xf32, #tpu.memory_space<vmem>>
      tpu.enqueue_dma source(%dma_start3A_293 : memref<80x128xf32, #tpu.memory_space<vmem>>) target(%dma_start3A_289 : memref<80x128xf32, #tpu.memory_space<vmem_shared>>) target_semaphore(%run_scoped3A_281 : memref<!tpu.dma_semaphore, #tpu.memory_space<semaphore_mem>>)
      %dma_wait3A_294 = arith.constant 0 : i32
      %dma_wait3A_295 = arith.constant 0 : i32
      %dma_wait3A_296 = tpu.memref_slice %arg8[%run_scoped3A_38, %dma_wait3A_294, %dma_wait3A_295] : memref<3x80x128xf32, #tpu.memory_space<vmem>> -> memref<1x80x128xf32, #tpu.memory_space<vmem>>
      %dma_wait3A_297 = tpu.memref_squeeze %dma_wait3A_296 : memref<1x80x128xf32, #tpu.memory_space<vmem>> -> memref<80x128xf32, #tpu.memory_space<vmem>>
      %dma_wait3A_298 = arith.constant 0 : i32
      %dma_wait3A_299 = tpu.memref_slice %arg9[%add3A_37, %dma_wait3A_298] : memref<10240x128xf32, #tpu.memory_space<vmem_shared>> -> memref<80x128xf32, #tpu.memory_space<vmem_shared>>
      %dma_wait3A_300 = arith.constant 0 : i32
      %dma_wait3A_301 = tpu.memref_slice %arg9[%add3A_37, %dma_wait3A_300] : memref<10240x128xf32, #tpu.memory_space<vmem_shared>> -> memref<80x128xf32, #tpu.memory_space<vmem_shared>>
      %dma_wait3A_302 = arith.constant 0 : i32
      %dma_wait3A_303 = arith.constant 0 : i32
      %dma_wait3A_304 = tpu.memref_slice %arg8[%run_scoped3A_38, %dma_wait3A_302, %dma_wait3A_303] : memref<3x80x128xf32, #tpu.memory_space<vmem>> -> memref<1x80x128xf32, #tpu.memory_space<vmem>>
      %dma_wait3A_305 = tpu.memref_squeeze %dma_wait3A_304 : memref<1x80x128xf32, #tpu.memory_space<vmem>> -> memref<80x128xf32, #tpu.memory_space<vmem>>
      tpu.wait_dma2 semaphore(%run_scoped3A_281 : memref<!tpu.dma_semaphore, #tpu.memory_space<semaphore_mem>>) src(%dma_wait3A_305 : memref<80x128xf32, #tpu.memory_space<vmem>>) dst(%dma_wait3A_301 : memref<80x128xf32, #tpu.memory_space<vmem_shared>>)
      tpu.yield
    }) : () -> ()
    %mul3A_39 = arith.constant 640 : i32
    %mul3A_40 = arith.muli %arg1, %mul3A_39 : i32
    %add3A_41 = arith.constant 480 : i32
    %add3A_42 = arith.addi %mul3A_40, %add3A_41 : i32
    %run_scoped3A_43 = arith.constant 0 : i32
    "tpu.region"() ({
      %run_scoped3A_281 = tpu.sem_alloc : memref<!tpu.dma_semaphore, #tpu.memory_space<semaphore_mem>>
      %dma_start3A_282 = arith.constant 0 : i32
      %dma_start3A_283 = arith.constant 0 : i32
      %dma_start3A_284 = tpu.memref_slice %arg8[%run_scoped3A_43, %dma_start3A_282, %dma_start3A_283] : memref<3x80x128xf32, #tpu.memory_space<vmem>> -> memref<1x80x128xf32, #tpu.memory_space<vmem>>
      %dma_start3A_285 = tpu.memref_squeeze %dma_start3A_284 : memref<1x80x128xf32, #tpu.memory_space<vmem>> -> memref<80x128xf32, #tpu.memory_space<vmem>>
      %dma_start3A_286 = arith.constant 0 : i32
      %dma_start3A_287 = tpu.memref_slice %arg9[%add3A_42, %dma_start3A_286] : memref<10240x128xf32, #tpu.memory_space<vmem_shared>> -> memref<80x128xf32, #tpu.memory_space<vmem_shared>>
      %dma_start3A_288 = arith.constant 0 : i32
      %dma_start3A_289 = tpu.memref_slice %arg9[%add3A_42, %dma_start3A_288] : memref<10240x128xf32, #tpu.memory_space<vmem_shared>> -> memref<80x128xf32, #tpu.memory_space<vmem_shared>>
      %dma_start3A_290 = arith.constant 0 : i32
      %dma_start3A_291 = arith.constant 0 : i32
      %dma_start3A_292 = tpu.memref_slice %arg8[%run_scoped3A_43, %dma_start3A_290, %dma_start3A_291] : memref<3x80x128xf32, #tpu.memory_space<vmem>> -> memref<1x80x128xf32, #tpu.memory_space<vmem>>
      %dma_start3A_293 = tpu.memref_squeeze %dma_start3A_292 : memref<1x80x128xf32, #tpu.memory_space<vmem>> -> memref<80x128xf32, #tpu.memory_space<vmem>>
      tpu.enqueue_dma source(%dma_start3A_293 : memref<80x128xf32, #tpu.memory_space<vmem>>) target(%dma_start3A_289 : memref<80x128xf32, #tpu.memory_space<vmem_shared>>) target_semaphore(%run_scoped3A_281 : memref<!tpu.dma_semaphore, #tpu.memory_space<semaphore_mem>>)
      %dma_wait3A_294 = arith.constant 0 : i32
      %dma_wait3A_295 = arith.constant 0 : i32
      %dma_wait3A_296 = tpu.memref_slice %arg8[%run_scoped3A_43, %dma_wait3A_294, %dma_wait3A_295] : memref<3x80x128xf32, #tpu.memory_space<vmem>> -> memref<1x80x128xf32, #tpu.memory_space<vmem>>
      %dma_wait3A_297 = tpu.memref_squeeze %dma_wait3A_296 : memref<1x80x128xf32, #tpu.memory_space<vmem>> -> memref<80x128xf32, #tpu.memory_space<vmem>>
      %dma_wait3A_298 = arith.constant 0 : i32
      %dma_wait3A_299 = tpu.memref_slice %arg9[%add3A_42, %dma_wait3A_298] : memref<10240x128xf32, #tpu.memory_space<vmem_shared>> -> memref<80x128xf32, #tpu.memory_space<vmem_shared>>
      %dma_wait3A_300 = arith.constant 0 : i32
      %dma_wait3A_301 = tpu.memref_slice %arg9[%add3A_42, %dma_wait3A_300] : memref<10240x128xf32, #tpu.memory_space<vmem_shared>> -> memref<80x128xf32, #tpu.memory_space<vmem_shared>>
      %dma_wait3A_302 = arith.constant 0 : i32
      %dma_wait3A_303 = arith.constant 0 : i32
      %dma_wait3A_304 = tpu.memref_slice %arg8[%run_scoped3A_43, %dma_wait3A_302, %dma_wait3A_303] : memref<3x80x128xf32, #tpu.memory_space<vmem>> -> memref<1x80x128xf32, #tpu.memory_space<vmem>>
      %dma_wait3A_305 = tpu.memref_squeeze %dma_wait3A_304 : memref<1x80x128xf32, #tpu.memory_space<vmem>> -> memref<80x128xf32, #tpu.memory_space<vmem>>
      tpu.wait_dma2 semaphore(%run_scoped3A_281 : memref<!tpu.dma_semaphore, #tpu.memory_space<semaphore_mem>>) src(%dma_wait3A_305 : memref<80x128xf32, #tpu.memory_space<vmem>>) dst(%dma_wait3A_301 : memref<80x128xf32, #tpu.memory_space<vmem_shared>>)
      tpu.yield
    }) : () -> ()
    %mul3A_44 = arith.constant 640 : i32
    %mul3A_45 = arith.muli %arg1, %mul3A_44 : i32
    %add3A_46 = arith.constant 560 : i32
    %add3A_47 = arith.addi %mul3A_45, %add3A_46 : i32
    %run_scoped3A_48 = arith.constant 1 : i32
    "tpu.region"() ({
      %run_scoped3A_281 = tpu.sem_alloc : memref<!tpu.dma_semaphore, #tpu.memory_space<semaphore_mem>>
      %dma_start3A_282 = arith.constant 0 : i32
      %dma_start3A_283 = arith.constant 0 : i32
      %dma_start3A_284 = tpu.memref_slice %arg8[%run_scoped3A_48, %dma_start3A_282, %dma_start3A_283] : memref<3x80x128xf32, #tpu.memory_space<vmem>> -> memref<1x80x128xf32, #tpu.memory_space<vmem>>
      %dma_start3A_285 = tpu.memref_squeeze %dma_start3A_284 : memref<1x80x128xf32, #tpu.memory_space<vmem>> -> memref<80x128xf32, #tpu.memory_space<vmem>>
      %dma_start3A_286 = arith.constant 0 : i32
      %dma_start3A_287 = tpu.memref_slice %arg9[%add3A_47, %dma_start3A_286] : memref<10240x128xf32, #tpu.memory_space<vmem_shared>> -> memref<80x128xf32, #tpu.memory_space<vmem_shared>>
      %dma_start3A_288 = arith.constant 0 : i32
      %dma_start3A_289 = tpu.memref_slice %arg9[%add3A_47, %dma_start3A_288] : memref<10240x128xf32, #tpu.memory_space<vmem_shared>> -> memref<80x128xf32, #tpu.memory_space<vmem_shared>>
      %dma_start3A_290 = arith.constant 0 : i32
      %dma_start3A_291 = arith.constant 0 : i32
      %dma_start3A_292 = tpu.memref_slice %arg8[%run_scoped3A_48, %dma_start3A_290, %dma_start3A_291] : memref<3x80x128xf32, #tpu.memory_space<vmem>> -> memref<1x80x128xf32, #tpu.memory_space<vmem>>
      %dma_start3A_293 = tpu.memref_squeeze %dma_start3A_292 : memref<1x80x128xf32, #tpu.memory_space<vmem>> -> memref<80x128xf32, #tpu.memory_space<vmem>>
      tpu.enqueue_dma source(%dma_start3A_293 : memref<80x128xf32, #tpu.memory_space<vmem>>) target(%dma_start3A_289 : memref<80x128xf32, #tpu.memory_space<vmem_shared>>) target_semaphore(%run_scoped3A_281 : memref<!tpu.dma_semaphore, #tpu.memory_space<semaphore_mem>>)
      %dma_wait3A_294 = arith.constant 0 : i32
      %dma_wait3A_295 = arith.constant 0 : i32
      %dma_wait3A_296 = tpu.memref_slice %arg8[%run_scoped3A_48, %dma_wait3A_294, %dma_wait3A_295] : memref<3x80x128xf32, #tpu.memory_space<vmem>> -> memref<1x80x128xf32, #tpu.memory_space<vmem>>
      %dma_wait3A_297 = tpu.memref_squeeze %dma_wait3A_296 : memref<1x80x128xf32, #tpu.memory_space<vmem>> -> memref<80x128xf32, #tpu.memory_space<vmem>>
      %dma_wait3A_298 = arith.constant 0 : i32
      %dma_wait3A_299 = tpu.memref_slice %arg9[%add3A_47, %dma_wait3A_298] : memref<10240x128xf32, #tpu.memory_space<vmem_shared>> -> memref<80x128xf32, #tpu.memory_space<vmem_shared>>
      %dma_wait3A_300 = arith.constant 0 : i32
      %dma_wait3A_301 = tpu.memref_slice %arg9[%add3A_47, %dma_wait3A_300] : memref<10240x128xf32, #tpu.memory_space<vmem_shared>> -> memref<80x128xf32, #tpu.memory_space<vmem_shared>>
      %dma_wait3A_302 = arith.constant 0 : i32
      %dma_wait3A_303 = arith.constant 0 : i32
      %dma_wait3A_304 = tpu.memref_slice %arg8[%run_scoped3A_48, %dma_wait3A_302, %dma_wait3A_303] : memref<3x80x128xf32, #tpu.memory_space<vmem>> -> memref<1x80x128xf32, #tpu.memory_space<vmem>>
      %dma_wait3A_305 = tpu.memref_squeeze %dma_wait3A_304 : memref<1x80x128xf32, #tpu.memory_space<vmem>> -> memref<80x128xf32, #tpu.memory_space<vmem>>
      tpu.wait_dma2 semaphore(%run_scoped3A_281 : memref<!tpu.dma_semaphore, #tpu.memory_space<semaphore_mem>>) src(%dma_wait3A_305 : memref<80x128xf32, #tpu.memory_space<vmem>>) dst(%dma_wait3A_301 : memref<80x128xf32, #tpu.memory_space<vmem_shared>>)
      tpu.yield
    }) : () -> ()
    %dma_wait3A = tpu.memref_slice %arg3[%mul3A_2] : memref<320000xi32, #tpu.memory_space<hbm>> -> memref<10000xi32, #tpu.memory_space<hbm>>
    %dma_wait3A_49 = tpu.memref_slice %arg3[%mul3A_2] : memref<320000xi32, #tpu.memory_space<hbm>> -> memref<10000xi32, #tpu.memory_space<hbm>>
    tpu.wait_dma2 semaphore(%arg10 : memref<!tpu.dma_semaphore, #tpu.memory_space<semaphore_mem>>) src(%dma_wait3A_49 : memref<10000xi32, #tpu.memory_space<hbm>>) dst(%arg6 : memref<10000xi32, #tpu.memory_space<vmem>>)
    %barrier3A = arith.constant 0 : index
    tpu.barrier barrier_id(%barrier3A)
    %add3A_50 = arith.constant 0 : i32
    %add3A_51 = arith.addi %mul3A_2, %add3A_50 : i32
    %dma_start3A_52 = arith.constant 0 : i32
    %dma_start3A_53 = arith.constant 0 : i32
    %dma_start3A_54 = tpu.memref_slice %arg7[%dma_start3A_52, %dma_start3A_53] : memref<3x80xi32, #tpu.memory_space<vmem>> -> memref<1x80xi32, #tpu.memory_space<vmem>>
    %dma_start3A_55 = tpu.memref_squeeze %dma_start3A_54 : memref<1x80xi32, #tpu.memory_space<vmem>> -> memref<80xi32, #tpu.memory_space<vmem>>
    %dma_start3A_56 = tpu.memref_slice %arg4[%add3A_51] : memref<320000xi32, #tpu.memory_space<hbm>> -> memref<80xi32, #tpu.memory_space<hbm>>
    %dma_start3A_57 = arith.constant 0 : i32
    %dma_start3A_58 = tpu.memref_slice %arg7[%dma_start3A_52, %dma_start3A_57] : memref<3x80xi32, #tpu.memory_space<vmem>> -> memref<1x80xi32, #tpu.memory_space<vmem>>
    %dma_start3A_59 = tpu.memref_squeeze %dma_start3A_58 : memref<1x80xi32, #tpu.memory_space<vmem>> -> memref<80xi32, #tpu.memory_space<vmem>>
    %dma_start3A_60 = tpu.memref_slice %arg4[%add3A_51] : memref<320000xi32, #tpu.memory_space<hbm>> -> memref<80xi32, #tpu.memory_space<hbm>>
    tpu.enqueue_dma source(%dma_start3A_60 : memref<80xi32, #tpu.memory_space<hbm>>) target(%dma_start3A_59 : memref<80xi32, #tpu.memory_space<vmem>>) target_semaphore(%arg11 : memref<!tpu.dma_semaphore, #tpu.memory_space<semaphore_mem>>)
    %dma_start3A_61 = arith.constant 0 : i32
    %dma_start3A_62 = arith.constant 0 : i32
    %dma_start3A_63 = arith.constant 0 : i32
    %dma_start3A_64 = tpu.memref_slice %arg8[%dma_start3A_61, %dma_start3A_62, %dma_start3A_63] : memref<3x80x128xf32, #tpu.memory_space<vmem>> -> memref<1x80x128xf32, #tpu.memory_space<vmem>>
    %dma_start3A_65 = tpu.memref_squeeze %dma_start3A_64 : memref<1x80x128xf32, #tpu.memory_space<vmem>> -> memref<80x128xf32, #tpu.memory_space<vmem>>
    %dma_start3A_66 = arith.constant 0 : i32
    %dma_start3A_67 = tpu.memref_slice %arg6[%dma_start3A_66] : memref<10000xi32, #tpu.memory_space<vmem>> -> memref<80xi32, #tpu.memory_space<vmem>>
    %dma_start3A_68 = arith.constant 0 : i32
    %dma_start3A_69 = arith.constant 0 : i32
    %dma_start3A_70 = tpu.memref_slice %arg2[%dma_start3A_68, %dma_start3A_69] : memref<10000x128xf32, #tpu.memory_space<hbm>> -> memref<10000x128xf32, #tpu.memory_space<hbm>>
    tpu.enqueue_indirect_dma source(%dma_start3A_70 : memref<10000x128xf32, #tpu.memory_space<hbm>>) target(%dma_start3A_65 : memref<80x128xf32, #tpu.memory_space<vmem>>) offsets(%dma_start3A_67 : memref<80xi32, #tpu.memory_space<vmem>>) semaphore(%arg12 : memref<!tpu.dma_semaphore, #tpu.memory_space<semaphore_mem>>)
    %add3A_71 = arith.constant 80 : i32
    %add3A_72 = arith.addi %mul3A_2, %add3A_71 : i32
    %dma_start3A_73 = arith.constant 1 : i32
    %dma_start3A_74 = arith.constant 0 : i32
    %dma_start3A_75 = tpu.memref_slice %arg7[%dma_start3A_73, %dma_start3A_74] : memref<3x80xi32, #tpu.memory_space<vmem>> -> memref<1x80xi32, #tpu.memory_space<vmem>>
    %dma_start3A_76 = tpu.memref_squeeze %dma_start3A_75 : memref<1x80xi32, #tpu.memory_space<vmem>> -> memref<80xi32, #tpu.memory_space<vmem>>
    %dma_start3A_77 = tpu.memref_slice %arg4[%add3A_72] : memref<320000xi32, #tpu.memory_space<hbm>> -> memref<80xi32, #tpu.memory_space<hbm>>
    %dma_start3A_78 = arith.constant 0 : i32
    %dma_start3A_79 = tpu.memref_slice %arg7[%dma_start3A_73, %dma_start3A_78] : memref<3x80xi32, #tpu.memory_space<vmem>> -> memref<1x80xi32, #tpu.memory_space<vmem>>
    %dma_start3A_80 = tpu.memref_squeeze %dma_start3A_79 : memref<1x80xi32, #tpu.memory_space<vmem>> -> memref<80xi32, #tpu.memory_space<vmem>>
    %dma_start3A_81 = tpu.memref_slice %arg4[%add3A_72] : memref<320000xi32, #tpu.memory_space<hbm>> -> memref<80xi32, #tpu.memory_space<hbm>>
    tpu.enqueue_dma source(%dma_start3A_81 : memref<80xi32, #tpu.memory_space<hbm>>) target(%dma_start3A_80 : memref<80xi32, #tpu.memory_space<vmem>>) target_semaphore(%arg11 : memref<!tpu.dma_semaphore, #tpu.memory_space<semaphore_mem>>)
    %dma_start3A_82 = arith.constant 1 : i32
    %dma_start3A_83 = arith.constant 0 : i32
    %dma_start3A_84 = arith.constant 0 : i32
    %dma_start3A_85 = tpu.memref_slice %arg8[%dma_start3A_82, %dma_start3A_83, %dma_start3A_84] : memref<3x80x128xf32, #tpu.memory_space<vmem>> -> memref<1x80x128xf32, #tpu.memory_space<vmem>>
    %dma_start3A_86 = tpu.memref_squeeze %dma_start3A_85 : memref<1x80x128xf32, #tpu.memory_space<vmem>> -> memref<80x128xf32, #tpu.memory_space<vmem>>
    %dma_start3A_87 = arith.constant 80 : i32
    %dma_start3A_88 = tpu.memref_slice %arg6[%dma_start3A_87] : memref<10000xi32, #tpu.memory_space<vmem>> -> memref<80xi32, #tpu.memory_space<vmem>>
    %dma_start3A_89 = arith.constant 0 : i32
    %dma_start3A_90 = arith.constant 0 : i32
    %dma_start3A_91 = tpu.memref_slice %arg2[%dma_start3A_89, %dma_start3A_90] : memref<10000x128xf32, #tpu.memory_space<hbm>> -> memref<10000x128xf32, #tpu.memory_space<hbm>>
    tpu.enqueue_indirect_dma source(%dma_start3A_91 : memref<10000x128xf32, #tpu.memory_space<hbm>>) target(%dma_start3A_86 : memref<80x128xf32, #tpu.memory_space<vmem>>) offsets(%dma_start3A_88 : memref<80xi32, #tpu.memory_space<vmem>>) semaphore(%arg12 : memref<!tpu.dma_semaphore, #tpu.memory_space<semaphore_mem>>)
    %add3A_92 = arith.constant 160 : i32
    %add3A_93 = arith.addi %mul3A_2, %add3A_92 : i32
    %dma_start3A_94 = arith.constant 2 : i32
    %dma_start3A_95 = arith.constant 0 : i32
    %dma_start3A_96 = tpu.memref_slice %arg7[%dma_start3A_94, %dma_start3A_95] : memref<3x80xi32, #tpu.memory_space<vmem>> -> memref<1x80xi32, #tpu.memory_space<vmem>>
    %dma_start3A_97 = tpu.memref_squeeze %dma_start3A_96 : memref<1x80xi32, #tpu.memory_space<vmem>> -> memref<80xi32, #tpu.memory_space<vmem>>
    %dma_start3A_98 = tpu.memref_slice %arg4[%add3A_93] : memref<320000xi32, #tpu.memory_space<hbm>> -> memref<80xi32, #tpu.memory_space<hbm>>
    %dma_start3A_99 = arith.constant 0 : i32
    %dma_start3A_100 = tpu.memref_slice %arg7[%dma_start3A_94, %dma_start3A_99] : memref<3x80xi32, #tpu.memory_space<vmem>> -> memref<1x80xi32, #tpu.memory_space<vmem>>
    %dma_start3A_101 = tpu.memref_squeeze %dma_start3A_100 : memref<1x80xi32, #tpu.memory_space<vmem>> -> memref<80xi32, #tpu.memory_space<vmem>>
    %dma_start3A_102 = tpu.memref_slice %arg4[%add3A_93] : memref<320000xi32, #tpu.memory_space<hbm>> -> memref<80xi32, #tpu.memory_space<hbm>>
    tpu.enqueue_dma source(%dma_start3A_102 : memref<80xi32, #tpu.memory_space<hbm>>) target(%dma_start3A_101 : memref<80xi32, #tpu.memory_space<vmem>>) target_semaphore(%arg11 : memref<!tpu.dma_semaphore, #tpu.memory_space<semaphore_mem>>)
    %dma_start3A_103 = arith.constant 2 : i32
    %dma_start3A_104 = arith.constant 0 : i32
    %dma_start3A_105 = arith.constant 0 : i32
    %dma_start3A_106 = tpu.memref_slice %arg8[%dma_start3A_103, %dma_start3A_104, %dma_start3A_105] : memref<3x80x128xf32, #tpu.memory_space<vmem>> -> memref<1x80x128xf32, #tpu.memory_space<vmem>>
    %dma_start3A_107 = tpu.memref_squeeze %dma_start3A_106 : memref<1x80x128xf32, #tpu.memory_space<vmem>> -> memref<80x128xf32, #tpu.memory_space<vmem>>
    %dma_start3A_108 = arith.constant 160 : i32
    %dma_start3A_109 = tpu.memref_slice %arg6[%dma_start3A_108] : memref<10000xi32, #tpu.memory_space<vmem>> -> memref<80xi32, #tpu.memory_space<vmem>>
    %dma_start3A_110 = arith.constant 0 : i32
    %dma_start3A_111 = arith.constant 0 : i32
    %dma_start3A_112 = tpu.memref_slice %arg2[%dma_start3A_110, %dma_start3A_111] : memref<10000x128xf32, #tpu.memory_space<hbm>> -> memref<10000x128xf32, #tpu.memory_space<hbm>>
    tpu.enqueue_indirect_dma source(%dma_start3A_112 : memref<10000x128xf32, #tpu.memory_space<hbm>>) target(%dma_start3A_107 : memref<80x128xf32, #tpu.memory_space<vmem>>) offsets(%dma_start3A_109 : memref<80xi32, #tpu.memory_space<vmem>>) semaphore(%arg12 : memref<!tpu.dma_semaphore, #tpu.memory_space<semaphore_mem>>)
    %scan3A_113 = arith.constant 0 : i32
    %scan3A_114 = arith.constant 0 : i32
    %scan3A_115 = arith.constant 40 : i32
    %scan3A_116 = arith.addi %scan3A_114, %scan3A_115 : i32
    %scan3A_117 = arith.constant 1 : i32
    scf.for %scan3A_281 = %scan3A_114 to %scan3A_116 step %scan3A_117  : i32 {
      %mul3A_282 = arith.constant 3 : i32
      %mul3A_283 = arith.muli %mul3A_282, %scan3A_281 : i32
      %mul3A_284 = arith.constant 80 : i32
      %mul3A_285 = arith.muli %mul3A_283, %mul3A_284 : i32
      %dma_wait3A_286 = arith.constant 0 : i32
      %dma_wait3A_287 = arith.constant 0 : i32
      %dma_wait3A_288 = arith.constant 0 : i32
      %dma_wait3A_289 = tpu.memref_slice %arg8[%dma_wait3A_286, %dma_wait3A_287, %dma_wait3A_288] : memref<3x80x128xf32, #tpu.memory_space<vmem>> -> memref<1x80x128xf32, #tpu.memory_space<vmem>>
      %dma_wait3A_290 = tpu.memref_squeeze %dma_wait3A_289 : memref<1x80x128xf32, #tpu.memory_space<vmem>> -> memref<80x128xf32, #tpu.memory_space<vmem>>
      %dma_wait3A_291 = tpu.memref_slice %arg6[%mul3A_285] : memref<10000xi32, #tpu.memory_space<vmem>> -> memref<80xi32, #tpu.memory_space<vmem>>
      %dma_wait3A_292 = arith.constant 0 : i32
      %dma_wait3A_293 = arith.constant 0 : i32
      %dma_wait3A_294 = tpu.memref_slice %arg2[%dma_wait3A_292, %dma_wait3A_293] : memref<10000x128xf32, #tpu.memory_space<hbm>> -> memref<10000x128xf32, #tpu.memory_space<hbm>>
      tpu.wait_indirect_dma semaphore(%arg12 : memref<!tpu.dma_semaphore, #tpu.memory_space<semaphore_mem>>) src(%dma_wait3A_294 : memref<10000x128xf32, #tpu.memory_space<hbm>>) dst(%dma_wait3A_290 : memref<80x128xf32, #tpu.memory_space<vmem>>)
      %mul3A_295 = arith.constant 80 : i32
      %mul3A_296 = arith.muli %mul3A_283, %mul3A_295 : i32
      %add3A_297 = arith.addi %mul3A_2, %mul3A_296 : i32
      %dma_wait3A_298 = arith.constant 0 : i32
      %dma_wait3A_299 = arith.constant 0 : i32
      %dma_wait3A_300 = tpu.memref_slice %arg7[%dma_wait3A_298, %dma_wait3A_299] : memref<3x80xi32, #tpu.memory_space<vmem>> -> memref<1x80xi32, #tpu.memory_space<vmem>>
      %dma_wait3A_301 = tpu.memref_squeeze %dma_wait3A_300 : memref<1x80xi32, #tpu.memory_space<vmem>> -> memref<80xi32, #tpu.memory_space<vmem>>
      %dma_wait3A_302 = tpu.memref_slice %arg4[%add3A_297] : memref<320000xi32, #tpu.memory_space<hbm>> -> memref<80xi32, #tpu.memory_space<hbm>>
      %dma_wait3A_303 = arith.constant 0 : i32
      %dma_wait3A_304 = tpu.memref_slice %arg7[%dma_wait3A_298, %dma_wait3A_303] : memref<3x80xi32, #tpu.memory_space<vmem>> -> memref<1x80xi32, #tpu.memory_space<vmem>>
      %dma_wait3A_305 = tpu.memref_squeeze %dma_wait3A_304 : memref<1x80xi32, #tpu.memory_space<vmem>> -> memref<80xi32, #tpu.memory_space<vmem>>
      %dma_wait3A_306 = tpu.memref_slice %arg4[%add3A_297] : memref<320000xi32, #tpu.memory_space<hbm>> -> memref<80xi32, #tpu.memory_space<hbm>>
      tpu.wait_dma2 semaphore(%arg11 : memref<!tpu.dma_semaphore, #tpu.memory_space<semaphore_mem>>) src(%dma_wait3A_306 : memref<80xi32, #tpu.memory_space<hbm>>) dst(%dma_wait3A_305 : memref<80xi32, #tpu.memory_space<vmem>>)
      %run_scoped3A_307 = arith.constant 0 : i32
      %run_scoped3A_308 = arith.constant 0 : i32
      "tpu.region"() ({
        %run_scoped3A_444 = tpu.sem_alloc : memref<!tpu.dma_semaphore, #tpu.memory_space<semaphore_mem>>
        %dma_start3A_445 = arith.constant 0 : i32
        %dma_start3A_446 = arith.constant 0 : i32
        %dma_start3A_447 = tpu.memref_slice %arg8[%run_scoped3A_307, %dma_start3A_445, %dma_start3A_446] : memref<3x80x128xf32, #tpu.memory_space<vmem>> -> memref<1x80x128xf32, #tpu.memory_space<vmem>>
        %dma_start3A_448 = tpu.memref_squeeze %dma_start3A_447 : memref<1x80x128xf32, #tpu.memory_space<vmem>> -> memref<80x128xf32, #tpu.memory_space<vmem>>
        %dma_start3A_449 = arith.constant 0 : i32
        %dma_start3A_450 = tpu.memref_slice %arg7[%run_scoped3A_308, %dma_start3A_449] : memref<3x80xi32, #tpu.memory_space<vmem>> -> memref<1x80xi32, #tpu.memory_space<vmem>>
        %dma_start3A_451 = tpu.memref_squeeze %dma_start3A_450 : memref<1x80xi32, #tpu.memory_space<vmem>> -> memref<80xi32, #tpu.memory_space<vmem>>
        %dma_start3A_452 = arith.constant 0 : i32
        %dma_start3A_453 = arith.constant 0 : i32
        %dma_start3A_454 = tpu.memref_slice %arg9[%dma_start3A_452, %dma_start3A_453] : memref<10240x128xf32, #tpu.memory_space<vmem_shared>> -> memref<10240x128xf32, #tpu.memory_space<vmem_shared>>
        tpu.enqueue_indirect_dma source(%dma_start3A_448 : memref<80x128xf32, #tpu.memory_space<vmem>>) target(%dma_start3A_454 : memref<10240x128xf32, #tpu.memory_space<vmem_shared>>) offsets(%dma_start3A_451 : memref<80xi32, #tpu.memory_space<vmem>>) semaphore(%run_scoped3A_444 : memref<!tpu.dma_semaphore, #tpu.memory_space<semaphore_mem>>) {add = true}
        %dma_wait3A_455 = arith.constant 0 : i32
        %dma_wait3A_456 = arith.constant 0 : i32
        %dma_wait3A_457 = tpu.memref_slice %arg8[%run_scoped3A_307, %dma_wait3A_455, %dma_wait3A_456] : memref<3x80x128xf32, #tpu.memory_space<vmem>> -> memref<1x80x128xf32, #tpu.memory_space<vmem>>
        %dma_wait3A_458 = tpu.memref_squeeze %dma_wait3A_457 : memref<1x80x128xf32, #tpu.memory_space<vmem>> -> memref<80x128xf32, #tpu.memory_space<vmem>>
        %dma_wait3A_459 = arith.constant 0 : i32
        %dma_wait3A_460 = tpu.memref_slice %arg7[%run_scoped3A_308, %dma_wait3A_459] : memref<3x80xi32, #tpu.memory_space<vmem>> -> memref<1x80xi32, #tpu.memory_space<vmem>>
        %dma_wait3A_461 = tpu.memref_squeeze %dma_wait3A_460 : memref<1x80xi32, #tpu.memory_space<vmem>> -> memref<80xi32, #tpu.memory_space<vmem>>
        %dma_wait3A_462 = arith.constant 0 : i32
        %dma_wait3A_463 = arith.constant 0 : i32
        %dma_wait3A_464 = tpu.memref_slice %arg9[%dma_wait3A_462, %dma_wait3A_463] : memref<10240x128xf32, #tpu.memory_space<vmem_shared>> -> memref<10240x128xf32, #tpu.memory_space<vmem_shared>>
        tpu.wait_indirect_dma semaphore(%run_scoped3A_444 : memref<!tpu.dma_semaphore, #tpu.memory_space<semaphore_mem>>) src(%dma_wait3A_458 : memref<80x128xf32, #tpu.memory_space<vmem>>) dst(%dma_wait3A_464 : memref<10240x128xf32, #tpu.memory_space<vmem_shared>>)
        tpu.yield
      }) : () -> ()
      %add3A_309 = arith.constant 3 : i32
      %add3A_310 = arith.addi %mul3A_283, %add3A_309 : i32
      %mul3A_311 = arith.constant 80 : i32
      %mul3A_312 = arith.muli %add3A_310, %mul3A_311 : i32
      %add3A_313 = arith.addi %mul3A_2, %mul3A_312 : i32
      %dma_start3A_314 = arith.constant 0 : i32
      %dma_start3A_315 = arith.constant 0 : i32
      %dma_start3A_316 = tpu.memref_slice %arg7[%dma_start3A_314, %dma_start3A_315] : memref<3x80xi32, #tpu.memory_space<vmem>> -> memref<1x80xi32, #tpu.memory_space<vmem>>
      %dma_start3A_317 = tpu.memref_squeeze %dma_start3A_316 : memref<1x80xi32, #tpu.memory_space<vmem>> -> memref<80xi32, #tpu.memory_space<vmem>>
      %dma_start3A_318 = tpu.memref_slice %arg4[%add3A_313] : memref<320000xi32, #tpu.memory_space<hbm>> -> memref<80xi32, #tpu.memory_space<hbm>>
      %dma_start3A_319 = arith.constant 0 : i32
      %dma_start3A_320 = tpu.memref_slice %arg7[%dma_start3A_314, %dma_start3A_319] : memref<3x80xi32, #tpu.memory_space<vmem>> -> memref<1x80xi32, #tpu.memory_space<vmem>>
      %dma_start3A_321 = tpu.memref_squeeze %dma_start3A_320 : memref<1x80xi32, #tpu.memory_space<vmem>> -> memref<80xi32, #tpu.memory_space<vmem>>
      %dma_start3A_322 = tpu.memref_slice %arg4[%add3A_313] : memref<320000xi32, #tpu.memory_space<hbm>> -> memref<80xi32, #tpu.memory_space<hbm>>
      tpu.enqueue_dma source(%dma_start3A_322 : memref<80xi32, #tpu.memory_space<hbm>>) target(%dma_start3A_321 : memref<80xi32, #tpu.memory_space<vmem>>) target_semaphore(%arg11 : memref<!tpu.dma_semaphore, #tpu.memory_space<semaphore_mem>>)
      %add3A_323 = arith.constant 3 : i32
      %add3A_324 = arith.addi %mul3A_283, %add3A_323 : i32
      %mul3A_325 = arith.constant 80 : i32
      %mul3A_326 = arith.muli %add3A_324, %mul3A_325 : i32
      %dma_start3A_327 = arith.constant 0 : i32
      %dma_start3A_328 = arith.constant 0 : i32
      %dma_start3A_329 = arith.constant 0 : i32
      %dma_start3A_330 = tpu.memref_slice %arg8[%dma_start3A_327, %dma_start3A_328, %dma_start3A_329] : memref<3x80x128xf32, #tpu.memory_space<vmem>> -> memref<1x80x128xf32, #tpu.memory_space<vmem>>
      %dma_start3A_331 = tpu.memref_squeeze %dma_start3A_330 : memref<1x80x128xf32, #tpu.memory_space<vmem>> -> memref<80x128xf32, #tpu.memory_space<vmem>>
      %dma_start3A_332 = tpu.memref_slice %arg6[%mul3A_326] : memref<10000xi32, #tpu.memory_space<vmem>> -> memref<80xi32, #tpu.memory_space<vmem>>
      %dma_start3A_333 = arith.constant 0 : i32
      %dma_start3A_334 = arith.constant 0 : i32
      %dma_start3A_335 = tpu.memref_slice %arg2[%dma_start3A_333, %dma_start3A_334] : memref<10000x128xf32, #tpu.memory_space<hbm>> -> memref<10000x128xf32, #tpu.memory_space<hbm>>
      tpu.enqueue_indirect_dma source(%dma_start3A_335 : memref<10000x128xf32, #tpu.memory_space<hbm>>) target(%dma_start3A_331 : memref<80x128xf32, #tpu.memory_space<vmem>>) offsets(%dma_start3A_332 : memref<80xi32, #tpu.memory_space<vmem>>) semaphore(%arg12 : memref<!tpu.dma_semaphore, #tpu.memory_space<semaphore_mem>>)
      %add3A_336 = arith.constant 1 : i32
      %add3A_337 = arith.addi %mul3A_283, %add3A_336 : i32
      %mul3A_338 = arith.constant 80 : i32
      %mul3A_339 = arith.muli %add3A_337, %mul3A_338 : i32
      %dma_wait3A_340 = arith.constant 1 : i32
      %dma_wait3A_341 = arith.constant 0 : i32
      %dma_wait3A_342 = arith.constant 0 : i32
      %dma_wait3A_343 = tpu.memref_slice %arg8[%dma_wait3A_340, %dma_wait3A_341, %dma_wait3A_342] : memref<3x80x128xf32, #tpu.memory_space<vmem>> -> memref<1x80x128xf32, #tpu.memory_space<vmem>>
      %dma_wait3A_344 = tpu.memref_squeeze %dma_wait3A_343 : memref<1x80x128xf32, #tpu.memory_space<vmem>> -> memref<80x128xf32, #tpu.memory_space<vmem>>
      %dma_wait3A_345 = tpu.memref_slice %arg6[%mul3A_339] : memref<10000xi32, #tpu.memory_space<vmem>> -> memref<80xi32, #tpu.memory_space<vmem>>
      %dma_wait3A_346 = arith.constant 0 : i32
      %dma_wait3A_347 = arith.constant 0 : i32
      %dma_wait3A_348 = tpu.memref_slice %arg2[%dma_wait3A_346, %dma_wait3A_347] : memref<10000x128xf32, #tpu.memory_space<hbm>> -> memref<10000x128xf32, #tpu.memory_space<hbm>>
      tpu.wait_indirect_dma semaphore(%arg12 : memref<!tpu.dma_semaphore, #tpu.memory_space<semaphore_mem>>) src(%dma_wait3A_348 : memref<10000x128xf32, #tpu.memory_space<hbm>>) dst(%dma_wait3A_344 : memref<80x128xf32, #tpu.memory_space<vmem>>)
      %mul3A_349 = arith.constant 80 : i32
      %mul3A_350 = arith.muli %add3A_337, %mul3A_349 : i32
      %add3A_351 = arith.addi %mul3A_2, %mul3A_350 : i32
      %dma_wait3A_352 = arith.constant 1 : i32
      %dma_wait3A_353 = arith.constant 0 : i32
      %dma_wait3A_354 = tpu.memref_slice %arg7[%dma_wait3A_352, %dma_wait3A_353] : memref<3x80xi32, #tpu.memory_space<vmem>> -> memref<1x80xi32, #tpu.memory_space<vmem>>
      %dma_wait3A_355 = tpu.memref_squeeze %dma_wait3A_354 : memref<1x80xi32, #tpu.memory_space<vmem>> -> memref<80xi32, #tpu.memory_space<vmem>>
      %dma_wait3A_356 = tpu.memref_slice %arg4[%add3A_351] : memref<320000xi32, #tpu.memory_space<hbm>> -> memref<80xi32, #tpu.memory_space<hbm>>
      %dma_wait3A_357 = arith.constant 0 : i32
      %dma_wait3A_358 = tpu.memref_slice %arg7[%dma_wait3A_352, %dma_wait3A_357] : memref<3x80xi32, #tpu.memory_space<vmem>> -> memref<1x80xi32, #tpu.memory_space<vmem>>
      %dma_wait3A_359 = tpu.memref_squeeze %dma_wait3A_358 : memref<1x80xi32, #tpu.memory_space<vmem>> -> memref<80xi32, #tpu.memory_space<vmem>>
      %dma_wait3A_360 = tpu.memref_slice %arg4[%add3A_351] : memref<320000xi32, #tpu.memory_space<hbm>> -> memref<80xi32, #tpu.memory_space<hbm>>
      tpu.wait_dma2 semaphore(%arg11 : memref<!tpu.dma_semaphore, #tpu.memory_space<semaphore_mem>>) src(%dma_wait3A_360 : memref<80xi32, #tpu.memory_space<hbm>>) dst(%dma_wait3A_359 : memref<80xi32, #tpu.memory_space<vmem>>)
      %run_scoped3A_361 = arith.constant 1 : i32
      %run_scoped3A_362 = arith.constant 1 : i32
      "tpu.region"() ({
        %run_scoped3A_444 = tpu.sem_alloc : memref<!tpu.dma_semaphore, #tpu.memory_space<semaphore_mem>>
        %dma_start3A_445 = arith.constant 0 : i32
        %dma_start3A_446 = arith.constant 0 : i32
        %dma_start3A_447 = tpu.memref_slice %arg8[%run_scoped3A_361, %dma_start3A_445, %dma_start3A_446] : memref<3x80x128xf32, #tpu.memory_space<vmem>> -> memref<1x80x128xf32, #tpu.memory_space<vmem>>
        %dma_start3A_448 = tpu.memref_squeeze %dma_start3A_447 : memref<1x80x128xf32, #tpu.memory_space<vmem>> -> memref<80x128xf32, #tpu.memory_space<vmem>>
        %dma_start3A_449 = arith.constant 0 : i32
        %dma_start3A_450 = tpu.memref_slice %arg7[%run_scoped3A_362, %dma_start3A_449] : memref<3x80xi32, #tpu.memory_space<vmem>> -> memref<1x80xi32, #tpu.memory_space<vmem>>
        %dma_start3A_451 = tpu.memref_squeeze %dma_start3A_450 : memref<1x80xi32, #tpu.memory_space<vmem>> -> memref<80xi32, #tpu.memory_space<vmem>>
        %dma_start3A_452 = arith.constant 0 : i32
        %dma_start3A_453 = arith.constant 0 : i32
        %dma_start3A_454 = tpu.memref_slice %arg9[%dma_start3A_452, %dma_start3A_453] : memref<10240x128xf32, #tpu.memory_space<vmem_shared>> -> memref<10240x128xf32, #tpu.memory_space<vmem_shared>>
        tpu.enqueue_indirect_dma source(%dma_start3A_448 : memref<80x128xf32, #tpu.memory_space<vmem>>) target(%dma_start3A_454 : memref<10240x128xf32, #tpu.memory_space<vmem_shared>>) offsets(%dma_start3A_451 : memref<80xi32, #tpu.memory_space<vmem>>) semaphore(%run_scoped3A_444 : memref<!tpu.dma_semaphore, #tpu.memory_space<semaphore_mem>>) {add = true}
        %dma_wait3A_455 = arith.constant 0 : i32
        %dma_wait3A_456 = arith.constant 0 : i32
        %dma_wait3A_457 = tpu.memref_slice %arg8[%run_scoped3A_361, %dma_wait3A_455, %dma_wait3A_456] : memref<3x80x128xf32, #tpu.memory_space<vmem>> -> memref<1x80x128xf32, #tpu.memory_space<vmem>>
        %dma_wait3A_458 = tpu.memref_squeeze %dma_wait3A_457 : memref<1x80x128xf32, #tpu.memory_space<vmem>> -> memref<80x128xf32, #tpu.memory_space<vmem>>
        %dma_wait3A_459 = arith.constant 0 : i32
        %dma_wait3A_460 = tpu.memref_slice %arg7[%run_scoped3A_362, %dma_wait3A_459] : memref<3x80xi32, #tpu.memory_space<vmem>> -> memref<1x80xi32, #tpu.memory_space<vmem>>
        %dma_wait3A_461 = tpu.memref_squeeze %dma_wait3A_460 : memref<1x80xi32, #tpu.memory_space<vmem>> -> memref<80xi32, #tpu.memory_space<vmem>>
        %dma_wait3A_462 = arith.constant 0 : i32
        %dma_wait3A_463 = arith.constant 0 : i32
        %dma_wait3A_464 = tpu.memref_slice %arg9[%dma_wait3A_462, %dma_wait3A_463] : memref<10240x128xf32, #tpu.memory_space<vmem_shared>> -> memref<10240x128xf32, #tpu.memory_space<vmem_shared>>
        tpu.wait_indirect_dma semaphore(%run_scoped3A_444 : memref<!tpu.dma_semaphore, #tpu.memory_space<semaphore_mem>>) src(%dma_wait3A_458 : memref<80x128xf32, #tpu.memory_space<vmem>>) dst(%dma_wait3A_464 : memref<10240x128xf32, #tpu.memory_space<vmem_shared>>)
        tpu.yield
      }) : () -> ()
      %add3A_363 = arith.constant 3 : i32
      %add3A_364 = arith.addi %add3A_337, %add3A_363 : i32
      %mul3A_365 = arith.constant 80 : i32
      %mul3A_366 = arith.muli %add3A_364, %mul3A_365 : i32
      %add3A_367 = arith.addi %mul3A_2, %mul3A_366 : i32
      %dma_start3A_368 = arith.constant 1 : i32
      %dma_start3A_369 = arith.constant 0 : i32
      %dma_start3A_370 = tpu.memref_slice %arg7[%dma_start3A_368, %dma_start3A_369] : memref<3x80xi32, #tpu.memory_space<vmem>> -> memref<1x80xi32, #tpu.memory_space<vmem>>
      %dma_start3A_371 = tpu.memref_squeeze %dma_start3A_370 : memref<1x80xi32, #tpu.memory_space<vmem>> -> memref<80xi32, #tpu.memory_space<vmem>>
      %dma_start3A_372 = tpu.memref_slice %arg4[%add3A_367] : memref<320000xi32, #tpu.memory_space<hbm>> -> memref<80xi32, #tpu.memory_space<hbm>>
      %dma_start3A_373 = arith.constant 0 : i32
      %dma_start3A_374 = tpu.memref_slice %arg7[%dma_start3A_368, %dma_start3A_373] : memref<3x80xi32, #tpu.memory_space<vmem>> -> memref<1x80xi32, #tpu.memory_space<vmem>>
      %dma_start3A_375 = tpu.memref_squeeze %dma_start3A_374 : memref<1x80xi32, #tpu.memory_space<vmem>> -> memref<80xi32, #tpu.memory_space<vmem>>
      %dma_start3A_376 = tpu.memref_slice %arg4[%add3A_367] : memref<320000xi32, #tpu.memory_space<hbm>> -> memref<80xi32, #tpu.memory_space<hbm>>
      tpu.enqueue_dma source(%dma_start3A_376 : memref<80xi32, #tpu.memory_space<hbm>>) target(%dma_start3A_375 : memref<80xi32, #tpu.memory_space<vmem>>) target_semaphore(%arg11 : memref<!tpu.dma_semaphore, #tpu.memory_space<semaphore_mem>>)
      %add3A_377 = arith.constant 3 : i32
      %add3A_378 = arith.addi %add3A_337, %add3A_377 : i32
      %mul3A_379 = arith.constant 80 : i32
      %mul3A_380 = arith.muli %add3A_378, %mul3A_379 : i32
      %dma_start3A_381 = arith.constant 1 : i32
      %dma_start3A_382 = arith.constant 0 : i32
      %dma_start3A_383 = arith.constant 0 : i32
      %dma_start3A_384 = tpu.memref_slice %arg8[%dma_start3A_381, %dma_start3A_382, %dma_start3A_383] : memref<3x80x128xf32, #tpu.memory_space<vmem>> -> memref<1x80x128xf32, #tpu.memory_space<vmem>>
      %dma_start3A_385 = tpu.memref_squeeze %dma_start3A_384 : memref<1x80x128xf32, #tpu.memory_space<vmem>> -> memref<80x128xf32, #tpu.memory_space<vmem>>
      %dma_start3A_386 = tpu.memref_slice %arg6[%mul3A_380] : memref<10000xi32, #tpu.memory_space<vmem>> -> memref<80xi32, #tpu.memory_space<vmem>>
      %dma_start3A_387 = arith.constant 0 : i32
      %dma_start3A_388 = arith.constant 0 : i32
      %dma_start3A_389 = tpu.memref_slice %arg2[%dma_start3A_387, %dma_start3A_388] : memref<10000x128xf32, #tpu.memory_space<hbm>> -> memref<10000x128xf32, #tpu.memory_space<hbm>>
      tpu.enqueue_indirect_dma source(%dma_start3A_389 : memref<10000x128xf32, #tpu.memory_space<hbm>>) target(%dma_start3A_385 : memref<80x128xf32, #tpu.memory_space<vmem>>) offsets(%dma_start3A_386 : memref<80xi32, #tpu.memory_space<vmem>>) semaphore(%arg12 : memref<!tpu.dma_semaphore, #tpu.memory_space<semaphore_mem>>)
      %add3A_390 = arith.constant 2 : i32
      %add3A_391 = arith.addi %mul3A_283, %add3A_390 : i32
      %mul3A_392 = arith.constant 80 : i32
      %mul3A_393 = arith.muli %add3A_391, %mul3A_392 : i32
      %dma_wait3A_394 = arith.constant 2 : i32
      %dma_wait3A_395 = arith.constant 0 : i32
      %dma_wait3A_396 = arith.constant 0 : i32
      %dma_wait3A_397 = tpu.memref_slice %arg8[%dma_wait3A_394, %dma_wait3A_395, %dma_wait3A_396] : memref<3x80x128xf32, #tpu.memory_space<vmem>> -> memref<1x80x128xf32, #tpu.memory_space<vmem>>
      %dma_wait3A_398 = tpu.memref_squeeze %dma_wait3A_397 : memref<1x80x128xf32, #tpu.memory_space<vmem>> -> memref<80x128xf32, #tpu.memory_space<vmem>>
      %dma_wait3A_399 = tpu.memref_slice %arg6[%mul3A_393] : memref<10000xi32, #tpu.memory_space<vmem>> -> memref<80xi32, #tpu.memory_space<vmem>>
      %dma_wait3A_400 = arith.constant 0 : i32
      %dma_wait3A_401 = arith.constant 0 : i32
      %dma_wait3A_402 = tpu.memref_slice %arg2[%dma_wait3A_400, %dma_wait3A_401] : memref<10000x128xf32, #tpu.memory_space<hbm>> -> memref<10000x128xf32, #tpu.memory_space<hbm>>
      tpu.wait_indirect_dma semaphore(%arg12 : memref<!tpu.dma_semaphore, #tpu.memory_space<semaphore_mem>>) src(%dma_wait3A_402 : memref<10000x128xf32, #tpu.memory_space<hbm>>) dst(%dma_wait3A_398 : memref<80x128xf32, #tpu.memory_space<vmem>>)
      %mul3A_403 = arith.constant 80 : i32
      %mul3A_404 = arith.muli %add3A_391, %mul3A_403 : i32
      %add3A_405 = arith.addi %mul3A_2, %mul3A_404 : i32
      %dma_wait3A_406 = arith.constant 2 : i32
      %dma_wait3A_407 = arith.constant 0 : i32
      %dma_wait3A_408 = tpu.memref_slice %arg7[%dma_wait3A_406, %dma_wait3A_407] : memref<3x80xi32, #tpu.memory_space<vmem>> -> memref<1x80xi32, #tpu.memory_space<vmem>>
      %dma_wait3A_409 = tpu.memref_squeeze %dma_wait3A_408 : memref<1x80xi32, #tpu.memory_space<vmem>> -> memref<80xi32, #tpu.memory_space<vmem>>
      %dma_wait3A_410 = tpu.memref_slice %arg4[%add3A_405] : memref<320000xi32, #tpu.memory_space<hbm>> -> memref<80xi32, #tpu.memory_space<hbm>>
      %dma_wait3A_411 = arith.constant 0 : i32
      %dma_wait3A_412 = tpu.memref_slice %arg7[%dma_wait3A_406, %dma_wait3A_411] : memref<3x80xi32, #tpu.memory_space<vmem>> -> memref<1x80xi32, #tpu.memory_space<vmem>>
      %dma_wait3A_413 = tpu.memref_squeeze %dma_wait3A_412 : memref<1x80xi32, #tpu.memory_space<vmem>> -> memref<80xi32, #tpu.memory_space<vmem>>
      %dma_wait3A_414 = tpu.memref_slice %arg4[%add3A_405] : memref<320000xi32, #tpu.memory_space<hbm>> -> memref<80xi32, #tpu.memory_space<hbm>>
      tpu.wait_dma2 semaphore(%arg11 : memref<!tpu.dma_semaphore, #tpu.memory_space<semaphore_mem>>) src(%dma_wait3A_414 : memref<80xi32, #tpu.memory_space<hbm>>) dst(%dma_wait3A_413 : memref<80xi32, #tpu.memory_space<vmem>>)
      %run_scoped3A_415 = arith.constant 2 : i32
      %run_scoped3A_416 = arith.constant 2 : i32
      "tpu.region"() ({
        %run_scoped3A_444 = tpu.sem_alloc : memref<!tpu.dma_semaphore, #tpu.memory_space<semaphore_mem>>
        %dma_start3A_445 = arith.constant 0 : i32
        %dma_start3A_446 = arith.constant 0 : i32
        %dma_start3A_447 = tpu.memref_slice %arg8[%run_scoped3A_415, %dma_start3A_445, %dma_start3A_446] : memref<3x80x128xf32, #tpu.memory_space<vmem>> -> memref<1x80x128xf32, #tpu.memory_space<vmem>>
        %dma_start3A_448 = tpu.memref_squeeze %dma_start3A_447 : memref<1x80x128xf32, #tpu.memory_space<vmem>> -> memref<80x128xf32, #tpu.memory_space<vmem>>
        %dma_start3A_449 = arith.constant 0 : i32
        %dma_start3A_450 = tpu.memref_slice %arg7[%run_scoped3A_416, %dma_start3A_449] : memref<3x80xi32, #tpu.memory_space<vmem>> -> memref<1x80xi32, #tpu.memory_space<vmem>>
        %dma_start3A_451 = tpu.memref_squeeze %dma_start3A_450 : memref<1x80xi32, #tpu.memory_space<vmem>> -> memref<80xi32, #tpu.memory_space<vmem>>
        %dma_start3A_452 = arith.constant 0 : i32
        %dma_start3A_453 = arith.constant 0 : i32
        %dma_start3A_454 = tpu.memref_slice %arg9[%dma_start3A_452, %dma_start3A_453] : memref<10240x128xf32, #tpu.memory_space<vmem_shared>> -> memref<10240x128xf32, #tpu.memory_space<vmem_shared>>
        tpu.enqueue_indirect_dma source(%dma_start3A_448 : memref<80x128xf32, #tpu.memory_space<vmem>>) target(%dma_start3A_454 : memref<10240x128xf32, #tpu.memory_space<vmem_shared>>) offsets(%dma_start3A_451 : memref<80xi32, #tpu.memory_space<vmem>>) semaphore(%run_scoped3A_444 : memref<!tpu.dma_semaphore, #tpu.memory_space<semaphore_mem>>) {add = true}
        %dma_wait3A_455 = arith.constant 0 : i32
        %dma_wait3A_456 = arith.constant 0 : i32
        %dma_wait3A_457 = tpu.memref_slice %arg8[%run_scoped3A_415, %dma_wait3A_455, %dma_wait3A_456] : memref<3x80x128xf32, #tpu.memory_space<vmem>> -> memref<1x80x128xf32, #tpu.memory_space<vmem>>
        %dma_wait3A_458 = tpu.memref_squeeze %dma_wait3A_457 : memref<1x80x128xf32, #tpu.memory_space<vmem>> -> memref<80x128xf32, #tpu.memory_space<vmem>>
        %dma_wait3A_459 = arith.constant 0 : i32
        %dma_wait3A_460 = tpu.memref_slice %arg7[%run_scoped3A_416, %dma_wait3A_459] : memref<3x80xi32, #tpu.memory_space<vmem>> -> memref<1x80xi32, #tpu.memory_space<vmem>>
        %dma_wait3A_461 = tpu.memref_squeeze %dma_wait3A_460 : memref<1x80xi32, #tpu.memory_space<vmem>> -> memref<80xi32, #tpu.memory_space<vmem>>
        %dma_wait3A_462 = arith.constant 0 : i32
        %dma_wait3A_463 = arith.constant 0 : i32
        %dma_wait3A_464 = tpu.memref_slice %arg9[%dma_wait3A_462, %dma_wait3A_463] : memref<10240x128xf32, #tpu.memory_space<vmem_shared>> -> memref<10240x128xf32, #tpu.memory_space<vmem_shared>>
        tpu.wait_indirect_dma semaphore(%run_scoped3A_444 : memref<!tpu.dma_semaphore, #tpu.memory_space<semaphore_mem>>) src(%dma_wait3A_458 : memref<80x128xf32, #tpu.memory_space<vmem>>) dst(%dma_wait3A_464 : memref<10240x128xf32, #tpu.memory_space<vmem_shared>>)
        tpu.yield
      }) : () -> ()
      %add3A_417 = arith.constant 3 : i32
      %add3A_418 = arith.addi %add3A_391, %add3A_417 : i32
      %mul3A_419 = arith.constant 80 : i32
      %mul3A_420 = arith.muli %add3A_418, %mul3A_419 : i32
      %add3A_421 = arith.addi %mul3A_2, %mul3A_420 : i32
      %dma_start3A_422 = arith.constant 2 : i32
      %dma_start3A_423 = arith.constant 0 : i32
      %dma_start3A_424 = tpu.memref_slice %arg7[%dma_start3A_422, %dma_start3A_423] : memref<3x80xi32, #tpu.memory_space<vmem>> -> memref<1x80xi32, #tpu.memory_space<vmem>>
      %dma_start3A_425 = tpu.memref_squeeze %dma_start3A_424 : memref<1x80xi32, #tpu.memory_space<vmem>> -> memref<80xi32, #tpu.memory_space<vmem>>
      %dma_start3A_426 = tpu.memref_slice %arg4[%add3A_421] : memref<320000xi32, #tpu.memory_space<hbm>> -> memref<80xi32, #tpu.memory_space<hbm>>
      %dma_start3A_427 = arith.constant 0 : i32
      %dma_start3A_428 = tpu.memref_slice %arg7[%dma_start3A_422, %dma_start3A_427] : memref<3x80xi32, #tpu.memory_space<vmem>> -> memref<1x80xi32, #tpu.memory_space<vmem>>
      %dma_start3A_429 = tpu.memref_squeeze %dma_start3A_428 : memref<1x80xi32, #tpu.memory_space<vmem>> -> memref<80xi32, #tpu.memory_space<vmem>>
      %dma_start3A_430 = tpu.memref_slice %arg4[%add3A_421] : memref<320000xi32, #tpu.memory_space<hbm>> -> memref<80xi32, #tpu.memory_space<hbm>>
      tpu.enqueue_dma source(%dma_start3A_430 : memref<80xi32, #tpu.memory_space<hbm>>) target(%dma_start3A_429 : memref<80xi32, #tpu.memory_space<vmem>>) target_semaphore(%arg11 : memref<!tpu.dma_semaphore, #tpu.memory_space<semaphore_mem>>)
      %add3A_431 = arith.constant 3 : i32
      %add3A_432 = arith.addi %add3A_391, %add3A_431 : i32
      %mul3A_433 = arith.constant 80 : i32
      %mul3A_434 = arith.muli %add3A_432, %mul3A_433 : i32
      %dma_start3A_435 = arith.constant 2 : i32
      %dma_start3A_436 = arith.constant 0 : i32
      %dma_start3A_437 = arith.constant 0 : i32
      %dma_start3A_438 = tpu.memref_slice %arg8[%dma_start3A_435, %dma_start3A_436, %dma_start3A_437] : memref<3x80x128xf32, #tpu.memory_space<vmem>> -> memref<1x80x128xf32, #tpu.memory_space<vmem>>
      %dma_start3A_439 = tpu.memref_squeeze %dma_start3A_438 : memref<1x80x128xf32, #tpu.memory_space<vmem>> -> memref<80x128xf32, #tpu.memory_space<vmem>>
      %dma_start3A_440 = tpu.memref_slice %arg6[%mul3A_434] : memref<10000xi32, #tpu.memory_space<vmem>> -> memref<80xi32, #tpu.memory_space<vmem>>
      %dma_start3A_441 = arith.constant 0 : i32
      %dma_start3A_442 = arith.constant 0 : i32
      %dma_start3A_443 = tpu.memref_slice %arg2[%dma_start3A_441, %dma_start3A_442] : memref<10000x128xf32, #tpu.memory_space<hbm>> -> memref<10000x128xf32, #tpu.memory_space<hbm>>
      tpu.enqueue_indirect_dma source(%dma_start3A_443 : memref<10000x128xf32, #tpu.memory_space<hbm>>) target(%dma_start3A_439 : memref<80x128xf32, #tpu.memory_space<vmem>>) offsets(%dma_start3A_440 : memref<80xi32, #tpu.memory_space<vmem>>) semaphore(%arg12 : memref<!tpu.dma_semaphore, #tpu.memory_space<semaphore_mem>>)
    }
    %scan3A_118 = arith.constant 40 : i32
    %dma_wait3A_119 = arith.constant 0 : i32
    %dma_wait3A_120 = arith.constant 0 : i32
    %dma_wait3A_121 = arith.constant 0 : i32
    %dma_wait3A_122 = tpu.memref_slice %arg8[%dma_wait3A_119, %dma_wait3A_120, %dma_wait3A_121] : memref<3x80x128xf32, #tpu.memory_space<vmem>> -> memref<1x80x128xf32, #tpu.memory_space<vmem>>
    %dma_wait3A_123 = tpu.memref_squeeze %dma_wait3A_122 : memref<1x80x128xf32, #tpu.memory_space<vmem>> -> memref<80x128xf32, #tpu.memory_space<vmem>>
    %dma_wait3A_124 = arith.constant 9600 : i32
    %dma_wait3A_125 = tpu.memref_slice %arg6[%dma_wait3A_124] : memref<10000xi32, #tpu.memory_space<vmem>> -> memref<80xi32, #tpu.memory_space<vmem>>
    %dma_wait3A_126 = arith.constant 0 : i32
    %dma_wait3A_127 = arith.constant 0 : i32
    %dma_wait3A_128 = tpu.memref_slice %arg2[%dma_wait3A_126, %dma_wait3A_127] : memref<10000x128xf32, #tpu.memory_space<hbm>> -> memref<10000x128xf32, #tpu.memory_space<hbm>>
    tpu.wait_indirect_dma semaphore(%arg12 : memref<!tpu.dma_semaphore, #tpu.memory_space<semaphore_mem>>) src(%dma_wait3A_128 : memref<10000x128xf32, #tpu.memory_space<hbm>>) dst(%dma_wait3A_123 : memref<80x128xf32, #tpu.memory_space<vmem>>)
    %add3A_129 = arith.constant 9600 : i32
    %add3A_130 = arith.addi %mul3A_2, %add3A_129 : i32
    %dma_wait3A_131 = arith.constant 0 : i32
    %dma_wait3A_132 = arith.constant 0 : i32
    %dma_wait3A_133 = tpu.memref_slice %arg7[%dma_wait3A_131, %dma_wait3A_132] : memref<3x80xi32, #tpu.memory_space<vmem>> -> memref<1x80xi32, #tpu.memory_space<vmem>>
    %dma_wait3A_134 = tpu.memref_squeeze %dma_wait3A_133 : memref<1x80xi32, #tpu.memory_space<vmem>> -> memref<80xi32, #tpu.memory_space<vmem>>
    %dma_wait3A_135 = tpu.memref_slice %arg4[%add3A_130] : memref<320000xi32, #tpu.memory_space<hbm>> -> memref<80xi32, #tpu.memory_space<hbm>>
    %dma_wait3A_136 = arith.constant 0 : i32
    %dma_wait3A_137 = tpu.memref_slice %arg7[%dma_wait3A_131, %dma_wait3A_136] : memref<3x80xi32, #tpu.memory_space<vmem>> -> memref<1x80xi32, #tpu.memory_space<vmem>>
    %dma_wait3A_138 = tpu.memref_squeeze %dma_wait3A_137 : memref<1x80xi32, #tpu.memory_space<vmem>> -> memref<80xi32, #tpu.memory_space<vmem>>
    %dma_wait3A_139 = tpu.memref_slice %arg4[%add3A_130] : memref<320000xi32, #tpu.memory_space<hbm>> -> memref<80xi32, #tpu.memory_space<hbm>>
    tpu.wait_dma2 semaphore(%arg11 : memref<!tpu.dma_semaphore, #tpu.memory_space<semaphore_mem>>) src(%dma_wait3A_139 : memref<80xi32, #tpu.memory_space<hbm>>) dst(%dma_wait3A_138 : memref<80xi32, #tpu.memory_space<vmem>>)
    %run_scoped3A_140 = arith.constant 0 : i32
    %run_scoped3A_141 = arith.constant 0 : i32
    "tpu.region"() ({
      %run_scoped3A_281 = tpu.sem_alloc : memref<!tpu.dma_semaphore, #tpu.memory_space<semaphore_mem>>
      %dma_start3A_282 = arith.constant 0 : i32
      %dma_start3A_283 = arith.constant 0 : i32
      %dma_start3A_284 = tpu.memref_slice %arg8[%run_scoped3A_140, %dma_start3A_282, %dma_start3A_283] : memref<3x80x128xf32, #tpu.memory_space<vmem>> -> memref<1x80x128xf32, #tpu.memory_space<vmem>>
      %dma_start3A_285 = tpu.memref_squeeze %dma_start3A_284 : memref<1x80x128xf32, #tpu.memory_space<vmem>> -> memref<80x128xf32, #tpu.memory_space<vmem>>
      %dma_start3A_286 = arith.constant 0 : i32
      %dma_start3A_287 = tpu.memref_slice %arg7[%run_scoped3A_141, %dma_start3A_286] : memref<3x80xi32, #tpu.memory_space<vmem>> -> memref<1x80xi32, #tpu.memory_space<vmem>>
      %dma_start3A_288 = tpu.memref_squeeze %dma_start3A_287 : memref<1x80xi32, #tpu.memory_space<vmem>> -> memref<80xi32, #tpu.memory_space<vmem>>
      %dma_start3A_289 = arith.constant 0 : i32
      %dma_start3A_290 = arith.constant 0 : i32
      %dma_start3A_291 = tpu.memref_slice %arg9[%dma_start3A_289, %dma_start3A_290] : memref<10240x128xf32, #tpu.memory_space<vmem_shared>> -> memref<10240x128xf32, #tpu.memory_space<vmem_shared>>
      tpu.enqueue_indirect_dma source(%dma_start3A_285 : memref<80x128xf32, #tpu.memory_space<vmem>>) target(%dma_start3A_291 : memref<10240x128xf32, #tpu.memory_space<vmem_shared>>) offsets(%dma_start3A_288 : memref<80xi32, #tpu.memory_space<vmem>>) semaphore(%run_scoped3A_281 : memref<!tpu.dma_semaphore, #tpu.memory_space<semaphore_mem>>) {add = true}
      %dma_wait3A_292 = arith.constant 0 : i32
      %dma_wait3A_293 = arith.constant 0 : i32
      %dma_wait3A_294 = tpu.memref_slice %arg8[%run_scoped3A_140, %dma_wait3A_292, %dma_wait3A_293] : memref<3x80x128xf32, #tpu.memory_space<vmem>> -> memref<1x80x128xf32, #tpu.memory_space<vmem>>
      %dma_wait3A_295 = tpu.memref_squeeze %dma_wait3A_294 : memref<1x80x128xf32, #tpu.memory_space<vmem>> -> memref<80x128xf32, #tpu.memory_space<vmem>>
      %dma_wait3A_296 = arith.constant 0 : i32
      %dma_wait3A_297 = tpu.memref_slice %arg7[%run_scoped3A_141, %dma_wait3A_296] : memref<3x80xi32, #tpu.memory_space<vmem>> -> memref<1x80xi32, #tpu.memory_space<vmem>>
      %dma_wait3A_298 = tpu.memref_squeeze %dma_wait3A_297 : memref<1x80xi32, #tpu.memory_space<vmem>> -> memref<80xi32, #tpu.memory_space<vmem>>
      %dma_wait3A_299 = arith.constant 0 : i32
      %dma_wait3A_300 = arith.constant 0 : i32
      %dma_wait3A_301 = tpu.memref_slice %arg9[%dma_wait3A_299, %dma_wait3A_300] : memref<10240x128xf32, #tpu.memory_space<vmem_shared>> -> memref<10240x128xf32, #tpu.memory_space<vmem_shared>>
      tpu.wait_indirect_dma semaphore(%run_scoped3A_281 : memref<!tpu.dma_semaphore, #tpu.memory_space<semaphore_mem>>) src(%dma_wait3A_295 : memref<80x128xf32, #tpu.memory_space<vmem>>) dst(%dma_wait3A_301 : memref<10240x128xf32, #tpu.memory_space<vmem_shared>>)
      tpu.yield
    }) : () -> ()
    %add3A_142 = arith.constant 9840 : i32
    %add3A_143 = arith.addi %mul3A_2, %add3A_142 : i32
    %dma_start3A_144 = arith.constant 0 : i32
    %dma_start3A_145 = arith.constant 0 : i32
    %dma_start3A_146 = tpu.memref_slice %arg7[%dma_start3A_144, %dma_start3A_145] : memref<3x80xi32, #tpu.memory_space<vmem>> -> memref<1x80xi32, #tpu.memory_space<vmem>>
    %dma_start3A_147 = tpu.memref_squeeze %dma_start3A_146 : memref<1x80xi32, #tpu.memory_space<vmem>> -> memref<80xi32, #tpu.memory_space<vmem>>
    %dma_start3A_148 = tpu.memref_slice %arg4[%add3A_143] : memref<320000xi32, #tpu.memory_space<hbm>> -> memref<80xi32, #tpu.memory_space<hbm>>
    %dma_start3A_149 = arith.constant 0 : i32
    %dma_start3A_150 = tpu.memref_slice %arg7[%dma_start3A_144, %dma_start3A_149] : memref<3x80xi32, #tpu.memory_space<vmem>> -> memref<1x80xi32, #tpu.memory_space<vmem>>
    %dma_start3A_151 = tpu.memref_squeeze %dma_start3A_150 : memref<1x80xi32, #tpu.memory_space<vmem>> -> memref<80xi32, #tpu.memory_space<vmem>>
    %dma_start3A_152 = tpu.memref_slice %arg4[%add3A_143] : memref<320000xi32, #tpu.memory_space<hbm>> -> memref<80xi32, #tpu.memory_space<hbm>>
    tpu.enqueue_dma source(%dma_start3A_152 : memref<80xi32, #tpu.memory_space<hbm>>) target(%dma_start3A_151 : memref<80xi32, #tpu.memory_space<vmem>>) target_semaphore(%arg11 : memref<!tpu.dma_semaphore, #tpu.memory_space<semaphore_mem>>)
    %dma_start3A_153 = arith.constant 0 : i32
    %dma_start3A_154 = arith.constant 0 : i32
    %dma_start3A_155 = arith.constant 0 : i32
    %dma_start3A_156 = tpu.memref_slice %arg8[%dma_start3A_153, %dma_start3A_154, %dma_start3A_155] : memref<3x80x128xf32, #tpu.memory_space<vmem>> -> memref<1x80x128xf32, #tpu.memory_space<vmem>>
    %dma_start3A_157 = tpu.memref_squeeze %dma_start3A_156 : memref<1x80x128xf32, #tpu.memory_space<vmem>> -> memref<80x128xf32, #tpu.memory_space<vmem>>
    %dma_start3A_158 = arith.constant 9840 : i32
    %dma_start3A_159 = tpu.memref_slice %arg6[%dma_start3A_158] : memref<10000xi32, #tpu.memory_space<vmem>> -> memref<80xi32, #tpu.memory_space<vmem>>
    %dma_start3A_160 = arith.constant 0 : i32
    %dma_start3A_161 = arith.constant 0 : i32
    %dma_start3A_162 = tpu.memref_slice %arg2[%dma_start3A_160, %dma_start3A_161] : memref<10000x128xf32, #tpu.memory_space<hbm>> -> memref<10000x128xf32, #tpu.memory_space<hbm>>
    tpu.enqueue_indirect_dma source(%dma_start3A_162 : memref<10000x128xf32, #tpu.memory_space<hbm>>) target(%dma_start3A_157 : memref<80x128xf32, #tpu.memory_space<vmem>>) offsets(%dma_start3A_159 : memref<80xi32, #tpu.memory_space<vmem>>) semaphore(%arg12 : memref<!tpu.dma_semaphore, #tpu.memory_space<semaphore_mem>>)
    %dma_wait3A_163 = arith.constant 1 : i32
    %dma_wait3A_164 = arith.constant 0 : i32
    %dma_wait3A_165 = arith.constant 0 : i32
    %dma_wait3A_166 = tpu.memref_slice %arg8[%dma_wait3A_163, %dma_wait3A_164, %dma_wait3A_165] : memref<3x80x128xf32, #tpu.memory_space<vmem>> -> memref<1x80x128xf32, #tpu.memory_space<vmem>>
    %dma_wait3A_167 = tpu.memref_squeeze %dma_wait3A_166 : memref<1x80x128xf32, #tpu.memory_space<vmem>> -> memref<80x128xf32, #tpu.memory_space<vmem>>
    %dma_wait3A_168 = arith.constant 9680 : i32
    %dma_wait3A_169 = tpu.memref_slice %arg6[%dma_wait3A_168] : memref<10000xi32, #tpu.memory_space<vmem>> -> memref<80xi32, #tpu.memory_space<vmem>>
    %dma_wait3A_170 = arith.constant 0 : i32
    %dma_wait3A_171 = arith.constant 0 : i32
    %dma_wait3A_172 = tpu.memref_slice %arg2[%dma_wait3A_170, %dma_wait3A_171] : memref<10000x128xf32, #tpu.memory_space<hbm>> -> memref<10000x128xf32, #tpu.memory_space<hbm>>
    tpu.wait_indirect_dma semaphore(%arg12 : memref<!tpu.dma_semaphore, #tpu.memory_space<semaphore_mem>>) src(%dma_wait3A_172 : memref<10000x128xf32, #tpu.memory_space<hbm>>) dst(%dma_wait3A_167 : memref<80x128xf32, #tpu.memory_space<vmem>>)
    %add3A_173 = arith.constant 9680 : i32
    %add3A_174 = arith.addi %mul3A_2, %add3A_173 : i32
    %dma_wait3A_175 = arith.constant 1 : i32
    %dma_wait3A_176 = arith.constant 0 : i32
    %dma_wait3A_177 = tpu.memref_slice %arg7[%dma_wait3A_175, %dma_wait3A_176] : memref<3x80xi32, #tpu.memory_space<vmem>> -> memref<1x80xi32, #tpu.memory_space<vmem>>
    %dma_wait3A_178 = tpu.memref_squeeze %dma_wait3A_177 : memref<1x80xi32, #tpu.memory_space<vmem>> -> memref<80xi32, #tpu.memory_space<vmem>>
    %dma_wait3A_179 = tpu.memref_slice %arg4[%add3A_174] : memref<320000xi32, #tpu.memory_space<hbm>> -> memref<80xi32, #tpu.memory_space<hbm>>
    %dma_wait3A_180 = arith.constant 0 : i32
    %dma_wait3A_181 = tpu.memref_slice %arg7[%dma_wait3A_175, %dma_wait3A_180] : memref<3x80xi32, #tpu.memory_space<vmem>> -> memref<1x80xi32, #tpu.memory_space<vmem>>
    %dma_wait3A_182 = tpu.memref_squeeze %dma_wait3A_181 : memref<1x80xi32, #tpu.memory_space<vmem>> -> memref<80xi32, #tpu.memory_space<vmem>>
    %dma_wait3A_183 = tpu.memref_slice %arg4[%add3A_174] : memref<320000xi32, #tpu.memory_space<hbm>> -> memref<80xi32, #tpu.memory_space<hbm>>
    tpu.wait_dma2 semaphore(%arg11 : memref<!tpu.dma_semaphore, #tpu.memory_space<semaphore_mem>>) src(%dma_wait3A_183 : memref<80xi32, #tpu.memory_space<hbm>>) dst(%dma_wait3A_182 : memref<80xi32, #tpu.memory_space<vmem>>)
    %run_scoped3A_184 = arith.constant 1 : i32
    %run_scoped3A_185 = arith.constant 1 : i32
    "tpu.region"() ({
      %run_scoped3A_281 = tpu.sem_alloc : memref<!tpu.dma_semaphore, #tpu.memory_space<semaphore_mem>>
      %dma_start3A_282 = arith.constant 0 : i32
      %dma_start3A_283 = arith.constant 0 : i32
      %dma_start3A_284 = tpu.memref_slice %arg8[%run_scoped3A_184, %dma_start3A_282, %dma_start3A_283] : memref<3x80x128xf32, #tpu.memory_space<vmem>> -> memref<1x80x128xf32, #tpu.memory_space<vmem>>
      %dma_start3A_285 = tpu.memref_squeeze %dma_start3A_284 : memref<1x80x128xf32, #tpu.memory_space<vmem>> -> memref<80x128xf32, #tpu.memory_space<vmem>>
      %dma_start3A_286 = arith.constant 0 : i32
      %dma_start3A_287 = tpu.memref_slice %arg7[%run_scoped3A_185, %dma_start3A_286] : memref<3x80xi32, #tpu.memory_space<vmem>> -> memref<1x80xi32, #tpu.memory_space<vmem>>
      %dma_start3A_288 = tpu.memref_squeeze %dma_start3A_287 : memref<1x80xi32, #tpu.memory_space<vmem>> -> memref<80xi32, #tpu.memory_space<vmem>>
      %dma_start3A_289 = arith.constant 0 : i32
      %dma_start3A_290 = arith.constant 0 : i32
      %dma_start3A_291 = tpu.memref_slice %arg9[%dma_start3A_289, %dma_start3A_290] : memref<10240x128xf32, #tpu.memory_space<vmem_shared>> -> memref<10240x128xf32, #tpu.memory_space<vmem_shared>>
      tpu.enqueue_indirect_dma source(%dma_start3A_285 : memref<80x128xf32, #tpu.memory_space<vmem>>) target(%dma_start3A_291 : memref<10240x128xf32, #tpu.memory_space<vmem_shared>>) offsets(%dma_start3A_288 : memref<80xi32, #tpu.memory_space<vmem>>) semaphore(%run_scoped3A_281 : memref<!tpu.dma_semaphore, #tpu.memory_space<semaphore_mem>>) {add = true}
      %dma_wait3A_292 = arith.constant 0 : i32
      %dma_wait3A_293 = arith.constant 0 : i32
      %dma_wait3A_294 = tpu.memref_slice %arg8[%run_scoped3A_184, %dma_wait3A_292, %dma_wait3A_293] : memref<3x80x128xf32, #tpu.memory_space<vmem>> -> memref<1x80x128xf32, #tpu.memory_space<vmem>>
      %dma_wait3A_295 = tpu.memref_squeeze %dma_wait3A_294 : memref<1x80x128xf32, #tpu.memory_space<vmem>> -> memref<80x128xf32, #tpu.memory_space<vmem>>
      %dma_wait3A_296 = arith.constant 0 : i32
      %dma_wait3A_297 = tpu.memref_slice %arg7[%run_scoped3A_185, %dma_wait3A_296] : memref<3x80xi32, #tpu.memory_space<vmem>> -> memref<1x80xi32, #tpu.memory_space<vmem>>
      %dma_wait3A_298 = tpu.memref_squeeze %dma_wait3A_297 : memref<1x80xi32, #tpu.memory_space<vmem>> -> memref<80xi32, #tpu.memory_space<vmem>>
      %dma_wait3A_299 = arith.constant 0 : i32
      %dma_wait3A_300 = arith.constant 0 : i32
      %dma_wait3A_301 = tpu.memref_slice %arg9[%dma_wait3A_299, %dma_wait3A_300] : memref<10240x128xf32, #tpu.memory_space<vmem_shared>> -> memref<10240x128xf32, #tpu.memory_space<vmem_shared>>
      tpu.wait_indirect_dma semaphore(%run_scoped3A_281 : memref<!tpu.dma_semaphore, #tpu.memory_space<semaphore_mem>>) src(%dma_wait3A_295 : memref<80x128xf32, #tpu.memory_space<vmem>>) dst(%dma_wait3A_301 : memref<10240x128xf32, #tpu.memory_space<vmem_shared>>)
      tpu.yield
    }) : () -> ()
    %add3A_186 = arith.constant 9920 : i32
    %add3A_187 = arith.addi %mul3A_2, %add3A_186 : i32
    %dma_start3A_188 = arith.constant 1 : i32
    %dma_start3A_189 = arith.constant 0 : i32
    %dma_start3A_190 = tpu.memref_slice %arg7[%dma_start3A_188, %dma_start3A_189] : memref<3x80xi32, #tpu.memory_space<vmem>> -> memref<1x80xi32, #tpu.memory_space<vmem>>
    %dma_start3A_191 = tpu.memref_squeeze %dma_start3A_190 : memref<1x80xi32, #tpu.memory_space<vmem>> -> memref<80xi32, #tpu.memory_space<vmem>>
    %dma_start3A_192 = tpu.memref_slice %arg4[%add3A_187] : memref<320000xi32, #tpu.memory_space<hbm>> -> memref<80xi32, #tpu.memory_space<hbm>>
    %dma_start3A_193 = arith.constant 0 : i32
    %dma_start3A_194 = tpu.memref_slice %arg7[%dma_start3A_188, %dma_start3A_193] : memref<3x80xi32, #tpu.memory_space<vmem>> -> memref<1x80xi32, #tpu.memory_space<vmem>>
    %dma_start3A_195 = tpu.memref_squeeze %dma_start3A_194 : memref<1x80xi32, #tpu.memory_space<vmem>> -> memref<80xi32, #tpu.memory_space<vmem>>
    %dma_start3A_196 = tpu.memref_slice %arg4[%add3A_187] : memref<320000xi32, #tpu.memory_space<hbm>> -> memref<80xi32, #tpu.memory_space<hbm>>
    tpu.enqueue_dma source(%dma_start3A_196 : memref<80xi32, #tpu.memory_space<hbm>>) target(%dma_start3A_195 : memref<80xi32, #tpu.memory_space<vmem>>) target_semaphore(%arg11 : memref<!tpu.dma_semaphore, #tpu.memory_space<semaphore_mem>>)
    %dma_start3A_197 = arith.constant 1 : i32
    %dma_start3A_198 = arith.constant 0 : i32
    %dma_start3A_199 = arith.constant 0 : i32
    %dma_start3A_200 = tpu.memref_slice %arg8[%dma_start3A_197, %dma_start3A_198, %dma_start3A_199] : memref<3x80x128xf32, #tpu.memory_space<vmem>> -> memref<1x80x128xf32, #tpu.memory_space<vmem>>
    %dma_start3A_201 = tpu.memref_squeeze %dma_start3A_200 : memref<1x80x128xf32, #tpu.memory_space<vmem>> -> memref<80x128xf32, #tpu.memory_space<vmem>>
    %dma_start3A_202 = arith.constant 9920 : i32
    %dma_start3A_203 = tpu.memref_slice %arg6[%dma_start3A_202] : memref<10000xi32, #tpu.memory_space<vmem>> -> memref<80xi32, #tpu.memory_space<vmem>>
    %dma_start3A_204 = arith.constant 0 : i32
    %dma_start3A_205 = arith.constant 0 : i32
    %dma_start3A_206 = tpu.memref_slice %arg2[%dma_start3A_204, %dma_start3A_205] : memref<10000x128xf32, #tpu.memory_space<hbm>> -> memref<10000x128xf32, #tpu.memory_space<hbm>>
    tpu.enqueue_indirect_dma source(%dma_start3A_206 : memref<10000x128xf32, #tpu.memory_space<hbm>>) target(%dma_start3A_201 : memref<80x128xf32, #tpu.memory_space<vmem>>) offsets(%dma_start3A_203 : memref<80xi32, #tpu.memory_space<vmem>>) semaphore(%arg12 : memref<!tpu.dma_semaphore, #tpu.memory_space<semaphore_mem>>)
    %dma_wait3A_207 = arith.constant 2 : i32
    %dma_wait3A_208 = arith.constant 0 : i32
    %dma_wait3A_209 = arith.constant 0 : i32
    %dma_wait3A_210 = tpu.memref_slice %arg8[%dma_wait3A_207, %dma_wait3A_208, %dma_wait3A_209] : memref<3x80x128xf32, #tpu.memory_space<vmem>> -> memref<1x80x128xf32, #tpu.memory_space<vmem>>
    %dma_wait3A_211 = tpu.memref_squeeze %dma_wait3A_210 : memref<1x80x128xf32, #tpu.memory_space<vmem>> -> memref<80x128xf32, #tpu.memory_space<vmem>>
    %dma_wait3A_212 = arith.constant 9760 : i32
    %dma_wait3A_213 = tpu.memref_slice %arg6[%dma_wait3A_212] : memref<10000xi32, #tpu.memory_space<vmem>> -> memref<80xi32, #tpu.memory_space<vmem>>
    %dma_wait3A_214 = arith.constant 0 : i32
    %dma_wait3A_215 = arith.constant 0 : i32
    %dma_wait3A_216 = tpu.memref_slice %arg2[%dma_wait3A_214, %dma_wait3A_215] : memref<10000x128xf32, #tpu.memory_space<hbm>> -> memref<10000x128xf32, #tpu.memory_space<hbm>>
    tpu.wait_indirect_dma semaphore(%arg12 : memref<!tpu.dma_semaphore, #tpu.memory_space<semaphore_mem>>) src(%dma_wait3A_216 : memref<10000x128xf32, #tpu.memory_space<hbm>>) dst(%dma_wait3A_211 : memref<80x128xf32, #tpu.memory_space<vmem>>)
    %add3A_217 = arith.constant 9760 : i32
    %add3A_218 = arith.addi %mul3A_2, %add3A_217 : i32
    %dma_wait3A_219 = arith.constant 2 : i32
    %dma_wait3A_220 = arith.constant 0 : i32
    %dma_wait3A_221 = tpu.memref_slice %arg7[%dma_wait3A_219, %dma_wait3A_220] : memref<3x80xi32, #tpu.memory_space<vmem>> -> memref<1x80xi32, #tpu.memory_space<vmem>>
    %dma_wait3A_222 = tpu.memref_squeeze %dma_wait3A_221 : memref<1x80xi32, #tpu.memory_space<vmem>> -> memref<80xi32, #tpu.memory_space<vmem>>
    %dma_wait3A_223 = tpu.memref_slice %arg4[%add3A_218] : memref<320000xi32, #tpu.memory_space<hbm>> -> memref<80xi32, #tpu.memory_space<hbm>>
    %dma_wait3A_224 = arith.constant 0 : i32
    %dma_wait3A_225 = tpu.memref_slice %arg7[%dma_wait3A_219, %dma_wait3A_224] : memref<3x80xi32, #tpu.memory_space<vmem>> -> memref<1x80xi32, #tpu.memory_space<vmem>>
    %dma_wait3A_226 = tpu.memref_squeeze %dma_wait3A_225 : memref<1x80xi32, #tpu.memory_space<vmem>> -> memref<80xi32, #tpu.memory_space<vmem>>
    %dma_wait3A_227 = tpu.memref_slice %arg4[%add3A_218] : memref<320000xi32, #tpu.memory_space<hbm>> -> memref<80xi32, #tpu.memory_space<hbm>>
    tpu.wait_dma2 semaphore(%arg11 : memref<!tpu.dma_semaphore, #tpu.memory_space<semaphore_mem>>) src(%dma_wait3A_227 : memref<80xi32, #tpu.memory_space<hbm>>) dst(%dma_wait3A_226 : memref<80xi32, #tpu.memory_space<vmem>>)
    %run_scoped3A_228 = arith.constant 2 : i32
    %run_scoped3A_229 = arith.constant 2 : i32
    "tpu.region"() ({
      %run_scoped3A_281 = tpu.sem_alloc : memref<!tpu.dma_semaphore, #tpu.memory_space<semaphore_mem>>
      %dma_start3A_282 = arith.constant 0 : i32
      %dma_start3A_283 = arith.constant 0 : i32
      %dma_start3A_284 = tpu.memref_slice %arg8[%run_scoped3A_228, %dma_start3A_282, %dma_start3A_283] : memref<3x80x128xf32, #tpu.memory_space<vmem>> -> memref<1x80x128xf32, #tpu.memory_space<vmem>>
      %dma_start3A_285 = tpu.memref_squeeze %dma_start3A_284 : memref<1x80x128xf32, #tpu.memory_space<vmem>> -> memref<80x128xf32, #tpu.memory_space<vmem>>
      %dma_start3A_286 = arith.constant 0 : i32
      %dma_start3A_287 = tpu.memref_slice %arg7[%run_scoped3A_229, %dma_start3A_286] : memref<3x80xi32, #tpu.memory_space<vmem>> -> memref<1x80xi32, #tpu.memory_space<vmem>>
      %dma_start3A_288 = tpu.memref_squeeze %dma_start3A_287 : memref<1x80xi32, #tpu.memory_space<vmem>> -> memref<80xi32, #tpu.memory_space<vmem>>
      %dma_start3A_289 = arith.constant 0 : i32
      %dma_start3A_290 = arith.constant 0 : i32
      %dma_start3A_291 = tpu.memref_slice %arg9[%dma_start3A_289, %dma_start3A_290] : memref<10240x128xf32, #tpu.memory_space<vmem_shared>> -> memref<10240x128xf32, #tpu.memory_space<vmem_shared>>
      tpu.enqueue_indirect_dma source(%dma_start3A_285 : memref<80x128xf32, #tpu.memory_space<vmem>>) target(%dma_start3A_291 : memref<10240x128xf32, #tpu.memory_space<vmem_shared>>) offsets(%dma_start3A_288 : memref<80xi32, #tpu.memory_space<vmem>>) semaphore(%run_scoped3A_281 : memref<!tpu.dma_semaphore, #tpu.memory_space<semaphore_mem>>) {add = true}
      %dma_wait3A_292 = arith.constant 0 : i32
      %dma_wait3A_293 = arith.constant 0 : i32
      %dma_wait3A_294 = tpu.memref_slice %arg8[%run_scoped3A_228, %dma_wait3A_292, %dma_wait3A_293] : memref<3x80x128xf32, #tpu.memory_space<vmem>> -> memref<1x80x128xf32, #tpu.memory_space<vmem>>
      %dma_wait3A_295 = tpu.memref_squeeze %dma_wait3A_294 : memref<1x80x128xf32, #tpu.memory_space<vmem>> -> memref<80x128xf32, #tpu.memory_space<vmem>>
      %dma_wait3A_296 = arith.constant 0 : i32
      %dma_wait3A_297 = tpu.memref_slice %arg7[%run_scoped3A_229, %dma_wait3A_296] : memref<3x80xi32, #tpu.memory_space<vmem>> -> memref<1x80xi32, #tpu.memory_space<vmem>>
      %dma_wait3A_298 = tpu.memref_squeeze %dma_wait3A_297 : memref<1x80xi32, #tpu.memory_space<vmem>> -> memref<80xi32, #tpu.memory_space<vmem>>
      %dma_wait3A_299 = arith.constant 0 : i32
      %dma_wait3A_300 = arith.constant 0 : i32
      %dma_wait3A_301 = tpu.memref_slice %arg9[%dma_wait3A_299, %dma_wait3A_300] : memref<10240x128xf32, #tpu.memory_space<vmem_shared>> -> memref<10240x128xf32, #tpu.memory_space<vmem_shared>>
      tpu.wait_indirect_dma semaphore(%run_scoped3A_281 : memref<!tpu.dma_semaphore, #tpu.memory_space<semaphore_mem>>) src(%dma_wait3A_295 : memref<80x128xf32, #tpu.memory_space<vmem>>) dst(%dma_wait3A_301 : memref<10240x128xf32, #tpu.memory_space<vmem_shared>>)
      tpu.yield
    }) : () -> ()
    %dma_wait3A_230 = arith.constant 0 : i32
    %dma_wait3A_231 = arith.constant 0 : i32
    %dma_wait3A_232 = arith.constant 0 : i32
    %dma_wait3A_233 = tpu.memref_slice %arg8[%dma_wait3A_230, %dma_wait3A_231, %dma_wait3A_232] : memref<3x80x128xf32, #tpu.memory_space<vmem>> -> memref<1x80x128xf32, #tpu.memory_space<vmem>>
    %dma_wait3A_234 = tpu.memref_squeeze %dma_wait3A_233 : memref<1x80x128xf32, #tpu.memory_space<vmem>> -> memref<80x128xf32, #tpu.memory_space<vmem>>
    %dma_wait3A_235 = arith.constant 9840 : i32
    %dma_wait3A_236 = tpu.memref_slice %arg6[%dma_wait3A_235] : memref<10000xi32, #tpu.memory_space<vmem>> -> memref<80xi32, #tpu.memory_space<vmem>>
    %dma_wait3A_237 = arith.constant 0 : i32
    %dma_wait3A_238 = arith.constant 0 : i32
    %dma_wait3A_239 = tpu.memref_slice %arg2[%dma_wait3A_237, %dma_wait3A_238] : memref<10000x128xf32, #tpu.memory_space<hbm>> -> memref<10000x128xf32, #tpu.memory_space<hbm>>
    tpu.wait_indirect_dma semaphore(%arg12 : memref<!tpu.dma_semaphore, #tpu.memory_space<semaphore_mem>>) src(%dma_wait3A_239 : memref<10000x128xf32, #tpu.memory_space<hbm>>) dst(%dma_wait3A_234 : memref<80x128xf32, #tpu.memory_space<vmem>>)
    %add3A_240 = arith.constant 9840 : i32
    %add3A_241 = arith.addi %mul3A_2, %add3A_240 : i32
    %dma_wait3A_242 = arith.constant 0 : i32
    %dma_wait3A_243 = arith.constant 0 : i32
    %dma_wait3A_244 = tpu.memref_slice %arg7[%dma_wait3A_242, %dma_wait3A_243] : memref<3x80xi32, #tpu.memory_space<vmem>> -> memref<1x80xi32, #tpu.memory_space<vmem>>
    %dma_wait3A_245 = tpu.memref_squeeze %dma_wait3A_244 : memref<1x80xi32, #tpu.memory_space<vmem>> -> memref<80xi32, #tpu.memory_space<vmem>>
    %dma_wait3A_246 = tpu.memref_slice %arg4[%add3A_241] : memref<320000xi32, #tpu.memory_space<hbm>> -> memref<80xi32, #tpu.memory_space<hbm>>
    %dma_wait3A_247 = arith.constant 0 : i32
    %dma_wait3A_248 = tpu.memref_slice %arg7[%dma_wait3A_242, %dma_wait3A_247] : memref<3x80xi32, #tpu.memory_space<vmem>> -> memref<1x80xi32, #tpu.memory_space<vmem>>
    %dma_wait3A_249 = tpu.memref_squeeze %dma_wait3A_248 : memref<1x80xi32, #tpu.memory_space<vmem>> -> memref<80xi32, #tpu.memory_space<vmem>>
    %dma_wait3A_250 = tpu.memref_slice %arg4[%add3A_241] : memref<320000xi32, #tpu.memory_space<hbm>> -> memref<80xi32, #tpu.memory_space<hbm>>
    tpu.wait_dma2 semaphore(%arg11 : memref<!tpu.dma_semaphore, #tpu.memory_space<semaphore_mem>>) src(%dma_wait3A_250 : memref<80xi32, #tpu.memory_space<hbm>>) dst(%dma_wait3A_249 : memref<80xi32, #tpu.memory_space<vmem>>)
    %run_scoped3A_251 = arith.constant 0 : i32
    %run_scoped3A_252 = arith.constant 0 : i32
    "tpu.region"() ({
      %run_scoped3A_281 = tpu.sem_alloc : memref<!tpu.dma_semaphore, #tpu.memory_space<semaphore_mem>>
      %dma_start3A_282 = arith.constant 0 : i32
      %dma_start3A_283 = arith.constant 0 : i32
      %dma_start3A_284 = tpu.memref_slice %arg8[%run_scoped3A_251, %dma_start3A_282, %dma_start3A_283] : memref<3x80x128xf32, #tpu.memory_space<vmem>> -> memref<1x80x128xf32, #tpu.memory_space<vmem>>
      %dma_start3A_285 = tpu.memref_squeeze %dma_start3A_284 : memref<1x80x128xf32, #tpu.memory_space<vmem>> -> memref<80x128xf32, #tpu.memory_space<vmem>>
      %dma_start3A_286 = arith.constant 0 : i32
      %dma_start3A_287 = tpu.memref_slice %arg7[%run_scoped3A_252, %dma_start3A_286] : memref<3x80xi32, #tpu.memory_space<vmem>> -> memref<1x80xi32, #tpu.memory_space<vmem>>
      %dma_start3A_288 = tpu.memref_squeeze %dma_start3A_287 : memref<1x80xi32, #tpu.memory_space<vmem>> -> memref<80xi32, #tpu.memory_space<vmem>>
      %dma_start3A_289 = arith.constant 0 : i32
      %dma_start3A_290 = arith.constant 0 : i32
      %dma_start3A_291 = tpu.memref_slice %arg9[%dma_start3A_289, %dma_start3A_290] : memref<10240x128xf32, #tpu.memory_space<vmem_shared>> -> memref<10240x128xf32, #tpu.memory_space<vmem_shared>>
      tpu.enqueue_indirect_dma source(%dma_start3A_285 : memref<80x128xf32, #tpu.memory_space<vmem>>) target(%dma_start3A_291 : memref<10240x128xf32, #tpu.memory_space<vmem_shared>>) offsets(%dma_start3A_288 : memref<80xi32, #tpu.memory_space<vmem>>) semaphore(%run_scoped3A_281 : memref<!tpu.dma_semaphore, #tpu.memory_space<semaphore_mem>>) {add = true}
      %dma_wait3A_292 = arith.constant 0 : i32
      %dma_wait3A_293 = arith.constant 0 : i32
      %dma_wait3A_294 = tpu.memref_slice %arg8[%run_scoped3A_251, %dma_wait3A_292, %dma_wait3A_293] : memref<3x80x128xf32, #tpu.memory_space<vmem>> -> memref<1x80x128xf32, #tpu.memory_space<vmem>>
      %dma_wait3A_295 = tpu.memref_squeeze %dma_wait3A_294 : memref<1x80x128xf32, #tpu.memory_space<vmem>> -> memref<80x128xf32, #tpu.memory_space<vmem>>
      %dma_wait3A_296 = arith.constant 0 : i32
      %dma_wait3A_297 = tpu.memref_slice %arg7[%run_scoped3A_252, %dma_wait3A_296] : memref<3x80xi32, #tpu.memory_space<vmem>> -> memref<1x80xi32, #tpu.memory_space<vmem>>
      %dma_wait3A_298 = tpu.memref_squeeze %dma_wait3A_297 : memref<1x80xi32, #tpu.memory_space<vmem>> -> memref<80xi32, #tpu.memory_space<vmem>>
      %dma_wait3A_299 = arith.constant 0 : i32
      %dma_wait3A_300 = arith.constant 0 : i32
      %dma_wait3A_301 = tpu.memref_slice %arg9[%dma_wait3A_299, %dma_wait3A_300] : memref<10240x128xf32, #tpu.memory_space<vmem_shared>> -> memref<10240x128xf32, #tpu.memory_space<vmem_shared>>
      tpu.wait_indirect_dma semaphore(%run_scoped3A_281 : memref<!tpu.dma_semaphore, #tpu.memory_space<semaphore_mem>>) src(%dma_wait3A_295 : memref<80x128xf32, #tpu.memory_space<vmem>>) dst(%dma_wait3A_301 : memref<10240x128xf32, #tpu.memory_space<vmem_shared>>)
      tpu.yield
    }) : () -> ()
    %dma_wait3A_253 = arith.constant 1 : i32
    %dma_wait3A_254 = arith.constant 0 : i32
    %dma_wait3A_255 = arith.constant 0 : i32
    %dma_wait3A_256 = tpu.memref_slice %arg8[%dma_wait3A_253, %dma_wait3A_254, %dma_wait3A_255] : memref<3x80x128xf32, #tpu.memory_space<vmem>> -> memref<1x80x128xf32, #tpu.memory_space<vmem>>
    %dma_wait3A_257 = tpu.memref_squeeze %dma_wait3A_256 : memref<1x80x128xf32, #tpu.memory_space<vmem>> -> memref<80x128xf32, #tpu.memory_space<vmem>>
    %dma_wait3A_258 = arith.constant 9920 : i32
    %dma_wait3A_259 = tpu.memref_slice %arg6[%dma_wait3A_258] : memref<10000xi32, #tpu.memory_space<vmem>> -> memref<80xi32, #tpu.memory_space<vmem>>
    %dma_wait3A_260 = arith.constant 0 : i32
    %dma_wait3A_261 = arith.constant 0 : i32
    %dma_wait3A_262 = tpu.memref_slice %arg2[%dma_wait3A_260, %dma_wait3A_261] : memref<10000x128xf32, #tpu.memory_space<hbm>> -> memref<10000x128xf32, #tpu.memory_space<hbm>>
    tpu.wait_indirect_dma semaphore(%arg12 : memref<!tpu.dma_semaphore, #tpu.memory_space<semaphore_mem>>) src(%dma_wait3A_262 : memref<10000x128xf32, #tpu.memory_space<hbm>>) dst(%dma_wait3A_257 : memref<80x128xf32, #tpu.memory_space<vmem>>)
    %add3A_263 = arith.constant 9920 : i32
    %add3A_264 = arith.addi %mul3A_2, %add3A_263 : i32
    %dma_wait3A_265 = arith.constant 1 : i32
    %dma_wait3A_266 = arith.constant 0 : i32
    %dma_wait3A_267 = tpu.memref_slice %arg7[%dma_wait3A_265, %dma_wait3A_266] : memref<3x80xi32, #tpu.memory_space<vmem>> -> memref<1x80xi32, #tpu.memory_space<vmem>>
    %dma_wait3A_268 = tpu.memref_squeeze %dma_wait3A_267 : memref<1x80xi32, #tpu.memory_space<vmem>> -> memref<80xi32, #tpu.memory_space<vmem>>
    %dma_wait3A_269 = tpu.memref_slice %arg4[%add3A_264] : memref<320000xi32, #tpu.memory_space<hbm>> -> memref<80xi32, #tpu.memory_space<hbm>>
    %dma_wait3A_270 = arith.constant 0 : i32
    %dma_wait3A_271 = tpu.memref_slice %arg7[%dma_wait3A_265, %dma_wait3A_270] : memref<3x80xi32, #tpu.memory_space<vmem>> -> memref<1x80xi32, #tpu.memory_space<vmem>>
    %dma_wait3A_272 = tpu.memref_squeeze %dma_wait3A_271 : memref<1x80xi32, #tpu.memory_space<vmem>> -> memref<80xi32, #tpu.memory_space<vmem>>
    %dma_wait3A_273 = tpu.memref_slice %arg4[%add3A_264] : memref<320000xi32, #tpu.memory_space<hbm>> -> memref<80xi32, #tpu.memory_space<hbm>>
    tpu.wait_dma2 semaphore(%arg11 : memref<!tpu.dma_semaphore, #tpu.memory_space<semaphore_mem>>) src(%dma_wait3A_273 : memref<80xi32, #tpu.memory_space<hbm>>) dst(%dma_wait3A_272 : memref<80xi32, #tpu.memory_space<vmem>>)
    %run_scoped3A_274 = arith.constant 1 : i32
    %run_scoped3A_275 = arith.constant 1 : i32
    "tpu.region"() ({
      %run_scoped3A_281 = tpu.sem_alloc : memref<!tpu.dma_semaphore, #tpu.memory_space<semaphore_mem>>
      %dma_start3A_282 = arith.constant 0 : i32
      %dma_start3A_283 = arith.constant 0 : i32
      %dma_start3A_284 = tpu.memref_slice %arg8[%run_scoped3A_274, %dma_start3A_282, %dma_start3A_283] : memref<3x80x128xf32, #tpu.memory_space<vmem>> -> memref<1x80x128xf32, #tpu.memory_space<vmem>>
      %dma_start3A_285 = tpu.memref_squeeze %dma_start3A_284 : memref<1x80x128xf32, #tpu.memory_space<vmem>> -> memref<80x128xf32, #tpu.memory_space<vmem>>
      %dma_start3A_286 = arith.constant 0 : i32
      %dma_start3A_287 = tpu.memref_slice %arg7[%run_scoped3A_275, %dma_start3A_286] : memref<3x80xi32, #tpu.memory_space<vmem>> -> memref<1x80xi32, #tpu.memory_space<vmem>>
      %dma_start3A_288 = tpu.memref_squeeze %dma_start3A_287 : memref<1x80xi32, #tpu.memory_space<vmem>> -> memref<80xi32, #tpu.memory_space<vmem>>
      %dma_start3A_289 = arith.constant 0 : i32
      %dma_start3A_290 = arith.constant 0 : i32
      %dma_start3A_291 = tpu.memref_slice %arg9[%dma_start3A_289, %dma_start3A_290] : memref<10240x128xf32, #tpu.memory_space<vmem_shared>> -> memref<10240x128xf32, #tpu.memory_space<vmem_shared>>
      tpu.enqueue_indirect_dma source(%dma_start3A_285 : memref<80x128xf32, #tpu.memory_space<vmem>>) target(%dma_start3A_291 : memref<10240x128xf32, #tpu.memory_space<vmem_shared>>) offsets(%dma_start3A_288 : memref<80xi32, #tpu.memory_space<vmem>>) semaphore(%run_scoped3A_281 : memref<!tpu.dma_semaphore, #tpu.memory_space<semaphore_mem>>) {add = true}
      %dma_wait3A_292 = arith.constant 0 : i32
      %dma_wait3A_293 = arith.constant 0 : i32
      %dma_wait3A_294 = tpu.memref_slice %arg8[%run_scoped3A_274, %dma_wait3A_292, %dma_wait3A_293] : memref<3x80x128xf32, #tpu.memory_space<vmem>> -> memref<1x80x128xf32, #tpu.memory_space<vmem>>
      %dma_wait3A_295 = tpu.memref_squeeze %dma_wait3A_294 : memref<1x80x128xf32, #tpu.memory_space<vmem>> -> memref<80x128xf32, #tpu.memory_space<vmem>>
      %dma_wait3A_296 = arith.constant 0 : i32
      %dma_wait3A_297 = tpu.memref_slice %arg7[%run_scoped3A_275, %dma_wait3A_296] : memref<3x80xi32, #tpu.memory_space<vmem>> -> memref<1x80xi32, #tpu.memory_space<vmem>>
      %dma_wait3A_298 = tpu.memref_squeeze %dma_wait3A_297 : memref<1x80xi32, #tpu.memory_space<vmem>> -> memref<80xi32, #tpu.memory_space<vmem>>
      %dma_wait3A_299 = arith.constant 0 : i32
      %dma_wait3A_300 = arith.constant 0 : i32
      %dma_wait3A_301 = tpu.memref_slice %arg9[%dma_wait3A_299, %dma_wait3A_300] : memref<10240x128xf32, #tpu.memory_space<vmem_shared>> -> memref<10240x128xf32, #tpu.memory_space<vmem_shared>>
      tpu.wait_indirect_dma semaphore(%run_scoped3A_281 : memref<!tpu.dma_semaphore, #tpu.memory_space<semaphore_mem>>) src(%dma_wait3A_295 : memref<80x128xf32, #tpu.memory_space<vmem>>) dst(%dma_wait3A_301 : memref<10240x128xf32, #tpu.memory_space<vmem_shared>>)
      tpu.yield
    }) : () -> ()
    %barrier3A_276 = arith.constant 0 : index
    tpu.barrier barrier_id(%barrier3A_276)
    %mul3A_277 = arith.constant 640 : i32
    %mul3A_278 = arith.muli %arg1, %mul3A_277 : i32
    %mul3A_279 = arith.constant 640 : i32
    %mul3A_280 = arith.muli %arg1, %mul3A_279 : i32
    "tpu.region"() ({
      %run_scoped3A_281 = tpu.sem_alloc : memref<!tpu.dma_semaphore, #tpu.memory_space<semaphore_mem>>
      %dma_start3A_282 = arith.constant 0 : i32
      %dma_start3A_283 = tpu.memref_slice %arg5[%arg0, %mul3A_280, %dma_start3A_282] : memref<2x10240x128xf32, #tpu.memory_space<hbm>> -> memref<1x640x128xf32, #tpu.memory_space<hbm>>
      %dma_start3A_284 = tpu.memref_squeeze %dma_start3A_283 : memref<1x640x128xf32, #tpu.memory_space<hbm>> -> memref<640x128xf32, #tpu.memory_space<hbm>>
      %dma_start3A_285 = arith.constant 0 : i32
      %dma_start3A_286 = tpu.memref_slice %arg9[%mul3A_278, %dma_start3A_285] : memref<10240x128xf32, #tpu.memory_space<vmem_shared>> -> memref<640x128xf32, #tpu.memory_space<vmem_shared>>
      tpu.enqueue_dma source(%dma_start3A_286 : memref<640x128xf32, #tpu.memory_space<vmem_shared>>) target(%dma_start3A_284 : memref<640x128xf32, #tpu.memory_space<hbm>>) target_semaphore(%run_scoped3A_281 : memref<!tpu.dma_semaphore, #tpu.memory_space<semaphore_mem>>)
      %dma_wait3A_287 = arith.constant 0 : i32
      %dma_wait3A_288 = tpu.memref_slice %arg5[%arg0, %mul3A_280, %dma_wait3A_287] : memref<2x10240x128xf32, #tpu.memory_space<hbm>> -> memref<1x640x128xf32, #tpu.memory_space<hbm>>
      %dma_wait3A_289 = tpu.memref_squeeze %dma_wait3A_288 : memref<1x640x128xf32, #tpu.memory_space<hbm>> -> memref<640x128xf32, #tpu.memory_space<hbm>>
      %dma_wait3A_290 = arith.constant 0 : i32
      %dma_wait3A_291 = tpu.memref_slice %arg9[%mul3A_278, %dma_wait3A_290] : memref<10240x128xf32, #tpu.memory_space<vmem_shared>> -> memref<640x128xf32, #tpu.memory_space<vmem_shared>>
      tpu.wait_dma2 semaphore(%run_scoped3A_281 : memref<!tpu.dma_semaphore, #tpu.memory_space<semaphore_mem>>) src(%dma_wait3A_291 : memref<640x128xf32, #tpu.memory_space<vmem_shared>>) dst(%dma_wait3A_289 : memref<640x128xf32, #tpu.memory_space<hbm>>)
      tpu.yield
    }) : () -> ()
    return
  }
}

#map = affine_map<(d0, d1) -> (0, 0)>
#map1 = affine_map<(d0, d1) -> (0)>
#map2 = affine_map<(d0, d1) -> (0, 0, 0)>
module attributes {stable_mosaic.version = 14 : i64} {
  func.func @_scatter_kernel(%arg0: i32, %arg1: i32, %arg2: memref<10000x128xf32, #tpu.memory_space<hbm>>, %arg3: memref<320000xi32, #tpu.memory_space<hbm>>, %arg4: memref<320000xi32, #tpu.memory_space<hbm>>, %arg5: memref<2x10240x128xf32, #tpu.memory_space<hbm>>, %arg6: memref<10000xi32, #tpu.memory_space<vmem>>, %arg7: memref<3x80xi32, #tpu.memory_space<vmem>>, %arg8: memref<3x80x128xf32, #tpu.memory_space<vmem>>, %arg9: memref<10240x128xf32, #tpu.memory_space<vmem_shared>>, %arg10: memref<!tpu.dma_semaphore, #tpu.memory_space<semaphore_mem>>, %arg11: memref<!tpu.dma_semaphore, #tpu.memory_space<semaphore_mem>>, %arg12: memref<!tpu.dma_semaphore, #tpu.memory_space<semaphore_mem>>) attributes {dimension_semantics = [#tpu.dimension_semantics<core_parallel>, #tpu.dimension_semantics<subcore_parallel>], iteration_bounds = array<i64: 2, 16>, scalar_prefetch = 0 : i64, scratch_operands = 7 : i64, tpu.core_type = #tpu.core_type<sc_vector_subcore>, window_params = [{transform_indices = #map}, {transform_indices = #map1}, {transform_indices = #map1}, {transform_indices = #map2}]} {
    %mul3A = arith.constant 16 : i32
    %mul3A_0 = arith.muli %arg0, %mul3A : i32
    %add3A = arith.addi %mul3A_0, %arg1 : i32
    %mul3A_1 = arith.constant 10000 : i32
    %mul3A_2 = arith.muli %add3A, %mul3A_1 : i32
    %dma_start3A = tpu.memref_slice %arg3[%mul3A_2] : memref<320000xi32, #tpu.memory_space<hbm>> -> memref<10000xi32, #tpu.memory_space<hbm>>
    %dma_start3A_3 = tpu.memref_slice %arg3[%mul3A_2] : memref<320000xi32, #tpu.memory_space<hbm>> -> memref<10000xi32, #tpu.memory_space<hbm>>
    tpu.enqueue_dma source(%dma_start3A_3 : memref<10000xi32, #tpu.memory_space<hbm>>) target(%arg6 : memref<10000xi32, #tpu.memory_space<vmem>>) target_semaphore(%arg10 : memref<!tpu.dma_semaphore, #tpu.memory_space<semaphore_mem>>)
    %broadcast_in_dim3A = arith.constant 0.000000e+00 : f32
    %broadcast_in_dim3A_4 = vector.broadcast %broadcast_in_dim3A : f32 to vector<16xf32>
    %scan3A = arith.constant 0 : i32
    %scan3A_5 = arith.constant 0 : i32
    %scan3A_6 = arith.constant 80 : i32
    %scan3A_7 = arith.addi %scan3A_5, %scan3A_6 : i32
    %scan3A_8 = arith.constant 1 : i32
    scf.for %scan3A_281 = %scan3A_5 to %scan3A_7 step %scan3A_8  : i32 {
      %swap3A = arith.constant 0 : i32
      %swap3A_282 = arith.index_cast %swap3A : i32 to index
      %swap3A_283 = arith.index_cast %scan3A_281 : i32 to index
      %swap3A_284 = arith.constant 0 : index
      %swap3A_285 = tpu.vector_load %arg8[%swap3A_282, %swap3A_283, %swap3A_284] {strides = array<i32>} : memref<3x80x128xf32, #tpu.memory_space<vmem>>, vector<1x1x16xf32>,
      %swap3A_286 = vector.shape_cast %swap3A_285 : vector<1x1x16xf32> to vector<16xf32>
      %swap3A_287 = vector.shape_cast %broadcast_in_dim3A_4 : vector<16xf32> to vector<1x1x16xf32>
      tpu.vector_store %arg8[%swap3A_282, %swap3A_283, %swap3A_284], %swap3A_287 {strides = array<i32>} : memref<3x80x128xf32, #tpu.memory_space<vmem>>, vector<1x1x16xf32>,
      %swap3A_288 = arith.constant 1 : i32
      %swap3A_289 = arith.index_cast %swap3A_288 : i32 to index
      %swap3A_290 = arith.index_cast %scan3A_281 : i32 to index
      %swap3A_291 = arith.constant 0 : index
      %swap3A_292 = tpu.vector_load %arg8[%swap3A_289, %swap3A_290, %swap3A_291] {strides = array<i32>} : memref<3x80x128xf32, #tpu.memory_space<vmem>>, vector<1x1x16xf32>,
      %swap3A_293 = vector.shape_cast %swap3A_292 : vector<1x1x16xf32> to vector<16xf32>
      %swap3A_294 = vector.shape_cast %broadcast_in_dim3A_4 : vector<16xf32> to vector<1x1x16xf32>
      tpu.vector_store %arg8[%swap3A_289, %swap3A_290, %swap3A_291], %swap3A_294 {strides = array<i32>} : memref<3x80x128xf32, #tpu.memory_space<vmem>>, vector<1x1x16xf32>,
      %swap3A_295 = arith.constant 0 : i32
      %swap3A_296 = arith.index_cast %swap3A_295 : i32 to index
      %swap3A_297 = arith.index_cast %scan3A_281 : i32 to index
      %swap3A_298 = arith.constant 16 : index
      %swap3A_299 = tpu.vector_load %arg8[%swap3A_296, %swap3A_297, %swap3A_298] {strides = array<i32>} : memref<3x80x128xf32, #tpu.memory_space<vmem>>, vector<1x1x16xf32>,
      %swap3A_300 = vector.shape_cast %swap3A_299 : vector<1x1x16xf32> to vector<16xf32>
      %swap3A_301 = vector.shape_cast %broadcast_in_dim3A_4 : vector<16xf32> to vector<1x1x16xf32>
      tpu.vector_store %arg8[%swap3A_296, %swap3A_297, %swap3A_298], %swap3A_301 {strides = array<i32>} : memref<3x80x128xf32, #tpu.memory_space<vmem>>, vector<1x1x16xf32>,
      %swap3A_302 = arith.constant 1 : i32
      %swap3A_303 = arith.index_cast %swap3A_302 : i32 to index
      %swap3A_304 = arith.index_cast %scan3A_281 : i32 to index
      %swap3A_305 = arith.constant 16 : index
      %swap3A_306 = tpu.vector_load %arg8[%swap3A_303, %swap3A_304, %swap3A_305] {strides = array<i32>} : memref<3x80x128xf32, #tpu.memory_space<vmem>>, vector<1x1x16xf32>,
      %swap3A_307 = vector.shape_cast %swap3A_306 : vector<1x1x16xf32> to vector<16xf32>
      %swap3A_308 = vector.shape_cast %broadcast_in_dim3A_4 : vector<16xf32> to vector<1x1x16xf32>
      tpu.vector_store %arg8[%swap3A_303, %swap3A_304, %swap3A_305], %swap3A_308 {strides = array<i32>} : memref<3x80x128xf32, #tpu.memory_space<vmem>>, vector<1x1x16xf32>,
      %swap3A_309 = arith.constant 0 : i32
      %swap3A_310 = arith.index_cast %swap3A_309 : i32 to index
      %swap3A_311 = arith.index_cast %scan3A_281 : i32 to index
      %swap3A_312 = arith.constant 32 : index
      %swap3A_313 = tpu.vector_load %arg8[%swap3A_310, %swap3A_311, %swap3A_312] {strides = array<i32>} : memref<3x80x128xf32, #tpu.memory_space<vmem>>, vector<1x1x16xf32>,
      %swap3A_314 = vector.shape_cast %swap3A_313 : vector<1x1x16xf32> to vector<16xf32>
      %swap3A_315 = vector.shape_cast %broadcast_in_dim3A_4 : vector<16xf32> to vector<1x1x16xf32>
      tpu.vector_store %arg8[%swap3A_310, %swap3A_311, %swap3A_312], %swap3A_315 {strides = array<i32>} : memref<3x80x128xf32, #tpu.memory_space<vmem>>, vector<1x1x16xf32>,
      %swap3A_316 = arith.constant 1 : i32
      %swap3A_317 = arith.index_cast %swap3A_316 : i32 to index
      %swap3A_318 = arith.index_cast %scan3A_281 : i32 to index
      %swap3A_319 = arith.constant 32 : index
      %swap3A_320 = tpu.vector_load %arg8[%swap3A_317, %swap3A_318, %swap3A_319] {strides = array<i32>} : memref<3x80x128xf32, #tpu.memory_space<vmem>>, vector<1x1x16xf32>,
      %swap3A_321 = vector.shape_cast %swap3A_320 : vector<1x1x16xf32> to vector<16xf32>
      %swap3A_322 = vector.shape_cast %broadcast_in_dim3A_4 : vector<16xf32> to vector<1x1x16xf32>
      tpu.vector_store %arg8[%swap3A_317, %swap3A_318, %swap3A_319], %swap3A_322 {strides = array<i32>} : memref<3x80x128xf32, #tpu.memory_space<vmem>>, vector<1x1x16xf32>,
      %swap3A_323 = arith.constant 0 : i32
      %swap3A_324 = arith.index_cast %swap3A_323 : i32 to index
      %swap3A_325 = arith.index_cast %scan3A_281 : i32 to index
      %swap3A_326 = arith.constant 48 : index
      %swap3A_327 = tpu.vector_load %arg8[%swap3A_324, %swap3A_325, %swap3A_326] {strides = array<i32>} : memref<3x80x128xf32, #tpu.memory_space<vmem>>, vector<1x1x16xf32>,
      %swap3A_328 = vector.shape_cast %swap3A_327 : vector<1x1x16xf32> to vector<16xf32>
      %swap3A_329 = vector.shape_cast %broadcast_in_dim3A_4 : vector<16xf32> to vector<1x1x16xf32>
      tpu.vector_store %arg8[%swap3A_324, %swap3A_325, %swap3A_326], %swap3A_329 {strides = array<i32>} : memref<3x80x128xf32, #tpu.memory_space<vmem>>, vector<1x1x16xf32>,
      %swap3A_330 = arith.constant 1 : i32
      %swap3A_331 = arith.index_cast %swap3A_330 : i32 to index
      %swap3A_332 = arith.index_cast %scan3A_281 : i32 to index
      %swap3A_333 = arith.constant 48 : index
      %swap3A_334 = tpu.vector_load %arg8[%swap3A_331, %swap3A_332, %swap3A_333] {strides = array<i32>} : memref<3x80x128xf32, #tpu.memory_space<vmem>>, vector<1x1x16xf32>,
      %swap3A_335 = vector.shape_cast %swap3A_334 : vector<1x1x16xf32> to vector<16xf32>
      %swap3A_336 = vector.shape_cast %broadcast_in_dim3A_4 : vector<16xf32> to vector<1x1x16xf32>
      tpu.vector_store %arg8[%swap3A_331, %swap3A_332, %swap3A_333], %swap3A_336 {strides = array<i32>} : memref<3x80x128xf32, #tpu.memory_space<vmem>>, vector<1x1x16xf32>,
      %swap3A_337 = arith.constant 0 : i32
      %swap3A_338 = arith.index_cast %swap3A_337 : i32 to index
      %swap3A_339 = arith.index_cast %scan3A_281 : i32 to index
      %swap3A_340 = arith.constant 64 : index
      %swap3A_341 = tpu.vector_load %arg8[%swap3A_338, %swap3A_339, %swap3A_340] {strides = array<i32>} : memref<3x80x128xf32, #tpu.memory_space<vmem>>, vector<1x1x16xf32>,
      %swap3A_342 = vector.shape_cast %swap3A_341 : vector<1x1x16xf32> to vector<16xf32>
      %swap3A_343 = vector.shape_cast %broadcast_in_dim3A_4 : vector<16xf32> to vector<1x1x16xf32>
      tpu.vector_store %arg8[%swap3A_338, %swap3A_339, %swap3A_340], %swap3A_343 {strides = array<i32>} : memref<3x80x128xf32, #tpu.memory_space<vmem>>, vector<1x1x16xf32>,
      %swap3A_344 = arith.constant 1 : i32
      %swap3A_345 = arith.index_cast %swap3A_344 : i32 to index
      %swap3A_346 = arith.index_cast %scan3A_281 : i32 to index
      %swap3A_347 = arith.constant 64 : index
      %swap3A_348 = tpu.vector_load %arg8[%swap3A_345, %swap3A_346, %swap3A_347] {strides = array<i32>} : memref<3x80x128xf32, #tpu.memory_space<vmem>>, vector<1x1x16xf32>,
      %swap3A_349 = vector.shape_cast %swap3A_348 : vector<1x1x16xf32> to vector<16xf32>
      %swap3A_350 = vector.shape_cast %broadcast_in_dim3A_4 : vector<16xf32> to vector<1x1x16xf32>
      tpu.vector_store %arg8[%swap3A_345, %swap3A_346, %swap3A_347], %swap3A_350 {strides = array<i32>} : memref<3x80x128xf32, #tpu.memory_space<vmem>>, vector<1x1x16xf32>,
      %swap3A_351 = arith.constant 0 : i32
      %swap3A_352 = arith.index_cast %swap3A_351 : i32 to index
      %swap3A_353 = arith.index_cast %scan3A_281 : i32 to index
      %swap3A_354 = arith.constant 80 : index
      %swap3A_355 = tpu.vector_load %arg8[%swap3A_352, %swap3A_353, %swap3A_354] {strides = array<i32>} : memref<3x80x128xf32, #tpu.memory_space<vmem>>, vector<1x1x16xf32>,
      %swap3A_356 = vector.shape_cast %swap3A_355 : vector<1x1x16xf32> to vector<16xf32>
      %swap3A_357 = vector.shape_cast %broadcast_in_dim3A_4 : vector<16xf32> to vector<1x1x16xf32>
      tpu.vector_store %arg8[%swap3A_352, %swap3A_353, %swap3A_354], %swap3A_357 {strides = array<i32>} : memref<3x80x128xf32, #tpu.memory_space<vmem>>, vector<1x1x16xf32>,
      %swap3A_358 = arith.constant 1 : i32
      %swap3A_359 = arith.index_cast %swap3A_358 : i32 to index
      %swap3A_360 = arith.index_cast %scan3A_281 : i32 to index
      %swap3A_361 = arith.constant 80 : index
      %swap3A_362 = tpu.vector_load %arg8[%swap3A_359, %swap3A_360, %swap3A_361] {strides = array<i32>} : memref<3x80x128xf32, #tpu.memory_space<vmem>>, vector<1x1x16xf32>,
      %swap3A_363 = vector.shape_cast %swap3A_362 : vector<1x1x16xf32> to vector<16xf32>
      %swap3A_364 = vector.shape_cast %broadcast_in_dim3A_4 : vector<16xf32> to vector<1x1x16xf32>
      tpu.vector_store %arg8[%swap3A_359, %swap3A_360, %swap3A_361], %swap3A_364 {strides = array<i32>} : memref<3x80x128xf32, #tpu.memory_space<vmem>>, vector<1x1x16xf32>,
      %swap3A_365 = arith.constant 0 : i32
      %swap3A_366 = arith.index_cast %swap3A_365 : i32 to index
      %swap3A_367 = arith.index_cast %scan3A_281 : i32 to index
      %swap3A_368 = arith.constant 96 : index
      %swap3A_369 = tpu.vector_load %arg8[%swap3A_366, %swap3A_367, %swap3A_368] {strides = array<i32>} : memref<3x80x128xf32, #tpu.memory_space<vmem>>, vector<1x1x16xf32>,
      %swap3A_370 = vector.shape_cast %swap3A_369 : vector<1x1x16xf32> to vector<16xf32>
      %swap3A_371 = vector.shape_cast %broadcast_in_dim3A_4 : vector<16xf32> to vector<1x1x16xf32>
      tpu.vector_store %arg8[%swap3A_366, %swap3A_367, %swap3A_368], %swap3A_371 {strides = array<i32>} : memref<3x80x128xf32, #tpu.memory_space<vmem>>, vector<1x1x16xf32>,
      %swap3A_372 = arith.constant 1 : i32
      %swap3A_373 = arith.index_cast %swap3A_372 : i32 to index
      %swap3A_374 = arith.index_cast %scan3A_281 : i32 to index
      %swap3A_375 = arith.constant 96 : index
      %swap3A_376 = tpu.vector_load %arg8[%swap3A_373, %swap3A_374, %swap3A_375] {strides = array<i32>} : memref<3x80x128xf32, #tpu.memory_space<vmem>>, vector<1x1x16xf32>,
      %swap3A_377 = vector.shape_cast %swap3A_376 : vector<1x1x16xf32> to vector<16xf32>
      %swap3A_378 = vector.shape_cast %broadcast_in_dim3A_4 : vector<16xf32> to vector<1x1x16xf32>
      tpu.vector_store %arg8[%swap3A_373, %swap3A_374, %swap3A_375], %swap3A_378 {strides = array<i32>} : memref<3x80x128xf32, #tpu.memory_space<vmem>>, vector<1x1x16xf32>,
      %swap3A_379 = arith.constant 0 : i32
      %swap3A_380 = arith.index_cast %swap3A_379 : i32 to index
      %swap3A_381 = arith.index_cast %scan3A_281 : i32 to index
      %swap3A_382 = arith.constant 112 : index
      %swap3A_383 = tpu.vector_load %arg8[%swap3A_380, %swap3A_381, %swap3A_382] {strides = array<i32>} : memref<3x80x128xf32, #tpu.memory_space<vmem>>, vector<1x1x16xf32>,
      %swap3A_384 = vector.shape_cast %swap3A_383 : vector<1x1x16xf32> to vector<16xf32>
      %swap3A_385 = vector.shape_cast %broadcast_in_dim3A_4 : vector<16xf32> to vector<1x1x16xf32>
      tpu.vector_store %arg8[%swap3A_380, %swap3A_381, %swap3A_382], %swap3A_385 {strides = array<i32>} : memref<3x80x128xf32, #tpu.memory_space<vmem>>, vector<1x1x16xf32>,
      %swap3A_386 = arith.constant 1 : i32
      %swap3A_387 = arith.index_cast %swap3A_386 : i32 to index
      %swap3A_388 = arith.index_cast %scan3A_281 : i32 to index
      %swap3A_389 = arith.constant 112 : index
      %swap3A_390 = tpu.vector_load %arg8[%swap3A_387, %swap3A_388, %swap3A_389] {strides = array<i32>} : memref<3x80x128xf32, #tpu.memory_space<vmem>>, vector<1x1x16xf32>,
      %swap3A_391 = vector.shape_cast %swap3A_390 : vector<1x1x16xf32> to vector<16xf32>
      %swap3A_392 = vector.shape_cast %broadcast_in_dim3A_4 : vector<16xf32> to vector<1x1x16xf32>
      tpu.vector_store %arg8[%swap3A_387, %swap3A_388, %swap3A_389], %swap3A_392 {strides = array<i32>} : memref<3x80x128xf32, #tpu.memory_space<vmem>>, vector<1x1x16xf32>,
    }
    %scan3A_9 = arith.constant 80 : i32
    %mul3A_10 = arith.constant 640 : i32
    %mul3A_11 = arith.muli %arg1, %mul3A_10 : i32
    %add3A_12 = arith.constant 0 : i32
    %add3A_13 = arith.addi %mul3A_11, %add3A_12 : i32
    %run_scoped3A = arith.constant 0 : i32
    "tpu.region"() ({
      %run_scoped3A_281 = tpu.sem_alloc : memref<!tpu.dma_semaphore, #tpu.memory_space<semaphore_mem>>
      %dma_start3A_282 = arith.constant 0 : i32
      %dma_start3A_283 = arith.constant 0 : i32
      %dma_start3A_284 = tpu.memref_slice %arg8[%run_scoped3A, %dma_start3A_282, %dma_start3A_283] : memref<3x80x128xf32, #tpu.memory_space<vmem>> -> memref<1x80x128xf32, #tpu.memory_space<vmem>>
      %dma_start3A_285 = tpu.memref_squeeze %dma_start3A_284 : memref<1x80x128xf32, #tpu.memory_space<vmem>> -> memref<80x128xf32, #tpu.memory_space<vmem>>
      %dma_start3A_286 = arith.constant 0 : i32
      %dma_start3A_287 = tpu.memref_slice %arg9[%add3A_13, %dma_start3A_286] : memref<10240x128xf32, #tpu.memory_space<vmem_shared>> -> memref<80x128xf32, #tpu.memory_space<vmem_shared>>
      %dma_start3A_288 = arith.constant 0 : i32
      %dma_start3A_289 = tpu.memref_slice %arg9[%add3A_13, %dma_start3A_288] : memref<10240x128xf32, #tpu.memory_space<vmem_shared>> -> memref<80x128xf32, #tpu.memory_space<vmem_shared>>
      %dma_start3A_290 = arith.constant 0 : i32
      %dma_start3A_291 = arith.constant 0 : i32
      %dma_start3A_292 = tpu.memref_slice %arg8[%run_scoped3A, %dma_start3A_290, %dma_start3A_291] : memref<3x80x128xf32, #tpu.memory_space<vmem>> -> memref<1x80x128xf32, #tpu.memory_space<vmem>>
      %dma_start3A_293 = tpu.memref_squeeze %dma_start3A_292 : memref<1x80x128xf32, #tpu.memory_space<vmem>> -> memref<80x128xf32, #tpu.memory_space<vmem>>
      tpu.enqueue_dma source(%dma_start3A_293 : memref<80x128xf32, #tpu.memory_space<vmem>>) target(%dma_start3A_289 : memref<80x128xf32, #tpu.memory_space<vmem_shared>>) target_semaphore(%run_scoped3A_281 : memref<!tpu.dma_semaphore, #tpu.memory_space<semaphore_mem>>)
      %dma_wait3A_294 = arith.constant 0 : i32
      %dma_wait3A_295 = arith.constant 0 : i32
      %dma_wait3A_296 = tpu.memref_slice %arg8[%run_scoped3A, %dma_wait3A_294, %dma_wait3A_295] : memref<3x80x128xf32, #tpu.memory_space<vmem>> -> memref<1x80x128xf32, #tpu.memory_space<vmem>>
      %dma_wait3A_297 = tpu.memref_squeeze %dma_wait3A_296 : memref<1x80x128xf32, #tpu.memory_space<vmem>> -> memref<80x128xf32, #tpu.memory_space<vmem>>
      %dma_wait3A_298 = arith.constant 0 : i32
      %dma_wait3A_299 = tpu.memref_slice %arg9[%add3A_13, %dma_wait3A_298] : memref<10240x128xf32, #tpu.memory_space<vmem_shared>> -> memref<80x128xf32, #tpu.memory_space<vmem_shared>>
      %dma_wait3A_300 = arith.constant 0 : i32
      %dma_wait3A_301 = tpu.memref_slice %arg9[%add3A_13, %dma_wait3A_300] : memref<10240x128xf32, #tpu.memory_space<vmem_shared>> -> memref<80x128xf32, #tpu.memory_space<vmem_shared>>
      %dma_wait3A_302 = arith.constant 0 : i32
      %dma_wait3A_303 = arith.constant 0 : i32
      %dma_wait3A_304 = tpu.memref_slice %arg8[%run_scoped3A, %dma_wait3A_302, %dma_wait3A_303] : memref<3x80x128xf32, #tpu.memory_space<vmem>> -> memref<1x80x128xf32, #tpu.memory_space<vmem>>
      %dma_wait3A_305 = tpu.memref_squeeze %dma_wait3A_304 : memref<1x80x128xf32, #tpu.memory_space<vmem>> -> memref<80x128xf32, #tpu.memory_space<vmem>>
      tpu.wait_dma2 semaphore(%run_scoped3A_281 : memref<!tpu.dma_semaphore, #tpu.memory_space<semaphore_mem>>) src(%dma_wait3A_305 : memref<80x128xf32, #tpu.memory_space<vmem>>) dst(%dma_wait3A_301 : memref<80x128xf32, #tpu.memory_space<vmem_shared>>)
      tpu.yield
    }) : () -> ()
    %mul3A_14 = arith.constant 640 : i32
    %mul3A_15 = arith.muli %arg1, %mul3A_14 : i32
    %add3A_16 = arith.constant 80 : i32
    %add3A_17 = arith.addi %mul3A_15, %add3A_16 : i32
    %run_scoped3A_18 = arith.constant 1 : i32
    "tpu.region"() ({
      %run_scoped3A_281 = tpu.sem_alloc : memref<!tpu.dma_semaphore, #tpu.memory_space<semaphore_mem>>
      %dma_start3A_282 = arith.constant 0 : i32
      %dma_start3A_283 = arith.constant 0 : i32
      %dma_start3A_284 = tpu.memref_slice %arg8[%run_scoped3A_18, %dma_start3A_282, %dma_start3A_283] : memref<3x80x128xf32, #tpu.memory_space<vmem>> -> memref<1x80x128xf32, #tpu.memory_space<vmem>>
      %dma_start3A_285 = tpu.memref_squeeze %dma_start3A_284 : memref<1x80x128xf32, #tpu.memory_space<vmem>> -> memref<80x128xf32, #tpu.memory_space<vmem>>
      %dma_start3A_286 = arith.constant 0 : i32
      %dma_start3A_287 = tpu.memref_slice %arg9[%add3A_17, %dma_start3A_286] : memref<10240x128xf32, #tpu.memory_space<vmem_shared>> -> memref<80x128xf32, #tpu.memory_space<vmem_shared>>
      %dma_start3A_288 = arith.constant 0 : i32
      %dma_start3A_289 = tpu.memref_slice %arg9[%add3A_17, %dma_start3A_288] : memref<10240x128xf32, #tpu.memory_space<vmem_shared>> -> memref<80x128xf32, #tpu.memory_space<vmem_shared>>
      %dma_start3A_290 = arith.constant 0 : i32
      %dma_start3A_291 = arith.constant 0 : i32
      %dma_start3A_292 = tpu.memref_slice %arg8[%run_scoped3A_18, %dma_start3A_290, %dma_start3A_291] : memref<3x80x128xf32, #tpu.memory_space<vmem>> -> memref<1x80x128xf32, #tpu.memory_space<vmem>>
      %dma_start3A_293 = tpu.memref_squeeze %dma_start3A_292 : memref<1x80x128xf32, #tpu.memory_space<vmem>> -> memref<80x128xf32, #tpu.memory_space<vmem>>
      tpu.enqueue_dma source(%dma_start3A_293 : memref<80x128xf32, #tpu.memory_space<vmem>>) target(%dma_start3A_289 : memref<80x128xf32, #tpu.memory_space<vmem_shared>>) target_semaphore(%run_scoped3A_281 : memref<!tpu.dma_semaphore, #tpu.memory_space<semaphore_mem>>)
      %dma_wait3A_294 = arith.constant 0 : i32
      %dma_wait3A_295 = arith.constant 0 : i32
      %dma_wait3A_296 = tpu.memref_slice %arg8[%run_scoped3A_18, %dma_wait3A_294, %dma_wait3A_295] : memref<3x80x128xf32, #tpu.memory_space<vmem>> -> memref<1x80x128xf32, #tpu.memory_space<vmem>>
      %dma_wait3A_297 = tpu.memref_squeeze %dma_wait3A_296 : memref<1x80x128xf32, #tpu.memory_space<vmem>> -> memref<80x128xf32, #tpu.memory_space<vmem>>
      %dma_wait3A_298 = arith.constant 0 : i32
      %dma_wait3A_299 = tpu.memref_slice %arg9[%add3A_17, %dma_wait3A_298] : memref<10240x128xf32, #tpu.memory_space<vmem_shared>> -> memref<80x128xf32, #tpu.memory_space<vmem_shared>>
      %dma_wait3A_300 = arith.constant 0 : i32
      %dma_wait3A_301 = tpu.memref_slice %arg9[%add3A_17, %dma_wait3A_300] : memref<10240x128xf32, #tpu.memory_space<vmem_shared>> -> memref<80x128xf32, #tpu.memory_space<vmem_shared>>
      %dma_wait3A_302 = arith.constant 0 : i32
      %dma_wait3A_303 = arith.constant 0 : i32
      %dma_wait3A_304 = tpu.memref_slice %arg8[%run_scoped3A_18, %dma_wait3A_302, %dma_wait3A_303] : memref<3x80x128xf32, #tpu.memory_space<vmem>> -> memref<1x80x128xf32, #tpu.memory_space<vmem>>
      %dma_wait3A_305 = tpu.memref_squeeze %dma_wait3A_304 : memref<1x80x128xf32, #tpu.memory_space<vmem>> -> memref<80x128xf32, #tpu.memory_space<vmem>>
      tpu.wait_dma2 semaphore(%run_scoped3A_281 : memref<!tpu.dma_semaphore, #tpu.memory_space<semaphore_mem>>) src(%dma_wait3A_305 : memref<80x128xf32, #tpu.memory_space<vmem>>) dst(%dma_wait3A_301 : memref<80x128xf32, #tpu.memory_space<vmem_shared>>)
      tpu.yield
    }) : () -> ()
    %mul3A_19 = arith.constant 640 : i32
    %mul3A_20 = arith.muli %arg1, %mul3A_19 : i32
    %add3A_21 = arith.constant 160 : i32
    %add3A_22 = arith.addi %mul3A_20, %add3A_21 : i32
    %run_scoped3A_23 = arith.constant 0 : i32
    "tpu.region"() ({
      %run_scoped3A_281 = tpu.sem_alloc : memref<!tpu.dma_semaphore, #tpu.memory_space<semaphore_mem>>
      %dma_start3A_282 = arith.constant 0 : i32
      %dma_start3A_283 = arith.constant 0 : i32
      %dma_start3A_284 = tpu.memref_slice %arg8[%run_scoped3A_23, %dma_start3A_282, %dma_start3A_283] : memref<3x80x128xf32, #tpu.memory_space<vmem>> -> memref<1x80x128xf32, #tpu.memory_space<vmem>>
      %dma_start3A_285 = tpu.memref_squeeze %dma_start3A_284 : memref<1x80x128xf32, #tpu.memory_space<vmem>> -> memref<80x128xf32, #tpu.memory_space<vmem>>
      %dma_start3A_286 = arith.constant 0 : i32
      %dma_start3A_287 = tpu.memref_slice %arg9[%add3A_22, %dma_start3A_286] : memref<10240x128xf32, #tpu.memory_space<vmem_shared>> -> memref<80x128xf32, #tpu.memory_space<vmem_shared>>
      %dma_start3A_288 = arith.constant 0 : i32
      %dma_start3A_289 = tpu.memref_slice %arg9[%add3A_22, %dma_start3A_288] : memref<10240x128xf32, #tpu.memory_space<vmem_shared>> -> memref<80x128xf32, #tpu.memory_space<vmem_shared>>
      %dma_start3A_290 = arith.constant 0 : i32
      %dma_start3A_291 = arith.constant 0 : i32
      %dma_start3A_292 = tpu.memref_slice %arg8[%run_scoped3A_23, %dma_start3A_290, %dma_start3A_291] : memref<3x80x128xf32, #tpu.memory_space<vmem>> -> memref<1x80x128xf32, #tpu.memory_space<vmem>>
      %dma_start3A_293 = tpu.memref_squeeze %dma_start3A_292 : memref<1x80x128xf32, #tpu.memory_space<vmem>> -> memref<80x128xf32, #tpu.memory_space<vmem>>
      tpu.enqueue_dma source(%dma_start3A_293 : memref<80x128xf32, #tpu.memory_space<vmem>>) target(%dma_start3A_289 : memref<80x128xf32, #tpu.memory_space<vmem_shared>>) target_semaphore(%run_scoped3A_281 : memref<!tpu.dma_semaphore, #tpu.memory_space<semaphore_mem>>)
      %dma_wait3A_294 = arith.constant 0 : i32
      %dma_wait3A_295 = arith.constant 0 : i32
      %dma_wait3A_296 = tpu.memref_slice %arg8[%run_scoped3A_23, %dma_wait3A_294, %dma_wait3A_295] : memref<3x80x128xf32, #tpu.memory_space<vmem>> -> memref<1x80x128xf32, #tpu.memory_space<vmem>>
      %dma_wait3A_297 = tpu.memref_squeeze %dma_wait3A_296 : memref<1x80x128xf32, #tpu.memory_space<vmem>> -> memref<80x128xf32, #tpu.memory_space<vmem>>
      %dma_wait3A_298 = arith.constant 0 : i32
      %dma_wait3A_299 = tpu.memref_slice %arg9[%add3A_22, %dma_wait3A_298] : memref<10240x128xf32, #tpu.memory_space<vmem_shared>> -> memref<80x128xf32, #tpu.memory_space<vmem_shared>>
      %dma_wait3A_300 = arith.constant 0 : i32
      %dma_wait3A_301 = tpu.memref_slice %arg9[%add3A_22, %dma_wait3A_300] : memref<10240x128xf32, #tpu.memory_space<vmem_shared>> -> memref<80x128xf32, #tpu.memory_space<vmem_shared>>
      %dma_wait3A_302 = arith.constant 0 : i32
      %dma_wait3A_303 = arith.constant 0 : i32
      %dma_wait3A_304 = tpu.memref_slice %arg8[%run_scoped3A_23, %dma_wait3A_302, %dma_wait3A_303] : memref<3x80x128xf32, #tpu.memory_space<vmem>> -> memref<1x80x128xf32, #tpu.memory_space<vmem>>
      %dma_wait3A_305 = tpu.memref_squeeze %dma_wait3A_304 : memref<1x80x128xf32, #tpu.memory_space<vmem>> -> memref<80x128xf32, #tpu.memory_space<vmem>>
      tpu.wait_dma2 semaphore(%run_scoped3A_281 : memref<!tpu.dma_semaphore, #tpu.memory_space<semaphore_mem>>) src(%dma_wait3A_305 : memref<80x128xf32, #tpu.memory_space<vmem>>) dst(%dma_wait3A_301 : memref<80x128xf32, #tpu.memory_space<vmem_shared>>)
      tpu.yield
    }) : () -> ()
    %mul3A_24 = arith.constant 640 : i32
    %mul3A_25 = arith.muli %arg1, %mul3A_24 : i32
    %add3A_26 = arith.constant 240 : i32
    %add3A_27 = arith.addi %mul3A_25, %add3A_26 : i32
    %run_scoped3A_28 = arith.constant 1 : i32
    "tpu.region"() ({
      %run_scoped3A_281 = tpu.sem_alloc : memref<!tpu.dma_semaphore, #tpu.memory_space<semaphore_mem>>
      %dma_start3A_282 = arith.constant 0 : i32
      %dma_start3A_283 = arith.constant 0 : i32
      %dma_start3A_284 = tpu.memref_slice %arg8[%run_scoped3A_28, %dma_start3A_282, %dma_start3A_283] : memref<3x80x128xf32, #tpu.memory_space<vmem>> -> memref<1x80x128xf32, #tpu.memory_space<vmem>>
      %dma_start3A_285 = tpu.memref_squeeze %dma_start3A_284 : memref<1x80x128xf32, #tpu.memory_space<vmem>> -> memref<80x128xf32, #tpu.memory_space<vmem>>
      %dma_start3A_286 = arith.constant 0 : i32
      %dma_start3A_287 = tpu.memref_slice %arg9[%add3A_27, %dma_start3A_286] : memref<10240x128xf32, #tpu.memory_space<vmem_shared>> -> memref<80x128xf32, #tpu.memory_space<vmem_shared>>
      %dma_start3A_288 = arith.constant 0 : i32
      %dma_start3A_289 = tpu.memref_slice %arg9[%add3A_27, %dma_start3A_288] : memref<10240x128xf32, #tpu.memory_space<vmem_shared>> -> memref<80x128xf32, #tpu.memory_space<vmem_shared>>
      %dma_start3A_290 = arith.constant 0 : i32
      %dma_start3A_291 = arith.constant 0 : i32
      %dma_start3A_292 = tpu.memref_slice %arg8[%run_scoped3A_28, %dma_start3A_290, %dma_start3A_291] : memref<3x80x128xf32, #tpu.memory_space<vmem>> -> memref<1x80x128xf32, #tpu.memory_space<vmem>>
      %dma_start3A_293 = tpu.memref_squeeze %dma_start3A_292 : memref<1x80x128xf32, #tpu.memory_space<vmem>> -> memref<80x128xf32, #tpu.memory_space<vmem>>
      tpu.enqueue_dma source(%dma_start3A_293 : memref<80x128xf32, #tpu.memory_space<vmem>>) target(%dma_start3A_289 : memref<80x128xf32, #tpu.memory_space<vmem_shared>>) target_semaphore(%run_scoped3A_281 : memref<!tpu.dma_semaphore, #tpu.memory_space<semaphore_mem>>)
      %dma_wait3A_294 = arith.constant 0 : i32
      %dma_wait3A_295 = arith.constant 0 : i32
      %dma_wait3A_296 = tpu.memref_slice %arg8[%run_scoped3A_28, %dma_wait3A_294, %dma_wait3A_295] : memref<3x80x128xf32, #tpu.memory_space<vmem>> -> memref<1x80x128xf32, #tpu.memory_space<vmem>>
      %dma_wait3A_297 = tpu.memref_squeeze %dma_wait3A_296 : memref<1x80x128xf32, #tpu.memory_space<vmem>> -> memref<80x128xf32, #tpu.memory_space<vmem>>
      %dma_wait3A_298 = arith.constant 0 : i32
      %dma_wait3A_299 = tpu.memref_slice %arg9[%add3A_27, %dma_wait3A_298] : memref<10240x128xf32, #tpu.memory_space<vmem_shared>> -> memref<80x128xf32, #tpu.memory_space<vmem_shared>>
      %dma_wait3A_300 = arith.constant 0 : i32
      %dma_wait3A_301 = tpu.memref_slice %arg9[%add3A_27, %dma_wait3A_300] : memref<10240x128xf32, #tpu.memory_space<vmem_shared>> -> memref<80x128xf32, #tpu.memory_space<vmem_shared>>
      %dma_wait3A_302 = arith.constant 0 : i32
      %dma_wait3A_303 = arith.constant 0 : i32
      %dma_wait3A_304 = tpu.memref_slice %arg8[%run_scoped3A_28, %dma_wait3A_302, %dma_wait3A_303] : memref<3x80x128xf32, #tpu.memory_space<vmem>> -> memref<1x80x128xf32, #tpu.memory_space<vmem>>
      %dma_wait3A_305 = tpu.memref_squeeze %dma_wait3A_304 : memref<1x80x128xf32, #tpu.memory_space<vmem>> -> memref<80x128xf32, #tpu.memory_space<vmem>>
      tpu.wait_dma2 semaphore(%run_scoped3A_281 : memref<!tpu.dma_semaphore, #tpu.memory_space<semaphore_mem>>) src(%dma_wait3A_305 : memref<80x128xf32, #tpu.memory_space<vmem>>) dst(%dma_wait3A_301 : memref<80x128xf32, #tpu.memory_space<vmem_shared>>)
      tpu.yield
    }) : () -> ()
    %mul3A_29 = arith.constant 640 : i32
    %mul3A_30 = arith.muli %arg1, %mul3A_29 : i32
    %add3A_31 = arith.constant 320 : i32
    %add3A_32 = arith.addi %mul3A_30, %add3A_31 : i32
    %run_scoped3A_33 = arith.constant 0 : i32
    "tpu.region"() ({
      %run_scoped3A_281 = tpu.sem_alloc : memref<!tpu.dma_semaphore, #tpu.memory_space<semaphore_mem>>
      %dma_start3A_282 = arith.constant 0 : i32
      %dma_start3A_283 = arith.constant 0 : i32
      %dma_start3A_284 = tpu.memref_slice %arg8[%run_scoped3A_33, %dma_start3A_282, %dma_start3A_283] : memref<3x80x128xf32, #tpu.memory_space<vmem>> -> memref<1x80x128xf32, #tpu.memory_space<vmem>>
      %dma_start3A_285 = tpu.memref_squeeze %dma_start3A_284 : memref<1x80x128xf32, #tpu.memory_space<vmem>> -> memref<80x128xf32, #tpu.memory_space<vmem>>
      %dma_start3A_286 = arith.constant 0 : i32
      %dma_start3A_287 = tpu.memref_slice %arg9[%add3A_32, %dma_start3A_286] : memref<10240x128xf32, #tpu.memory_space<vmem_shared>> -> memref<80x128xf32, #tpu.memory_space<vmem_shared>>
      %dma_start3A_288 = arith.constant 0 : i32
      %dma_start3A_289 = tpu.memref_slice %arg9[%add3A_32, %dma_start3A_288] : memref<10240x128xf32, #tpu.memory_space<vmem_shared>> -> memref<80x128xf32, #tpu.memory_space<vmem_shared>>
      %dma_start3A_290 = arith.constant 0 : i32
      %dma_start3A_291 = arith.constant 0 : i32
      %dma_start3A_292 = tpu.memref_slice %arg8[%run_scoped3A_33, %dma_start3A_290, %dma_start3A_291] : memref<3x80x128xf32, #tpu.memory_space<vmem>> -> memref<1x80x128xf32, #tpu.memory_space<vmem>>
      %dma_start3A_293 = tpu.memref_squeeze %dma_start3A_292 : memref<1x80x128xf32, #tpu.memory_space<vmem>> -> memref<80x128xf32, #tpu.memory_space<vmem>>
      tpu.enqueue_dma source(%dma_start3A_293 : memref<80x128xf32, #tpu.memory_space<vmem>>) target(%dma_start3A_289 : memref<80x128xf32, #tpu.memory_space<vmem_shared>>) target_semaphore(%run_scoped3A_281 : memref<!tpu.dma_semaphore, #tpu.memory_space<semaphore_mem>>)
      %dma_wait3A_294 = arith.constant 0 : i32
      %dma_wait3A_295 = arith.constant 0 : i32
      %dma_wait3A_296 = tpu.memref_slice %arg8[%run_scoped3A_33, %dma_wait3A_294, %dma_wait3A_295] : memref<3x80x128xf32, #tpu.memory_space<vmem>> -> memref<1x80x128xf32, #tpu.memory_space<vmem>>
      %dma_wait3A_297 = tpu.memref_squeeze %dma_wait3A_296 : memref<1x80x128xf32, #tpu.memory_space<vmem>> -> memref<80x128xf32, #tpu.memory_space<vmem>>
      %dma_wait3A_298 = arith.constant 0 : i32
      %dma_wait3A_299 = tpu.memref_slice %arg9[%add3A_32, %dma_wait3A_298] : memref<10240x128xf32, #tpu.memory_space<vmem_shared>> -> memref<80x128xf32, #tpu.memory_space<vmem_shared>>
      %dma_wait3A_300 = arith.constant 0 : i32
      %dma_wait3A_301 = tpu.memref_slice %arg9[%add3A_32, %dma_wait3A_300] : memref<10240x128xf32, #tpu.memory_space<vmem_shared>> -> memref<80x128xf32, #tpu.memory_space<vmem_shared>>
      %dma_wait3A_302 = arith.constant 0 : i32
      %dma_wait3A_303 = arith.constant 0 : i32
      %dma_wait3A_304 = tpu.memref_slice %arg8[%run_scoped3A_33, %dma_wait3A_302, %dma_wait3A_303] : memref<3x80x128xf32, #tpu.memory_space<vmem>> -> memref<1x80x128xf32, #tpu.memory_space<vmem>>
      %dma_wait3A_305 = tpu.memref_squeeze %dma_wait3A_304 : memref<1x80x128xf32, #tpu.memory_space<vmem>> -> memref<80x128xf32, #tpu.memory_space<vmem>>
      tpu.wait_dma2 semaphore(%run_scoped3A_281 : memref<!tpu.dma_semaphore, #tpu.memory_space<semaphore_mem>>) src(%dma_wait3A_305 : memref<80x128xf32, #tpu.memory_space<vmem>>) dst(%dma_wait3A_301 : memref<80x128xf32, #tpu.memory_space<vmem_shared>>)
      tpu.yield
    }) : () -> ()
    %mul3A_34 = arith.constant 640 : i32
    %mul3A_35 = arith.muli %arg1, %mul3A_34 : i32
    %add3A_36 = arith.constant 400 : i32
    %add3A_37 = arith.addi %mul3A_35, %add3A_36 : i32
    %run_scoped3A_38 = arith.constant 1 : i32
    "tpu.region"() ({
      %run_scoped3A_281 = tpu.sem_alloc : memref<!tpu.dma_semaphore, #tpu.memory_space<semaphore_mem>>
      %dma_start3A_282 = arith.constant 0 : i32
      %dma_start3A_283 = arith.constant 0 : i32
      %dma_start3A_284 = tpu.memref_slice %arg8[%run_scoped3A_38, %dma_start3A_282, %dma_start3A_283] : memref<3x80x128xf32, #tpu.memory_space<vmem>> -> memref<1x80x128xf32, #tpu.memory_space<vmem>>
      %dma_start3A_285 = tpu.memref_squeeze %dma_start3A_284 : memref<1x80x128xf32, #tpu.memory_space<vmem>> -> memref<80x128xf32, #tpu.memory_space<vmem>>
      %dma_start3A_286 = arith.constant 0 : i32
      %dma_start3A_287 = tpu.memref_slice %arg9[%add3A_37, %dma_start3A_286] : memref<10240x128xf32, #tpu.memory_space<vmem_shared>> -> memref<80x128xf32, #tpu.memory_space<vmem_shared>>
      %dma_start3A_288 = arith.constant 0 : i32
      %dma_start3A_289 = tpu.memref_slice %arg9[%add3A_37, %dma_start3A_288] : memref<10240x128xf32, #tpu.memory_space<vmem_shared>> -> memref<80x128xf32, #tpu.memory_space<vmem_shared>>
      %dma_start3A_290 = arith.constant 0 : i32
      %dma_start3A_291 = arith.constant 0 : i32
      %dma_start3A_292 = tpu.memref_slice %arg8[%run_scoped3A_38, %dma_start3A_290, %dma_start3A_291] : memref<3x80x128xf32, #tpu.memory_space<vmem>> -> memref<1x80x128xf32, #tpu.memory_space<vmem>>
      %dma_start3A_293 = tpu.memref_squeeze %dma_start3A_292 : memref<1x80x128xf32, #tpu.memory_space<vmem>> -> memref<80x128xf32, #tpu.memory_space<vmem>>
      tpu.enqueue_dma source(%dma_start3A_293 : memref<80x128xf32, #tpu.memory_space<vmem>>) target(%dma_start3A_289 : memref<80x128xf32, #tpu.memory_space<vmem_shared>>) target_semaphore(%run_scoped3A_281 : memref<!tpu.dma_semaphore, #tpu.memory_space<semaphore_mem>>)
      %dma_wait3A_294 = arith.constant 0 : i32
      %dma_wait3A_295 = arith.constant 0 : i32
      %dma_wait3A_296 = tpu.memref_slice %arg8[%run_scoped3A_38, %dma_wait3A_294, %dma_wait3A_295] : memref<3x80x128xf32, #tpu.memory_space<vmem>> -> memref<1x80x128xf32, #tpu.memory_space<vmem>>
      %dma_wait3A_297 = tpu.memref_squeeze %dma_wait3A_296 : memref<1x80x128xf32, #tpu.memory_space<vmem>> -> memref<80x128xf32, #tpu.memory_space<vmem>>
      %dma_wait3A_298 = arith.constant 0 : i32
      %dma_wait3A_299 = tpu.memref_slice %arg9[%add3A_37, %dma_wait3A_298] : memref<10240x128xf32, #tpu.memory_space<vmem_shared>> -> memref<80x128xf32, #tpu.memory_space<vmem_shared>>
      %dma_wait3A_300 = arith.constant 0 : i32
      %dma_wait3A_301 = tpu.memref_slice %arg9[%add3A_37, %dma_wait3A_300] : memref<10240x128xf32, #tpu.memory_space<vmem_shared>> -> memref<80x128xf32, #tpu.memory_space<vmem_shared>>
      %dma_wait3A_302 = arith.constant 0 : i32
      %dma_wait3A_303 = arith.constant 0 : i32
      %dma_wait3A_304 = tpu.memref_slice %arg8[%run_scoped3A_38, %dma_wait3A_302, %dma_wait3A_303] : memref<3x80x128xf32, #tpu.memory_space<vmem>> -> memref<1x80x128xf32, #tpu.memory_space<vmem>>
      %dma_wait3A_305 = tpu.memref_squeeze %dma_wait3A_304 : memref<1x80x128xf32, #tpu.memory_space<vmem>> -> memref<80x128xf32, #tpu.memory_space<vmem>>
      tpu.wait_dma2 semaphore(%run_scoped3A_281 : memref<!tpu.dma_semaphore, #tpu.memory_space<semaphore_mem>>) src(%dma_wait3A_305 : memref<80x128xf32, #tpu.memory_space<vmem>>) dst(%dma_wait3A_301 : memref<80x128xf32, #tpu.memory_space<vmem_shared>>)
      tpu.yield
    }) : () -> ()
    %mul3A_39 = arith.constant 640 : i32
    %mul3A_40 = arith.muli %arg1, %mul3A_39 : i32
    %add3A_41 = arith.constant 480 : i32
    %add3A_42 = arith.addi %mul3A_40, %add3A_41 : i32
    %run_scoped3A_43 = arith.constant 0 : i32
    "tpu.region"() ({
      %run_scoped3A_281 = tpu.sem_alloc : memref<!tpu.dma_semaphore, #tpu.memory_space<semaphore_mem>>
      %dma_start3A_282 = arith.constant 0 : i32
      %dma_start3A_283 = arith.constant 0 : i32
      %dma_start3A_284 = tpu.memref_slice %arg8[%run_scoped3A_43, %dma_start3A_282, %dma_start3A_283] : memref<3x80x128xf32, #tpu.memory_space<vmem>> -> memref<1x80x128xf32, #tpu.memory_space<vmem>>
      %dma_start3A_285 = tpu.memref_squeeze %dma_start3A_284 : memref<1x80x128xf32, #tpu.memory_space<vmem>> -> memref<80x128xf32, #tpu.memory_space<vmem>>
      %dma_start3A_286 = arith.constant 0 : i32
      %dma_start3A_287 = tpu.memref_slice %arg9[%add3A_42, %dma_start3A_286] : memref<10240x128xf32, #tpu.memory_space<vmem_shared>> -> memref<80x128xf32, #tpu.memory_space<vmem_shared>>
      %dma_start3A_288 = arith.constant 0 : i32
      %dma_start3A_289 = tpu.memref_slice %arg9[%add3A_42, %dma_start3A_288] : memref<10240x128xf32, #tpu.memory_space<vmem_shared>> -> memref<80x128xf32, #tpu.memory_space<vmem_shared>>
      %dma_start3A_290 = arith.constant 0 : i32
      %dma_start3A_291 = arith.constant 0 : i32
      %dma_start3A_292 = tpu.memref_slice %arg8[%run_scoped3A_43, %dma_start3A_290, %dma_start3A_291] : memref<3x80x128xf32, #tpu.memory_space<vmem>> -> memref<1x80x128xf32, #tpu.memory_space<vmem>>
      %dma_start3A_293 = tpu.memref_squeeze %dma_start3A_292 : memref<1x80x128xf32, #tpu.memory_space<vmem>> -> memref<80x128xf32, #tpu.memory_space<vmem>>
      tpu.enqueue_dma source(%dma_start3A_293 : memref<80x128xf32, #tpu.memory_space<vmem>>) target(%dma_start3A_289 : memref<80x128xf32, #tpu.memory_space<vmem_shared>>) target_semaphore(%run_scoped3A_281 : memref<!tpu.dma_semaphore, #tpu.memory_space<semaphore_mem>>)
      %dma_wait3A_294 = arith.constant 0 : i32
      %dma_wait3A_295 = arith.constant 0 : i32
      %dma_wait3A_296 = tpu.memref_slice %arg8[%run_scoped3A_43, %dma_wait3A_294, %dma_wait3A_295] : memref<3x80x128xf32, #tpu.memory_space<vmem>> -> memref<1x80x128xf32, #tpu.memory_space<vmem>>
      %dma_wait3A_297 = tpu.memref_squeeze %dma_wait3A_296 : memref<1x80x128xf32, #tpu.memory_space<vmem>> -> memref<80x128xf32, #tpu.memory_space<vmem>>
      %dma_wait3A_298 = arith.constant 0 : i32
      %dma_wait3A_299 = tpu.memref_slice %arg9[%add3A_42, %dma_wait3A_298] : memref<10240x128xf32, #tpu.memory_space<vmem_shared>> -> memref<80x128xf32, #tpu.memory_space<vmem_shared>>
      %dma_wait3A_300 = arith.constant 0 : i32
      %dma_wait3A_301 = tpu.memref_slice %arg9[%add3A_42, %dma_wait3A_300] : memref<10240x128xf32, #tpu.memory_space<vmem_shared>> -> memref<80x128xf32, #tpu.memory_space<vmem_shared>>
      %dma_wait3A_302 = arith.constant 0 : i32
      %dma_wait3A_303 = arith.constant 0 : i32
      %dma_wait3A_304 = tpu.memref_slice %arg8[%run_scoped3A_43, %dma_wait3A_302, %dma_wait3A_303] : memref<3x80x128xf32, #tpu.memory_space<vmem>> -> memref<1x80x128xf32, #tpu.memory_space<vmem>>
      %dma_wait3A_305 = tpu.memref_squeeze %dma_wait3A_304 : memref<1x80x128xf32, #tpu.memory_space<vmem>> -> memref<80x128xf32, #tpu.memory_space<vmem>>
      tpu.wait_dma2 semaphore(%run_scoped3A_281 : memref<!tpu.dma_semaphore, #tpu.memory_space<semaphore_mem>>) src(%dma_wait3A_305 : memref<80x128xf32, #tpu.memory_space<vmem>>) dst(%dma_wait3A_301 : memref<80x128xf32, #tpu.memory_space<vmem_shared>>)
      tpu.yield
    }) : () -> ()
    %mul3A_44 = arith.constant 640 : i32
    %mul3A_45 = arith.muli %arg1, %mul3A_44 : i32
    %add3A_46 = arith.constant 560 : i32
    %add3A_47 = arith.addi %mul3A_45, %add3A_46 : i32
    %run_scoped3A_48 = arith.constant 1 : i32
    "tpu.region"() ({
      %run_scoped3A_281 = tpu.sem_alloc : memref<!tpu.dma_semaphore, #tpu.memory_space<semaphore_mem>>
      %dma_start3A_282 = arith.constant 0 : i32
      %dma_start3A_283 = arith.constant 0 : i32
      %dma_start3A_284 = tpu.memref_slice %arg8[%run_scoped3A_48, %dma_start3A_282, %dma_start3A_283] : memref<3x80x128xf32, #tpu.memory_space<vmem>> -> memref<1x80x128xf32, #tpu.memory_space<vmem>>
      %dma_start3A_285 = tpu.memref_squeeze %dma_start3A_284 : memref<1x80x128xf32, #tpu.memory_space<vmem>> -> memref<80x128xf32, #tpu.memory_space<vmem>>
      %dma_start3A_286 = arith.constant 0 : i32
      %dma_start3A_287 = tpu.memref_slice %arg9[%add3A_47, %dma_start3A_286] : memref<10240x128xf32, #tpu.memory_space<vmem_shared>> -> memref<80x128xf32, #tpu.memory_space<vmem_shared>>
      %dma_start3A_288 = arith.constant 0 : i32
      %dma_start3A_289 = tpu.memref_slice %arg9[%add3A_47, %dma_start3A_288] : memref<10240x128xf32, #tpu.memory_space<vmem_shared>> -> memref<80x128xf32, #tpu.memory_space<vmem_shared>>
      %dma_start3A_290 = arith.constant 0 : i32
      %dma_start3A_291 = arith.constant 0 : i32
      %dma_start3A_292 = tpu.memref_slice %arg8[%run_scoped3A_48, %dma_start3A_290, %dma_start3A_291] : memref<3x80x128xf32, #tpu.memory_space<vmem>> -> memref<1x80x128xf32, #tpu.memory_space<vmem>>
      %dma_start3A_293 = tpu.memref_squeeze %dma_start3A_292 : memref<1x80x128xf32, #tpu.memory_space<vmem>> -> memref<80x128xf32, #tpu.memory_space<vmem>>
      tpu.enqueue_dma source(%dma_start3A_293 : memref<80x128xf32, #tpu.memory_space<vmem>>) target(%dma_start3A_289 : memref<80x128xf32, #tpu.memory_space<vmem_shared>>) target_semaphore(%run_scoped3A_281 : memref<!tpu.dma_semaphore, #tpu.memory_space<semaphore_mem>>)
      %dma_wait3A_294 = arith.constant 0 : i32
      %dma_wait3A_295 = arith.constant 0 : i32
      %dma_wait3A_296 = tpu.memref_slice %arg8[%run_scoped3A_48, %dma_wait3A_294, %dma_wait3A_295] : memref<3x80x128xf32, #tpu.memory_space<vmem>> -> memref<1x80x128xf32, #tpu.memory_space<vmem>>
      %dma_wait3A_297 = tpu.memref_squeeze %dma_wait3A_296 : memref<1x80x128xf32, #tpu.memory_space<vmem>> -> memref<80x128xf32, #tpu.memory_space<vmem>>
      %dma_wait3A_298 = arith.constant 0 : i32
      %dma_wait3A_299 = tpu.memref_slice %arg9[%add3A_47, %dma_wait3A_298] : memref<10240x128xf32, #tpu.memory_space<vmem_shared>> -> memref<80x128xf32, #tpu.memory_space<vmem_shared>>
      %dma_wait3A_300 = arith.constant 0 : i32
      %dma_wait3A_301 = tpu.memref_slice %arg9[%add3A_47, %dma_wait3A_300] : memref<10240x128xf32, #tpu.memory_space<vmem_shared>> -> memref<80x128xf32, #tpu.memory_space<vmem_shared>>
      %dma_wait3A_302 = arith.constant 0 : i32
      %dma_wait3A_303 = arith.constant 0 : i32
      %dma_wait3A_304 = tpu.memref_slice %arg8[%run_scoped3A_48, %dma_wait3A_302, %dma_wait3A_303] : memref<3x80x128xf32, #tpu.memory_space<vmem>> -> memref<1x80x128xf32, #tpu.memory_space<vmem>>
      %dma_wait3A_305 = tpu.memref_squeeze %dma_wait3A_304 : memref<1x80x128xf32, #tpu.memory_space<vmem>> -> memref<80x128xf32, #tpu.memory_space<vmem>>
      tpu.wait_dma2 semaphore(%run_scoped3A_281 : memref<!tpu.dma_semaphore, #tpu.memory_space<semaphore_mem>>) src(%dma_wait3A_305 : memref<80x128xf32, #tpu.memory_space<vmem>>) dst(%dma_wait3A_301 : memref<80x128xf32, #tpu.memory_space<vmem_shared>>)
      tpu.yield
    }) : () -> ()
    %dma_wait3A = tpu.memref_slice %arg3[%mul3A_2] : memref<320000xi32, #tpu.memory_space<hbm>> -> memref<10000xi32, #tpu.memory_space<hbm>>
    %dma_wait3A_49 = tpu.memref_slice %arg3[%mul3A_2] : memref<320000xi32, #tpu.memory_space<hbm>> -> memref<10000xi32, #tpu.memory_space<hbm>>
    tpu.wait_dma2 semaphore(%arg10 : memref<!tpu.dma_semaphore, #tpu.memory_space<semaphore_mem>>) src(%dma_wait3A_49 : memref<10000xi32, #tpu.memory_space<hbm>>) dst(%arg6 : memref<10000xi32, #tpu.memory_space<vmem>>)
    %barrier3A = arith.constant 0 : index
    tpu.barrier barrier_id(%barrier3A)
    %add3A_50 = arith.constant 0 : i32
    %add3A_51 = arith.addi %mul3A_2, %add3A_50 : i32
    %dma_start3A_52 = arith.constant 0 : i32
    %dma_start3A_53 = arith.constant 0 : i32
    %dma_start3A_54 = tpu.memref_slice %arg7[%dma_start3A_52, %dma_start3A_53] : memref<3x80xi32, #tpu.memory_space<vmem>> -> memref<1x80xi32, #tpu.memory_space<vmem>>
    %dma_start3A_55 = tpu.memref_squeeze %dma_start3A_54 : memref<1x80xi32, #tpu.memory_space<vmem>> -> memref<80xi32, #tpu.memory_space<vmem>>
    %dma_start3A_56 = tpu.memref_slice %arg4[%add3A_51] : memref<320000xi32, #tpu.memory_space<hbm>> -> memref<80xi32, #tpu.memory_space<hbm>>
    %dma_start3A_57 = arith.constant 0 : i32
    %dma_start3A_58 = tpu.memref_slice %arg7[%dma_start3A_52, %dma_start3A_57] : memref<3x80xi32, #tpu.memory_space<vmem>> -> memref<1x80xi32, #tpu.memory_space<vmem>>
    %dma_start3A_59 = tpu.memref_squeeze %dma_start3A_58 : memref<1x80xi32, #tpu.memory_space<vmem>> -> memref<80xi32, #tpu.memory_space<vmem>>
    %dma_start3A_60 = tpu.memref_slice %arg4[%add3A_51] : memref<320000xi32, #tpu.memory_space<hbm>> -> memref<80xi32, #tpu.memory_space<hbm>>
    tpu.enqueue_dma source(%dma_start3A_60 : memref<80xi32, #tpu.memory_space<hbm>>) target(%dma_start3A_59 : memref<80xi32, #tpu.memory_space<vmem>>) target_semaphore(%arg11 : memref<!tpu.dma_semaphore, #tpu.memory_space<semaphore_mem>>)
    %dma_start3A_61 = arith.constant 0 : i32
    %dma_start3A_62 = arith.constant 0 : i32
    %dma_start3A_63 = arith.constant 0 : i32
    %dma_start3A_64 = tpu.memref_slice %arg8[%dma_start3A_61, %dma_start3A_62, %dma_start3A_63] : memref<3x80x128xf32, #tpu.memory_space<vmem>> -> memref<1x80x128xf32, #tpu.memory_space<vmem>>
    %dma_start3A_65 = tpu.memref_squeeze %dma_start3A_64 : memref<1x80x128xf32, #tpu.memory_space<vmem>> -> memref<80x128xf32, #tpu.memory_space<vmem>>
    %dma_start3A_66 = arith.constant 0 : i32
    %dma_start3A_67 = tpu.memref_slice %arg6[%dma_start3A_66] : memref<10000xi32, #tpu.memory_space<vmem>> -> memref<80xi32, #tpu.memory_space<vmem>>
    %dma_start3A_68 = arith.constant 0 : i32
    %dma_start3A_69 = arith.constant 0 : i32
    %dma_start3A_70 = tpu.memref_slice %arg2[%dma_start3A_68, %dma_start3A_69] : memref<10000x128xf32, #tpu.memory_space<hbm>> -> memref<10000x128xf32, #tpu.memory_space<hbm>>
    tpu.enqueue_indirect_dma source(%dma_start3A_70 : memref<10000x128xf32, #tpu.memory_space<hbm>>) target(%dma_start3A_65 : memref<80x128xf32, #tpu.memory_space<vmem>>) offsets(%dma_start3A_67 : memref<80xi32, #tpu.memory_space<vmem>>) semaphore(%arg12 : memref<!tpu.dma_semaphore, #tpu.memory_space<semaphore_mem>>)
    %add3A_71 = arith.constant 80 : i32
    %add3A_72 = arith.addi %mul3A_2, %add3A_71 : i32
    %dma_start3A_73 = arith.constant 1 : i32
    %dma_start3A_74 = arith.constant 0 : i32
    %dma_start3A_75 = tpu.memref_slice %arg7[%dma_start3A_73, %dma_start3A_74] : memref<3x80xi32, #tpu.memory_space<vmem>> -> memref<1x80xi32, #tpu.memory_space<vmem>>
    %dma_start3A_76 = tpu.memref_squeeze %dma_start3A_75 : memref<1x80xi32, #tpu.memory_space<vmem>> -> memref<80xi32, #tpu.memory_space<vmem>>
    %dma_start3A_77 = tpu.memref_slice %arg4[%add3A_72] : memref<320000xi32, #tpu.memory_space<hbm>> -> memref<80xi32, #tpu.memory_space<hbm>>
    %dma_start3A_78 = arith.constant 0 : i32
    %dma_start3A_79 = tpu.memref_slice %arg7[%dma_start3A_73, %dma_start3A_78] : memref<3x80xi32, #tpu.memory_space<vmem>> -> memref<1x80xi32, #tpu.memory_space<vmem>>
    %dma_start3A_80 = tpu.memref_squeeze %dma_start3A_79 : memref<1x80xi32, #tpu.memory_space<vmem>> -> memref<80xi32, #tpu.memory_space<vmem>>
    %dma_start3A_81 = tpu.memref_slice %arg4[%add3A_72] : memref<320000xi32, #tpu.memory_space<hbm>> -> memref<80xi32, #tpu.memory_space<hbm>>
    tpu.enqueue_dma source(%dma_start3A_81 : memref<80xi32, #tpu.memory_space<hbm>>) target(%dma_start3A_80 : memref<80xi32, #tpu.memory_space<vmem>>) target_semaphore(%arg11 : memref<!tpu.dma_semaphore, #tpu.memory_space<semaphore_mem>>)
    %dma_start3A_82 = arith.constant 1 : i32
    %dma_start3A_83 = arith.constant 0 : i32
    %dma_start3A_84 = arith.constant 0 : i32
    %dma_start3A_85 = tpu.memref_slice %arg8[%dma_start3A_82, %dma_start3A_83, %dma_start3A_84] : memref<3x80x128xf32, #tpu.memory_space<vmem>> -> memref<1x80x128xf32, #tpu.memory_space<vmem>>
    %dma_start3A_86 = tpu.memref_squeeze %dma_start3A_85 : memref<1x80x128xf32, #tpu.memory_space<vmem>> -> memref<80x128xf32, #tpu.memory_space<vmem>>
    %dma_start3A_87 = arith.constant 80 : i32
    %dma_start3A_88 = tpu.memref_slice %arg6[%dma_start3A_87] : memref<10000xi32, #tpu.memory_space<vmem>> -> memref<80xi32, #tpu.memory_space<vmem>>
    %dma_start3A_89 = arith.constant 0 : i32
    %dma_start3A_90 = arith.constant 0 : i32
    %dma_start3A_91 = tpu.memref_slice %arg2[%dma_start3A_89, %dma_start3A_90] : memref<10000x128xf32, #tpu.memory_space<hbm>> -> memref<10000x128xf32, #tpu.memory_space<hbm>>
    tpu.enqueue_indirect_dma source(%dma_start3A_91 : memref<10000x128xf32, #tpu.memory_space<hbm>>) target(%dma_start3A_86 : memref<80x128xf32, #tpu.memory_space<vmem>>) offsets(%dma_start3A_88 : memref<80xi32, #tpu.memory_space<vmem>>) semaphore(%arg12 : memref<!tpu.dma_semaphore, #tpu.memory_space<semaphore_mem>>)
    %add3A_92 = arith.constant 160 : i32
    %add3A_93 = arith.addi %mul3A_2, %add3A_92 : i32
    %dma_start3A_94 = arith.constant 2 : i32
    %dma_start3A_95 = arith.constant 0 : i32
    %dma_start3A_96 = tpu.memref_slice %arg7[%dma_start3A_94, %dma_start3A_95] : memref<3x80xi32, #tpu.memory_space<vmem>> -> memref<1x80xi32, #tpu.memory_space<vmem>>
    %dma_start3A_97 = tpu.memref_squeeze %dma_start3A_96 : memref<1x80xi32, #tpu.memory_space<vmem>> -> memref<80xi32, #tpu.memory_space<vmem>>
    %dma_start3A_98 = tpu.memref_slice %arg4[%add3A_93] : memref<320000xi32, #tpu.memory_space<hbm>> -> memref<80xi32, #tpu.memory_space<hbm>>
    %dma_start3A_99 = arith.constant 0 : i32
    %dma_start3A_100 = tpu.memref_slice %arg7[%dma_start3A_94, %dma_start3A_99] : memref<3x80xi32, #tpu.memory_space<vmem>> -> memref<1x80xi32, #tpu.memory_space<vmem>>
    %dma_start3A_101 = tpu.memref_squeeze %dma_start3A_100 : memref<1x80xi32, #tpu.memory_space<vmem>> -> memref<80xi32, #tpu.memory_space<vmem>>
    %dma_start3A_102 = tpu.memref_slice %arg4[%add3A_93] : memref<320000xi32, #tpu.memory_space<hbm>> -> memref<80xi32, #tpu.memory_space<hbm>>
    tpu.enqueue_dma source(%dma_start3A_102 : memref<80xi32, #tpu.memory_space<hbm>>) target(%dma_start3A_101 : memref<80xi32, #tpu.memory_space<vmem>>) target_semaphore(%arg11 : memref<!tpu.dma_semaphore, #tpu.memory_space<semaphore_mem>>)
    %dma_start3A_103 = arith.constant 2 : i32
    %dma_start3A_104 = arith.constant 0 : i32
    %dma_start3A_105 = arith.constant 0 : i32
    %dma_start3A_106 = tpu.memref_slice %arg8[%dma_start3A_103, %dma_start3A_104, %dma_start3A_105] : memref<3x80x128xf32, #tpu.memory_space<vmem>> -> memref<1x80x128xf32, #tpu.memory_space<vmem>>
    %dma_start3A_107 = tpu.memref_squeeze %dma_start3A_106 : memref<1x80x128xf32, #tpu.memory_space<vmem>> -> memref<80x128xf32, #tpu.memory_space<vmem>>
    %dma_start3A_108 = arith.constant 160 : i32
    %dma_start3A_109 = tpu.memref_slice %arg6[%dma_start3A_108] : memref<10000xi32, #tpu.memory_space<vmem>> -> memref<80xi32, #tpu.memory_space<vmem>>
    %dma_start3A_110 = arith.constant 0 : i32
    %dma_start3A_111 = arith.constant 0 : i32
    %dma_start3A_112 = tpu.memref_slice %arg2[%dma_start3A_110, %dma_start3A_111] : memref<10000x128xf32, #tpu.memory_space<hbm>> -> memref<10000x128xf32, #tpu.memory_space<hbm>>
    tpu.enqueue_indirect_dma source(%dma_start3A_112 : memref<10000x128xf32, #tpu.memory_space<hbm>>) target(%dma_start3A_107 : memref<80x128xf32, #tpu.memory_space<vmem>>) offsets(%dma_start3A_109 : memref<80xi32, #tpu.memory_space<vmem>>) semaphore(%arg12 : memref<!tpu.dma_semaphore, #tpu.memory_space<semaphore_mem>>)
    %scan3A_113 = arith.constant 0 : i32
    %scan3A_114 = arith.constant 0 : i32
    %scan3A_115 = arith.constant 40 : i32
    %scan3A_116 = arith.addi %scan3A_114, %scan3A_115 : i32
    %scan3A_117 = arith.constant 1 : i32
    scf.for %scan3A_281 = %scan3A_114 to %scan3A_116 step %scan3A_117  : i32 {
      %mul3A_282 = arith.constant 3 : i32
      %mul3A_283 = arith.muli %mul3A_282, %scan3A_281 : i32
      %mul3A_284 = arith.constant 80 : i32
      %mul3A_285 = arith.muli %mul3A_283, %mul3A_284 : i32
      %dma_wait3A_286 = arith.constant 0 : i32
      %dma_wait3A_287 = arith.constant 0 : i32
      %dma_wait3A_288 = arith.constant 0 : i32
      %dma_wait3A_289 = tpu.memref_slice %arg8[%dma_wait3A_286, %dma_wait3A_287, %dma_wait3A_288] : memref<3x80x128xf32, #tpu.memory_space<vmem>> -> memref<1x80x128xf32, #tpu.memory_space<vmem>>
      %dma_wait3A_290 = tpu.memref_squeeze %dma_wait3A_289 : memref<1x80x128xf32, #tpu.memory_space<vmem>> -> memref<80x128xf32, #tpu.memory_space<vmem>>
      %dma_wait3A_291 = tpu.memref_slice %arg6[%mul3A_285] : memref<10000xi32, #tpu.memory_space<vmem>> -> memref<80xi32, #tpu.memory_space<vmem>>
      %dma_wait3A_292 = arith.constant 0 : i32
      %dma_wait3A_293 = arith.constant 0 : i32
      %dma_wait3A_294 = tpu.memref_slice %arg2[%dma_wait3A_292, %dma_wait3A_293] : memref<10000x128xf32, #tpu.memory_space<hbm>> -> memref<10000x128xf32, #tpu.memory_space<hbm>>
      tpu.wait_indirect_dma semaphore(%arg12 : memref<!tpu.dma_semaphore, #tpu.memory_space<semaphore_mem>>) src(%dma_wait3A_294 : memref<10000x128xf32, #tpu.memory_space<hbm>>) dst(%dma_wait3A_290 : memref<80x128xf32, #tpu.memory_space<vmem>>)
      %mul3A_295 = arith.constant 80 : i32
      %mul3A_296 = arith.muli %mul3A_283, %mul3A_295 : i32
      %add3A_297 = arith.addi %mul3A_2, %mul3A_296 : i32
      %dma_wait3A_298 = arith.constant 0 : i32
      %dma_wait3A_299 = arith.constant 0 : i32
      %dma_wait3A_300 = tpu.memref_slice %arg7[%dma_wait3A_298, %dma_wait3A_299] : memref<3x80xi32, #tpu.memory_space<vmem>> -> memref<1x80xi32, #tpu.memory_space<vmem>>
      %dma_wait3A_301 = tpu.memref_squeeze %dma_wait3A_300 : memref<1x80xi32, #tpu.memory_space<vmem>> -> memref<80xi32, #tpu.memory_space<vmem>>
      %dma_wait3A_302 = tpu.memref_slice %arg4[%add3A_297] : memref<320000xi32, #tpu.memory_space<hbm>> -> memref<80xi32, #tpu.memory_space<hbm>>
      %dma_wait3A_303 = arith.constant 0 : i32
      %dma_wait3A_304 = tpu.memref_slice %arg7[%dma_wait3A_298, %dma_wait3A_303] : memref<3x80xi32, #tpu.memory_space<vmem>> -> memref<1x80xi32, #tpu.memory_space<vmem>>
      %dma_wait3A_305 = tpu.memref_squeeze %dma_wait3A_304 : memref<1x80xi32, #tpu.memory_space<vmem>> -> memref<80xi32, #tpu.memory_space<vmem>>
      %dma_wait3A_306 = tpu.memref_slice %arg4[%add3A_297] : memref<320000xi32, #tpu.memory_space<hbm>> -> memref<80xi32, #tpu.memory_space<hbm>>
      tpu.wait_dma2 semaphore(%arg11 : memref<!tpu.dma_semaphore, #tpu.memory_space<semaphore_mem>>) src(%dma_wait3A_306 : memref<80xi32, #tpu.memory_space<hbm>>) dst(%dma_wait3A_305 : memref<80xi32, #tpu.memory_space<vmem>>)
      %run_scoped3A_307 = arith.constant 0 : i32
      %run_scoped3A_308 = arith.constant 0 : i32
      "tpu.region"() ({
        %run_scoped3A_444 = tpu.sem_alloc : memref<!tpu.dma_semaphore, #tpu.memory_space<semaphore_mem>>
        %dma_start3A_445 = arith.constant 0 : i32
        %dma_start3A_446 = arith.constant 0 : i32
        %dma_start3A_447 = tpu.memref_slice %arg8[%run_scoped3A_307, %dma_start3A_445, %dma_start3A_446] : memref<3x80x128xf32, #tpu.memory_space<vmem>> -> memref<1x80x128xf32, #tpu.memory_space<vmem>>
        %dma_start3A_448 = tpu.memref_squeeze %dma_start3A_447 : memref<1x80x128xf32, #tpu.memory_space<vmem>> -> memref<80x128xf32, #tpu.memory_space<vmem>>
        %dma_start3A_449 = arith.constant 0 : i32
        %dma_start3A_450 = tpu.memref_slice %arg7[%run_scoped3A_308, %dma_start3A_449] : memref<3x80xi32, #tpu.memory_space<vmem>> -> memref<1x80xi32, #tpu.memory_space<vmem>>
        %dma_start3A_451 = tpu.memref_squeeze %dma_start3A_450 : memref<1x80xi32, #tpu.memory_space<vmem>> -> memref<80xi32, #tpu.memory_space<vmem>>
        %dma_start3A_452 = arith.constant 0 : i32
        %dma_start3A_453 = arith.constant 0 : i32
        %dma_start3A_454 = tpu.memref_slice %arg9[%dma_start3A_452, %dma_start3A_453] : memref<10240x128xf32, #tpu.memory_space<vmem_shared>> -> memref<10240x128xf32, #tpu.memory_space<vmem_shared>>
        tpu.enqueue_indirect_dma source(%dma_start3A_448 : memref<80x128xf32, #tpu.memory_space<vmem>>) target(%dma_start3A_454 : memref<10240x128xf32, #tpu.memory_space<vmem_shared>>) offsets(%dma_start3A_451 : memref<80xi32, #tpu.memory_space<vmem>>) semaphore(%run_scoped3A_444 : memref<!tpu.dma_semaphore, #tpu.memory_space<semaphore_mem>>) {add = true}
        %dma_wait3A_455 = arith.constant 0 : i32
        %dma_wait3A_456 = arith.constant 0 : i32
        %dma_wait3A_457 = tpu.memref_slice %arg8[%run_scoped3A_307, %dma_wait3A_455, %dma_wait3A_456] : memref<3x80x128xf32, #tpu.memory_space<vmem>> -> memref<1x80x128xf32, #tpu.memory_space<vmem>>
        %dma_wait3A_458 = tpu.memref_squeeze %dma_wait3A_457 : memref<1x80x128xf32, #tpu.memory_space<vmem>> -> memref<80x128xf32, #tpu.memory_space<vmem>>
        %dma_wait3A_459 = arith.constant 0 : i32
        %dma_wait3A_460 = tpu.memref_slice %arg7[%run_scoped3A_308, %dma_wait3A_459] : memref<3x80xi32, #tpu.memory_space<vmem>> -> memref<1x80xi32, #tpu.memory_space<vmem>>
        %dma_wait3A_461 = tpu.memref_squeeze %dma_wait3A_460 : memref<1x80xi32, #tpu.memory_space<vmem>> -> memref<80xi32, #tpu.memory_space<vmem>>
        %dma_wait3A_462 = arith.constant 0 : i32
        %dma_wait3A_463 = arith.constant 0 : i32
        %dma_wait3A_464 = tpu.memref_slice %arg9[%dma_wait3A_462, %dma_wait3A_463] : memref<10240x128xf32, #tpu.memory_space<vmem_shared>> -> memref<10240x128xf32, #tpu.memory_space<vmem_shared>>
        tpu.wait_indirect_dma semaphore(%run_scoped3A_444 : memref<!tpu.dma_semaphore, #tpu.memory_space<semaphore_mem>>) src(%dma_wait3A_458 : memref<80x128xf32, #tpu.memory_space<vmem>>) dst(%dma_wait3A_464 : memref<10240x128xf32, #tpu.memory_space<vmem_shared>>)
        tpu.yield
      }) : () -> ()
      %add3A_309 = arith.constant 3 : i32
      %add3A_310 = arith.addi %mul3A_283, %add3A_309 : i32
      %mul3A_311 = arith.constant 80 : i32
      %mul3A_312 = arith.muli %add3A_310, %mul3A_311 : i32
      %add3A_313 = arith.addi %mul3A_2, %mul3A_312 : i32
      %dma_start3A_314 = arith.constant 0 : i32
      %dma_start3A_315 = arith.constant 0 : i32
      %dma_start3A_316 = tpu.memref_slice %arg7[%dma_start3A_314, %dma_start3A_315] : memref<3x80xi32, #tpu.memory_space<vmem>> -> memref<1x80xi32, #tpu.memory_space<vmem>>
      %dma_start3A_317 = tpu.memref_squeeze %dma_start3A_316 : memref<1x80xi32, #tpu.memory_space<vmem>> -> memref<80xi32, #tpu.memory_space<vmem>>
      %dma_start3A_318 = tpu.memref_slice %arg4[%add3A_313] : memref<320000xi32, #tpu.memory_space<hbm>> -> memref<80xi32, #tpu.memory_space<hbm>>
      %dma_start3A_319 = arith.constant 0 : i32
      %dma_start3A_320 = tpu.memref_slice %arg7[%dma_start3A_314, %dma_start3A_319] : memref<3x80xi32, #tpu.memory_space<vmem>> -> memref<1x80xi32, #tpu.memory_space<vmem>>
      %dma_start3A_321 = tpu.memref_squeeze %dma_start3A_320 : memref<1x80xi32, #tpu.memory_space<vmem>> -> memref<80xi32, #tpu.memory_space<vmem>>
      %dma_start3A_322 = tpu.memref_slice %arg4[%add3A_313] : memref<320000xi32, #tpu.memory_space<hbm>> -> memref<80xi32, #tpu.memory_space<hbm>>
      tpu.enqueue_dma source(%dma_start3A_322 : memref<80xi32, #tpu.memory_space<hbm>>) target(%dma_start3A_321 : memref<80xi32, #tpu.memory_space<vmem>>) target_semaphore(%arg11 : memref<!tpu.dma_semaphore, #tpu.memory_space<semaphore_mem>>)
      %add3A_323 = arith.constant 3 : i32
      %add3A_324 = arith.addi %mul3A_283, %add3A_323 : i32
      %mul3A_325 = arith.constant 80 : i32
      %mul3A_326 = arith.muli %add3A_324, %mul3A_325 : i32
      %dma_start3A_327 = arith.constant 0 : i32
      %dma_start3A_328 = arith.constant 0 : i32
      %dma_start3A_329 = arith.constant 0 : i32
      %dma_start3A_330 = tpu.memref_slice %arg8[%dma_start3A_327, %dma_start3A_328, %dma_start3A_329] : memref<3x80x128xf32, #tpu.memory_space<vmem>> -> memref<1x80x128xf32, #tpu.memory_space<vmem>>
      %dma_start3A_331 = tpu.memref_squeeze %dma_start3A_330 : memref<1x80x128xf32, #tpu.memory_space<vmem>> -> memref<80x128xf32, #tpu.memory_space<vmem>>
      %dma_start3A_332 = tpu.memref_slice %arg6[%mul3A_326] : memref<10000xi32, #tpu.memory_space<vmem>> -> memref<80xi32, #tpu.memory_space<vmem>>
      %dma_start3A_333 = arith.constant 0 : i32
      %dma_start3A_334 = arith.constant 0 : i32
      %dma_start3A_335 = tpu.memref_slice %arg2[%dma_start3A_333, %dma_start3A_334] : memref<10000x128xf32, #tpu.memory_space<hbm>> -> memref<10000x128xf32, #tpu.memory_space<hbm>>
      tpu.enqueue_indirect_dma source(%dma_start3A_335 : memref<10000x128xf32, #tpu.memory_space<hbm>>) target(%dma_start3A_331 : memref<80x128xf32, #tpu.memory_space<vmem>>) offsets(%dma_start3A_332 : memref<80xi32, #tpu.memory_space<vmem>>) semaphore(%arg12 : memref<!tpu.dma_semaphore, #tpu.memory_space<semaphore_mem>>)
      %add3A_336 = arith.constant 1 : i32
      %add3A_337 = arith.addi %mul3A_283, %add3A_336 : i32
      %mul3A_338 = arith.constant 80 : i32
      %mul3A_339 = arith.muli %add3A_337, %mul3A_338 : i32
      %dma_wait3A_340 = arith.constant 1 : i32
      %dma_wait3A_341 = arith.constant 0 : i32
      %dma_wait3A_342 = arith.constant 0 : i32
      %dma_wait3A_343 = tpu.memref_slice %arg8[%dma_wait3A_340, %dma_wait3A_341, %dma_wait3A_342] : memref<3x80x128xf32, #tpu.memory_space<vmem>> -> memref<1x80x128xf32, #tpu.memory_space<vmem>>
      %dma_wait3A_344 = tpu.memref_squeeze %dma_wait3A_343 : memref<1x80x128xf32, #tpu.memory_space<vmem>> -> memref<80x128xf32, #tpu.memory_space<vmem>>
      %dma_wait3A_345 = tpu.memref_slice %arg6[%mul3A_339] : memref<10000xi32, #tpu.memory_space<vmem>> -> memref<80xi32, #tpu.memory_space<vmem>>
      %dma_wait3A_346 = arith.constant 0 : i32
      %dma_wait3A_347 = arith.constant 0 : i32
      %dma_wait3A_348 = tpu.memref_slice %arg2[%dma_wait3A_346, %dma_wait3A_347] : memref<10000x128xf32, #tpu.memory_space<hbm>> -> memref<10000x128xf32, #tpu.memory_space<hbm>>
      tpu.wait_indirect_dma semaphore(%arg12 : memref<!tpu.dma_semaphore, #tpu.memory_space<semaphore_mem>>) src(%dma_wait3A_348 : memref<10000x128xf32, #tpu.memory_space<hbm>>) dst(%dma_wait3A_344 : memref<80x128xf32, #tpu.memory_space<vmem>>)
      %mul3A_349 = arith.constant 80 : i32
      %mul3A_350 = arith.muli %add3A_337, %mul3A_349 : i32
      %add3A_351 = arith.addi %mul3A_2, %mul3A_350 : i32
      %dma_wait3A_352 = arith.constant 1 : i32
      %dma_wait3A_353 = arith.constant 0 : i32
      %dma_wait3A_354 = tpu.memref_slice %arg7[%dma_wait3A_352, %dma_wait3A_353] : memref<3x80xi32, #tpu.memory_space<vmem>> -> memref<1x80xi32, #tpu.memory_space<vmem>>
      %dma_wait3A_355 = tpu.memref_squeeze %dma_wait3A_354 : memref<1x80xi32, #tpu.memory_space<vmem>> -> memref<80xi32, #tpu.memory_space<vmem>>
      %dma_wait3A_356 = tpu.memref_slice %arg4[%add3A_351] : memref<320000xi32, #tpu.memory_space<hbm>> -> memref<80xi32, #tpu.memory_space<hbm>>
      %dma_wait3A_357 = arith.constant 0 : i32
      %dma_wait3A_358 = tpu.memref_slice %arg7[%dma_wait3A_352, %dma_wait3A_357] : memref<3x80xi32, #tpu.memory_space<vmem>> -> memref<1x80xi32, #tpu.memory_space<vmem>>
      %dma_wait3A_359 = tpu.memref_squeeze %dma_wait3A_358 : memref<1x80xi32, #tpu.memory_space<vmem>> -> memref<80xi32, #tpu.memory_space<vmem>>
      %dma_wait3A_360 = tpu.memref_slice %arg4[%add3A_351] : memref<320000xi32, #tpu.memory_space<hbm>> -> memref<80xi32, #tpu.memory_space<hbm>>
      tpu.wait_dma2 semaphore(%arg11 : memref<!tpu.dma_semaphore, #tpu.memory_space<semaphore_mem>>) src(%dma_wait3A_360 : memref<80xi32, #tpu.memory_space<hbm>>) dst(%dma_wait3A_359 : memref<80xi32, #tpu.memory_space<vmem>>)
      %run_scoped3A_361 = arith.constant 1 : i32
      %run_scoped3A_362 = arith.constant 1 : i32
      "tpu.region"() ({
        %run_scoped3A_444 = tpu.sem_alloc : memref<!tpu.dma_semaphore, #tpu.memory_space<semaphore_mem>>
        %dma_start3A_445 = arith.constant 0 : i32
        %dma_start3A_446 = arith.constant 0 : i32
        %dma_start3A_447 = tpu.memref_slice %arg8[%run_scoped3A_361, %dma_start3A_445, %dma_start3A_446] : memref<3x80x128xf32, #tpu.memory_space<vmem>> -> memref<1x80x128xf32, #tpu.memory_space<vmem>>
        %dma_start3A_448 = tpu.memref_squeeze %dma_start3A_447 : memref<1x80x128xf32, #tpu.memory_space<vmem>> -> memref<80x128xf32, #tpu.memory_space<vmem>>
        %dma_start3A_449 = arith.constant 0 : i32
        %dma_start3A_450 = tpu.memref_slice %arg7[%run_scoped3A_362, %dma_start3A_449] : memref<3x80xi32, #tpu.memory_space<vmem>> -> memref<1x80xi32, #tpu.memory_space<vmem>>
        %dma_start3A_451 = tpu.memref_squeeze %dma_start3A_450 : memref<1x80xi32, #tpu.memory_space<vmem>> -> memref<80xi32, #tpu.memory_space<vmem>>
        %dma_start3A_452 = arith.constant 0 : i32
        %dma_start3A_453 = arith.constant 0 : i32
        %dma_start3A_454 = tpu.memref_slice %arg9[%dma_start3A_452, %dma_start3A_453] : memref<10240x128xf32, #tpu.memory_space<vmem_shared>> -> memref<10240x128xf32, #tpu.memory_space<vmem_shared>>
        tpu.enqueue_indirect_dma source(%dma_start3A_448 : memref<80x128xf32, #tpu.memory_space<vmem>>) target(%dma_start3A_454 : memref<10240x128xf32, #tpu.memory_space<vmem_shared>>) offsets(%dma_start3A_451 : memref<80xi32, #tpu.memory_space<vmem>>) semaphore(%run_scoped3A_444 : memref<!tpu.dma_semaphore, #tpu.memory_space<semaphore_mem>>) {add = true}
        %dma_wait3A_455 = arith.constant 0 : i32
        %dma_wait3A_456 = arith.constant 0 : i32
        %dma_wait3A_457 = tpu.memref_slice %arg8[%run_scoped3A_361, %dma_wait3A_455, %dma_wait3A_456] : memref<3x80x128xf32, #tpu.memory_space<vmem>> -> memref<1x80x128xf32, #tpu.memory_space<vmem>>
        %dma_wait3A_458 = tpu.memref_squeeze %dma_wait3A_457 : memref<1x80x128xf32, #tpu.memory_space<vmem>> -> memref<80x128xf32, #tpu.memory_space<vmem>>
        %dma_wait3A_459 = arith.constant 0 : i32
        %dma_wait3A_460 = tpu.memref_slice %arg7[%run_scoped3A_362, %dma_wait3A_459] : memref<3x80xi32, #tpu.memory_space<vmem>> -> memref<1x80xi32, #tpu.memory_space<vmem>>
        %dma_wait3A_461 = tpu.memref_squeeze %dma_wait3A_460 : memref<1x80xi32, #tpu.memory_space<vmem>> -> memref<80xi32, #tpu.memory_space<vmem>>
        %dma_wait3A_462 = arith.constant 0 : i32
        %dma_wait3A_463 = arith.constant 0 : i32
        %dma_wait3A_464 = tpu.memref_slice %arg9[%dma_wait3A_462, %dma_wait3A_463] : memref<10240x128xf32, #tpu.memory_space<vmem_shared>> -> memref<10240x128xf32, #tpu.memory_space<vmem_shared>>
        tpu.wait_indirect_dma semaphore(%run_scoped3A_444 : memref<!tpu.dma_semaphore, #tpu.memory_space<semaphore_mem>>) src(%dma_wait3A_458 : memref<80x128xf32, #tpu.memory_space<vmem>>) dst(%dma_wait3A_464 : memref<10240x128xf32, #tpu.memory_space<vmem_shared>>)
        tpu.yield
      }) : () -> ()
      %add3A_363 = arith.constant 3 : i32
      %add3A_364 = arith.addi %add3A_337, %add3A_363 : i32
      %mul3A_365 = arith.constant 80 : i32
      %mul3A_366 = arith.muli %add3A_364, %mul3A_365 : i32
      %add3A_367 = arith.addi %mul3A_2, %mul3A_366 : i32
      %dma_start3A_368 = arith.constant 1 : i32
      %dma_start3A_369 = arith.constant 0 : i32
      %dma_start3A_370 = tpu.memref_slice %arg7[%dma_start3A_368, %dma_start3A_369] : memref<3x80xi32, #tpu.memory_space<vmem>> -> memref<1x80xi32, #tpu.memory_space<vmem>>
      %dma_start3A_371 = tpu.memref_squeeze %dma_start3A_370 : memref<1x80xi32, #tpu.memory_space<vmem>> -> memref<80xi32, #tpu.memory_space<vmem>>
      %dma_start3A_372 = tpu.memref_slice %arg4[%add3A_367] : memref<320000xi32, #tpu.memory_space<hbm>> -> memref<80xi32, #tpu.memory_space<hbm>>
      %dma_start3A_373 = arith.constant 0 : i32
      %dma_start3A_374 = tpu.memref_slice %arg7[%dma_start3A_368, %dma_start3A_373] : memref<3x80xi32, #tpu.memory_space<vmem>> -> memref<1x80xi32, #tpu.memory_space<vmem>>
      %dma_start3A_375 = tpu.memref_squeeze %dma_start3A_374 : memref<1x80xi32, #tpu.memory_space<vmem>> -> memref<80xi32, #tpu.memory_space<vmem>>
      %dma_start3A_376 = tpu.memref_slice %arg4[%add3A_367] : memref<320000xi32, #tpu.memory_space<hbm>> -> memref<80xi32, #tpu.memory_space<hbm>>
      tpu.enqueue_dma source(%dma_start3A_376 : memref<80xi32, #tpu.memory_space<hbm>>) target(%dma_start3A_375 : memref<80xi32, #tpu.memory_space<vmem>>) target_semaphore(%arg11 : memref<!tpu.dma_semaphore, #tpu.memory_space<semaphore_mem>>)
      %add3A_377 = arith.constant 3 : i32
      %add3A_378 = arith.addi %add3A_337, %add3A_377 : i32
      %mul3A_379 = arith.constant 80 : i32
      %mul3A_380 = arith.muli %add3A_378, %mul3A_379 : i32
      %dma_start3A_381 = arith.constant 1 : i32
      %dma_start3A_382 = arith.constant 0 : i32
      %dma_start3A_383 = arith.constant 0 : i32
      %dma_start3A_384 = tpu.memref_slice %arg8[%dma_start3A_381, %dma_start3A_382, %dma_start3A_383] : memref<3x80x128xf32, #tpu.memory_space<vmem>> -> memref<1x80x128xf32, #tpu.memory_space<vmem>>
      %dma_start3A_385 = tpu.memref_squeeze %dma_start3A_384 : memref<1x80x128xf32, #tpu.memory_space<vmem>> -> memref<80x128xf32, #tpu.memory_space<vmem>>
      %dma_start3A_386 = tpu.memref_slice %arg6[%mul3A_380] : memref<10000xi32, #tpu.memory_space<vmem>> -> memref<80xi32, #tpu.memory_space<vmem>>
      %dma_start3A_387 = arith.constant 0 : i32
      %dma_start3A_388 = arith.constant 0 : i32
      %dma_start3A_389 = tpu.memref_slice %arg2[%dma_start3A_387, %dma_start3A_388] : memref<10000x128xf32, #tpu.memory_space<hbm>> -> memref<10000x128xf32, #tpu.memory_space<hbm>>
      tpu.enqueue_indirect_dma source(%dma_start3A_389 : memref<10000x128xf32, #tpu.memory_space<hbm>>) target(%dma_start3A_385 : memref<80x128xf32, #tpu.memory_space<vmem>>) offsets(%dma_start3A_386 : memref<80xi32, #tpu.memory_space<vmem>>) semaphore(%arg12 : memref<!tpu.dma_semaphore, #tpu.memory_space<semaphore_mem>>)
      %add3A_390 = arith.constant 2 : i32
      %add3A_391 = arith.addi %mul3A_283, %add3A_390 : i32
      %mul3A_392 = arith.constant 80 : i32
      %mul3A_393 = arith.muli %add3A_391, %mul3A_392 : i32
      %dma_wait3A_394 = arith.constant 2 : i32
      %dma_wait3A_395 = arith.constant 0 : i32
      %dma_wait3A_396 = arith.constant 0 : i32
      %dma_wait3A_397 = tpu.memref_slice %arg8[%dma_wait3A_394, %dma_wait3A_395, %dma_wait3A_396] : memref<3x80x128xf32, #tpu.memory_space<vmem>> -> memref<1x80x128xf32, #tpu.memory_space<vmem>>
      %dma_wait3A_398 = tpu.memref_squeeze %dma_wait3A_397 : memref<1x80x128xf32, #tpu.memory_space<vmem>> -> memref<80x128xf32, #tpu.memory_space<vmem>>
      %dma_wait3A_399 = tpu.memref_slice %arg6[%mul3A_393] : memref<10000xi32, #tpu.memory_space<vmem>> -> memref<80xi32, #tpu.memory_space<vmem>>
      %dma_wait3A_400 = arith.constant 0 : i32
      %dma_wait3A_401 = arith.constant 0 : i32
      %dma_wait3A_402 = tpu.memref_slice %arg2[%dma_wait3A_400, %dma_wait3A_401] : memref<10000x128xf32, #tpu.memory_space<hbm>> -> memref<10000x128xf32, #tpu.memory_space<hbm>>
      tpu.wait_indirect_dma semaphore(%arg12 : memref<!tpu.dma_semaphore, #tpu.memory_space<semaphore_mem>>) src(%dma_wait3A_402 : memref<10000x128xf32, #tpu.memory_space<hbm>>) dst(%dma_wait3A_398 : memref<80x128xf32, #tpu.memory_space<vmem>>)
      %mul3A_403 = arith.constant 80 : i32
      %mul3A_404 = arith.muli %add3A_391, %mul3A_403 : i32
      %add3A_405 = arith.addi %mul3A_2, %mul3A_404 : i32
      %dma_wait3A_406 = arith.constant 2 : i32
      %dma_wait3A_407 = arith.constant 0 : i32
      %dma_wait3A_408 = tpu.memref_slice %arg7[%dma_wait3A_406, %dma_wait3A_407] : memref<3x80xi32, #tpu.memory_space<vmem>> -> memref<1x80xi32, #tpu.memory_space<vmem>>
      %dma_wait3A_409 = tpu.memref_squeeze %dma_wait3A_408 : memref<1x80xi32, #tpu.memory_space<vmem>> -> memref<80xi32, #tpu.memory_space<vmem>>
      %dma_wait3A_410 = tpu.memref_slice %arg4[%add3A_405] : memref<320000xi32, #tpu.memory_space<hbm>> -> memref<80xi32, #tpu.memory_space<hbm>>
      %dma_wait3A_411 = arith.constant 0 : i32
      %dma_wait3A_412 = tpu.memref_slice %arg7[%dma_wait3A_406, %dma_wait3A_411] : memref<3x80xi32, #tpu.memory_space<vmem>> -> memref<1x80xi32, #tpu.memory_space<vmem>>
      %dma_wait3A_413 = tpu.memref_squeeze %dma_wait3A_412 : memref<1x80xi32, #tpu.memory_space<vmem>> -> memref<80xi32, #tpu.memory_space<vmem>>
      %dma_wait3A_414 = tpu.memref_slice %arg4[%add3A_405] : memref<320000xi32, #tpu.memory_space<hbm>> -> memref<80xi32, #tpu.memory_space<hbm>>
      tpu.wait_dma2 semaphore(%arg11 : memref<!tpu.dma_semaphore, #tpu.memory_space<semaphore_mem>>) src(%dma_wait3A_414 : memref<80xi32, #tpu.memory_space<hbm>>) dst(%dma_wait3A_413 : memref<80xi32, #tpu.memory_space<vmem>>)
      %run_scoped3A_415 = arith.constant 2 : i32
      %run_scoped3A_416 = arith.constant 2 : i32
      "tpu.region"() ({
        %run_scoped3A_444 = tpu.sem_alloc : memref<!tpu.dma_semaphore, #tpu.memory_space<semaphore_mem>>
        %dma_start3A_445 = arith.constant 0 : i32
        %dma_start3A_446 = arith.constant 0 : i32
        %dma_start3A_447 = tpu.memref_slice %arg8[%run_scoped3A_415, %dma_start3A_445, %dma_start3A_446] : memref<3x80x128xf32, #tpu.memory_space<vmem>> -> memref<1x80x128xf32, #tpu.memory_space<vmem>>
        %dma_start3A_448 = tpu.memref_squeeze %dma_start3A_447 : memref<1x80x128xf32, #tpu.memory_space<vmem>> -> memref<80x128xf32, #tpu.memory_space<vmem>>
        %dma_start3A_449 = arith.constant 0 : i32
        %dma_start3A_450 = tpu.memref_slice %arg7[%run_scoped3A_416, %dma_start3A_449] : memref<3x80xi32, #tpu.memory_space<vmem>> -> memref<1x80xi32, #tpu.memory_space<vmem>>
        %dma_start3A_451 = tpu.memref_squeeze %dma_start3A_450 : memref<1x80xi32, #tpu.memory_space<vmem>> -> memref<80xi32, #tpu.memory_space<vmem>>
        %dma_start3A_452 = arith.constant 0 : i32
        %dma_start3A_453 = arith.constant 0 : i32
        %dma_start3A_454 = tpu.memref_slice %arg9[%dma_start3A_452, %dma_start3A_453] : memref<10240x128xf32, #tpu.memory_space<vmem_shared>> -> memref<10240x128xf32, #tpu.memory_space<vmem_shared>>
        tpu.enqueue_indirect_dma source(%dma_start3A_448 : memref<80x128xf32, #tpu.memory_space<vmem>>) target(%dma_start3A_454 : memref<10240x128xf32, #tpu.memory_space<vmem_shared>>) offsets(%dma_start3A_451 : memref<80xi32, #tpu.memory_space<vmem>>) semaphore(%run_scoped3A_444 : memref<!tpu.dma_semaphore, #tpu.memory_space<semaphore_mem>>) {add = true}
        %dma_wait3A_455 = arith.constant 0 : i32
        %dma_wait3A_456 = arith.constant 0 : i32
        %dma_wait3A_457 = tpu.memref_slice %arg8[%run_scoped3A_415, %dma_wait3A_455, %dma_wait3A_456] : memref<3x80x128xf32, #tpu.memory_space<vmem>> -> memref<1x80x128xf32, #tpu.memory_space<vmem>>
        %dma_wait3A_458 = tpu.memref_squeeze %dma_wait3A_457 : memref<1x80x128xf32, #tpu.memory_space<vmem>> -> memref<80x128xf32, #tpu.memory_space<vmem>>
        %dma_wait3A_459 = arith.constant 0 : i32
        %dma_wait3A_460 = tpu.memref_slice %arg7[%run_scoped3A_416, %dma_wait3A_459] : memref<3x80xi32, #tpu.memory_space<vmem>> -> memref<1x80xi32, #tpu.memory_space<vmem>>
        %dma_wait3A_461 = tpu.memref_squeeze %dma_wait3A_460 : memref<1x80xi32, #tpu.memory_space<vmem>> -> memref<80xi32, #tpu.memory_space<vmem>>
        %dma_wait3A_462 = arith.constant 0 : i32
        %dma_wait3A_463 = arith.constant 0 : i32
        %dma_wait3A_464 = tpu.memref_slice %arg9[%dma_wait3A_462, %dma_wait3A_463] : memref<10240x128xf32, #tpu.memory_space<vmem_shared>> -> memref<10240x128xf32, #tpu.memory_space<vmem_shared>>
        tpu.wait_indirect_dma semaphore(%run_scoped3A_444 : memref<!tpu.dma_semaphore, #tpu.memory_space<semaphore_mem>>) src(%dma_wait3A_458 : memref<80x128xf32, #tpu.memory_space<vmem>>) dst(%dma_wait3A_464 : memref<10240x128xf32, #tpu.memory_space<vmem_shared>>)
        tpu.yield
      }) : () -> ()
      %add3A_417 = arith.constant 3 : i32
      %add3A_418 = arith.addi %add3A_391, %add3A_417 : i32
      %mul3A_419 = arith.constant 80 : i32
      %mul3A_420 = arith.muli %add3A_418, %mul3A_419 : i32
      %add3A_421 = arith.addi %mul3A_2, %mul3A_420 : i32
      %dma_start3A_422 = arith.constant 2 : i32
      %dma_start3A_423 = arith.constant 0 : i32
      %dma_start3A_424 = tpu.memref_slice %arg7[%dma_start3A_422, %dma_start3A_423] : memref<3x80xi32, #tpu.memory_space<vmem>> -> memref<1x80xi32, #tpu.memory_space<vmem>>
      %dma_start3A_425 = tpu.memref_squeeze %dma_start3A_424 : memref<1x80xi32, #tpu.memory_space<vmem>> -> memref<80xi32, #tpu.memory_space<vmem>>
      %dma_start3A_426 = tpu.memref_slice %arg4[%add3A_421] : memref<320000xi32, #tpu.memory_space<hbm>> -> memref<80xi32, #tpu.memory_space<hbm>>
      %dma_start3A_427 = arith.constant 0 : i32
      %dma_start3A_428 = tpu.memref_slice %arg7[%dma_start3A_422, %dma_start3A_427] : memref<3x80xi32, #tpu.memory_space<vmem>> -> memref<1x80xi32, #tpu.memory_space<vmem>>
      %dma_start3A_429 = tpu.memref_squeeze %dma_start3A_428 : memref<1x80xi32, #tpu.memory_space<vmem>> -> memref<80xi32, #tpu.memory_space<vmem>>
      %dma_start3A_430 = tpu.memref_slice %arg4[%add3A_421] : memref<320000xi32, #tpu.memory_space<hbm>> -> memref<80xi32, #tpu.memory_space<hbm>>
      tpu.enqueue_dma source(%dma_start3A_430 : memref<80xi32, #tpu.memory_space<hbm>>) target(%dma_start3A_429 : memref<80xi32, #tpu.memory_space<vmem>>) target_semaphore(%arg11 : memref<!tpu.dma_semaphore, #tpu.memory_space<semaphore_mem>>)
      %add3A_431 = arith.constant 3 : i32
      %add3A_432 = arith.addi %add3A_391, %add3A_431 : i32
      %mul3A_433 = arith.constant 80 : i32
      %mul3A_434 = arith.muli %add3A_432, %mul3A_433 : i32
      %dma_start3A_435 = arith.constant 2 : i32
      %dma_start3A_436 = arith.constant 0 : i32
      %dma_start3A_437 = arith.constant 0 : i32
      %dma_start3A_438 = tpu.memref_slice %arg8[%dma_start3A_435, %dma_start3A_436, %dma_start3A_437] : memref<3x80x128xf32, #tpu.memory_space<vmem>> -> memref<1x80x128xf32, #tpu.memory_space<vmem>>
      %dma_start3A_439 = tpu.memref_squeeze %dma_start3A_438 : memref<1x80x128xf32, #tpu.memory_space<vmem>> -> memref<80x128xf32, #tpu.memory_space<vmem>>
      %dma_start3A_440 = tpu.memref_slice %arg6[%mul3A_434] : memref<10000xi32, #tpu.memory_space<vmem>> -> memref<80xi32, #tpu.memory_space<vmem>>
      %dma_start3A_441 = arith.constant 0 : i32
      %dma_start3A_442 = arith.constant 0 : i32
      %dma_start3A_443 = tpu.memref_slice %arg2[%dma_start3A_441, %dma_start3A_442] : memref<10000x128xf32, #tpu.memory_space<hbm>> -> memref<10000x128xf32, #tpu.memory_space<hbm>>
      tpu.enqueue_indirect_dma source(%dma_start3A_443 : memref<10000x128xf32, #tpu.memory_space<hbm>>) target(%dma_start3A_439 : memref<80x128xf32, #tpu.memory_space<vmem>>) offsets(%dma_start3A_440 : memref<80xi32, #tpu.memory_space<vmem>>) semaphore(%arg12 : memref<!tpu.dma_semaphore, #tpu.memory_space<semaphore_mem>>)
    }
    %scan3A_118 = arith.constant 40 : i32
    %dma_wait3A_119 = arith.constant 0 : i32
    %dma_wait3A_120 = arith.constant 0 : i32
    %dma_wait3A_121 = arith.constant 0 : i32
    %dma_wait3A_122 = tpu.memref_slice %arg8[%dma_wait3A_119, %dma_wait3A_120, %dma_wait3A_121] : memref<3x80x128xf32, #tpu.memory_space<vmem>> -> memref<1x80x128xf32, #tpu.memory_space<vmem>>
    %dma_wait3A_123 = tpu.memref_squeeze %dma_wait3A_122 : memref<1x80x128xf32, #tpu.memory_space<vmem>> -> memref<80x128xf32, #tpu.memory_space<vmem>>
    %dma_wait3A_124 = arith.constant 9600 : i32
    %dma_wait3A_125 = tpu.memref_slice %arg6[%dma_wait3A_124] : memref<10000xi32, #tpu.memory_space<vmem>> -> memref<80xi32, #tpu.memory_space<vmem>>
    %dma_wait3A_126 = arith.constant 0 : i32
    %dma_wait3A_127 = arith.constant 0 : i32
    %dma_wait3A_128 = tpu.memref_slice %arg2[%dma_wait3A_126, %dma_wait3A_127] : memref<10000x128xf32, #tpu.memory_space<hbm>> -> memref<10000x128xf32, #tpu.memory_space<hbm>>
    tpu.wait_indirect_dma semaphore(%arg12 : memref<!tpu.dma_semaphore, #tpu.memory_space<semaphore_mem>>) src(%dma_wait3A_128 : memref<10000x128xf32, #tpu.memory_space<hbm>>) dst(%dma_wait3A_123 : memref<80x128xf32, #tpu.memory_space<vmem>>)
    %add3A_129 = arith.constant 9600 : i32
    %add3A_130 = arith.addi %mul3A_2, %add3A_129 : i32
    %dma_wait3A_131 = arith.constant 0 : i32
    %dma_wait3A_132 = arith.constant 0 : i32
    %dma_wait3A_133 = tpu.memref_slice %arg7[%dma_wait3A_131, %dma_wait3A_132] : memref<3x80xi32, #tpu.memory_space<vmem>> -> memref<1x80xi32, #tpu.memory_space<vmem>>
    %dma_wait3A_134 = tpu.memref_squeeze %dma_wait3A_133 : memref<1x80xi32, #tpu.memory_space<vmem>> -> memref<80xi32, #tpu.memory_space<vmem>>
    %dma_wait3A_135 = tpu.memref_slice %arg4[%add3A_130] : memref<320000xi32, #tpu.memory_space<hbm>> -> memref<80xi32, #tpu.memory_space<hbm>>
    %dma_wait3A_136 = arith.constant 0 : i32
    %dma_wait3A_137 = tpu.memref_slice %arg7[%dma_wait3A_131, %dma_wait3A_136] : memref<3x80xi32, #tpu.memory_space<vmem>> -> memref<1x80xi32, #tpu.memory_space<vmem>>
    %dma_wait3A_138 = tpu.memref_squeeze %dma_wait3A_137 : memref<1x80xi32, #tpu.memory_space<vmem>> -> memref<80xi32, #tpu.memory_space<vmem>>
    %dma_wait3A_139 = tpu.memref_slice %arg4[%add3A_130] : memref<320000xi32, #tpu.memory_space<hbm>> -> memref<80xi32, #tpu.memory_space<hbm>>
    tpu.wait_dma2 semaphore(%arg11 : memref<!tpu.dma_semaphore, #tpu.memory_space<semaphore_mem>>) src(%dma_wait3A_139 : memref<80xi32, #tpu.memory_space<hbm>>) dst(%dma_wait3A_138 : memref<80xi32, #tpu.memory_space<vmem>>)
    %run_scoped3A_140 = arith.constant 0 : i32
    %run_scoped3A_141 = arith.constant 0 : i32
    "tpu.region"() ({
      %run_scoped3A_281 = tpu.sem_alloc : memref<!tpu.dma_semaphore, #tpu.memory_space<semaphore_mem>>
      %dma_start3A_282 = arith.constant 0 : i32
      %dma_start3A_283 = arith.constant 0 : i32
      %dma_start3A_284 = tpu.memref_slice %arg8[%run_scoped3A_140, %dma_start3A_282, %dma_start3A_283] : memref<3x80x128xf32, #tpu.memory_space<vmem>> -> memref<1x80x128xf32, #tpu.memory_space<vmem>>
      %dma_start3A_285 = tpu.memref_squeeze %dma_start3A_284 : memref<1x80x128xf32, #tpu.memory_space<vmem>> -> memref<80x128xf32, #tpu.memory_space<vmem>>
      %dma_start3A_286 = arith.constant 0 : i32
      %dma_start3A_287 = tpu.memref_slice %arg7[%run_scoped3A_141, %dma_start3A_286] : memref<3x80xi32, #tpu.memory_space<vmem>> -> memref<1x80xi32, #tpu.memory_space<vmem>>
      %dma_start3A_288 = tpu.memref_squeeze %dma_start3A_287 : memref<1x80xi32, #tpu.memory_space<vmem>> -> memref<80xi32, #tpu.memory_space<vmem>>
      %dma_start3A_289 = arith.constant 0 : i32
      %dma_start3A_290 = arith.constant 0 : i32
      %dma_start3A_291 = tpu.memref_slice %arg9[%dma_start3A_289, %dma_start3A_290] : memref<10240x128xf32, #tpu.memory_space<vmem_shared>> -> memref<10240x128xf32, #tpu.memory_space<vmem_shared>>
      tpu.enqueue_indirect_dma source(%dma_start3A_285 : memref<80x128xf32, #tpu.memory_space<vmem>>) target(%dma_start3A_291 : memref<10240x128xf32, #tpu.memory_space<vmem_shared>>) offsets(%dma_start3A_288 : memref<80xi32, #tpu.memory_space<vmem>>) semaphore(%run_scoped3A_281 : memref<!tpu.dma_semaphore, #tpu.memory_space<semaphore_mem>>) {add = true}
      %dma_wait3A_292 = arith.constant 0 : i32
      %dma_wait3A_293 = arith.constant 0 : i32
      %dma_wait3A_294 = tpu.memref_slice %arg8[%run_scoped3A_140, %dma_wait3A_292, %dma_wait3A_293] : memref<3x80x128xf32, #tpu.memory_space<vmem>> -> memref<1x80x128xf32, #tpu.memory_space<vmem>>
      %dma_wait3A_295 = tpu.memref_squeeze %dma_wait3A_294 : memref<1x80x128xf32, #tpu.memory_space<vmem>> -> memref<80x128xf32, #tpu.memory_space<vmem>>
      %dma_wait3A_296 = arith.constant 0 : i32
      %dma_wait3A_297 = tpu.memref_slice %arg7[%run_scoped3A_141, %dma_wait3A_296] : memref<3x80xi32, #tpu.memory_space<vmem>> -> memref<1x80xi32, #tpu.memory_space<vmem>>
      %dma_wait3A_298 = tpu.memref_squeeze %dma_wait3A_297 : memref<1x80xi32, #tpu.memory_space<vmem>> -> memref<80xi32, #tpu.memory_space<vmem>>
      %dma_wait3A_299 = arith.constant 0 : i32
      %dma_wait3A_300 = arith.constant 0 : i32
      %dma_wait3A_301 = tpu.memref_slice %arg9[%dma_wait3A_299, %dma_wait3A_300] : memref<10240x128xf32, #tpu.memory_space<vmem_shared>> -> memref<10240x128xf32, #tpu.memory_space<vmem_shared>>
      tpu.wait_indirect_dma semaphore(%run_scoped3A_281 : memref<!tpu.dma_semaphore, #tpu.memory_space<semaphore_mem>>) src(%dma_wait3A_295 : memref<80x128xf32, #tpu.memory_space<vmem>>) dst(%dma_wait3A_301 : memref<10240x128xf32, #tpu.memory_space<vmem_shared>>)
      tpu.yield
    }) : () -> ()
    %add3A_142 = arith.constant 9840 : i32
    %add3A_143 = arith.addi %mul3A_2, %add3A_142 : i32
    %dma_start3A_144 = arith.constant 0 : i32
    %dma_start3A_145 = arith.constant 0 : i32
    %dma_start3A_146 = tpu.memref_slice %arg7[%dma_start3A_144, %dma_start3A_145] : memref<3x80xi32, #tpu.memory_space<vmem>> -> memref<1x80xi32, #tpu.memory_space<vmem>>
    %dma_start3A_147 = tpu.memref_squeeze %dma_start3A_146 : memref<1x80xi32, #tpu.memory_space<vmem>> -> memref<80xi32, #tpu.memory_space<vmem>>
    %dma_start3A_148 = tpu.memref_slice %arg4[%add3A_143] : memref<320000xi32, #tpu.memory_space<hbm>> -> memref<80xi32, #tpu.memory_space<hbm>>
    %dma_start3A_149 = arith.constant 0 : i32
    %dma_start3A_150 = tpu.memref_slice %arg7[%dma_start3A_144, %dma_start3A_149] : memref<3x80xi32, #tpu.memory_space<vmem>> -> memref<1x80xi32, #tpu.memory_space<vmem>>
    %dma_start3A_151 = tpu.memref_squeeze %dma_start3A_150 : memref<1x80xi32, #tpu.memory_space<vmem>> -> memref<80xi32, #tpu.memory_space<vmem>>
    %dma_start3A_152 = tpu.memref_slice %arg4[%add3A_143] : memref<320000xi32, #tpu.memory_space<hbm>> -> memref<80xi32, #tpu.memory_space<hbm>>
    tpu.enqueue_dma source(%dma_start3A_152 : memref<80xi32, #tpu.memory_space<hbm>>) target(%dma_start3A_151 : memref<80xi32, #tpu.memory_space<vmem>>) target_semaphore(%arg11 : memref<!tpu.dma_semaphore, #tpu.memory_space<semaphore_mem>>)
    %dma_start3A_153 = arith.constant 0 : i32
    %dma_start3A_154 = arith.constant 0 : i32
    %dma_start3A_155 = arith.constant 0 : i32
    %dma_start3A_156 = tpu.memref_slice %arg8[%dma_start3A_153, %dma_start3A_154, %dma_start3A_155] : memref<3x80x128xf32, #tpu.memory_space<vmem>> -> memref<1x80x128xf32, #tpu.memory_space<vmem>>
    %dma_start3A_157 = tpu.memref_squeeze %dma_start3A_156 : memref<1x80x128xf32, #tpu.memory_space<vmem>> -> memref<80x128xf32, #tpu.memory_space<vmem>>
    %dma_start3A_158 = arith.constant 9840 : i32
    %dma_start3A_159 = tpu.memref_slice %arg6[%dma_start3A_158] : memref<10000xi32, #tpu.memory_space<vmem>> -> memref<80xi32, #tpu.memory_space<vmem>>
    %dma_start3A_160 = arith.constant 0 : i32
    %dma_start3A_161 = arith.constant 0 : i32
    %dma_start3A_162 = tpu.memref_slice %arg2[%dma_start3A_160, %dma_start3A_161] : memref<10000x128xf32, #tpu.memory_space<hbm>> -> memref<10000x128xf32, #tpu.memory_space<hbm>>
    tpu.enqueue_indirect_dma source(%dma_start3A_162 : memref<10000x128xf32, #tpu.memory_space<hbm>>) target(%dma_start3A_157 : memref<80x128xf32, #tpu.memory_space<vmem>>) offsets(%dma_start3A_159 : memref<80xi32, #tpu.memory_space<vmem>>) semaphore(%arg12 : memref<!tpu.dma_semaphore, #tpu.memory_space<semaphore_mem>>)
    %dma_wait3A_163 = arith.constant 1 : i32
    %dma_wait3A_164 = arith.constant 0 : i32
    %dma_wait3A_165 = arith.constant 0 : i32
    %dma_wait3A_166 = tpu.memref_slice %arg8[%dma_wait3A_163, %dma_wait3A_164, %dma_wait3A_165] : memref<3x80x128xf32, #tpu.memory_space<vmem>> -> memref<1x80x128xf32, #tpu.memory_space<vmem>>
    %dma_wait3A_167 = tpu.memref_squeeze %dma_wait3A_166 : memref<1x80x128xf32, #tpu.memory_space<vmem>> -> memref<80x128xf32, #tpu.memory_space<vmem>>
    %dma_wait3A_168 = arith.constant 9680 : i32
    %dma_wait3A_169 = tpu.memref_slice %arg6[%dma_wait3A_168] : memref<10000xi32, #tpu.memory_space<vmem>> -> memref<80xi32, #tpu.memory_space<vmem>>
    %dma_wait3A_170 = arith.constant 0 : i32
    %dma_wait3A_171 = arith.constant 0 : i32
    %dma_wait3A_172 = tpu.memref_slice %arg2[%dma_wait3A_170, %dma_wait3A_171] : memref<10000x128xf32, #tpu.memory_space<hbm>> -> memref<10000x128xf32, #tpu.memory_space<hbm>>
    tpu.wait_indirect_dma semaphore(%arg12 : memref<!tpu.dma_semaphore, #tpu.memory_space<semaphore_mem>>) src(%dma_wait3A_172 : memref<10000x128xf32, #tpu.memory_space<hbm>>) dst(%dma_wait3A_167 : memref<80x128xf32, #tpu.memory_space<vmem>>)
    %add3A_173 = arith.constant 9680 : i32
    %add3A_174 = arith.addi %mul3A_2, %add3A_173 : i32
    %dma_wait3A_175 = arith.constant 1 : i32
    %dma_wait3A_176 = arith.constant 0 : i32
    %dma_wait3A_177 = tpu.memref_slice %arg7[%dma_wait3A_175, %dma_wait3A_176] : memref<3x80xi32, #tpu.memory_space<vmem>> -> memref<1x80xi32, #tpu.memory_space<vmem>>
    %dma_wait3A_178 = tpu.memref_squeeze %dma_wait3A_177 : memref<1x80xi32, #tpu.memory_space<vmem>> -> memref<80xi32, #tpu.memory_space<vmem>>
    %dma_wait3A_179 = tpu.memref_slice %arg4[%add3A_174] : memref<320000xi32, #tpu.memory_space<hbm>> -> memref<80xi32, #tpu.memory_space<hbm>>
    %dma_wait3A_180 = arith.constant 0 : i32
    %dma_wait3A_181 = tpu.memref_slice %arg7[%dma_wait3A_175, %dma_wait3A_180] : memref<3x80xi32, #tpu.memory_space<vmem>> -> memref<1x80xi32, #tpu.memory_space<vmem>>
    %dma_wait3A_182 = tpu.memref_squeeze %dma_wait3A_181 : memref<1x80xi32, #tpu.memory_space<vmem>> -> memref<80xi32, #tpu.memory_space<vmem>>
    %dma_wait3A_183 = tpu.memref_slice %arg4[%add3A_174] : memref<320000xi32, #tpu.memory_space<hbm>> -> memref<80xi32, #tpu.memory_space<hbm>>
    tpu.wait_dma2 semaphore(%arg11 : memref<!tpu.dma_semaphore, #tpu.memory_space<semaphore_mem>>) src(%dma_wait3A_183 : memref<80xi32, #tpu.memory_space<hbm>>) dst(%dma_wait3A_182 : memref<80xi32, #tpu.memory_space<vmem>>)
    %run_scoped3A_184 = arith.constant 1 : i32
    %run_scoped3A_185 = arith.constant 1 : i32
    "tpu.region"() ({
      %run_scoped3A_281 = tpu.sem_alloc : memref<!tpu.dma_semaphore, #tpu.memory_space<semaphore_mem>>
      %dma_start3A_282 = arith.constant 0 : i32
      %dma_start3A_283 = arith.constant 0 : i32
      %dma_start3A_284 = tpu.memref_slice %arg8[%run_scoped3A_184, %dma_start3A_282, %dma_start3A_283] : memref<3x80x128xf32, #tpu.memory_space<vmem>> -> memref<1x80x128xf32, #tpu.memory_space<vmem>>
      %dma_start3A_285 = tpu.memref_squeeze %dma_start3A_284 : memref<1x80x128xf32, #tpu.memory_space<vmem>> -> memref<80x128xf32, #tpu.memory_space<vmem>>
      %dma_start3A_286 = arith.constant 0 : i32
      %dma_start3A_287 = tpu.memref_slice %arg7[%run_scoped3A_185, %dma_start3A_286] : memref<3x80xi32, #tpu.memory_space<vmem>> -> memref<1x80xi32, #tpu.memory_space<vmem>>
      %dma_start3A_288 = tpu.memref_squeeze %dma_start3A_287 : memref<1x80xi32, #tpu.memory_space<vmem>> -> memref<80xi32, #tpu.memory_space<vmem>>
      %dma_start3A_289 = arith.constant 0 : i32
      %dma_start3A_290 = arith.constant 0 : i32
      %dma_start3A_291 = tpu.memref_slice %arg9[%dma_start3A_289, %dma_start3A_290] : memref<10240x128xf32, #tpu.memory_space<vmem_shared>> -> memref<10240x128xf32, #tpu.memory_space<vmem_shared>>
      tpu.enqueue_indirect_dma source(%dma_start3A_285 : memref<80x128xf32, #tpu.memory_space<vmem>>) target(%dma_start3A_291 : memref<10240x128xf32, #tpu.memory_space<vmem_shared>>) offsets(%dma_start3A_288 : memref<80xi32, #tpu.memory_space<vmem>>) semaphore(%run_scoped3A_281 : memref<!tpu.dma_semaphore, #tpu.memory_space<semaphore_mem>>) {add = true}
      %dma_wait3A_292 = arith.constant 0 : i32
      %dma_wait3A_293 = arith.constant 0 : i32
      %dma_wait3A_294 = tpu.memref_slice %arg8[%run_scoped3A_184, %dma_wait3A_292, %dma_wait3A_293] : memref<3x80x128xf32, #tpu.memory_space<vmem>> -> memref<1x80x128xf32, #tpu.memory_space<vmem>>
      %dma_wait3A_295 = tpu.memref_squeeze %dma_wait3A_294 : memref<1x80x128xf32, #tpu.memory_space<vmem>> -> memref<80x128xf32, #tpu.memory_space<vmem>>
      %dma_wait3A_296 = arith.constant 0 : i32
      %dma_wait3A_297 = tpu.memref_slice %arg7[%run_scoped3A_185, %dma_wait3A_296] : memref<3x80xi32, #tpu.memory_space<vmem>> -> memref<1x80xi32, #tpu.memory_space<vmem>>
      %dma_wait3A_298 = tpu.memref_squeeze %dma_wait3A_297 : memref<1x80xi32, #tpu.memory_space<vmem>> -> memref<80xi32, #tpu.memory_space<vmem>>
      %dma_wait3A_299 = arith.constant 0 : i32
      %dma_wait3A_300 = arith.constant 0 : i32
      %dma_wait3A_301 = tpu.memref_slice %arg9[%dma_wait3A_299, %dma_wait3A_300] : memref<10240x128xf32, #tpu.memory_space<vmem_shared>> -> memref<10240x128xf32, #tpu.memory_space<vmem_shared>>
      tpu.wait_indirect_dma semaphore(%run_scoped3A_281 : memref<!tpu.dma_semaphore, #tpu.memory_space<semaphore_mem>>) src(%dma_wait3A_295 : memref<80x128xf32, #tpu.memory_space<vmem>>) dst(%dma_wait3A_301 : memref<10240x128xf32, #tpu.memory_space<vmem_shared>>)
      tpu.yield
    }) : () -> ()
    %add3A_186 = arith.constant 9920 : i32
    %add3A_187 = arith.addi %mul3A_2, %add3A_186 : i32
    %dma_start3A_188 = arith.constant 1 : i32
    %dma_start3A_189 = arith.constant 0 : i32
    %dma_start3A_190 = tpu.memref_slice %arg7[%dma_start3A_188, %dma_start3A_189] : memref<3x80xi32, #tpu.memory_space<vmem>> -> memref<1x80xi32, #tpu.memory_space<vmem>>
    %dma_start3A_191 = tpu.memref_squeeze %dma_start3A_190 : memref<1x80xi32, #tpu.memory_space<vmem>> -> memref<80xi32, #tpu.memory_space<vmem>>
    %dma_start3A_192 = tpu.memref_slice %arg4[%add3A_187] : memref<320000xi32, #tpu.memory_space<hbm>> -> memref<80xi32, #tpu.memory_space<hbm>>
    %dma_start3A_193 = arith.constant 0 : i32
    %dma_start3A_194 = tpu.memref_slice %arg7[%dma_start3A_188, %dma_start3A_193] : memref<3x80xi32, #tpu.memory_space<vmem>> -> memref<1x80xi32, #tpu.memory_space<vmem>>
    %dma_start3A_195 = tpu.memref_squeeze %dma_start3A_194 : memref<1x80xi32, #tpu.memory_space<vmem>> -> memref<80xi32, #tpu.memory_space<vmem>>
    %dma_start3A_196 = tpu.memref_slice %arg4[%add3A_187] : memref<320000xi32, #tpu.memory_space<hbm>> -> memref<80xi32, #tpu.memory_space<hbm>>
    tpu.enqueue_dma source(%dma_start3A_196 : memref<80xi32, #tpu.memory_space<hbm>>) target(%dma_start3A_195 : memref<80xi32, #tpu.memory_space<vmem>>) target_semaphore(%arg11 : memref<!tpu.dma_semaphore, #tpu.memory_space<semaphore_mem>>)
    %dma_start3A_197 = arith.constant 1 : i32
    %dma_start3A_198 = arith.constant 0 : i32
    %dma_start3A_199 = arith.constant 0 : i32
    %dma_start3A_200 = tpu.memref_slice %arg8[%dma_start3A_197, %dma_start3A_198, %dma_start3A_199] : memref<3x80x128xf32, #tpu.memory_space<vmem>> -> memref<1x80x128xf32, #tpu.memory_space<vmem>>
    %dma_start3A_201 = tpu.memref_squeeze %dma_start3A_200 : memref<1x80x128xf32, #tpu.memory_space<vmem>> -> memref<80x128xf32, #tpu.memory_space<vmem>>
    %dma_start3A_202 = arith.constant 9920 : i32
    %dma_start3A_203 = tpu.memref_slice %arg6[%dma_start3A_202] : memref<10000xi32, #tpu.memory_space<vmem>> -> memref<80xi32, #tpu.memory_space<vmem>>
    %dma_start3A_204 = arith.constant 0 : i32
    %dma_start3A_205 = arith.constant 0 : i32
    %dma_start3A_206 = tpu.memref_slice %arg2[%dma_start3A_204, %dma_start3A_205] : memref<10000x128xf32, #tpu.memory_space<hbm>> -> memref<10000x128xf32, #tpu.memory_space<hbm>>
    tpu.enqueue_indirect_dma source(%dma_start3A_206 : memref<10000x128xf32, #tpu.memory_space<hbm>>) target(%dma_start3A_201 : memref<80x128xf32, #tpu.memory_space<vmem>>) offsets(%dma_start3A_203 : memref<80xi32, #tpu.memory_space<vmem>>) semaphore(%arg12 : memref<!tpu.dma_semaphore, #tpu.memory_space<semaphore_mem>>)
    %dma_wait3A_207 = arith.constant 2 : i32
    %dma_wait3A_208 = arith.constant 0 : i32
    %dma_wait3A_209 = arith.constant 0 : i32
    %dma_wait3A_210 = tpu.memref_slice %arg8[%dma_wait3A_207, %dma_wait3A_208, %dma_wait3A_209] : memref<3x80x128xf32, #tpu.memory_space<vmem>> -> memref<1x80x128xf32, #tpu.memory_space<vmem>>
    %dma_wait3A_211 = tpu.memref_squeeze %dma_wait3A_210 : memref<1x80x128xf32, #tpu.memory_space<vmem>> -> memref<80x128xf32, #tpu.memory_space<vmem>>
    %dma_wait3A_212 = arith.constant 9760 : i32
    %dma_wait3A_213 = tpu.memref_slice %arg6[%dma_wait3A_212] : memref<10000xi32, #tpu.memory_space<vmem>> -> memref<80xi32, #tpu.memory_space<vmem>>
    %dma_wait3A_214 = arith.constant 0 : i32
    %dma_wait3A_215 = arith.constant 0 : i32
    %dma_wait3A_216 = tpu.memref_slice %arg2[%dma_wait3A_214, %dma_wait3A_215] : memref<10000x128xf32, #tpu.memory_space<hbm>> -> memref<10000x128xf32, #tpu.memory_space<hbm>>
    tpu.wait_indirect_dma semaphore(%arg12 : memref<!tpu.dma_semaphore, #tpu.memory_space<semaphore_mem>>) src(%dma_wait3A_216 : memref<10000x128xf32, #tpu.memory_space<hbm>>) dst(%dma_wait3A_211 : memref<80x128xf32, #tpu.memory_space<vmem>>)
    %add3A_217 = arith.constant 9760 : i32
    %add3A_218 = arith.addi %mul3A_2, %add3A_217 : i32
    %dma_wait3A_219 = arith.constant 2 : i32
    %dma_wait3A_220 = arith.constant 0 : i32
    %dma_wait3A_221 = tpu.memref_slice %arg7[%dma_wait3A_219, %dma_wait3A_220] : memref<3x80xi32, #tpu.memory_space<vmem>> -> memref<1x80xi32, #tpu.memory_space<vmem>>
    %dma_wait3A_222 = tpu.memref_squeeze %dma_wait3A_221 : memref<1x80xi32, #tpu.memory_space<vmem>> -> memref<80xi32, #tpu.memory_space<vmem>>
    %dma_wait3A_223 = tpu.memref_slice %arg4[%add3A_218] : memref<320000xi32, #tpu.memory_space<hbm>> -> memref<80xi32, #tpu.memory_space<hbm>>
    %dma_wait3A_224 = arith.constant 0 : i32
    %dma_wait3A_225 = tpu.memref_slice %arg7[%dma_wait3A_219, %dma_wait3A_224] : memref<3x80xi32, #tpu.memory_space<vmem>> -> memref<1x80xi32, #tpu.memory_space<vmem>>
    %dma_wait3A_226 = tpu.memref_squeeze %dma_wait3A_225 : memref<1x80xi32, #tpu.memory_space<vmem>> -> memref<80xi32, #tpu.memory_space<vmem>>
    %dma_wait3A_227 = tpu.memref_slice %arg4[%add3A_218] : memref<320000xi32, #tpu.memory_space<hbm>> -> memref<80xi32, #tpu.memory_space<hbm>>
    tpu.wait_dma2 semaphore(%arg11 : memref<!tpu.dma_semaphore, #tpu.memory_space<semaphore_mem>>) src(%dma_wait3A_227 : memref<80xi32, #tpu.memory_space<hbm>>) dst(%dma_wait3A_226 : memref<80xi32, #tpu.memory_space<vmem>>)
    %run_scoped3A_228 = arith.constant 2 : i32
    %run_scoped3A_229 = arith.constant 2 : i32
    "tpu.region"() ({
      %run_scoped3A_281 = tpu.sem_alloc : memref<!tpu.dma_semaphore, #tpu.memory_space<semaphore_mem>>
      %dma_start3A_282 = arith.constant 0 : i32
      %dma_start3A_283 = arith.constant 0 : i32
      %dma_start3A_284 = tpu.memref_slice %arg8[%run_scoped3A_228, %dma_start3A_282, %dma_start3A_283] : memref<3x80x128xf32, #tpu.memory_space<vmem>> -> memref<1x80x128xf32, #tpu.memory_space<vmem>>
      %dma_start3A_285 = tpu.memref_squeeze %dma_start3A_284 : memref<1x80x128xf32, #tpu.memory_space<vmem>> -> memref<80x128xf32, #tpu.memory_space<vmem>>
      %dma_start3A_286 = arith.constant 0 : i32
      %dma_start3A_287 = tpu.memref_slice %arg7[%run_scoped3A_229, %dma_start3A_286] : memref<3x80xi32, #tpu.memory_space<vmem>> -> memref<1x80xi32, #tpu.memory_space<vmem>>
      %dma_start3A_288 = tpu.memref_squeeze %dma_start3A_287 : memref<1x80xi32, #tpu.memory_space<vmem>> -> memref<80xi32, #tpu.memory_space<vmem>>
      %dma_start3A_289 = arith.constant 0 : i32
      %dma_start3A_290 = arith.constant 0 : i32
      %dma_start3A_291 = tpu.memref_slice %arg9[%dma_start3A_289, %dma_start3A_290] : memref<10240x128xf32, #tpu.memory_space<vmem_shared>> -> memref<10240x128xf32, #tpu.memory_space<vmem_shared>>
      tpu.enqueue_indirect_dma source(%dma_start3A_285 : memref<80x128xf32, #tpu.memory_space<vmem>>) target(%dma_start3A_291 : memref<10240x128xf32, #tpu.memory_space<vmem_shared>>) offsets(%dma_start3A_288 : memref<80xi32, #tpu.memory_space<vmem>>) semaphore(%run_scoped3A_281 : memref<!tpu.dma_semaphore, #tpu.memory_space<semaphore_mem>>) {add = true}
      %dma_wait3A_292 = arith.constant 0 : i32
      %dma_wait3A_293 = arith.constant 0 : i32
      %dma_wait3A_294 = tpu.memref_slice %arg8[%run_scoped3A_228, %dma_wait3A_292, %dma_wait3A_293] : memref<3x80x128xf32, #tpu.memory_space<vmem>> -> memref<1x80x128xf32, #tpu.memory_space<vmem>>
      %dma_wait3A_295 = tpu.memref_squeeze %dma_wait3A_294 : memref<1x80x128xf32, #tpu.memory_space<vmem>> -> memref<80x128xf32, #tpu.memory_space<vmem>>
      %dma_wait3A_296 = arith.constant 0 : i32
      %dma_wait3A_297 = tpu.memref_slice %arg7[%run_scoped3A_229, %dma_wait3A_296] : memref<3x80xi32, #tpu.memory_space<vmem>> -> memref<1x80xi32, #tpu.memory_space<vmem>>
      %dma_wait3A_298 = tpu.memref_squeeze %dma_wait3A_297 : memref<1x80xi32, #tpu.memory_space<vmem>> -> memref<80xi32, #tpu.memory_space<vmem>>
      %dma_wait3A_299 = arith.constant 0 : i32
      %dma_wait3A_300 = arith.constant 0 : i32
      %dma_wait3A_301 = tpu.memref_slice %arg9[%dma_wait3A_299, %dma_wait3A_300] : memref<10240x128xf32, #tpu.memory_space<vmem_shared>> -> memref<10240x128xf32, #tpu.memory_space<vmem_shared>>
      tpu.wait_indirect_dma semaphore(%run_scoped3A_281 : memref<!tpu.dma_semaphore, #tpu.memory_space<semaphore_mem>>) src(%dma_wait3A_295 : memref<80x128xf32, #tpu.memory_space<vmem>>) dst(%dma_wait3A_301 : memref<10240x128xf32, #tpu.memory_space<vmem_shared>>)
      tpu.yield
    }) : () -> ()
    %dma_wait3A_230 = arith.constant 0 : i32
    %dma_wait3A_231 = arith.constant 0 : i32
    %dma_wait3A_232 = arith.constant 0 : i32
    %dma_wait3A_233 = tpu.memref_slice %arg8[%dma_wait3A_230, %dma_wait3A_231, %dma_wait3A_232] : memref<3x80x128xf32, #tpu.memory_space<vmem>> -> memref<1x80x128xf32, #tpu.memory_space<vmem>>
    %dma_wait3A_234 = tpu.memref_squeeze %dma_wait3A_233 : memref<1x80x128xf32, #tpu.memory_space<vmem>> -> memref<80x128xf32, #tpu.memory_space<vmem>>
    %dma_wait3A_235 = arith.constant 9840 : i32
    %dma_wait3A_236 = tpu.memref_slice %arg6[%dma_wait3A_235] : memref<10000xi32, #tpu.memory_space<vmem>> -> memref<80xi32, #tpu.memory_space<vmem>>
    %dma_wait3A_237 = arith.constant 0 : i32
    %dma_wait3A_238 = arith.constant 0 : i32
    %dma_wait3A_239 = tpu.memref_slice %arg2[%dma_wait3A_237, %dma_wait3A_238] : memref<10000x128xf32, #tpu.memory_space<hbm>> -> memref<10000x128xf32, #tpu.memory_space<hbm>>
    tpu.wait_indirect_dma semaphore(%arg12 : memref<!tpu.dma_semaphore, #tpu.memory_space<semaphore_mem>>) src(%dma_wait3A_239 : memref<10000x128xf32, #tpu.memory_space<hbm>>) dst(%dma_wait3A_234 : memref<80x128xf32, #tpu.memory_space<vmem>>)
    %add3A_240 = arith.constant 9840 : i32
    %add3A_241 = arith.addi %mul3A_2, %add3A_240 : i32
    %dma_wait3A_242 = arith.constant 0 : i32
    %dma_wait3A_243 = arith.constant 0 : i32
    %dma_wait3A_244 = tpu.memref_slice %arg7[%dma_wait3A_242, %dma_wait3A_243] : memref<3x80xi32, #tpu.memory_space<vmem>> -> memref<1x80xi32, #tpu.memory_space<vmem>>
    %dma_wait3A_245 = tpu.memref_squeeze %dma_wait3A_244 : memref<1x80xi32, #tpu.memory_space<vmem>> -> memref<80xi32, #tpu.memory_space<vmem>>
    %dma_wait3A_246 = tpu.memref_slice %arg4[%add3A_241] : memref<320000xi32, #tpu.memory_space<hbm>> -> memref<80xi32, #tpu.memory_space<hbm>>
    %dma_wait3A_247 = arith.constant 0 : i32
    %dma_wait3A_248 = tpu.memref_slice %arg7[%dma_wait3A_242, %dma_wait3A_247] : memref<3x80xi32, #tpu.memory_space<vmem>> -> memref<1x80xi32, #tpu.memory_space<vmem>>
    %dma_wait3A_249 = tpu.memref_squeeze %dma_wait3A_248 : memref<1x80xi32, #tpu.memory_space<vmem>> -> memref<80xi32, #tpu.memory_space<vmem>>
    %dma_wait3A_250 = tpu.memref_slice %arg4[%add3A_241] : memref<320000xi32, #tpu.memory_space<hbm>> -> memref<80xi32, #tpu.memory_space<hbm>>
    tpu.wait_dma2 semaphore(%arg11 : memref<!tpu.dma_semaphore, #tpu.memory_space<semaphore_mem>>) src(%dma_wait3A_250 : memref<80xi32, #tpu.memory_space<hbm>>) dst(%dma_wait3A_249 : memref<80xi32, #tpu.memory_space<vmem>>)
    %run_scoped3A_251 = arith.constant 0 : i32
    %run_scoped3A_252 = arith.constant 0 : i32
    "tpu.region"() ({
      %run_scoped3A_281 = tpu.sem_alloc : memref<!tpu.dma_semaphore, #tpu.memory_space<semaphore_mem>>
      %dma_start3A_282 = arith.constant 0 : i32
      %dma_start3A_283 = arith.constant 0 : i32
      %dma_start3A_284 = tpu.memref_slice %arg8[%run_scoped3A_251, %dma_start3A_282, %dma_start3A_283] : memref<3x80x128xf32, #tpu.memory_space<vmem>> -> memref<1x80x128xf32, #tpu.memory_space<vmem>>
      %dma_start3A_285 = tpu.memref_squeeze %dma_start3A_284 : memref<1x80x128xf32, #tpu.memory_space<vmem>> -> memref<80x128xf32, #tpu.memory_space<vmem>>
      %dma_start3A_286 = arith.constant 0 : i32
      %dma_start3A_287 = tpu.memref_slice %arg7[%run_scoped3A_252, %dma_start3A_286] : memref<3x80xi32, #tpu.memory_space<vmem>> -> memref<1x80xi32, #tpu.memory_space<vmem>>
      %dma_start3A_288 = tpu.memref_squeeze %dma_start3A_287 : memref<1x80xi32, #tpu.memory_space<vmem>> -> memref<80xi32, #tpu.memory_space<vmem>>
      %dma_start3A_289 = arith.constant 0 : i32
      %dma_start3A_290 = arith.constant 0 : i32
      %dma_start3A_291 = tpu.memref_slice %arg9[%dma_start3A_289, %dma_start3A_290] : memref<10240x128xf32, #tpu.memory_space<vmem_shared>> -> memref<10240x128xf32, #tpu.memory_space<vmem_shared>>
      tpu.enqueue_indirect_dma source(%dma_start3A_285 : memref<80x128xf32, #tpu.memory_space<vmem>>) target(%dma_start3A_291 : memref<10240x128xf32, #tpu.memory_space<vmem_shared>>) offsets(%dma_start3A_288 : memref<80xi32, #tpu.memory_space<vmem>>) semaphore(%run_scoped3A_281 : memref<!tpu.dma_semaphore, #tpu.memory_space<semaphore_mem>>) {add = true}
      %dma_wait3A_292 = arith.constant 0 : i32
      %dma_wait3A_293 = arith.constant 0 : i32
      %dma_wait3A_294 = tpu.memref_slice %arg8[%run_scoped3A_251, %dma_wait3A_292, %dma_wait3A_293] : memref<3x80x128xf32, #tpu.memory_space<vmem>> -> memref<1x80x128xf32, #tpu.memory_space<vmem>>
      %dma_wait3A_295 = tpu.memref_squeeze %dma_wait3A_294 : memref<1x80x128xf32, #tpu.memory_space<vmem>> -> memref<80x128xf32, #tpu.memory_space<vmem>>
      %dma_wait3A_296 = arith.constant 0 : i32
      %dma_wait3A_297 = tpu.memref_slice %arg7[%run_scoped3A_252, %dma_wait3A_296] : memref<3x80xi32, #tpu.memory_space<vmem>> -> memref<1x80xi32, #tpu.memory_space<vmem>>
      %dma_wait3A_298 = tpu.memref_squeeze %dma_wait3A_297 : memref<1x80xi32, #tpu.memory_space<vmem>> -> memref<80xi32, #tpu.memory_space<vmem>>
      %dma_wait3A_299 = arith.constant 0 : i32
      %dma_wait3A_300 = arith.constant 0 : i32
      %dma_wait3A_301 = tpu.memref_slice %arg9[%dma_wait3A_299, %dma_wait3A_300] : memref<10240x128xf32, #tpu.memory_space<vmem_shared>> -> memref<10240x128xf32, #tpu.memory_space<vmem_shared>>
      tpu.wait_indirect_dma semaphore(%run_scoped3A_281 : memref<!tpu.dma_semaphore, #tpu.memory_space<semaphore_mem>>) src(%dma_wait3A_295 : memref<80x128xf32, #tpu.memory_space<vmem>>) dst(%dma_wait3A_301 : memref<10240x128xf32, #tpu.memory_space<vmem_shared>>)
      tpu.yield
    }) : () -> ()
    %dma_wait3A_253 = arith.constant 1 : i32
    %dma_wait3A_254 = arith.constant 0 : i32
    %dma_wait3A_255 = arith.constant 0 : i32
    %dma_wait3A_256 = tpu.memref_slice %arg8[%dma_wait3A_253, %dma_wait3A_254, %dma_wait3A_255] : memref<3x80x128xf32, #tpu.memory_space<vmem>> -> memref<1x80x128xf32, #tpu.memory_space<vmem>>
    %dma_wait3A_257 = tpu.memref_squeeze %dma_wait3A_256 : memref<1x80x128xf32, #tpu.memory_space<vmem>> -> memref<80x128xf32, #tpu.memory_space<vmem>>
    %dma_wait3A_258 = arith.constant 9920 : i32
    %dma_wait3A_259 = tpu.memref_slice %arg6[%dma_wait3A_258] : memref<10000xi32, #tpu.memory_space<vmem>> -> memref<80xi32, #tpu.memory_space<vmem>>
    %dma_wait3A_260 = arith.constant 0 : i32
    %dma_wait3A_261 = arith.constant 0 : i32
    %dma_wait3A_262 = tpu.memref_slice %arg2[%dma_wait3A_260, %dma_wait3A_261] : memref<10000x128xf32, #tpu.memory_space<hbm>> -> memref<10000x128xf32, #tpu.memory_space<hbm>>
    tpu.wait_indirect_dma semaphore(%arg12 : memref<!tpu.dma_semaphore, #tpu.memory_space<semaphore_mem>>) src(%dma_wait3A_262 : memref<10000x128xf32, #tpu.memory_space<hbm>>) dst(%dma_wait3A_257 : memref<80x128xf32, #tpu.memory_space<vmem>>)
    %add3A_263 = arith.constant 9920 : i32
    %add3A_264 = arith.addi %mul3A_2, %add3A_263 : i32
    %dma_wait3A_265 = arith.constant 1 : i32
    %dma_wait3A_266 = arith.constant 0 : i32
    %dma_wait3A_267 = tpu.memref_slice %arg7[%dma_wait3A_265, %dma_wait3A_266] : memref<3x80xi32, #tpu.memory_space<vmem>> -> memref<1x80xi32, #tpu.memory_space<vmem>>
    %dma_wait3A_268 = tpu.memref_squeeze %dma_wait3A_267 : memref<1x80xi32, #tpu.memory_space<vmem>> -> memref<80xi32, #tpu.memory_space<vmem>>
    %dma_wait3A_269 = tpu.memref_slice %arg4[%add3A_264] : memref<320000xi32, #tpu.memory_space<hbm>> -> memref<80xi32, #tpu.memory_space<hbm>>
    %dma_wait3A_270 = arith.constant 0 : i32
    %dma_wait3A_271 = tpu.memref_slice %arg7[%dma_wait3A_265, %dma_wait3A_270] : memref<3x80xi32, #tpu.memory_space<vmem>> -> memref<1x80xi32, #tpu.memory_space<vmem>>
    %dma_wait3A_272 = tpu.memref_squeeze %dma_wait3A_271 : memref<1x80xi32, #tpu.memory_space<vmem>> -> memref<80xi32, #tpu.memory_space<vmem>>
    %dma_wait3A_273 = tpu.memref_slice %arg4[%add3A_264] : memref<320000xi32, #tpu.memory_space<hbm>> -> memref<80xi32, #tpu.memory_space<hbm>>
    tpu.wait_dma2 semaphore(%arg11 : memref<!tpu.dma_semaphore, #tpu.memory_space<semaphore_mem>>) src(%dma_wait3A_273 : memref<80xi32, #tpu.memory_space<hbm>>) dst(%dma_wait3A_272 : memref<80xi32, #tpu.memory_space<vmem>>)
    %run_scoped3A_274 = arith.constant 1 : i32
    %run_scoped3A_275 = arith.constant 1 : i32
    "tpu.region"() ({
      %run_scoped3A_281 = tpu.sem_alloc : memref<!tpu.dma_semaphore, #tpu.memory_space<semaphore_mem>>
      %dma_start3A_282 = arith.constant 0 : i32
      %dma_start3A_283 = arith.constant 0 : i32
      %dma_start3A_284 = tpu.memref_slice %arg8[%run_scoped3A_274, %dma_start3A_282, %dma_start3A_283] : memref<3x80x128xf32, #tpu.memory_space<vmem>> -> memref<1x80x128xf32, #tpu.memory_space<vmem>>
      %dma_start3A_285 = tpu.memref_squeeze %dma_start3A_284 : memref<1x80x128xf32, #tpu.memory_space<vmem>> -> memref<80x128xf32, #tpu.memory_space<vmem>>
      %dma_start3A_286 = arith.constant 0 : i32
      %dma_start3A_287 = tpu.memref_slice %arg7[%run_scoped3A_275, %dma_start3A_286] : memref<3x80xi32, #tpu.memory_space<vmem>> -> memref<1x80xi32, #tpu.memory_space<vmem>>
      %dma_start3A_288 = tpu.memref_squeeze %dma_start3A_287 : memref<1x80xi32, #tpu.memory_space<vmem>> -> memref<80xi32, #tpu.memory_space<vmem>>
      %dma_start3A_289 = arith.constant 0 : i32
      %dma_start3A_290 = arith.constant 0 : i32
      %dma_start3A_291 = tpu.memref_slice %arg9[%dma_start3A_289, %dma_start3A_290] : memref<10240x128xf32, #tpu.memory_space<vmem_shared>> -> memref<10240x128xf32, #tpu.memory_space<vmem_shared>>
      tpu.enqueue_indirect_dma source(%dma_start3A_285 : memref<80x128xf32, #tpu.memory_space<vmem>>) target(%dma_start3A_291 : memref<10240x128xf32, #tpu.memory_space<vmem_shared>>) offsets(%dma_start3A_288 : memref<80xi32, #tpu.memory_space<vmem>>) semaphore(%run_scoped3A_281 : memref<!tpu.dma_semaphore, #tpu.memory_space<semaphore_mem>>) {add = true}
      %dma_wait3A_292 = arith.constant 0 : i32
      %dma_wait3A_293 = arith.constant 0 : i32
      %dma_wait3A_294 = tpu.memref_slice %arg8[%run_scoped3A_274, %dma_wait3A_292, %dma_wait3A_293] : memref<3x80x128xf32, #tpu.memory_space<vmem>> -> memref<1x80x128xf32, #tpu.memory_space<vmem>>
      %dma_wait3A_295 = tpu.memref_squeeze %dma_wait3A_294 : memref<1x80x128xf32, #tpu.memory_space<vmem>> -> memref<80x128xf32, #tpu.memory_space<vmem>>
      %dma_wait3A_296 = arith.constant 0 : i32
      %dma_wait3A_297 = tpu.memref_slice %arg7[%run_scoped3A_275, %dma_wait3A_296] : memref<3x80xi32, #tpu.memory_space<vmem>> -> memref<1x80xi32, #tpu.memory_space<vmem>>
      %dma_wait3A_298 = tpu.memref_squeeze %dma_wait3A_297 : memref<1x80xi32, #tpu.memory_space<vmem>> -> memref<80xi32, #tpu.memory_space<vmem>>
      %dma_wait3A_299 = arith.constant 0 : i32
      %dma_wait3A_300 = arith.constant 0 : i32
      %dma_wait3A_301 = tpu.memref_slice %arg9[%dma_wait3A_299, %dma_wait3A_300] : memref<10240x128xf32, #tpu.memory_space<vmem_shared>> -> memref<10240x128xf32, #tpu.memory_space<vmem_shared>>
      tpu.wait_indirect_dma semaphore(%run_scoped3A_281 : memref<!tpu.dma_semaphore, #tpu.memory_space<semaphore_mem>>) src(%dma_wait3A_295 : memref<80x128xf32, #tpu.memory_space<vmem>>) dst(%dma_wait3A_301 : memref<10240x128xf32, #tpu.memory_space<vmem_shared>>)
      tpu.yield
    }) : () -> ()
    %barrier3A_276 = arith.constant 0 : index
    tpu.barrier barrier_id(%barrier3A_276)
    %mul3A_277 = arith.constant 640 : i32
    %mul3A_278 = arith.muli %arg1, %mul3A_277 : i32
    %mul3A_279 = arith.constant 640 : i32
    %mul3A_280 = arith.muli %arg1, %mul3A_279 : i32
    "tpu.region"() ({
      %run_scoped3A_281 = tpu.sem_alloc : memref<!tpu.dma_semaphore, #tpu.memory_space<semaphore_mem>>
      %dma_start3A_282 = arith.constant 0 : i32
      %dma_start3A_283 = tpu.memref_slice %arg5[%arg0, %mul3A_280, %dma_start3A_282] : memref<2x10240x128xf32, #tpu.memory_space<hbm>> -> memref<1x640x128xf32, #tpu.memory_space<hbm>>
      %dma_start3A_284 = tpu.memref_squeeze %dma_start3A_283 : memref<1x640x128xf32, #tpu.memory_space<hbm>> -> memref<640x128xf32, #tpu.memory_space<hbm>>
      %dma_start3A_285 = arith.constant 0 : i32
      %dma_start3A_286 = tpu.memref_slice %arg9[%mul3A_278, %dma_start3A_285] : memref<10240x128xf32, #tpu.memory_space<vmem_shared>> -> memref<640x128xf32, #tpu.memory_space<vmem_shared>>
      tpu.enqueue_dma source(%dma_start3A_286 : memref<640x128xf32, #tpu.memory_space<vmem_shared>>) target(%dma_start3A_284 : memref<640x128xf32, #tpu.memory_space<hbm>>) target_semaphore(%run_scoped3A_281 : memref<!tpu.dma_semaphore, #tpu.memory_space<semaphore_mem>>)
      %dma_wait3A_287 = arith.constant 0 : i32
      %dma_wait3A_288 = tpu.memref_slice %arg5[%arg0, %mul3A_280, %dma_wait3A_287] : memref<2x10240x128xf32, #tpu.memory_space<hbm>> -> memref<1x640x128xf32, #tpu.memory_space<hbm>>
      %dma_wait3A_289 = tpu.memref_squeeze %dma_wait3A_288 : memref<1x640x128xf32, #tpu.memory_space<hbm>> -> memref<640x128xf32, #tpu.memory_space<hbm>>
      %dma_wait3A_290 = arith.constant 0 : i32
      %dma_wait3A_291 = tpu.memref_slice %arg9[%mul3A_278, %dma_wait3A_290] : memref<10240x128xf32, #tpu.memory_space<vmem_shared>> -> memref<640x128xf32, #tpu.memory_space<vmem_shared>>
      tpu.wait_dma2 semaphore(%run_scoped3A_281 : memref<!tpu.dma_semaphore, #tpu.memory_space<semaphore_mem>>) src(%dma_wait3A_291 : memref<640x128xf32, #tpu.memory_space<vmem_shared>>) dst(%dma_wait3A_289 : memref<640x128xf32, #tpu.memory_space<hbm>>)
      tpu.yield
    }) : () -> ()
    return
  }
}

module attributes {stable_mosaic.version = 14 : i64} {
  func.func @_tc1_body(%arg0: memref<10000x128xf32, #tpu.memory_space<vmem>>, %arg1: memref<128x128xf32, #tpu.memory_space<vmem>>, %arg2: memref<10240x1xf32, #tpu.memory_space<vmem>>, %arg3: memref<10240x1xf32, #tpu.memory_space<vmem>>, %arg4: memref<10000x128xf32, #tpu.memory_space<vmem>>, %arg5: memref<10000x1xf32, #tpu.memory_space<vmem>>) attributes {dimension_semantics = [], scalar_prefetch = 0 : i64, scratch_operands = 0 : i64, tpu.core_type = #tpu.core_type<tc>} {
    %get3A = arith.constant 0 : index
    %get3A_0 = arith.constant 0 : index
    %get3A_1 = vector.load %arg2[%get3A, %get3A_0] : memref<10240x1xf32, #tpu.memory_space<vmem>>, vector<10000x1xf32>
    %get3A_2 = arith.constant 0 : index
    %get3A_3 = arith.constant 0 : index
    %get3A_4 = vector.load %arg3[%get3A_2, %get3A_3] : memref<10240x1xf32, #tpu.memory_space<vmem>>, vector<10000x1xf32>
    %add3A = arith.addf %get3A_1, %get3A_4 : vector<10000x1xf32>
    %add3A_5 = arith.constant 1.000000e+00 : f32
    %add3A_6 = vector.broadcast %add3A_5 : f32 to vector<10000x1xf32>
    %add3A_7 = arith.addf %add3A, %add3A_6 : vector<10000x1xf32>
    %rsqrt3A = math.rsqrt %add3A_7 : vector<10000x1xf32>
    %get3A_8 = arith.constant 0 : index
    %get3A_9 = arith.constant 0 : index
    %get3A_10 = vector.load %arg0[%get3A_8, %get3A_9] : memref<10000x128xf32, #tpu.memory_space<vmem>>, vector<10000x128xf32>
    %get3A_11 = arith.constant 0 : index
    %get3A_12 = arith.constant 0 : index
    %get3A_13 = vector.load %arg1[%get3A_11, %get3A_12] : memref<128x128xf32, #tpu.memory_space<vmem>>, vector<128x128xf32>
    %dot_general3A = arith.constant dense<0.000000e+00> : vector<10000x128xf32>
    %dot_general3A_14 = tpu.matmul %get3A_10, %get3A_13, %dot_general3A {dimension_numbers = #tpu.dot_dimension_numbers<[1], [0], [0], [1], [0, 0, 1, 1], [], []>, transpose_lhs_hint = false} : vector<10000x128xf32>, vector<128x128xf32>, vector<10000x128xf32> -> vector<10000x128xf32>
    %mul3A = vector.broadcast %rsqrt3A : vector<10000x1xf32> to vector<10000x128xf32>
    %mul3A_15 = arith.mulf %dot_general3A_14, %mul3A : vector<10000x128xf32>
    %swap3A = arith.constant 0 : index
    %swap3A_16 = arith.constant 0 : index
    %swap3A_17 = vector.load %arg4[%swap3A, %swap3A_16] : memref<10000x128xf32, #tpu.memory_space<vmem>>, vector<10000x128xf32>
    tpu.vector_store %arg4[%swap3A, %swap3A_16], %mul3A_15 {strides = array<i32>} : memref<10000x128xf32, #tpu.memory_space<vmem>>, vector<10000x128xf32>,
    %swap3A_18 = arith.constant 0 : index
    %swap3A_19 = arith.constant 0 : index
    %swap3A_20 = vector.load %arg5[%swap3A_18, %swap3A_19] : memref<10000x1xf32, #tpu.memory_space<vmem>>, vector<10000x1xf32>
    tpu.vector_store %arg5[%swap3A_18, %swap3A_19], %rsqrt3A {strides = array<i32>} : memref<10000x1xf32, #tpu.memory_space<vmem>>, vector<10000x1xf32>,
    return
  }
}

module attributes {stable_mosaic.version = 14 : i64} {
  func.func @_tc2_body(%arg0: memref<2x10240x128xf32, #tpu.memory_space<vmem>>, %arg1: memref<10000x128xf32, #tpu.memory_space<vmem>>, %arg2: memref<10000x1xf32, #tpu.memory_space<vmem>>, %arg3: memref<1x128xf32, #tpu.memory_space<vmem>>, %arg4: memref<128x128xf32, #tpu.memory_space<vmem>>, %arg5: memref<10000x128xf32, #tpu.memory_space<vmem>>) attributes {dimension_semantics = [], scalar_prefetch = 0 : i64, scratch_operands = 0 : i64, tpu.core_type = #tpu.core_type<tc>} {
    %get3A = arith.constant 0 : index
    %get3A_0 = arith.constant 0 : index
    %get3A_1 = vector.load %arg2[%get3A, %get3A_0] : memref<10000x1xf32, #tpu.memory_space<vmem>>, vector<10000x1xf32>
    %get3A_2 = arith.constant 0 : index
    %get3A_3 = arith.constant 0 : index
    %get3A_4 = arith.constant 0 : index
    %get3A_5 = vector.load %arg0[%get3A_2, %get3A_3, %get3A_4] : memref<2x10240x128xf32, #tpu.memory_space<vmem>>, vector<1x10000x128xf32>
    %get3A_6 = vector.shape_cast %get3A_5 : vector<1x10000x128xf32> to vector<10000x128xf32>
    %get3A_7 = arith.constant 1 : index
    %get3A_8 = arith.constant 0 : index
    %get3A_9 = arith.constant 0 : index
    %get3A_10 = vector.load %arg0[%get3A_7, %get3A_8, %get3A_9] : memref<2x10240x128xf32, #tpu.memory_space<vmem>>, vector<1x10000x128xf32>
    %get3A_11 = vector.shape_cast %get3A_10 : vector<1x10000x128xf32> to vector<10000x128xf32>
    %add3A = arith.addf %get3A_6, %get3A_11 : vector<10000x128xf32>
    %get3A_12 = arith.constant 0 : index
    %get3A_13 = arith.constant 0 : index
    %get3A_14 = vector.load %arg1[%get3A_12, %get3A_13] : memref<10000x128xf32, #tpu.memory_space<vmem>>, vector<10000x128xf32>
    %add3A_15 = arith.addf %add3A, %get3A_14 : vector<10000x128xf32>
    %mul3A = vector.broadcast %get3A_1 : vector<10000x1xf32> to vector<10000x128xf32>
    %mul3A_16 = arith.mulf %mul3A, %add3A_15 : vector<10000x128xf32>
    %get3A_17 = arith.constant 0 : index
    %get3A_18 = arith.constant 0 : index
    %get3A_19 = vector.load %arg3[%get3A_17, %get3A_18] : memref<1x128xf32, #tpu.memory_space<vmem>>, vector<1x128xf32>
    %add3A_20 = vector.broadcast %get3A_19 : vector<1x128xf32> to vector<10000x128xf32>
    %add3A_21 = arith.addf %mul3A_16, %add3A_20 : vector<10000x128xf32>
    %max3A = arith.constant 0.000000e+00 : f32
    %max3A_22 = vector.broadcast %max3A : f32 to vector<10000x128xf32>
    %max3A_23 = arith.maximumf %add3A_21, %max3A_22 : vector<10000x128xf32>
    %get3A_24 = arith.constant 0 : index
    %get3A_25 = arith.constant 0 : index
    %get3A_26 = vector.load %arg4[%get3A_24, %get3A_25] : memref<128x128xf32, #tpu.memory_space<vmem>>, vector<128x128xf32>
    %dot_general3A = arith.constant dense<0.000000e+00> : vector<10000x128xf32>
    %dot_general3A_27 = tpu.matmul %max3A_23, %get3A_26, %dot_general3A {dimension_numbers = #tpu.dot_dimension_numbers<[1], [0], [0], [1], [0, 0, 1, 1], [], []>, transpose_lhs_hint = false} : vector<10000x128xf32>, vector<128x128xf32>, vector<10000x128xf32> -> vector<10000x128xf32>
    %mul3A_28 = vector.broadcast %get3A_1 : vector<10000x1xf32> to vector<10000x128xf32>
    %mul3A_29 = arith.mulf %dot_general3A_27, %mul3A_28 : vector<10000x128xf32>
    %swap3A = arith.constant 0 : index
    %swap3A_30 = arith.constant 0 : index
    %swap3A_31 = vector.load %arg5[%swap3A, %swap3A_30] : memref<10000x128xf32, #tpu.memory_space<vmem>>, vector<10000x128xf32>
    tpu.vector_store %arg5[%swap3A, %swap3A_30], %mul3A_29 {strides = array<i32>} : memref<10000x128xf32, #tpu.memory_space<vmem>>, vector<10000x128xf32>,
    return
  }
}

module attributes {stable_mosaic.version = 14 : i64} {
  func.func @_tc3_body(%arg0: memref<2x10240x128xf32, #tpu.memory_space<vmem>>, %arg1: memref<10000x128xf32, #tpu.memory_space<vmem>>, %arg2: memref<10000x1xf32, #tpu.memory_space<vmem>>, %arg3: memref<1x128xf32, #tpu.memory_space<vmem>>, %arg4: memref<128x32xf32, #tpu.memory_space<vmem>>, %arg5: memref<1x32xf32, #tpu.memory_space<vmem>>, %arg6: memref<128x32xf32, #tpu.memory_space<vmem>>, %arg7: memref<1x32xf32, #tpu.memory_space<vmem>>, %arg8: memref<10000x32xf32, #tpu.memory_space<vmem>>, %arg9: memref<10000x32xf32, #tpu.memory_space<vmem>>) attributes {dimension_semantics = [], scalar_prefetch = 0 : i64, scratch_operands = 0 : i64, tpu.core_type = #tpu.core_type<tc>} {
    %get3A = arith.constant 0 : index
    %get3A_0 = arith.constant 0 : index
    %get3A_1 = vector.load %arg2[%get3A, %get3A_0] : memref<10000x1xf32, #tpu.memory_space<vmem>>, vector<10000x1xf32>
    %get3A_2 = arith.constant 0 : index
    %get3A_3 = arith.constant 0 : index
    %get3A_4 = arith.constant 0 : index
    %get3A_5 = vector.load %arg0[%get3A_2, %get3A_3, %get3A_4] : memref<2x10240x128xf32, #tpu.memory_space<vmem>>, vector<1x10000x128xf32>
    %get3A_6 = vector.shape_cast %get3A_5 : vector<1x10000x128xf32> to vector<10000x128xf32>
    %get3A_7 = arith.constant 1 : index
    %get3A_8 = arith.constant 0 : index
    %get3A_9 = arith.constant 0 : index
    %get3A_10 = vector.load %arg0[%get3A_7, %get3A_8, %get3A_9] : memref<2x10240x128xf32, #tpu.memory_space<vmem>>, vector<1x10000x128xf32>
    %get3A_11 = vector.shape_cast %get3A_10 : vector<1x10000x128xf32> to vector<10000x128xf32>
    %add3A = arith.addf %get3A_6, %get3A_11 : vector<10000x128xf32>
    %get3A_12 = arith.constant 0 : index
    %get3A_13 = arith.constant 0 : index
    %get3A_14 = vector.load %arg1[%get3A_12, %get3A_13] : memref<10000x128xf32, #tpu.memory_space<vmem>>, vector<10000x128xf32>
    %add3A_15 = arith.addf %add3A, %get3A_14 : vector<10000x128xf32>
    %mul3A = vector.broadcast %get3A_1 : vector<10000x1xf32> to vector<10000x128xf32>
    %mul3A_16 = arith.mulf %mul3A, %add3A_15 : vector<10000x128xf32>
    %get3A_17 = arith.constant 0 : index
    %get3A_18 = arith.constant 0 : index
    %get3A_19 = vector.load %arg3[%get3A_17, %get3A_18] : memref<1x128xf32, #tpu.memory_space<vmem>>, vector<1x128xf32>
    %add3A_20 = vector.broadcast %get3A_19 : vector<1x128xf32> to vector<10000x128xf32>
    %add3A_21 = arith.addf %mul3A_16, %add3A_20 : vector<10000x128xf32>
    %max3A = arith.constant 0.000000e+00 : f32
    %max3A_22 = vector.broadcast %max3A : f32 to vector<10000x128xf32>
    %max3A_23 = arith.maximumf %add3A_21, %max3A_22 : vector<10000x128xf32>
    %get3A_24 = arith.constant 0 : index
    %get3A_25 = arith.constant 0 : index
    %get3A_26 = vector.load %arg4[%get3A_24, %get3A_25] : memref<128x32xf32, #tpu.memory_space<vmem>>, vector<128x32xf32>
    %dot_general3A = arith.constant dense<0.000000e+00> : vector<10000x32xf32>
    %dot_general3A_27 = tpu.matmul %max3A_23, %get3A_26, %dot_general3A {dimension_numbers = #tpu.dot_dimension_numbers<[1], [0], [0], [1], [0, 0, 1, 1], [], []>, transpose_lhs_hint = false} : vector<10000x128xf32>, vector<128x32xf32>, vector<10000x32xf32> -> vector<10000x32xf32>
    %get3A_28 = arith.constant 0 : index
    %get3A_29 = arith.constant 0 : index
    %get3A_30 = vector.load %arg5[%get3A_28, %get3A_29] : memref<1x32xf32, #tpu.memory_space<vmem>>, vector<1x32xf32>
    %add3A_31 = vector.broadcast %get3A_30 : vector<1x32xf32> to vector<10000x32xf32>
    %add3A_32 = arith.addf %dot_general3A_27, %add3A_31 : vector<10000x32xf32>
    %swap3A = arith.constant 0 : index
    %swap3A_33 = arith.constant 0 : index
    %swap3A_34 = vector.load %arg8[%swap3A, %swap3A_33] : memref<10000x32xf32, #tpu.memory_space<vmem>>, vector<10000x32xf32>
    tpu.vector_store %arg8[%swap3A, %swap3A_33], %add3A_32 {strides = array<i32>} : memref<10000x32xf32, #tpu.memory_space<vmem>>, vector<10000x32xf32>,
    %get3A_35 = arith.constant 0 : index
    %get3A_36 = arith.constant 0 : index
    %get3A_37 = vector.load %arg6[%get3A_35, %get3A_36] : memref<128x32xf32, #tpu.memory_space<vmem>>, vector<128x32xf32>
    %dot_general3A_38 = arith.constant dense<0.000000e+00> : vector<10000x32xf32>
    %dot_general3A_39 = tpu.matmul %max3A_23, %get3A_37, %dot_general3A_38 {dimension_numbers = #tpu.dot_dimension_numbers<[1], [0], [0], [1], [0, 0, 1, 1], [], []>, transpose_lhs_hint = false} : vector<10000x128xf32>, vector<128x32xf32>, vector<10000x32xf32> -> vector<10000x32xf32>
    %get3A_40 = arith.constant 0 : index
    %get3A_41 = arith.constant 0 : index
    %get3A_42 = vector.load %arg7[%get3A_40, %get3A_41] : memref<1x32xf32, #tpu.memory_space<vmem>>, vector<1x32xf32>
    %add3A_43 = vector.broadcast %get3A_42 : vector<1x32xf32> to vector<10000x32xf32>
    %add3A_44 = arith.addf %dot_general3A_39, %add3A_43 : vector<10000x32xf32>
    %swap3A_45 = arith.constant 0 : index
    %swap3A_46 = arith.constant 0 : index
    %swap3A_47 = vector.load %arg9[%swap3A_45, %swap3A_46] : memref<10000x32xf32, #tpu.memory_space<vmem>>, vector<10000x32xf32>
    tpu.vector_store %arg9[%swap3A_45, %swap3A_46], %add3A_44 {strides = array<i32>} : memref<10000x32xf32, #tpu.memory_space<vmem>>, vector<10000x32xf32>,
    return
  }
}

</mosaic_0001>

<sc_bundles>
// kernel: kernel.11.cloned.1.call-start
scs
__scs_entry_jumppad:
0x0: {  	(pc) =	sbr.rel $0x88, $3  }
0x1: {  	(tag) =	ssettag $0x0;
	lr =	simm.s32 $0x1  }
0x2: {  	[smem:$0x3F97] =	sst lr;
	_ =	strace $0xD0000000  }
0x3: {  	_ = 	snop  }
0x4: {  	_ = 	snop  }
0x5: {  	_ = 	snop  }
0x6: {  	_ = 	snop  }
0x7: {  	_ = 	snop  }
__scs_overlays_trampoline_lowered:
0x8: {  	[smem:$0x3FA6] =	sst s0  }
0x9: {  	[smem:$0x3FA7] =	sst s1  }
0xa: {  	[smem:$0x3FA8] =	sst s2  }
0xb: {  	[smem:$0x3FA9] =	sst s3  }
0xc: {  	[smem:$0x3FAA] =	sst s4  }
0xd: {  	[smem:$0x3FAB] =	sst s5  }
0xe: {  	[smem:$0x3FAC] =	sst s6  }
0xf: {  	[smem:$0x3FAD] =	sst s7  }
0x10: {  	[smem:$0x3FAE] =	sst s8  }
0x11: {  	[smem:$0x3FAF] =	sst s9;
	s0 =	simm.s32 @!p0 $0x0  }
0x12: {  	s1 =	sld [smem:$0x3F95];
	s0 =	simm.s32 @p0 $0x1  }
0x13: {  	[smem:$0x3FB0] =	sst s0;
	s0 =	simm.s32 @!p1 $0x0  }
0x14: {  	s2 =	sld [smem:$0x3F94];
	s0 =	simm.s32 @p1 $0x1  }
0x15: {  	[smem:$0x3FB1] =	sst s0;
	s0 =	simm.s32 @!p2 $0x0  }
0x16: {  	s3 =	sld [smem:$0x3FDB];
	s0 =	simm.s32 @p2 $0x1  }
0x17: {  	s4 =	simm.s32 $0x1BF5;
	[smem:$0x3FB3] =	sst s0  }
0x18: {  	s0 =	sld [smem:$0x3F96];
	_ =	swait.ge [sflag:s4], $0x0  }
0x19: {  	s7 =	sld [smem:$0x3F97]  }
0x1a: {  	s8 =	sadd.s32 $0xFFFFE003, lr  }
0x1b: {  	s9 =	sadd.s32 $0xFFFFFEF7, lr;
	s5 =	simm.s32 $0xFFFFFFFF;
	p2 =	slt.u32 s8, $0xFFFFF086  }
0x1c: {  	p1 =	slt.u32 s9, $0xF7A;
	s5 =	simm.s32 @!p2 $0x0  }
0x1d: {  	s5 =	simm.s32 @p1 $0x1;
	p0 =	seq.s32 s7, s2  }
0x1e: {  	s7 =	smul.u32 @!p0 $0xF7A, s2;
	p2 =	seq.s32 @!p0 s5, $0x0  }
0x1f: {  	s9 =	smul.u32 $0xF7A, s1;
	s8 =	simm.s32 @!p0 $0x1BF5;
	p2 =	por !p2, p0  }
0x20: {  	[sflag:s8] =	ssyncset.s32 @!p0 $0xFFFFF086;
	s6 =	sadd.s32 @!p0 s3, s7;
	s7 =	simm.s32 @!p0 $0x108  }
0x21: {  	s3 =	sadd.s32 s3, s9;
	s6 =	sadd.s32 @!p0 $0x88, s6;
	s7 =	simm.s32 @p2 $0x1082  }
0x22: {  	[simem:s7], [sflag:s8] =	dma.local @!p0 [hbm:s6], $0xF7A  }
0x23: {  	s9 =	sor.u32 $0xD0000000, s2;
	s6 =	simm.s32 $0x108;
	_ =	swait.ge @!p0 [sflag:s8], $0x0  }
0x24: {  	s3 =	sadd.s32 $0x88, s3;
	s6 =	simm.s32 @!p1 $0x1082;
	[sflag:s4] =	ssyncset.s32 $0xFFFFF086  }
0x25: {  	[simem:s6], [sflag:s4] =	dma.local [hbm:s3], $0xF7A  }
0x26: {  	[smem:$0x3F97] =	sst s1;
	(tag) =	ssettag s2;
	_ =	strace s9  }
0x27: {  	s1 =	sld [smem:$0x3FA7]  }
0x28: {  	s2 =	sld [smem:$0x3FA8]  }
0x29: {  	s4 =	sld [smem:$0x3FAA]  }
0x2a: {  	p0 =	seq.s32 s5, $0x0;
	s5 =	sld [smem:$0x3FAB]  }
0x2b: {  	s6 =	sld [smem:$0x3FAC]  }
0x2c: {  	s7 =	sld [smem:$0x3FAD]  }
0x2d: {  	s3 =	simm.s32 $0x108;
	s8 =	sld [smem:$0x3FAE]  }
0x2e: {  	s3 =	simm.s32 @!p0 $0x1082;
	s9 =	sld [smem:$0x3FAF]  }
0x2f: {  	lr =	sadd.s32 s0, s3;
	s0 =	sld [smem:$0x3FA6]  }
0x30: {  	s3 =	sld [smem:$0x3FA9]  }
0x31: {  	[smem:$0x3FB2] =	sst s10  }
0x32: {  	s10 =	sld [smem:$0x3FB0];
	_ =	sdelay $0x3  }
0x33: {  	p0 =	seq.s32 s10, $0x1;
	s10 =	sld [smem:$0x3FB2];
	_ =	sdelay $0x3  }
0x34: {  	[smem:$0x3FB2] =	sst s10  }
0x35: {  	s10 =	sld [smem:$0x3FB1];
	_ =	sdelay $0x3  }
0x36: {  	p1 =	seq.s32 s10, $0x1;
	s10 =	sld [smem:$0x3FB2];
	_ =	sdelay $0x3  }
0x37: {  	[smem:$0x3FB2] =	sst s10  }
0x38: {  	s10 =	sld [smem:$0x3FB3]  }
0x39: {  	_ = 	snop;
	(pc) =	sbr.ind lr, $3  }
0x3a: {  	_ = 	snop  }
0x3b: {  	_ = 	snop  }
0x3c: {  	p2 =	seq.s32 s10, $0x1;
	s10 =	sld [smem:$0x3FB2]  }
0x3d: {  	_ =	shalt  }
0x3e: {  	_ =	shalt  }
0x3f: {  	_ =	shalt  }
0x40: {  	_ =	shalt  }
0x41: {  	_ =	shalt  }
0x42: {  	_ =	shalt  }
0x43: {  	_ =	shalt  }
0x44: {  	_ =	shalt  }
0x45: {  	_ =	shalt  }
0x46: {  	_ =	shalt  }
0x47: {  	_ =	shalt  }
0x48: {  	_ =	shalt  }
0x49: {  	_ =	shalt  }
0x4a: {  	_ =	shalt  }
0x4b: {  	_ =	shalt  }
0x4c: {  	_ =	shalt  }
0x4d: {  	_ =	shalt  }
0x4e: {  	_ =	shalt  }
0x4f: {  	_ =	shalt  }
0x50: {  	_ =	shalt  }
0x51: {  	_ =	shalt  }
0x52: {  	_ =	shalt  }
0x53: {  	_ =	shalt  }
0x54: {  	_ =	shalt  }
0x55: {  	_ =	shalt  }
0x56: {  	_ =	shalt  }
0x57: {  	_ =	shalt  }
0x58: {  	_ =	shalt  }
0x59: {  	_ =	shalt  }
0x5a: {  	_ =	shalt  }
0x5b: {  	_ =	shalt  }
0x5c: {  	_ =	shalt  }
0x5d: {  	_ =	shalt  }
0x5e: {  	_ =	shalt  }
0x5f: {  	_ =	shalt  }
0x60: {  	_ =	shalt  }
0x61: {  	_ =	shalt  }
0x62: {  	_ =	shalt  }
0x63: {  	_ =	shalt  }
0x64: {  	_ =	shalt  }
0x65: {  	_ =	shalt  }
0x66: {  	_ =	shalt  }
0x67: {  	_ =	shalt  }
0x68: {  	_ =	shalt  }
0x69: {  	_ =	shalt  }
0x6a: {  	_ =	shalt  }
0x6b: {  	_ =	shalt  }
0x6c: {  	_ =	shalt  }
0x6d: {  	_ =	shalt  }
0x6e: {  	_ =	shalt  }
0x6f: {  	_ =	shalt  }
0x70: {  	_ =	shalt  }
0x71: {  	_ =	shalt  }
0x72: {  	_ =	shalt  }
0x73: {  	_ =	shalt  }
0x74: {  	_ =	shalt  }
0x75: {  	_ =	shalt  }
0x76: {  	_ =	shalt  }
0x77: {  	_ =	shalt  }
0x78: {  	_ =	shalt  }
0x79: {  	_ =	shalt  }
0x7a: {  	_ =	shalt  }
0x7b: {  	_ =	shalt  }
0x7c: {  	_ =	shalt  }
0x7d: {  	_ =	shalt  }
0x7e: {  	_ =	shalt  }
0x7f: {  	_ =	shalt  }
0x80: {  	_ =	shalt  }
0x81: {  	_ =	shalt  }
0x82: {  	_ =	shalt  }
0x83: {  	_ =	shalt  }
0x84: {  	_ =	shalt  }
0x85: {  	_ =	shalt  }
0x86: {  	_ =	shalt  }
0x87: {  	_ =	shalt  }
.Lfunc_end0:
.L_simem_size_0:
called_computation.1_lowered:
.L_overlay_start_0:
0x88: {  	s2 =	sld [smem:$0x3FD9]  }
0x89: {  	s3 =	sld [smem:$0x3FFE];
	_ =	sdelay $0x1  }
0x8a: {  	s1 =	srdreg.scid  }
0x8b: {  	s0 =	sand.u32 $0x1, s1  }
0x8c: {  	s14 =	sshll.u32 s0, $0xA;
	s2 =	sadd.s32 s3, s2  }
0x8d: {  	s2 =	sadd.s32 s2, s14  }
0x8e: {  	[smem:$0x3FBE] =	sst s2  }
0x8f: {  	_ = 	snop  }
0x90: {  	s2 =	sld [smem:$0x3FD0];
	_ =	sdelay $0x2  }
0x91: {  	s15 =	simm.s32 $0xA;
	s4 =	simm.s32 $0x10  }
0x92: {  	[smem:s4], [sflag:s15] =	dma.local [hbm:s2], $0x1  }
0x93: {  	_ =	swait.eq [sflag:s15], $0x1  }
0x94: {  	[sflag:s15] =	ssyncset.done $0x0  }
0x95: {  	s16 =	sld [smem:$0x10];
	[sflag:s15] =	ssyncadd.s32 $0xFFFFFFFF  }
0x96: {  	s17 =	sld [smem:$0x11];
	(tm) =	ssettm $0x1  }
0x97: {  	s18 =	sld [smem:$0x3FFB];
	_ =	sdelay $0x3  }
0x98: {  	_ =	strace s18  }
0x99: {  	s4 =	sld [smem:$0x3FFC];
	_ =	sdelay $0x3  }
0x9a: {  	_ =	strace s4  }
0x9b: {  	s4 =	sld [smem:$0x3FFD];
	_ =	sdelay $0x3  }
0x9c: {  	_ =	strace s4  }
0x9d: {  	_ =	strace $0x8FFFFFFF  }
0x9e: {  	s19 =	sld [smem:$0x3FDB];
	_ =	sdelay $0x1  }
0x9f: {  	s5 =	simm.s32 $_scs_section_size  }
0xa0: {  	s6 =	simm.s32 $_size__tile_overlayer_lowered;
	s7 =	simm.s32 $_tile_overlayer_lowered  }
0xa1: {  	s22 =	simm.s32 $0x1BFF;
	s21 =	sshll.u32 s7, $0x1;
	s4 =	sadd.s32 s5, s19  }
0xa2: {  	s8 =	simm.s32 $0x0;
	s20 =	sshll.u32 s6, $0x1;
	s6 =	sadd.s32 s21, s4  }
0xa3: {  	[timem:s8], [sflag:s22] =	dma.local [hbm:s6], s20  }
0xa4: {  	_ =	swait.ge [sflag:s22], s20  }
0xa5: {  	s5 =	ssub.s32 $0x0, s20;
	[sflag:s22] =	ssyncset.done $0x0  }
0xa6: {  	[sflag:s22] =	ssyncadd.s32 s5;
	_ =	sdelay $0x1  }
0xa7: {  	s23 =	simm.s32 $0x1B8B  }
0xa8: {  	_ =	swait.ge [sflag:s23], $0x1  }
0xa9: {  	[sflag:s23] =	ssyncset.done $0x0  }
0xaa: {  	s25 =	simm.s32 $0x1B8E;
	s24 =	sld [smem:$0x3FFE];
	[sflag:s23] =	ssyncadd.s32 $0xFFFFFFFF  }
0xab: {  	s26 =	simm.s32 $execute0_lowered;
	[smem:$0x3FD2] =	sst s25  }
0xac: {  	s6 =	sshll.u32 s26, $0x1;
	_ =	strace $0x80000049;
	[dreg:$0x1] =	wrdreg $0xFFFFFFFF  }
0xad: {  	s28 =	simm.s32 $_size_execute0_lowered;
	s4 =	sadd.s32 s4, s6;
	[dreg:$0x0] =	wrdreg $0x0  }
0xae: {  	s6 =	sshll.u32 s28, $0x1;
	[dreg:$0x2] =	wrdreg s4  }
0xaf: {  	[dreg:$0x3] =	wrdreg s6  }
0xb0: {  	[dreg:$0x4] =	wrdreg $0xC0  }
0xb1: {  	_ =	task [dreg:s8], $0x5FFFF  }
0xb2: {  	[dreg:$0x1] =	wrdreg $0xFFFFFFFF  }
0xb3: {  	[dreg:$0x0] =	wrdreg $0x60  }
0xb4: {  	[dreg:$0x2] =	wrdreg s24  }
0xb5: {  	[dreg:$0x3] =	wrdreg s17  }
0xb6: {  	[dreg:$0x4] =	wrdreg s16  }
0xb7: {  	[dreg:$0x5] =	wrdreg $0xA1800  }
0xb8: {  	[dreg:$0x6] =	wrdreg $0x9  }
0xb9: {  	_ =	task.clear_ibuf [dreg:s8], $0x7FFFF;
	_ =	strace $0x90000049  }
0xba: {  	s29 =	simm.s32 $0x9;
	_ =	strace $0x8000004B  }
0xbb: {  	_ =	swait.ge [sflag:s29], $0x1  }
0xbc: {  	[sflag:s29] =	ssyncadd.s32 $0xFFFFFFFF  }
0xbd: {  	_ =	strace $0x9000004B  }
0xbe: {  	_ =	sfence  }
0xbf: {  	s30 =	sld [smem:$0x0];
	_ =	sdelay $0x2  }
0xc0: {  	s31 =	sshll.u32 s1, $0xD;
	s1 =	sshrl.u32 s1, $0x2  }
0xc1: {  	s3 =	sand.u32 $0x4000, s31;
	s1 =	sadd.s32 s1, s30  }
0xc2: {  	s0 =	sor.u32 s3, s0;
	s1 =	sshll.u32 s1, $0x11  }
0xc3: {  	s0 =	sor.u32 s1, s0  }
0xc4: {  	s0 =	sadd.s32 $0x8F2B, s0  }
0xc5: {  	[sflag:s0] =	ssyncadd.remote.s32 $0x1  }
0xc6: {  	_ =	sfence.sel $0xFFFF  }
0xc7: {  	[dreg:$0x0] =	wrdreg $0xFFFFFFFF;
	(pc) =	sbr.abs _section_cstart, $3  }
0xc8: {  	[dreg:$0x1] =	wrdreg $0xFFFFFFFF  }
0xc9: {  	_ =	task.clear_ibuf [dreg:s8], $0x2FFFF;
	_ =	strace $0x9FFFFFFF  }
0xca: {  	(tm) =	ssettm $0x7FFFFFFF  }
0xcb: {  	_ =	shalt  }
tec
execute0_lowered:
.L_overlay_start_1:
0x0: {  	(tag) =	ssettag $0x1  }
0x1: {  	s0 =	rddreg [dreg:$0x0]  }
0x2: {  	s2 =	rddreg [dreg:$0x1]  }
0x3: {  	s3 =	srdreg.scid;
	s1 =	rddreg [dreg:$0x2]  }
0x4: {  	s12 =	stileid.u32;
	s4 =	simm.s32 $0x0;
	s28 =	simm.s32 $0x5180  }
0x5: {  	s29 =	simm.s32 $0x1;
	s30 =	simm.s32 $0x2780;
	s7 =	smul.u32 $0x14000, s12  }
0x6: {  	s6 =	sand.u32 $0x1, s3;
	s3 =	rddreg [dreg:$0x3];
	s9 =	smul.u32 $0x50000, s12  }
0x7: {  	s31 =	simm.s32 $0x50;
	[smem:$0x7FF] =	sst s4;
	s22 =	smul.u32 $0x2710, s12  }
0x8: {  	s5 =	smul.u32 $0x140000, s6;
	s8 =	sshll.u32 s6, $0x4;
	_ =	strace $0x8000004A  }
0x9: {  	s13 =	ssub.s32 $0x2, s6;
	s20 =	smul.u32 $0x27100, s6;
	s14 =	sshrl.u32 s9, $0x2  }
0xa: {  	s8 =	sor.u32 s12, s8;
	s5 =	sadd.s32 s7, s5;
	s7 =	sadd.s32 s14, s3  }
0xb: {  	s10 =	sshrl.u32 s13, $0x1;
	s9 =	simm.s32 $0x2;
	s15 =	sadd.s32 $0x2800, s7  }
0xc: {  	s26 =	smul.u32 $0x2710, s8;
	s16 =	sadd.s32 $0x5000, s7;
	[dreg:$0x6] =	wrdreg s15  }
0xd: {  	s8 =	ssub.s32 s13, s10;
	s17 =	sadd.s32 $0x7800, s7;
	[dreg:$0x7] =	wrdreg s16  }
0xe: {  	s10 =	simm.s32 $0x0;
	s18 =	sadd.s32 $0xA000, s7;
	[dreg:$0x8] =	wrdreg s17  }
0xf: {  	s11 =	sshrl.u32 s5, $0x3;
	s19 =	sadd.s32 $0xC800, s7;
	[dreg:$0x9] =	wrdreg s18  }
0x10: {  	s5 =	sadd.s32 $0x2A00, s0;
	s21 =	sadd.s32 $0xF000, s7;
	[dreg:$0xa] =	wrdreg s19  }
0x11: {  	s23 =	sadd.s32 $0x11800, s7;
	s0 =	sadd.s32 s11, s0;
	[dreg:$0xb] =	wrdreg s21  }
0x12: {  	s11 =	sshrl.u32 s26, $0x3;
	[dreg:$0xc] =	wrdreg s23;
	s21 =	smax.u32 s8, $0x1  }
0x13: {  	s8 =	simm.s32 $0x3;
	s2 =	sadd.s32 s2, s11;
	s14 =	sadd.s32 s1, s11  }
0x14: {  	[dreg:$0x5] =	wrdreg s2;
	s24 =	sadd.s32 $0xA, s14;
	s25 =	sadd.s32 $0x14, s14  }
0x15: {  	s18 =	sadd.s32 $0x4CE, s14;
	s19 =	sadd.s32 $0x4D8, s14;
	[dreg:$0xd] =	wrdreg s24  }
0x16: {  	s2 =	sadd.s32 s22, s20;
	s20 =	sadd.s32 $0x29C00, s0;
	[dreg:$0xe] =	wrdreg s25  }
0x17: {  	s26 =	sadd.s32 $0x190, s2;
	s6 =	sadd.s32 $0x140, s2;
	s24 =	sadd.s32 $0xF0, s2  }
0x18: {  	s25 =	simm.s32 $0x2980;
	s2 =	simm.s32 $0x2800;
	s0 =	sshrl.u32 s26, $0x3  }
0x19: {  	s6 =	sshrl.u32 s6, $0x3;
	s26 =	simm.s32 $0x4;
	s22 =	sadd.s32 s0, s1  }
0x1a: {  	v0 =	vimm.f32 $0.0e+00;
	s23 =	sadd.s32 s6, s1;
	s0 =	simm.s32 $0x2880;
	s6 =	simm.s32 $0x7980  }
.LBB2_1:
0x1b: {  	s11 =	rddreg [dreg:$0x5]  }
0x1c: {  	[tilespmem:s4], [sflag:$0x1] =	stream.linear.gather [hbm4b:s11+s4], $0x2710, $0x38;
	[tilespmem:$0x1E180] =	vst v63  }
0x1d: {  	s12 =	simm.s32 $0x300;
	s11 =	simm.s32 $0x40  }
.LBB2_2:
0x1e: {  	p0 =	sne.s32 s12, $0x9F00;
	[tilespmem:s11+$0x51B0] =	vst v0  }
0x1f: {  	[tilespmem:s11+$0x2940] =	vst v0  }
0x20: {  	[tilespmem:s11+$0x5140] =	vst v0  }
0x21: {  	[tilespmem:s11+$0x2950] =	vst v0  }
0x22: {  	[tilespmem:s11+$0x5150] =	vst v0  }
0x23: {  	[tilespmem:s11+$0x2960] =	vst v0  }
0x24: {  	[tilespmem:s11+$0x5160] =	vst v0  }
0x25: {  	[tilespmem:s11+$0x2970] =	vst v0  }
0x26: {  	[tilespmem:s11+$0x5170] =	vst v0  }
0x27: {  	[tilespmem:s11+$0x2980] =	vst v0  }
0x28: {  	[tilespmem:s11+$0x5180] =	vst v0  }
.Ltmp0:
0x29: {  	[tilespmem:s11+$0x2990] =	vst v0;
	(pc) =	sbr.rel @p0 .LBB2_2-.Ltmp0, $4  }
0x2a: {  	[tilespmem:s11+$0x5190] =	vst v0  }
0x2b: {  	[tilespmem:s11+$0x29A0] =	vst v0  }
0x2c: {  	[tilespmem:s11+$0x51A0] =	vst v0  }
0x2d: {  	[tilespmem:s11+$0x29B0] =	vst v0;
	s11 =	sshra.s32 s12, $0x2;
	s12 =	sadd.s32 $0x200, s12  }
0x2e: {  	[tilespmem:s11+$0x51B0] =	vst v0  }
0x2f: {  	[tilespmem:s11+$0x2940] =	vst v0  }
0x30: {  	[tilespmem:s11+$0x5140] =	vst v0  }
0x31: {  	[tilespmem:s11+$0x2950] =	vst v0  }
0x32: {  	[tilespmem:s11+$0x5150] =	vst v0  }
0x33: {  	[tilespmem:s11+$0x2960] =	vst v0  }
0x34: {  	[tilespmem:s11+$0x5160] =	vst v0  }
0x35: {  	[tilespmem:s11+$0x2970] =	vst v0  }
0x36: {  	[tilespmem:s11+$0x5170] =	vst v0  }
0x37: {  	[tilespmem:s11+$0x2980] =	vst v0  }
0x38: {  	[tilespmem:s11+$0x5180] =	vst v0  }
0x39: {  	[tilespmem:s11+$0x2990] =	vst v0  }
0x3a: {  	[tilespmem:s11+$0x5190] =	vst v0  }
0x3b: {  	[tilespmem:s11+$0x29A0] =	vst v0  }
0x3c: {  	[tilespmem:s11+$0x51A0] =	vst v0  }
0x3d: {  	[tilespmem:s11+$0x29B0] =	vst v0  }
0x3e: {  	[spmem:s7] =	stream.linear.scatter [tilespmem:s25], [sflag:$0x4], $0x2800, $0x38;
	[tilespmem:$0x1E180] =	vst v63  }
0x3f: {  	_ =	swait.ge [sflag:s26], $0x2800  }
0x40: {  	[sflag:s26] =	ssyncset.done $0x0  }
0x41: {  	s13 =	rddreg [dreg:$0x6];
	[sflag:s26] =	ssyncadd.s32 $0xFFFFD800  }
0x42: {  	[spmem:s13] =	stream.linear.scatter [tilespmem:s28], [sflag:$0x4], $0x2800, $0x38;
	[tilespmem:$0x1E180] =	vst v63  }
0x43: {  	_ =	swait.ge [sflag:s26], $0x2800  }
0x44: {  	[sflag:s26] =	ssyncset.done $0x0  }
0x45: {  	s15 =	rddreg [dreg:$0x7];
	[sflag:s26] =	ssyncadd.s32 $0xFFFFD800  }
0x46: {  	[spmem:s15] =	stream.linear.scatter [tilespmem:s25], [sflag:$0x4], $0x2800, $0x38;
	[tilespmem:$0x1E180] =	vst v63  }
0x47: {  	_ =	swait.ge [sflag:s26], $0x2800  }
0x48: {  	[sflag:s26] =	ssyncset.done $0x0  }
0x49: {  	s16 =	rddreg [dreg:$0x8];
	[sflag:s26] =	ssyncadd.s32 $0xFFFFD800  }
0x4a: {  	[spmem:s16] =	stream.linear.scatter [tilespmem:s28], [sflag:$0x4], $0x2800, $0x38;
	[tilespmem:$0x1E180] =	vst v63  }
0x4b: {  	_ =	swait.ge [sflag:s26], $0x2800  }
0x4c: {  	[sflag:s26] =	ssyncset.done $0x0  }
0x4d: {  	s17 =	rddreg [dreg:$0x9];
	[sflag:s26] =	ssyncadd.s32 $0xFFFFD800  }
0x4e: {  	[spmem:s17] =	stream.linear.scatter [tilespmem:s25], [sflag:$0x4], $0x2800, $0x38;
	[tilespmem:$0x1E180] =	vst v63  }
0x4f: {  	_ =	swait.ge [sflag:s26], $0x2800  }
0x50: {  	[sflag:s26] =	ssyncset.done $0x0  }
0x51: {  	s12 =	rddreg [dreg:$0xa];
	[sflag:s26] =	ssyncadd.s32 $0xFFFFD800  }
0x52: {  	[spmem:s12] =	stream.linear.scatter [tilespmem:s28], [sflag:$0x4], $0x2800, $0x38;
	[tilespmem:$0x1E180] =	vst v63  }
0x53: {  	_ =	swait.ge [sflag:s26], $0x2800  }
0x54: {  	[sflag:s26] =	ssyncset.done $0x0  }
0x55: {  	s13 =	rddreg [dreg:$0xb];
	[sflag:s26] =	ssyncadd.s32 $0xFFFFD800  }
0x56: {  	[spmem:s13] =	stream.linear.scatter [tilespmem:s25], [sflag:$0x4], $0x2800, $0x38;
	[tilespmem:$0x1E180] =	vst v63  }
0x57: {  	_ =	swait.ge [sflag:s26], $0x2800  }
0x58: {  	[sflag:s26] =	ssyncset.done $0x0  }
0x59: {  	s15 =	rddreg [dreg:$0xc];
	[sflag:s26] =	ssyncadd.s32 $0xFFFFD800  }
0x5a: {  	[spmem:s15] =	stream.linear.scatter [tilespmem:s28], [sflag:$0x4], $0x2800, $0x38;
	[tilespmem:$0x1E180] =	vst v63  }
0x5b: {  	_ =	swait.ge [sflag:s26], $0x2800  }
0x5c: {  	[sflag:s26] =	ssyncset.done $0x0  }
0x5d: {  	[sflag:s26] =	ssyncadd.s32 $0xFFFFD800  }
0x5e: {  	_ =	swait.ge [sflag:s29], $0x2710  }
0x5f: {  	[sflag:s29] =	ssyncset.done $0x0  }
0x60: {  	[sflag:s29] =	ssyncadd.s32 $0xFFFFD8F0  }
0x61: {  	s16 =	simm.s32 $0x0;
	[bflag:$0x0] =	sbarrier.arrive $0xFFFF  }
0x62: {  	[tilespmem:s30], [sflag:$0x2] =	stream.linear.gather [hbm4b:s14+s16], $0x50, $0x38;
	[tilespmem:$0x1E180] =	vst v63  }
0x63: {  	_ = 	snop  }
0x64: {  	[tilespmem:s25], [sflag:$0x3] =	stream.indirect.gather [hbm4b:s5+s31], $0x80, s16, s31, $0xb8;
	[tilespmem:$0x1E180] =	vst v63  }
0x65: {  	s12 =	rddreg [dreg:$0xd]  }
0x66: {  	[tilespmem:s2], [sflag:$0x2] =	stream.linear.gather [hbm4b:s12+s16], $0x50, $0x38;
	[tilespmem:$0x1E180] =	vst v63  }
0x67: {  	_ = 	snop  }
0x68: {  	[tilespmem:s28], [sflag:$0x3] =	stream.indirect.gather [hbm4b:s5+s31], $0x80, s31, s31, $0xb8;
	[tilespmem:$0x1E180] =	vst v63  }
0x69: {  	s17 =	rddreg [dreg:$0xe]  }
0x6a: {  	[tilespmem:s0], [sflag:$0x2] =	stream.linear.gather [hbm4b:s17+s16], $0x50, $0x38;
	[tilespmem:$0x1E180] =	vst v63  }
0x6b: {  	s13 =	simm.s32 $0xA0  }
0x6c: {  	[tilespmem:s6], [sflag:$0x3] =	stream.indirect.gather [hbm4b:s5+s31], $0x80, s13, s31, $0xb8;
	[tilespmem:$0x1E180] =	vst v63  }
0x6d: {  	_ =	swait.ge [sflag:s8], $0x2800  }
0x6e: {  	[sflag:s8] =	ssyncset.done $0x0  }
0x6f: {  	[sflag:s8] =	ssyncadd.s32 $0xFFFFD800  }
0x70: {  	_ =	swait.ge [sflag:s9], $0x50  }
0x71: {  	[sflag:s9] =	ssyncset.done $0x0  }
0x72: {  	[sflag:s9] =	ssyncadd.s32 $0xFFFFFFB0  }
0x73: {  	[spmem:s3] =	stream.indirect.scatter.add.f32 [tilespmem:s25], [sflag:$0x4], $0x80, s30, s31, $0xb8;
	[tilespmem:$0x1E180] =	vst v63  }
0x74: {  	_ =	swait.ge [sflag:s26], $0x2800  }
0x75: {  	s15 =	sshrl.u32 s24, $0x3;
	[sflag:s26] =	ssyncset.done $0x0  }
0x76: {  	s11 =	sadd.s32 s1, s15;
	[sflag:s26] =	ssyncadd.s32 $0xFFFFD800  }
0x77: {  	[tilespmem:s30], [sflag:$0x2] =	stream.linear.gather [hbm4b:s11+s4], $0x50, $0x38;
	[tilespmem:$0x1E180] =	vst v63  }
0x78: {  	s16 =	simm.s32 $0xF0  }
0x79: {  	[tilespmem:s25], [sflag:$0x3] =	stream.indirect.gather [hbm4b:s5+s31], $0x80, s16, s31, $0xb8;
	[tilespmem:$0x1E180] =	vst v63  }
0x7a: {  	_ =	swait.ge [sflag:s8], $0x2800  }
0x7b: {  	[sflag:s8] =	ssyncset.done $0x0  }
0x7c: {  	[sflag:s8] =	ssyncadd.s32 $0xFFFFD800  }
0x7d: {  	_ =	swait.ge [sflag:s9], $0x50  }
0x7e: {  	[sflag:s9] =	ssyncset.done $0x0  }
0x7f: {  	[sflag:s9] =	ssyncadd.s32 $0xFFFFFFB0  }
0x80: {  	[spmem:s3] =	stream.indirect.scatter.add.f32 [tilespmem:s28], [sflag:$0x4], $0x80, s2, s31, $0xb8;
	[tilespmem:$0x1E180] =	vst v63  }
0x81: {  	_ =	swait.ge [sflag:s26], $0x2800  }
0x82: {  	[sflag:s26] =	ssyncset.done $0x0  }
0x83: {  	[sflag:s26] =	ssyncadd.s32 $0xFFFFD800  }
0x84: {  	[tilespmem:s2], [sflag:$0x2] =	stream.linear.gather [hbm4b:s23+s4], $0x50, $0x38;
	[tilespmem:$0x1E180] =	vst v63  }
0x85: {  	s17 =	simm.s32 $0x140  }
0x86: {  	[tilespmem:s28], [sflag:$0x3] =	stream.indirect.gather [hbm4b:s5+s31], $0x80, s17, s31, $0xb8;
	[tilespmem:$0x1E180] =	vst v63  }
0x87: {  	_ =	swait.ge [sflag:s8], $0x2800  }
0x88: {  	[sflag:s8] =	ssyncset.done $0x0  }
0x89: {  	[sflag:s8] =	ssyncadd.s32 $0xFFFFD800  }
0x8a: {  	_ =	swait.ge [sflag:s9], $0x50  }
0x8b: {  	[sflag:s9] =	ssyncset.done $0x0  }
0x8c: {  	[sflag:s9] =	ssyncadd.s32 $0xFFFFFFB0  }
0x8d: {  	[spmem:s3] =	stream.indirect.scatter.add.f32 [tilespmem:s6], [sflag:$0x4], $0x80, s0, s31, $0xb8;
	[tilespmem:$0x1E180] =	vst v63  }
0x8e: {  	s15 =	sadd.s32 $0x1E, s23;
	_ =	swait.ge [sflag:s26], $0x2800  }
0x8f: {  	s12 =	sadd.s32 $0xF0, s24;
	s13 =	sadd.s32 $0x1E, s22;
	[sflag:s26] =	ssyncset.done $0x0  }
0x90: {  	s11 =	simm.s32 $0x3C0;
	s16 =	simm.s32 $0x190;
	[sflag:s26] =	ssyncadd.s32 $0xFFFFD800  }
0x91: {  	[tilespmem:s0], [sflag:$0x2] =	stream.linear.gather [hbm4b:s22+s4], $0x50, $0x38;
	[tilespmem:$0x1E180] =	vst v63  }
.LBB2_4:
0x92: {  	[tilespmem:s6], [sflag:$0x3] =	stream.indirect.gather [hbm4b:s5+s31], $0x80, s16, s31, $0xb8;
	[tilespmem:$0x1E180] =	vst v63  }
0x93: {  	s16 =	smov.u32 s11  }
0x94: {  	p0 =	sne.s32 s11, $0x9240;
	s11 =	sadd.s32 $0x3C0, s11;
	_ =	swait.ge [sflag:s8], $0x2800  }
0x95: {  	[sflag:s8] =	ssyncset.done $0x0  }
0x96: {  	[sflag:s8] =	ssyncadd.s32 $0xFFFFD800  }
0x97: {  	_ =	swait.ge [sflag:s9], $0x50  }
0x98: {  	[sflag:s9] =	ssyncset.done $0x0  }
0x99: {  	[sflag:s9] =	ssyncadd.s32 $0xFFFFFFB0  }
0x9a: {  	[spmem:s3] =	stream.indirect.scatter.add.f32 [tilespmem:s25], [sflag:$0x4], $0x80, s30, s31, $0xb8;
	[tilespmem:$0x1E180] =	vst v63  }
0x9b: {  	_ =	swait.ge [sflag:s26], $0x2800  }
0x9c: {  	s17 =	sshrl.u32 s12, $0x3;
	[sflag:s26] =	ssyncset.done $0x0  }
0x9d: {  	s17 =	sadd.s32 s1, s17;
	s16 =	sshra.s32 s16, $0x2;
	[sflag:s26] =	ssyncadd.s32 $0xFFFFD800  }
0x9e: {  	[tilespmem:s30], [sflag:$0x2] =	stream.linear.gather [hbm4b:s17+s4], $0x50, $0x38;
	[tilespmem:$0x1E180] =	vst v63  }
0x9f: {  	s17 =	sadd.s32 $0xF0, s16  }
0xa0: {  	[tilespmem:s25], [sflag:$0x3] =	stream.indirect.gather [hbm4b:s5+s31], $0x80, s17, s31, $0xb8;
	[tilespmem:$0x1E180] =	vst v63  }
0xa1: {  	_ =	swait.ge [sflag:s8], $0x2800  }
0xa2: {  	[sflag:s8] =	ssyncset.done $0x0  }
0xa3: {  	[sflag:s8] =	ssyncadd.s32 $0xFFFFD800  }
0xa4: {  	_ =	swait.ge [sflag:s9], $0x50  }
0xa5: {  	[sflag:s9] =	ssyncset.done $0x0  }
0xa6: {  	[sflag:s9] =	ssyncadd.s32 $0xFFFFFFB0  }
0xa7: {  	[spmem:s3] =	stream.indirect.scatter.add.f32 [tilespmem:s28], [sflag:$0x4], $0x80, s2, s31, $0xb8;
	[tilespmem:$0x1E180] =	vst v63  }
0xa8: {  	_ =	swait.ge [sflag:s26], $0x2800  }
0xa9: {  	[sflag:s26] =	ssyncset.done $0x0  }
0xaa: {  	[sflag:s26] =	ssyncadd.s32 $0xFFFFD800  }
0xab: {  	[tilespmem:s2], [sflag:$0x2] =	stream.linear.gather [hbm4b:s15+s4], $0x50, $0x38;
	[tilespmem:$0x1E180] =	vst v63  }
0xac: {  	s17 =	sadd.s32 $0x140, s16  }
0xad: {  	[tilespmem:s28], [sflag:$0x3] =	stream.indirect.gather [hbm4b:s5+s31], $0x80, s17, s31, $0xb8;
	[tilespmem:$0x1E180] =	vst v63  }
0xae: {  	_ =	swait.ge [sflag:s8], $0x2800  }
0xaf: {  	[sflag:s8] =	ssyncset.done $0x0  }
0xb0: {  	[sflag:s8] =	ssyncadd.s32 $0xFFFFD800  }
0xb1: {  	_ =	swait.ge [sflag:s9], $0x50  }
0xb2: {  	[sflag:s9] =	ssyncset.done $0x0  }
0xb3: {  	[sflag:s9] =	ssyncadd.s32 $0xFFFFFFB0  }
0xb4: {  	[spmem:s3] =	stream.indirect.scatter.add.f32 [tilespmem:s6], [sflag:$0x4], $0x80, s0, s31, $0xb8;
	[tilespmem:$0x1E180] =	vst v63  }
.Ltmp1:
0xb5: {  	_ =	swait.ge [sflag:s26], $0x2800;
	(pc) =	sbr.rel @p0 .LBB2_4-.Ltmp1, $4  }
0xb6: {  	[sflag:s26] =	ssyncset.done $0x0  }
0xb7: {  	s12 =	sadd.s32 $0xF0, s12;
	[sflag:s26] =	ssyncadd.s32 $0xFFFFD800  }
0xb8: {  	[tilespmem:s0], [sflag:$0x2] =	stream.linear.gather [hbm4b:s13+s4], $0x50, $0x38;
	[tilespmem:$0x1E180] =	vst v63  }
0xb9: {  	s16 =	sadd.s32 $0x190, s16;
	s15 =	sadd.s32 $0x1E, s15;
	s13 =	sadd.s32 $0x1E, s13  }
0xba: {  	[tilespmem:s6], [sflag:$0x3] =	stream.indirect.gather [hbm4b:s5+s31], $0x80, s16, s31, $0xb8;
	[tilespmem:$0x1E180] =	vst v63  }
0xbb: {  	_ =	swait.ge [sflag:s8], $0x2800  }
0xbc: {  	[sflag:s8] =	ssyncset.done $0x0  }
0xbd: {  	[sflag:s8] =	ssyncadd.s32 $0xFFFFD800  }
0xbe: {  	_ =	swait.ge [sflag:s9], $0x50  }
0xbf: {  	[sflag:s9] =	ssyncset.done $0x0  }
0xc0: {  	[sflag:s9] =	ssyncadd.s32 $0xFFFFFFB0  }
0xc1: {  	[spmem:s3] =	stream.indirect.scatter.add.f32 [tilespmem:s25], [sflag:$0x4], $0x80, s30, s31, $0xb8;
	[tilespmem:$0x1E180] =	vst v63  }
0xc2: {  	_ =	swait.ge [sflag:s26], $0x2800  }
0xc3: {  	[sflag:s26] =	ssyncset.done $0x0  }
0xc4: {  	[sflag:s26] =	ssyncadd.s32 $0xFFFFD800  }
0xc5: {  	[tilespmem:s30], [sflag:$0x2] =	stream.linear.gather [hbm4b:s18+s4], $0x50, $0x38;
	[tilespmem:$0x1E180] =	vst v63  }
0xc6: {  	s11 =	simm.s32 $0x2670  }
0xc7: {  	[tilespmem:s25], [sflag:$0x3] =	stream.indirect.gather [hbm4b:s5+s31], $0x80, s11, s31, $0xb8;
	[tilespmem:$0x1E180] =	vst v63  }
0xc8: {  	_ =	swait.ge [sflag:s8], $0x2800  }
0xc9: {  	[sflag:s8] =	ssyncset.done $0x0  }
0xca: {  	[sflag:s8] =	ssyncadd.s32 $0xFFFFD800  }
0xcb: {  	_ =	swait.ge [sflag:s9], $0x50  }
0xcc: {  	[sflag:s9] =	ssyncset.done $0x0  }
0xcd: {  	[sflag:s9] =	ssyncadd.s32 $0xFFFFFFB0  }
0xce: {  	[spmem:s3] =	stream.indirect.scatter.add.f32 [tilespmem:s28], [sflag:$0x4], $0x80, s2, s31, $0xb8;
	[tilespmem:$0x1E180] =	vst v63  }
0xcf: {  	_ =	swait.ge [sflag:s26], $0x2800  }
0xd0: {  	[sflag:s26] =	ssyncset.done $0x0  }
0xd1: {  	[sflag:s26] =	ssyncadd.s32 $0xFFFFD800  }
0xd2: {  	[tilespmem:s2], [sflag:$0x2] =	stream.linear.gather [hbm4b:s19+s4], $0x50, $0x38;
	[tilespmem:$0x1E180] =	vst v63  }
0xd3: {  	s16 =	simm.s32 $0x26C0  }
0xd4: {  	[tilespmem:s28], [sflag:$0x3] =	stream.indirect.gather [hbm4b:s5+s31], $0x80, s16, s31, $0xb8;
	[tilespmem:$0x1E180] =	vst v63  }
0xd5: {  	_ =	swait.ge [sflag:s8], $0x2800  }
0xd6: {  	[sflag:s8] =	ssyncset.done $0x0  }
0xd7: {  	[sflag:s8] =	ssyncadd.s32 $0xFFFFD800  }
0xd8: {  	_ =	swait.ge [sflag:s9], $0x50  }
0xd9: {  	[sflag:s9] =	ssyncset.done $0x0  }
0xda: {  	[sflag:s9] =	ssyncadd.s32 $0xFFFFFFB0  }
0xdb: {  	[spmem:s3] =	stream.indirect.scatter.add.f32 [tilespmem:s6], [sflag:$0x4], $0x80, s0, s31, $0xb8;
	[tilespmem:$0x1E180] =	vst v63  }
0xdc: {  	_ =	swait.ge [sflag:s26], $0x2800  }
0xdd: {  	[sflag:s26] =	ssyncset.done $0x0  }
0xde: {  	[sflag:s26] =	ssyncadd.s32 $0xFFFFD800  }
0xdf: {  	_ =	swait.ge [sflag:s8], $0x2800  }
0xe0: {  	[sflag:s8] =	ssyncset.done $0x0  }
0xe1: {  	[sflag:s8] =	ssyncadd.s32 $0xFFFFD800  }
0xe2: {  	_ =	swait.ge [sflag:s9], $0x50  }
0xe3: {  	[sflag:s9] =	ssyncset.done $0x0  }
0xe4: {  	[sflag:s9] =	ssyncadd.s32 $0xFFFFFFB0  }
0xe5: {  	[spmem:s3] =	stream.indirect.scatter.add.f32 [tilespmem:s25], [sflag:$0x4], $0x80, s30, s31, $0xb8;
	[tilespmem:$0x1E180] =	vst v63  }
0xe6: {  	_ =	swait.ge [sflag:s26], $0x2800  }
0xe7: {  	[sflag:s26] =	ssyncset.done $0x0  }
0xe8: {  	[sflag:s26] =	ssyncadd.s32 $0xFFFFD800  }
0xe9: {  	_ =	swait.ge [sflag:s8], $0x2800  }
0xea: {  	[sflag:s8] =	ssyncset.done $0x0  }
0xeb: {  	[sflag:s8] =	ssyncadd.s32 $0xFFFFD800  }
0xec: {  	_ =	swait.ge [sflag:s9], $0x50  }
0xed: {  	[sflag:s9] =	ssyncset.done $0x0  }
0xee: {  	[sflag:s9] =	ssyncadd.s32 $0xFFFFFFB0  }
0xef: {  	[spmem:s3] =	stream.indirect.scatter.add.f32 [tilespmem:s28], [sflag:$0x4], $0x80, s2, s31, $0xb8;
	[tilespmem:$0x1E180] =	vst v63  }
0xf0: {  	s17 =	stileid.u32;
	_ =	swait.ge [sflag:s26], $0x2800  }
0xf1: {  	s12 =	sshrl.u32 s7, $0x3;
	s10 =	sadd.s32 $0x1, s10;
	[sflag:s26] =	ssyncset.done $0x0  }
0xf2: {  	p0 =	sne.s32 s10, s21;
	s11 =	sshll.u32 s17, $0x6;
	[sflag:s26] =	ssyncadd.s32 $0xFFFFD800  }
.Ltmp2:
0xf3: {  	s11 =	sor.u32 $0x1C04, s11;
	[bflag:$0x0] =	sbarrier.arrive $0xFFFF;
	(pc) =	sbr.rel @p0 .LBB2_1-.Ltmp2, $4  }
0xf4: {  	[hbm:s20], [sflag:s11] =	dma.local [spmem:s12], $0x2800  }
0xf5: {  	_ =	swait.ge [sflag:s26], $0x2800  }
0xf6: {  	[sflag:s26] =	ssyncset.done $0x0  }
0xf7: {  	[sflag:s26] =	ssyncadd.s32 $0xFFFFD800  }
0xf8: {  	_ =	sfence.sel $0x180000  }
0xf9: {  	[bflag:$0x0] =	sbarrier.arrive $0xFFFF  }
0xfa: {  	_ =	strace $0x9000004A  }
0xfb: {  	s0 =	stileid.u32;
	[bflag:$0x2] =	sbarrier.arrive $0xFFFF  }
0xfc: {  	p0 =	sne.s32 s0, $0x0;
	s0 =	rddreg [dreg:$0x4]  }
0xfd: {  	s0 =	sadd.s32 @!p0 $0x100000, s0  }
0xfe: {  	[sflag:s0] =	ssyncadd.tile.s32 @!p0 $0x1;
	_ =	shalt  }
.Lfunc_end2:
_tile_overlayer_lowered:
.L_overlay_start_2:
0xff: {  	(tag) =	ssettag $0x2  }
0x100: {  	s0 =	rddreg [dreg:$0x0];
	s2 =	stileid.u32  }
0x101: {  	s1 =	rddreg [dreg:$0x1];
	p0 =	sne.s32 s2, $0x0  }
0x102: {  	s3 =	rddreg [dreg:$0x2];
	[bflag:$0x3] =	sbarrier.arrive $0xFFFF;
	s2 =	simm.s32 @!p0 $0x1C04  }
0x103: {  	[timem:s3], [sflag:s2] =	dma.local @!p0 [hbm:s0], s1  }
0x104: {  	s0 =	simm.s32 @!p0 $0x4  }
0x105: {  	_ =	swait.ge @!p0 [sflag:s0], s1  }
0x106: {  	s1 =	ssub.s32 @!p0 $0x0, s1;
	[sflag:s0] =	ssyncset.done @!p0 $0x0  }
0x107: {  	[sflag:s0] =	ssyncadd.s32 @!p0 s1  }
0x108: {  	[bflag:$0x3] =	sbarrier.arrive $0xFFFF  }
0x109: {  	_ =	shalt  }

// kernel: kernel.14.cloned.1.call-start
scs
__scs_entry_jumppad:
0x0: {  	(pc) =	sbr.rel $0x88, $3  }
0x1: {  	(tag) =	ssettag $0x0;
	lr =	simm.s32 $0x1  }
0x2: {  	[smem:$0x3F97] =	sst lr;
	_ =	strace $0xD0000000  }
0x3: {  	_ = 	snop  }
0x4: {  	_ = 	snop  }
0x5: {  	_ = 	snop  }
0x6: {  	_ = 	snop  }
0x7: {  	_ = 	snop  }
__scs_overlays_trampoline_lowered:
0x8: {  	[smem:$0x3FA6] =	sst s0  }
0x9: {  	[smem:$0x3FA7] =	sst s1  }
0xa: {  	[smem:$0x3FA8] =	sst s2  }
0xb: {  	[smem:$0x3FA9] =	sst s3  }
0xc: {  	[smem:$0x3FAA] =	sst s4  }
0xd: {  	[smem:$0x3FAB] =	sst s5  }
0xe: {  	[smem:$0x3FAC] =	sst s6  }
0xf: {  	[smem:$0x3FAD] =	sst s7  }
0x10: {  	[smem:$0x3FAE] =	sst s8  }
0x11: {  	[smem:$0x3FAF] =	sst s9;
	s0 =	simm.s32 @!p0 $0x0  }
0x12: {  	s1 =	sld [smem:$0x3F95];
	s0 =	simm.s32 @p0 $0x1  }
0x13: {  	[smem:$0x3FB0] =	sst s0;
	s0 =	simm.s32 @!p1 $0x0  }
0x14: {  	s2 =	sld [smem:$0x3F94];
	s0 =	simm.s32 @p1 $0x1  }
0x15: {  	[smem:$0x3FB1] =	sst s0;
	s0 =	simm.s32 @!p2 $0x0  }
0x16: {  	s3 =	sld [smem:$0x3FDB];
	s0 =	simm.s32 @p2 $0x1  }
0x17: {  	s4 =	simm.s32 $0x1BF5;
	[smem:$0x3FB3] =	sst s0  }
0x18: {  	s0 =	sld [smem:$0x3F96];
	_ =	swait.ge [sflag:s4], $0x0  }
0x19: {  	s7 =	sld [smem:$0x3F97]  }
0x1a: {  	s8 =	sadd.s32 $0xFFFFE003, lr  }
0x1b: {  	s9 =	sadd.s32 $0xFFFFFEF7, lr;
	s5 =	simm.s32 $0xFFFFFFFF;
	p2 =	slt.u32 s8, $0xFFFFF086  }
0x1c: {  	p1 =	slt.u32 s9, $0xF7A;
	s5 =	simm.s32 @!p2 $0x0  }
0x1d: {  	s5 =	simm.s32 @p1 $0x1;
	p0 =	seq.s32 s7, s2  }
0x1e: {  	s7 =	smul.u32 @!p0 $0xF7A, s2;
	p2 =	seq.s32 @!p0 s5, $0x0  }
0x1f: {  	s9 =	smul.u32 $0xF7A, s1;
	s8 =	simm.s32 @!p0 $0x1BF5;
	p2 =	por !p2, p0  }
0x20: {  	[sflag:s8] =	ssyncset.s32 @!p0 $0xFFFFF086;
	s6 =	sadd.s32 @!p0 s3, s7;
	s7 =	simm.s32 @!p0 $0x108  }
0x21: {  	s3 =	sadd.s32 s3, s9;
	s6 =	sadd.s32 @!p0 $0x88, s6;
	s7 =	simm.s32 @p2 $0x1082  }
0x22: {  	[simem:s7], [sflag:s8] =	dma.local @!p0 [hbm:s6], $0xF7A  }
0x23: {  	s9 =	sor.u32 $0xD0000000, s2;
	s6 =	simm.s32 $0x108;
	_ =	swait.ge @!p0 [sflag:s8], $0x0  }
0x24: {  	s3 =	sadd.s32 $0x88, s3;
	s6 =	simm.s32 @!p1 $0x1082;
	[sflag:s4] =	ssyncset.s32 $0xFFFFF086  }
0x25: {  	[simem:s6], [sflag:s4] =	dma.local [hbm:s3], $0xF7A  }
0x26: {  	[smem:$0x3F97] =	sst s1;
	(tag) =	ssettag s2;
	_ =	strace s9  }
0x27: {  	s1 =	sld [smem:$0x3FA7]  }
0x28: {  	s2 =	sld [smem:$0x3FA8]  }
0x29: {  	s4 =	sld [smem:$0x3FAA]  }
0x2a: {  	p0 =	seq.s32 s5, $0x0;
	s5 =	sld [smem:$0x3FAB]  }
0x2b: {  	s6 =	sld [smem:$0x3FAC]  }
0x2c: {  	s7 =	sld [smem:$0x3FAD]  }
0x2d: {  	s3 =	simm.s32 $0x108;
	s8 =	sld [smem:$0x3FAE]  }
0x2e: {  	s3 =	simm.s32 @!p0 $0x1082;
	s9 =	sld [smem:$0x3FAF]  }
0x2f: {  	lr =	sadd.s32 s0, s3;
	s0 =	sld [smem:$0x3FA6]  }
0x30: {  	s3 =	sld [smem:$0x3FA9]  }
0x31: {  	[smem:$0x3FB2] =	sst s10  }
0x32: {  	s10 =	sld [smem:$0x3FB0];
	_ =	sdelay $0x3  }
0x33: {  	p0 =	seq.s32 s10, $0x1;
	s10 =	sld [smem:$0x3FB2];
	_ =	sdelay $0x3  }
0x34: {  	[smem:$0x3FB2] =	sst s10  }
0x35: {  	s10 =	sld [smem:$0x3FB1];
	_ =	sdelay $0x3  }
0x36: {  	p1 =	seq.s32 s10, $0x1;
	s10 =	sld [smem:$0x3FB2];
	_ =	sdelay $0x3  }
0x37: {  	[smem:$0x3FB2] =	sst s10  }
0x38: {  	s10 =	sld [smem:$0x3FB3]  }
0x39: {  	_ = 	snop;
	(pc) =	sbr.ind lr, $3  }
0x3a: {  	_ = 	snop  }
0x3b: {  	_ = 	snop  }
0x3c: {  	p2 =	seq.s32 s10, $0x1;
	s10 =	sld [smem:$0x3FB2]  }
0x3d: {  	_ =	shalt  }
0x3e: {  	_ =	shalt  }
0x3f: {  	_ =	shalt  }
0x40: {  	_ =	shalt  }
0x41: {  	_ =	shalt  }
0x42: {  	_ =	shalt  }
0x43: {  	_ =	shalt  }
0x44: {  	_ =	shalt  }
0x45: {  	_ =	shalt  }
0x46: {  	_ =	shalt  }
0x47: {  	_ =	shalt  }
0x48: {  	_ =	shalt  }
0x49: {  	_ =	shalt  }
0x4a: {  	_ =	shalt  }
0x4b: {  	_ =	shalt  }
0x4c: {  	_ =	shalt  }
0x4d: {  	_ =	shalt  }
0x4e: {  	_ =	shalt  }
0x4f: {  	_ =	shalt  }
0x50: {  	_ =	shalt  }
0x51: {  	_ =	shalt  }
0x52: {  	_ =	shalt  }
0x53: {  	_ =	shalt  }
0x54: {  	_ =	shalt  }
0x55: {  	_ =	shalt  }
0x56: {  	_ =	shalt  }
0x57: {  	_ =	shalt  }
0x58: {  	_ =	shalt  }
0x59: {  	_ =	shalt  }
0x5a: {  	_ =	shalt  }
0x5b: {  	_ =	shalt  }
0x5c: {  	_ =	shalt  }
0x5d: {  	_ =	shalt  }
0x5e: {  	_ =	shalt  }
0x5f: {  	_ =	shalt  }
0x60: {  	_ =	shalt  }
0x61: {  	_ =	shalt  }
0x62: {  	_ =	shalt  }
0x63: {  	_ =	shalt  }
0x64: {  	_ =	shalt  }
0x65: {  	_ =	shalt  }
0x66: {  	_ =	shalt  }
0x67: {  	_ =	shalt  }
0x68: {  	_ =	shalt  }
0x69: {  	_ =	shalt  }
0x6a: {  	_ =	shalt  }
0x6b: {  	_ =	shalt  }
0x6c: {  	_ =	shalt  }
0x6d: {  	_ =	shalt  }
0x6e: {  	_ =	shalt  }
0x6f: {  	_ =	shalt  }
0x70: {  	_ =	shalt  }
0x71: {  	_ =	shalt  }
0x72: {  	_ =	shalt  }
0x73: {  	_ =	shalt  }
0x74: {  	_ =	shalt  }
0x75: {  	_ =	shalt  }
0x76: {  	_ =	shalt  }
0x77: {  	_ =	shalt  }
0x78: {  	_ =	shalt  }
0x79: {  	_ =	shalt  }
0x7a: {  	_ =	shalt  }
0x7b: {  	_ =	shalt  }
0x7c: {  	_ =	shalt  }
0x7d: {  	_ =	shalt  }
0x7e: {  	_ =	shalt  }
0x7f: {  	_ =	shalt  }
0x80: {  	_ =	shalt  }
0x81: {  	_ =	shalt  }
0x82: {  	_ =	shalt  }
0x83: {  	_ =	shalt  }
0x84: {  	_ =	shalt  }
0x85: {  	_ =	shalt  }
0x86: {  	_ =	shalt  }
0x87: {  	_ =	shalt  }
.Lfunc_end0:
.L_simem_size_0:
called_computation.2_lowered:
.L_overlay_start_0:
0x88: {  	s2 =	sld [smem:$0x3FD9]  }
0x89: {  	s3 =	sld [smem:$0x3FFE];
	_ =	sdelay $0x1  }
0x8a: {  	s1 =	srdreg.scid  }
0x8b: {  	s0 =	sand.u32 $0x1, s1  }
0x8c: {  	s14 =	sshll.u32 s0, $0xA;
	s2 =	sadd.s32 s3, s2  }
0x8d: {  	s2 =	sadd.s32 s2, s14  }
0x8e: {  	[smem:$0x3FBE] =	sst s2  }
0x8f: {  	_ = 	snop  }
0x90: {  	s2 =	sld [smem:$0x3FD0];
	_ =	sdelay $0x2  }
0x91: {  	s15 =	simm.s32 $0xA;
	s4 =	simm.s32 $0x10  }
0x92: {  	[smem:s4], [sflag:s15] =	dma.local [hbm:s2], $0x1  }
0x93: {  	_ =	swait.eq [sflag:s15], $0x1  }
0x94: {  	[sflag:s15] =	ssyncset.done $0x0  }
0x95: {  	s16 =	sld [smem:$0x10];
	[sflag:s15] =	ssyncadd.s32 $0xFFFFFFFF  }
0x96: {  	s17 =	sld [smem:$0x11];
	(tm) =	ssettm $0x1  }
0x97: {  	s18 =	sld [smem:$0x3FFB];
	_ =	sdelay $0x3  }
0x98: {  	_ =	strace s18  }
0x99: {  	s4 =	sld [smem:$0x3FFC];
	_ =	sdelay $0x3  }
0x9a: {  	_ =	strace s4  }
0x9b: {  	s4 =	sld [smem:$0x3FFD];
	_ =	sdelay $0x3  }
0x9c: {  	_ =	strace s4  }
0x9d: {  	_ =	strace $0x8FFFFFFF  }
0x9e: {  	s19 =	sld [smem:$0x3FDB];
	_ =	sdelay $0x1  }
0x9f: {  	s5 =	simm.s32 $_scs_section_size  }
0xa0: {  	s6 =	simm.s32 $_size__tile_overlayer_lowered;
	s7 =	simm.s32 $_tile_overlayer_lowered  }
0xa1: {  	s22 =	simm.s32 $0x1BFF;
	s21 =	sshll.u32 s7, $0x1;
	s4 =	sadd.s32 s5, s19  }
0xa2: {  	s8 =	simm.s32 $0x0;
	s20 =	sshll.u32 s6, $0x1;
	s6 =	sadd.s32 s21, s4  }
0xa3: {  	[timem:s8], [sflag:s22] =	dma.local [hbm:s6], s20  }
0xa4: {  	_ =	swait.ge [sflag:s22], s20  }
0xa5: {  	s5 =	ssub.s32 $0x0, s20;
	[sflag:s22] =	ssyncset.done $0x0  }
0xa6: {  	[sflag:s22] =	ssyncadd.s32 s5;
	_ =	sdelay $0x1  }
0xa7: {  	s23 =	simm.s32 $0x1B8B  }
0xa8: {  	_ =	swait.ge [sflag:s23], $0x1  }
0xa9: {  	[sflag:s23] =	ssyncset.done $0x0  }
0xaa: {  	s25 =	simm.s32 $0x1B8E;
	s24 =	sld [smem:$0x3FFE];
	[sflag:s23] =	ssyncadd.s32 $0xFFFFFFFF  }
0xab: {  	s26 =	simm.s32 $execute0_lowered;
	[smem:$0x3FD2] =	sst s25  }
0xac: {  	s6 =	sshll.u32 s26, $0x1;
	_ =	strace $0x8000004C;
	[dreg:$0x1] =	wrdreg $0xFFFFFFFF  }
0xad: {  	s28 =	simm.s32 $_size_execute0_lowered;
	s4 =	sadd.s32 s4, s6;
	[dreg:$0x0] =	wrdreg $0x0  }
0xae: {  	s6 =	sshll.u32 s28, $0x1;
	[dreg:$0x2] =	wrdreg s4  }
0xaf: {  	[dreg:$0x3] =	wrdreg s6  }
0xb0: {  	[dreg:$0x4] =	wrdreg $0xC0  }
0xb1: {  	_ =	task [dreg:s8], $0x5FFFF  }
0xb2: {  	[dreg:$0x1] =	wrdreg $0xFFFFFFFF  }
0xb3: {  	[dreg:$0x0] =	wrdreg $0x60  }
0xb4: {  	[dreg:$0x2] =	wrdreg s24  }
0xb5: {  	[dreg:$0x3] =	wrdreg s17  }
0xb6: {  	[dreg:$0x4] =	wrdreg s16  }
0xb7: {  	[dreg:$0x5] =	wrdreg $0xA1800  }
0xb8: {  	[dreg:$0x6] =	wrdreg $0x9  }
0xb9: {  	_ =	task.clear_ibuf [dreg:s8], $0x7FFFF;
	_ =	strace $0x9000004C  }
0xba: {  	s29 =	simm.s32 $0x9;
	_ =	strace $0x8000004E  }
0xbb: {  	_ =	swait.ge [sflag:s29], $0x1  }
0xbc: {  	[sflag:s29] =	ssyncadd.s32 $0xFFFFFFFF  }
0xbd: {  	_ =	strace $0x9000004E  }
0xbe: {  	_ =	sfence  }
0xbf: {  	s30 =	sld [smem:$0x0];
	_ =	sdelay $0x2  }
0xc0: {  	s31 =	sshll.u32 s1, $0xD;
	s1 =	sshrl.u32 s1, $0x2  }
0xc1: {  	s3 =	sand.u32 $0x4000, s31;
	s1 =	sadd.s32 s1, s30  }
0xc2: {  	s0 =	sor.u32 s3, s0;
	s1 =	sshll.u32 s1, $0x11  }
0xc3: {  	s0 =	sor.u32 s1, s0  }
0xc4: {  	s0 =	sadd.s32 $0x8F2B, s0  }
0xc5: {  	[sflag:s0] =	ssyncadd.remote.s32 $0x1  }
0xc6: {  	_ =	sfence.sel $0xFFFF  }
0xc7: {  	[dreg:$0x0] =	wrdreg $0xFFFFFFFF;
	(pc) =	sbr.abs _section_cstart, $3  }
0xc8: {  	[dreg:$0x1] =	wrdreg $0xFFFFFFFF  }
0xc9: {  	_ =	task.clear_ibuf [dreg:s8], $0x2FFFF;
	_ =	strace $0x9FFFFFFF  }
0xca: {  	(tm) =	ssettm $0x7FFFFFFF  }
0xcb: {  	_ =	shalt  }
tec
execute0_lowered:
.L_overlay_start_1:
0x0: {  	(tag) =	ssettag $0x1  }
0x1: {  	s0 =	rddreg [dreg:$0x0]  }
0x2: {  	s2 =	rddreg [dreg:$0x1]  }
0x3: {  	s3 =	srdreg.scid;
	s1 =	rddreg [dreg:$0x2]  }
0x4: {  	s12 =	stileid.u32;
	s4 =	simm.s32 $0x0;
	s28 =	simm.s32 $0x5180  }
0x5: {  	s29 =	simm.s32 $0x1;
	s30 =	simm.s32 $0x2780;
	s7 =	smul.u32 $0x14000, s12  }
0x6: {  	s6 =	sand.u32 $0x1, s3;
	s3 =	rddreg [dreg:$0x3];
	s9 =	smul.u32 $0x50000, s12  }
0x7: {  	s31 =	simm.s32 $0x50;
	[smem:$0x7FF] =	sst s4;
	s22 =	smul.u32 $0x2710, s12  }
0x8: {  	s5 =	smul.u32 $0x140000, s6;
	s8 =	sshll.u32 s6, $0x4;
	_ =	strace $0x8000004D  }
0x9: {  	s13 =	ssub.s32 $0x2, s6;
	s20 =	smul.u32 $0x27100, s6;
	s14 =	sshrl.u32 s9, $0x2  }
0xa: {  	s8 =	sor.u32 s12, s8;
	s5 =	sadd.s32 s7, s5;
	s7 =	sadd.s32 s14, s3  }
0xb: {  	s10 =	sshrl.u32 s13, $0x1;
	s9 =	simm.s32 $0x2;
	s15 =	sadd.s32 $0x2800, s7  }
0xc: {  	s26 =	smul.u32 $0x2710, s8;
	s16 =	sadd.s32 $0x5000, s7;
	[dreg:$0x6] =	wrdreg s15  }
0xd: {  	s8 =	ssub.s32 s13, s10;
	s17 =	sadd.s32 $0x7800, s7;
	[dreg:$0x7] =	wrdreg s16  }
0xe: {  	s10 =	simm.s32 $0x0;
	s18 =	sadd.s32 $0xA000, s7;
	[dreg:$0x8] =	wrdreg s17  }
0xf: {  	s11 =	sshrl.u32 s5, $0x3;
	s19 =	sadd.s32 $0xC800, s7;
	[dreg:$0x9] =	wrdreg s18  }
0x10: {  	s5 =	sadd.s32 $0x2A00, s0;
	s21 =	sadd.s32 $0xF000, s7;
	[dreg:$0xa] =	wrdreg s19  }
0x11: {  	s23 =	sadd.s32 $0x11800, s7;
	s0 =	sadd.s32 s11, s0;
	[dreg:$0xb] =	wrdreg s21  }
0x12: {  	s11 =	sshrl.u32 s26, $0x3;
	[dreg:$0xc] =	wrdreg s23;
	s21 =	smax.u32 s8, $0x1  }
0x13: {  	s8 =	simm.s32 $0x3;
	s2 =	sadd.s32 s2, s11;
	s14 =	sadd.s32 s1, s11  }
0x14: {  	[dreg:$0x5] =	wrdreg s2;
	s24 =	sadd.s32 $0xA, s14;
	s25 =	sadd.s32 $0x14, s14  }
0x15: {  	s18 =	sadd.s32 $0x4CE, s14;
	s19 =	sadd.s32 $0x4D8, s14;
	[dreg:$0xd] =	wrdreg s24  }
0x16: {  	s2 =	sadd.s32 s22, s20;
	s20 =	sadd.s32 $0x29C00, s0;
	[dreg:$0xe] =	wrdreg s25  }
0x17: {  	s26 =	sadd.s32 $0x190, s2;
	s6 =	sadd.s32 $0x140, s2;
	s24 =	sadd.s32 $0xF0, s2  }
0x18: {  	s25 =	simm.s32 $0x2980;
	s2 =	simm.s32 $0x2800;
	s0 =	sshrl.u32 s26, $0x3  }
0x19: {  	s6 =	sshrl.u32 s6, $0x3;
	s26 =	simm.s32 $0x4;
	s22 =	sadd.s32 s0, s1  }
0x1a: {  	v0 =	vimm.f32 $0.0e+00;
	s23 =	sadd.s32 s6, s1;
	s0 =	simm.s32 $0x2880;
	s6 =	simm.s32 $0x7980  }
.LBB2_1:
0x1b: {  	s11 =	rddreg [dreg:$0x5]  }
0x1c: {  	[tilespmem:s4], [sflag:$0x1] =	stream.linear.gather [hbm4b:s11+s4], $0x2710, $0x38;
	[tilespmem:$0x1E180] =	vst v63  }
0x1d: {  	s12 =	simm.s32 $0x300;
	s11 =	simm.s32 $0x40  }
.LBB2_2:
0x1e: {  	p0 =	sne.s32 s12, $0x9F00;
	[tilespmem:s11+$0x51B0] =	vst v0  }
0x1f: {  	[tilespmem:s11+$0x2940] =	vst v0  }
0x20: {  	[tilespmem:s11+$0x5140] =	vst v0  }
0x21: {  	[tilespmem:s11+$0x2950] =	vst v0  }
0x22: {  	[tilespmem:s11+$0x5150] =	vst v0  }
0x23: {  	[tilespmem:s11+$0x2960] =	vst v0  }
0x24: {  	[tilespmem:s11+$0x5160] =	vst v0  }
0x25: {  	[tilespmem:s11+$0x2970] =	vst v0  }
0x26: {  	[tilespmem:s11+$0x5170] =	vst v0  }
0x27: {  	[tilespmem:s11+$0x2980] =	vst v0  }
0x28: {  	[tilespmem:s11+$0x5180] =	vst v0  }
.Ltmp0:
0x29: {  	[tilespmem:s11+$0x2990] =	vst v0;
	(pc) =	sbr.rel @p0 .LBB2_2-.Ltmp0, $4  }
0x2a: {  	[tilespmem:s11+$0x5190] =	vst v0  }
0x2b: {  	[tilespmem:s11+$0x29A0] =	vst v0  }
0x2c: {  	[tilespmem:s11+$0x51A0] =	vst v0  }
0x2d: {  	[tilespmem:s11+$0x29B0] =	vst v0;
	s11 =	sshra.s32 s12, $0x2;
	s12 =	sadd.s32 $0x200, s12  }
0x2e: {  	[tilespmem:s11+$0x51B0] =	vst v0  }
0x2f: {  	[tilespmem:s11+$0x2940] =	vst v0  }
0x30: {  	[tilespmem:s11+$0x5140] =	vst v0  }
0x31: {  	[tilespmem:s11+$0x2950] =	vst v0  }
0x32: {  	[tilespmem:s11+$0x5150] =	vst v0  }
0x33: {  	[tilespmem:s11+$0x2960] =	vst v0  }
0x34: {  	[tilespmem:s11+$0x5160] =	vst v0  }
0x35: {  	[tilespmem:s11+$0x2970] =	vst v0  }
0x36: {  	[tilespmem:s11+$0x5170] =	vst v0  }
0x37: {  	[tilespmem:s11+$0x2980] =	vst v0  }
0x38: {  	[tilespmem:s11+$0x5180] =	vst v0  }
0x39: {  	[tilespmem:s11+$0x2990] =	vst v0  }
0x3a: {  	[tilespmem:s11+$0x5190] =	vst v0  }
0x3b: {  	[tilespmem:s11+$0x29A0] =	vst v0  }
0x3c: {  	[tilespmem:s11+$0x51A0] =	vst v0  }
0x3d: {  	[tilespmem:s11+$0x29B0] =	vst v0  }
0x3e: {  	[spmem:s7] =	stream.linear.scatter [tilespmem:s25], [sflag:$0x4], $0x2800, $0x38;
	[tilespmem:$0x1E180] =	vst v63  }
0x3f: {  	_ =	swait.ge [sflag:s26], $0x2800  }
0x40: {  	[sflag:s26] =	ssyncset.done $0x0  }
0x41: {  	s13 =	rddreg [dreg:$0x6];
	[sflag:s26] =	ssyncadd.s32 $0xFFFFD800  }
0x42: {  	[spmem:s13] =	stream.linear.scatter [tilespmem:s28], [sflag:$0x4], $0x2800, $0x38;
	[tilespmem:$0x1E180] =	vst v63  }
0x43: {  	_ =	swait.ge [sflag:s26], $0x2800  }
0x44: {  	[sflag:s26] =	ssyncset.done $0x0  }
0x45: {  	s15 =	rddreg [dreg:$0x7];
	[sflag:s26] =	ssyncadd.s32 $0xFFFFD800  }
0x46: {  	[spmem:s15] =	stream.linear.scatter [tilespmem:s25], [sflag:$0x4], $0x2800, $0x38;
	[tilespmem:$0x1E180] =	vst v63  }
0x47: {  	_ =	swait.ge [sflag:s26], $0x2800  }
0x48: {  	[sflag:s26] =	ssyncset.done $0x0  }
0x49: {  	s16 =	rddreg [dreg:$0x8];
	[sflag:s26] =	ssyncadd.s32 $0xFFFFD800  }
0x4a: {  	[spmem:s16] =	stream.linear.scatter [tilespmem:s28], [sflag:$0x4], $0x2800, $0x38;
	[tilespmem:$0x1E180] =	vst v63  }
0x4b: {  	_ =	swait.ge [sflag:s26], $0x2800  }
0x4c: {  	[sflag:s26] =	ssyncset.done $0x0  }
0x4d: {  	s17 =	rddreg [dreg:$0x9];
	[sflag:s26] =	ssyncadd.s32 $0xFFFFD800  }
0x4e: {  	[spmem:s17] =	stream.linear.scatter [tilespmem:s25], [sflag:$0x4], $0x2800, $0x38;
	[tilespmem:$0x1E180] =	vst v63  }
0x4f: {  	_ =	swait.ge [sflag:s26], $0x2800  }
0x50: {  	[sflag:s26] =	ssyncset.done $0x0  }
0x51: {  	s12 =	rddreg [dreg:$0xa];
	[sflag:s26] =	ssyncadd.s32 $0xFFFFD800  }
0x52: {  	[spmem:s12] =	stream.linear.scatter [tilespmem:s28], [sflag:$0x4], $0x2800, $0x38;
	[tilespmem:$0x1E180] =	vst v63  }
0x53: {  	_ =	swait.ge [sflag:s26], $0x2800  }
0x54: {  	[sflag:s26] =	ssyncset.done $0x0  }
0x55: {  	s13 =	rddreg [dreg:$0xb];
	[sflag:s26] =	ssyncadd.s32 $0xFFFFD800  }
0x56: {  	[spmem:s13] =	stream.linear.scatter [tilespmem:s25], [sflag:$0x4], $0x2800, $0x38;
	[tilespmem:$0x1E180] =	vst v63  }
0x57: {  	_ =	swait.ge [sflag:s26], $0x2800  }
0x58: {  	[sflag:s26] =	ssyncset.done $0x0  }
0x59: {  	s15 =	rddreg [dreg:$0xc];
	[sflag:s26] =	ssyncadd.s32 $0xFFFFD800  }
0x5a: {  	[spmem:s15] =	stream.linear.scatter [tilespmem:s28], [sflag:$0x4], $0x2800, $0x38;
	[tilespmem:$0x1E180] =	vst v63  }
0x5b: {  	_ =	swait.ge [sflag:s26], $0x2800  }
0x5c: {  	[sflag:s26] =	ssyncset.done $0x0  }
0x5d: {  	[sflag:s26] =	ssyncadd.s32 $0xFFFFD800  }
0x5e: {  	_ =	swait.ge [sflag:s29], $0x2710  }
0x5f: {  	[sflag:s29] =	ssyncset.done $0x0  }
0x60: {  	[sflag:s29] =	ssyncadd.s32 $0xFFFFD8F0  }
0x61: {  	s16 =	simm.s32 $0x0;
	[bflag:$0x0] =	sbarrier.arrive $0xFFFF  }
0x62: {  	[tilespmem:s30], [sflag:$0x2] =	stream.linear.gather [hbm4b:s14+s16], $0x50, $0x38;
	[tilespmem:$0x1E180] =	vst v63  }
0x63: {  	_ = 	snop  }
0x64: {  	[tilespmem:s25], [sflag:$0x3] =	stream.indirect.gather [hbm4b:s5+s31], $0x80, s16, s31, $0xb8;
	[tilespmem:$0x1E180] =	vst v63  }
0x65: {  	s12 =	rddreg [dreg:$0xd]  }
0x66: {  	[tilespmem:s2], [sflag:$0x2] =	stream.linear.gather [hbm4b:s12+s16], $0x50, $0x38;
	[tilespmem:$0x1E180] =	vst v63  }
0x67: {  	_ = 	snop  }
0x68: {  	[tilespmem:s28], [sflag:$0x3] =	stream.indirect.gather [hbm4b:s5+s31], $0x80, s31, s31, $0xb8;
	[tilespmem:$0x1E180] =	vst v63  }
0x69: {  	s17 =	rddreg [dreg:$0xe]  }
0x6a: {  	[tilespmem:s0], [sflag:$0x2] =	stream.linear.gather [hbm4b:s17+s16], $0x50, $0x38;
	[tilespmem:$0x1E180] =	vst v63  }
0x6b: {  	s13 =	simm.s32 $0xA0  }
0x6c: {  	[tilespmem:s6], [sflag:$0x3] =	stream.indirect.gather [hbm4b:s5+s31], $0x80, s13, s31, $0xb8;
	[tilespmem:$0x1E180] =	vst v63  }
0x6d: {  	_ =	swait.ge [sflag:s8], $0x2800  }
0x6e: {  	[sflag:s8] =	ssyncset.done $0x0  }
0x6f: {  	[sflag:s8] =	ssyncadd.s32 $0xFFFFD800  }
0x70: {  	_ =	swait.ge [sflag:s9], $0x50  }
0x71: {  	[sflag:s9] =	ssyncset.done $0x0  }
0x72: {  	[sflag:s9] =	ssyncadd.s32 $0xFFFFFFB0  }
0x73: {  	[spmem:s3] =	stream.indirect.scatter.add.f32 [tilespmem:s25], [sflag:$0x4], $0x80, s30, s31, $0xb8;
	[tilespmem:$0x1E180] =	vst v63  }
0x74: {  	_ =	swait.ge [sflag:s26], $0x2800  }
0x75: {  	s15 =	sshrl.u32 s24, $0x3;
	[sflag:s26] =	ssyncset.done $0x0  }
0x76: {  	s11 =	sadd.s32 s1, s15;
	[sflag:s26] =	ssyncadd.s32 $0xFFFFD800  }
0x77: {  	[tilespmem:s30], [sflag:$0x2] =	stream.linear.gather [hbm4b:s11+s4], $0x50, $0x38;
	[tilespmem:$0x1E180] =	vst v63  }
0x78: {  	s16 =	simm.s32 $0xF0  }
0x79: {  	[tilespmem:s25], [sflag:$0x3] =	stream.indirect.gather [hbm4b:s5+s31], $0x80, s16, s31, $0xb8;
	[tilespmem:$0x1E180] =	vst v63  }
0x7a: {  	_ =	swait.ge [sflag:s8], $0x2800  }
0x7b: {  	[sflag:s8] =	ssyncset.done $0x0  }
0x7c: {  	[sflag:s8] =	ssyncadd.s32 $0xFFFFD800  }
0x7d: {  	_ =	swait.ge [sflag:s9], $0x50  }
0x7e: {  	[sflag:s9] =	ssyncset.done $0x0  }
0x7f: {  	[sflag:s9] =	ssyncadd.s32 $0xFFFFFFB0  }
0x80: {  	[spmem:s3] =	stream.indirect.scatter.add.f32 [tilespmem:s28], [sflag:$0x4], $0x80, s2, s31, $0xb8;
	[tilespmem:$0x1E180] =	vst v63  }
0x81: {  	_ =	swait.ge [sflag:s26], $0x2800  }
0x82: {  	[sflag:s26] =	ssyncset.done $0x0  }
0x83: {  	[sflag:s26] =	ssyncadd.s32 $0xFFFFD800  }
0x84: {  	[tilespmem:s2], [sflag:$0x2] =	stream.linear.gather [hbm4b:s23+s4], $0x50, $0x38;
	[tilespmem:$0x1E180] =	vst v63  }
0x85: {  	s17 =	simm.s32 $0x140  }
0x86: {  	[tilespmem:s28], [sflag:$0x3] =	stream.indirect.gather [hbm4b:s5+s31], $0x80, s17, s31, $0xb8;
	[tilespmem:$0x1E180] =	vst v63  }
0x87: {  	_ =	swait.ge [sflag:s8], $0x2800  }
0x88: {  	[sflag:s8] =	ssyncset.done $0x0  }
0x89: {  	[sflag:s8] =	ssyncadd.s32 $0xFFFFD800  }
0x8a: {  	_ =	swait.ge [sflag:s9], $0x50  }
0x8b: {  	[sflag:s9] =	ssyncset.done $0x0  }
0x8c: {  	[sflag:s9] =	ssyncadd.s32 $0xFFFFFFB0  }
0x8d: {  	[spmem:s3] =	stream.indirect.scatter.add.f32 [tilespmem:s6], [sflag:$0x4], $0x80, s0, s31, $0xb8;
	[tilespmem:$0x1E180] =	vst v63  }
0x8e: {  	s15 =	sadd.s32 $0x1E, s23;
	_ =	swait.ge [sflag:s26], $0x2800  }
0x8f: {  	s12 =	sadd.s32 $0xF0, s24;
	s13 =	sadd.s32 $0x1E, s22;
	[sflag:s26] =	ssyncset.done $0x0  }
0x90: {  	s11 =	simm.s32 $0x3C0;
	s16 =	simm.s32 $0x190;
	[sflag:s26] =	ssyncadd.s32 $0xFFFFD800  }
0x91: {  	[tilespmem:s0], [sflag:$0x2] =	stream.linear.gather [hbm4b:s22+s4], $0x50, $0x38;
	[tilespmem:$0x1E180] =	vst v63  }
.LBB2_4:
0x92: {  	[tilespmem:s6], [sflag:$0x3] =	stream.indirect.gather [hbm4b:s5+s31], $0x80, s16, s31, $0xb8;
	[tilespmem:$0x1E180] =	vst v63  }
0x93: {  	s16 =	smov.u32 s11  }
0x94: {  	p0 =	sne.s32 s11, $0x9240;
	s11 =	sadd.s32 $0x3C0, s11;
	_ =	swait.ge [sflag:s8], $0x2800  }
0x95: {  	[sflag:s8] =	ssyncset.done $0x0  }
0x96: {  	[sflag:s8] =	ssyncadd.s32 $0xFFFFD800  }
0x97: {  	_ =	swait.ge [sflag:s9], $0x50  }
0x98: {  	[sflag:s9] =	ssyncset.done $0x0  }
0x99: {  	[sflag:s9] =	ssyncadd.s32 $0xFFFFFFB0  }
0x9a: {  	[spmem:s3] =	stream.indirect.scatter.add.f32 [tilespmem:s25], [sflag:$0x4], $0x80, s30, s31, $0xb8;
	[tilespmem:$0x1E180] =	vst v63  }
0x9b: {  	_ =	swait.ge [sflag:s26], $0x2800  }
0x9c: {  	s17 =	sshrl.u32 s12, $0x3;
	[sflag:s26] =	ssyncset.done $0x0  }
0x9d: {  	s17 =	sadd.s32 s1, s17;
	s16 =	sshra.s32 s16, $0x2;
	[sflag:s26] =	ssyncadd.s32 $0xFFFFD800  }
0x9e: {  	[tilespmem:s30], [sflag:$0x2] =	stream.linear.gather [hbm4b:s17+s4], $0x50, $0x38;
	[tilespmem:$0x1E180] =	vst v63  }
0x9f: {  	s17 =	sadd.s32 $0xF0, s16  }
0xa0: {  	[tilespmem:s25], [sflag:$0x3] =	stream.indirect.gather [hbm4b:s5+s31], $0x80, s17, s31, $0xb8;
	[tilespmem:$0x1E180] =	vst v63  }
0xa1: {  	_ =	swait.ge [sflag:s8], $0x2800  }
0xa2: {  	[sflag:s8] =	ssyncset.done $0x0  }
0xa3: {  	[sflag:s8] =	ssyncadd.s32 $0xFFFFD800  }
0xa4: {  	_ =	swait.ge [sflag:s9], $0x50  }
0xa5: {  	[sflag:s9] =	ssyncset.done $0x0  }
0xa6: {  	[sflag:s9] =	ssyncadd.s32 $0xFFFFFFB0  }
0xa7: {  	[spmem:s3] =	stream.indirect.scatter.add.f32 [tilespmem:s28], [sflag:$0x4], $0x80, s2, s31, $0xb8;
	[tilespmem:$0x1E180] =	vst v63  }
0xa8: {  	_ =	swait.ge [sflag:s26], $0x2800  }
0xa9: {  	[sflag:s26] =	ssyncset.done $0x0  }
0xaa: {  	[sflag:s26] =	ssyncadd.s32 $0xFFFFD800  }
0xab: {  	[tilespmem:s2], [sflag:$0x2] =	stream.linear.gather [hbm4b:s15+s4], $0x50, $0x38;
	[tilespmem:$0x1E180] =	vst v63  }
0xac: {  	s17 =	sadd.s32 $0x140, s16  }
0xad: {  	[tilespmem:s28], [sflag:$0x3] =	stream.indirect.gather [hbm4b:s5+s31], $0x80, s17, s31, $0xb8;
	[tilespmem:$0x1E180] =	vst v63  }
0xae: {  	_ =	swait.ge [sflag:s8], $0x2800  }
0xaf: {  	[sflag:s8] =	ssyncset.done $0x0  }
0xb0: {  	[sflag:s8] =	ssyncadd.s32 $0xFFFFD800  }
0xb1: {  	_ =	swait.ge [sflag:s9], $0x50  }
0xb2: {  	[sflag:s9] =	ssyncset.done $0x0  }
0xb3: {  	[sflag:s9] =	ssyncadd.s32 $0xFFFFFFB0  }
0xb4: {  	[spmem:s3] =	stream.indirect.scatter.add.f32 [tilespmem:s6], [sflag:$0x4], $0x80, s0, s31, $0xb8;
	[tilespmem:$0x1E180] =	vst v63  }
.Ltmp1:
0xb5: {  	_ =	swait.ge [sflag:s26], $0x2800;
	(pc) =	sbr.rel @p0 .LBB2_4-.Ltmp1, $4  }
0xb6: {  	[sflag:s26] =	ssyncset.done $0x0  }
0xb7: {  	s12 =	sadd.s32 $0xF0, s12;
	[sflag:s26] =	ssyncadd.s32 $0xFFFFD800  }
0xb8: {  	[tilespmem:s0], [sflag:$0x2] =	stream.linear.gather [hbm4b:s13+s4], $0x50, $0x38;
	[tilespmem:$0x1E180] =	vst v63  }
0xb9: {  	s16 =	sadd.s32 $0x190, s16;
	s15 =	sadd.s32 $0x1E, s15;
	s13 =	sadd.s32 $0x1E, s13  }
0xba: {  	[tilespmem:s6], [sflag:$0x3] =	stream.indirect.gather [hbm4b:s5+s31], $0x80, s16, s31, $0xb8;
	[tilespmem:$0x1E180] =	vst v63  }
0xbb: {  	_ =	swait.ge [sflag:s8], $0x2800  }
0xbc: {  	[sflag:s8] =	ssyncset.done $0x0  }
0xbd: {  	[sflag:s8] =	ssyncadd.s32 $0xFFFFD800  }
0xbe: {  	_ =	swait.ge [sflag:s9], $0x50  }
0xbf: {  	[sflag:s9] =	ssyncset.done $0x0  }
0xc0: {  	[sflag:s9] =	ssyncadd.s32 $0xFFFFFFB0  }
0xc1: {  	[spmem:s3] =	stream.indirect.scatter.add.f32 [tilespmem:s25], [sflag:$0x4], $0x80, s30, s31, $0xb8;
	[tilespmem:$0x1E180] =	vst v63  }
0xc2: {  	_ =	swait.ge [sflag:s26], $0x2800  }
0xc3: {  	[sflag:s26] =	ssyncset.done $0x0  }
0xc4: {  	[sflag:s26] =	ssyncadd.s32 $0xFFFFD800  }
0xc5: {  	[tilespmem:s30], [sflag:$0x2] =	stream.linear.gather [hbm4b:s18+s4], $0x50, $0x38;
	[tilespmem:$0x1E180] =	vst v63  }
0xc6: {  	s11 =	simm.s32 $0x2670  }
0xc7: {  	[tilespmem:s25], [sflag:$0x3] =	stream.indirect.gather [hbm4b:s5+s31], $0x80, s11, s31, $0xb8;
	[tilespmem:$0x1E180] =	vst v63  }
0xc8: {  	_ =	swait.ge [sflag:s8], $0x2800  }
0xc9: {  	[sflag:s8] =	ssyncset.done $0x0  }
0xca: {  	[sflag:s8] =	ssyncadd.s32 $0xFFFFD800  }
0xcb: {  	_ =	swait.ge [sflag:s9], $0x50  }
0xcc: {  	[sflag:s9] =	ssyncset.done $0x0  }
0xcd: {  	[sflag:s9] =	ssyncadd.s32 $0xFFFFFFB0  }
0xce: {  	[spmem:s3] =	stream.indirect.scatter.add.f32 [tilespmem:s28], [sflag:$0x4], $0x80, s2, s31, $0xb8;
	[tilespmem:$0x1E180] =	vst v63  }
0xcf: {  	_ =	swait.ge [sflag:s26], $0x2800  }
0xd0: {  	[sflag:s26] =	ssyncset.done $0x0  }
0xd1: {  	[sflag:s26] =	ssyncadd.s32 $0xFFFFD800  }
0xd2: {  	[tilespmem:s2], [sflag:$0x2] =	stream.linear.gather [hbm4b:s19+s4], $0x50, $0x38;
	[tilespmem:$0x1E180] =	vst v63  }
0xd3: {  	s16 =	simm.s32 $0x26C0  }
0xd4: {  	[tilespmem:s28], [sflag:$0x3] =	stream.indirect.gather [hbm4b:s5+s31], $0x80, s16, s31, $0xb8;
	[tilespmem:$0x1E180] =	vst v63  }
0xd5: {  	_ =	swait.ge [sflag:s8], $0x2800  }
0xd6: {  	[sflag:s8] =	ssyncset.done $0x0  }
0xd7: {  	[sflag:s8] =	ssyncadd.s32 $0xFFFFD800  }
0xd8: {  	_ =	swait.ge [sflag:s9], $0x50  }
0xd9: {  	[sflag:s9] =	ssyncset.done $0x0  }
0xda: {  	[sflag:s9] =	ssyncadd.s32 $0xFFFFFFB0  }
0xdb: {  	[spmem:s3] =	stream.indirect.scatter.add.f32 [tilespmem:s6], [sflag:$0x4], $0x80, s0, s31, $0xb8;
	[tilespmem:$0x1E180] =	vst v63  }
0xdc: {  	_ =	swait.ge [sflag:s26], $0x2800  }
0xdd: {  	[sflag:s26] =	ssyncset.done $0x0  }
0xde: {  	[sflag:s26] =	ssyncadd.s32 $0xFFFFD800  }
0xdf: {  	_ =	swait.ge [sflag:s8], $0x2800  }
0xe0: {  	[sflag:s8] =	ssyncset.done $0x0  }
0xe1: {  	[sflag:s8] =	ssyncadd.s32 $0xFFFFD800  }
0xe2: {  	_ =	swait.ge [sflag:s9], $0x50  }
0xe3: {  	[sflag:s9] =	ssyncset.done $0x0  }
0xe4: {  	[sflag:s9] =	ssyncadd.s32 $0xFFFFFFB0  }
0xe5: {  	[spmem:s3] =	stream.indirect.scatter.add.f32 [tilespmem:s25], [sflag:$0x4], $0x80, s30, s31, $0xb8;
	[tilespmem:$0x1E180] =	vst v63  }
0xe6: {  	_ =	swait.ge [sflag:s26], $0x2800  }
0xe7: {  	[sflag:s26] =	ssyncset.done $0x0  }
0xe8: {  	[sflag:s26] =	ssyncadd.s32 $0xFFFFD800  }
0xe9: {  	_ =	swait.ge [sflag:s8], $0x2800  }
0xea: {  	[sflag:s8] =	ssyncset.done $0x0  }
0xeb: {  	[sflag:s8] =	ssyncadd.s32 $0xFFFFD800  }
0xec: {  	_ =	swait.ge [sflag:s9], $0x50  }
0xed: {  	[sflag:s9] =	ssyncset.done $0x0  }
0xee: {  	[sflag:s9] =	ssyncadd.s32 $0xFFFFFFB0  }
0xef: {  	[spmem:s3] =	stream.indirect.scatter.add.f32 [tilespmem:s28], [sflag:$0x4], $0x80, s2, s31, $0xb8;
	[tilespmem:$0x1E180] =	vst v63  }
0xf0: {  	s17 =	stileid.u32;
	_ =	swait.ge [sflag:s26], $0x2800  }
0xf1: {  	s12 =	sshrl.u32 s7, $0x3;
	s10 =	sadd.s32 $0x1, s10;
	[sflag:s26] =	ssyncset.done $0x0  }
0xf2: {  	p0 =	sne.s32 s10, s21;
	s11 =	sshll.u32 s17, $0x6;
	[sflag:s26] =	ssyncadd.s32 $0xFFFFD800  }
.Ltmp2:
0xf3: {  	s11 =	sor.u32 $0x1C04, s11;
	[bflag:$0x0] =	sbarrier.arrive $0xFFFF;
	(pc) =	sbr.rel @p0 .LBB2_1-.Ltmp2, $4  }
0xf4: {  	[hbm:s20], [sflag:s11] =	dma.local [spmem:s12], $0x2800  }
0xf5: {  	_ =	swait.ge [sflag:s26], $0x2800  }
0xf6: {  	[sflag:s26] =	ssyncset.done $0x0  }
0xf7: {  	[sflag:s26] =	ssyncadd.s32 $0xFFFFD800  }
0xf8: {  	_ =	sfence.sel $0x180000  }
0xf9: {  	[bflag:$0x0] =	sbarrier.arrive $0xFFFF  }
0xfa: {  	_ =	strace $0x9000004D  }
0xfb: {  	s0 =	stileid.u32;
	[bflag:$0x2] =	sbarrier.arrive $0xFFFF  }
0xfc: {  	p0 =	sne.s32 s0, $0x0;
	s0 =	rddreg [dreg:$0x4]  }
0xfd: {  	s0 =	sadd.s32 @!p0 $0x100000, s0  }
0xfe: {  	[sflag:s0] =	ssyncadd.tile.s32 @!p0 $0x1;
	_ =	shalt  }
.Lfunc_end2:
_tile_overlayer_lowered:
.L_overlay_start_2:
0xff: {  	(tag) =	ssettag $0x2  }
0x100: {  	s0 =	rddreg [dreg:$0x0];
	s2 =	stileid.u32  }
0x101: {  	s1 =	rddreg [dreg:$0x1];
	p0 =	sne.s32 s2, $0x0  }
0x102: {  	s3 =	rddreg [dreg:$0x2];
	[bflag:$0x3] =	sbarrier.arrive $0xFFFF;
	s2 =	simm.s32 @!p0 $0x1C04  }
0x103: {  	[timem:s3], [sflag:s2] =	dma.local @!p0 [hbm:s0], s1  }
0x104: {  	s0 =	simm.s32 @!p0 $0x4  }
0x105: {  	_ =	swait.ge @!p0 [sflag:s0], s1  }
0x106: {  	s1 =	ssub.s32 @!p0 $0x0, s1;
	[sflag:s0] =	ssyncset.done @!p0 $0x0  }
0x107: {  	[sflag:s0] =	ssyncadd.s32 @!p0 s1  }
0x108: {  	[bflag:$0x3] =	sbarrier.arrive $0xFFFF  }
0x109: {  	_ =	shalt  }

// kernel: kernel.8.cloned.1.call-start
scs
__scs_entry_jumppad:
0x0: {  	(pc) =	sbr.rel $0x88, $3  }
0x1: {  	(tag) =	ssettag $0x0;
	lr =	simm.s32 $0x1  }
0x2: {  	[smem:$0x3F97] =	sst lr;
	_ =	strace $0xD0000000  }
0x3: {  	_ = 	snop  }
0x4: {  	_ = 	snop  }
0x5: {  	_ = 	snop  }
0x6: {  	_ = 	snop  }
0x7: {  	_ = 	snop  }
__scs_overlays_trampoline_lowered:
0x8: {  	[smem:$0x3FA6] =	sst s0  }
0x9: {  	[smem:$0x3FA7] =	sst s1  }
0xa: {  	[smem:$0x3FA8] =	sst s2  }
0xb: {  	[smem:$0x3FA9] =	sst s3  }
0xc: {  	[smem:$0x3FAA] =	sst s4  }
0xd: {  	[smem:$0x3FAB] =	sst s5  }
0xe: {  	[smem:$0x3FAC] =	sst s6  }
0xf: {  	[smem:$0x3FAD] =	sst s7  }
0x10: {  	[smem:$0x3FAE] =	sst s8  }
0x11: {  	[smem:$0x3FAF] =	sst s9;
	s0 =	simm.s32 @!p0 $0x0  }
0x12: {  	s1 =	sld [smem:$0x3F95];
	s0 =	simm.s32 @p0 $0x1  }
0x13: {  	[smem:$0x3FB0] =	sst s0;
	s0 =	simm.s32 @!p1 $0x0  }
0x14: {  	s2 =	sld [smem:$0x3F94];
	s0 =	simm.s32 @p1 $0x1  }
0x15: {  	[smem:$0x3FB1] =	sst s0;
	s0 =	simm.s32 @!p2 $0x0  }
0x16: {  	s3 =	sld [smem:$0x3FDB];
	s0 =	simm.s32 @p2 $0x1  }
0x17: {  	s4 =	simm.s32 $0x1BF5;
	[smem:$0x3FB3] =	sst s0  }
0x18: {  	s0 =	sld [smem:$0x3F96];
	_ =	swait.ge [sflag:s4], $0x0  }
0x19: {  	s7 =	sld [smem:$0x3F97]  }
0x1a: {  	s8 =	sadd.s32 $0xFFFFE003, lr  }
0x1b: {  	s9 =	sadd.s32 $0xFFFFFEF7, lr;
	s5 =	simm.s32 $0xFFFFFFFF;
	p2 =	slt.u32 s8, $0xFFFFF086  }
0x1c: {  	p1 =	slt.u32 s9, $0xF7A;
	s5 =	simm.s32 @!p2 $0x0  }
0x1d: {  	s5 =	simm.s32 @p1 $0x1;
	p0 =	seq.s32 s7, s2  }
0x1e: {  	s7 =	smul.u32 @!p0 $0xF7A, s2;
	p2 =	seq.s32 @!p0 s5, $0x0  }
0x1f: {  	s9 =	smul.u32 $0xF7A, s1;
	s8 =	simm.s32 @!p0 $0x1BF5;
	p2 =	por !p2, p0  }
0x20: {  	[sflag:s8] =	ssyncset.s32 @!p0 $0xFFFFF086;
	s6 =	sadd.s32 @!p0 s3, s7;
	s7 =	simm.s32 @!p0 $0x108  }
0x21: {  	s3 =	sadd.s32 s3, s9;
	s6 =	sadd.s32 @!p0 $0x88, s6;
	s7 =	simm.s32 @p2 $0x1082  }
0x22: {  	[simem:s7], [sflag:s8] =	dma.local @!p0 [hbm:s6], $0xF7A  }
0x23: {  	s9 =	sor.u32 $0xD0000000, s2;
	s6 =	simm.s32 $0x108;
	_ =	swait.ge @!p0 [sflag:s8], $0x0  }
0x24: {  	s3 =	sadd.s32 $0x88, s3;
	s6 =	simm.s32 @!p1 $0x1082;
	[sflag:s4] =	ssyncset.s32 $0xFFFFF086  }
0x25: {  	[simem:s6], [sflag:s4] =	dma.local [hbm:s3], $0xF7A  }
0x26: {  	[smem:$0x3F97] =	sst s1;
	(tag) =	ssettag s2;
	_ =	strace s9  }
0x27: {  	s1 =	sld [smem:$0x3FA7]  }
0x28: {  	s2 =	sld [smem:$0x3FA8]  }
0x29: {  	s4 =	sld [smem:$0x3FAA]  }
0x2a: {  	p0 =	seq.s32 s5, $0x0;
	s5 =	sld [smem:$0x3FAB]  }
0x2b: {  	s6 =	sld [smem:$0x3FAC]  }
0x2c: {  	s7 =	sld [smem:$0x3FAD]  }
0x2d: {  	s3 =	simm.s32 $0x108;
	s8 =	sld [smem:$0x3FAE]  }
0x2e: {  	s3 =	simm.s32 @!p0 $0x1082;
	s9 =	sld [smem:$0x3FAF]  }
0x2f: {  	lr =	sadd.s32 s0, s3;
	s0 =	sld [smem:$0x3FA6]  }
0x30: {  	s3 =	sld [smem:$0x3FA9]  }
0x31: {  	[smem:$0x3FB2] =	sst s10  }
0x32: {  	s10 =	sld [smem:$0x3FB0];
	_ =	sdelay $0x3  }
0x33: {  	p0 =	seq.s32 s10, $0x1;
	s10 =	sld [smem:$0x3FB2];
	_ =	sdelay $0x3  }
0x34: {  	[smem:$0x3FB2] =	sst s10  }
0x35: {  	s10 =	sld [smem:$0x3FB1];
	_ =	sdelay $0x3  }
0x36: {  	p1 =	seq.s32 s10, $0x1;
	s10 =	sld [smem:$0x3FB2];
	_ =	sdelay $0x3  }
0x37: {  	[smem:$0x3FB2] =	sst s10  }
0x38: {  	s10 =	sld [smem:$0x3FB3]  }
0x39: {  	_ = 	snop;
	(pc) =	sbr.ind lr, $3  }
0x3a: {  	_ = 	snop  }
0x3b: {  	_ = 	snop  }
0x3c: {  	p2 =	seq.s32 s10, $0x1;
	s10 =	sld [smem:$0x3FB2]  }
0x3d: {  	_ =	shalt  }
0x3e: {  	_ =	shalt  }
0x3f: {  	_ =	shalt  }
0x40: {  	_ =	shalt  }
0x41: {  	_ =	shalt  }
0x42: {  	_ =	shalt  }
0x43: {  	_ =	shalt  }
0x44: {  	_ =	shalt  }
0x45: {  	_ =	shalt  }
0x46: {  	_ =	shalt  }
0x47: {  	_ =	shalt  }
0x48: {  	_ =	shalt  }
0x49: {  	_ =	shalt  }
0x4a: {  	_ =	shalt  }
0x4b: {  	_ =	shalt  }
0x4c: {  	_ =	shalt  }
0x4d: {  	_ =	shalt  }
0x4e: {  	_ =	shalt  }
0x4f: {  	_ =	shalt  }
0x50: {  	_ =	shalt  }
0x51: {  	_ =	shalt  }
0x52: {  	_ =	shalt  }
0x53: {  	_ =	shalt  }
0x54: {  	_ =	shalt  }
0x55: {  	_ =	shalt  }
0x56: {  	_ =	shalt  }
0x57: {  	_ =	shalt  }
0x58: {  	_ =	shalt  }
0x59: {  	_ =	shalt  }
0x5a: {  	_ =	shalt  }
0x5b: {  	_ =	shalt  }
0x5c: {  	_ =	shalt  }
0x5d: {  	_ =	shalt  }
0x5e: {  	_ =	shalt  }
0x5f: {  	_ =	shalt  }
0x60: {  	_ =	shalt  }
0x61: {  	_ =	shalt  }
0x62: {  	_ =	shalt  }
0x63: {  	_ =	shalt  }
0x64: {  	_ =	shalt  }
0x65: {  	_ =	shalt  }
0x66: {  	_ =	shalt  }
0x67: {  	_ =	shalt  }
0x68: {  	_ =	shalt  }
0x69: {  	_ =	shalt  }
0x6a: {  	_ =	shalt  }
0x6b: {  	_ =	shalt  }
0x6c: {  	_ =	shalt  }
0x6d: {  	_ =	shalt  }
0x6e: {  	_ =	shalt  }
0x6f: {  	_ =	shalt  }
0x70: {  	_ =	shalt  }
0x71: {  	_ =	shalt  }
0x72: {  	_ =	shalt  }
0x73: {  	_ =	shalt  }
0x74: {  	_ =	shalt  }
0x75: {  	_ =	shalt  }
0x76: {  	_ =	shalt  }
0x77: {  	_ =	shalt  }
0x78: {  	_ =	shalt  }
0x79: {  	_ =	shalt  }
0x7a: {  	_ =	shalt  }
0x7b: {  	_ =	shalt  }
0x7c: {  	_ =	shalt  }
0x7d: {  	_ =	shalt  }
0x7e: {  	_ =	shalt  }
0x7f: {  	_ =	shalt  }
0x80: {  	_ =	shalt  }
0x81: {  	_ =	shalt  }
0x82: {  	_ =	shalt  }
0x83: {  	_ =	shalt  }
0x84: {  	_ =	shalt  }
0x85: {  	_ =	shalt  }
0x86: {  	_ =	shalt  }
0x87: {  	_ =	shalt  }
.Lfunc_end0:
.L_simem_size_0:
called_computation_lowered:
.L_overlay_start_0:
0x88: {  	s2 =	sld [smem:$0x3FD9]  }
0x89: {  	s3 =	sld [smem:$0x3FFE];
	_ =	sdelay $0x1  }
0x8a: {  	s1 =	srdreg.scid  }
0x8b: {  	s0 =	sand.u32 $0x1, s1  }
0x8c: {  	s14 =	sshll.u32 s0, $0xA;
	s2 =	sadd.s32 s3, s2  }
0x8d: {  	s2 =	sadd.s32 s2, s14  }
0x8e: {  	[smem:$0x3FBE] =	sst s2  }
0x8f: {  	_ = 	snop  }
0x90: {  	s2 =	sld [smem:$0x3FD0];
	_ =	sdelay $0x2  }
0x91: {  	s15 =	simm.s32 $0xA;
	s4 =	simm.s32 $0x10  }
0x92: {  	[smem:s4], [sflag:s15] =	dma.local [hbm:s2], $0x1  }
0x93: {  	_ =	swait.eq [sflag:s15], $0x1  }
0x94: {  	[sflag:s15] =	ssyncset.done $0x0  }
0x95: {  	[sflag:s15] =	ssyncadd.s32 $0xFFFFFFFF  }
0x96: {  	s16 =	sld [smem:$0x10];
	(tm) =	ssettm $0x1  }
0x97: {  	s17 =	sld [smem:$0x3FFB];
	_ =	sdelay $0x3  }
0x98: {  	_ =	strace s17  }
0x99: {  	s3 =	sld [smem:$0x3FFC];
	_ =	sdelay $0x3  }
0x9a: {  	_ =	strace s3  }
0x9b: {  	s3 =	sld [smem:$0x3FFD];
	_ =	sdelay $0x3  }
0x9c: {  	_ =	strace s3  }
0x9d: {  	_ =	strace $0x8FFFFFFF  }
0x9e: {  	s18 =	sld [smem:$0x3FDB];
	_ =	sdelay $0x1  }
0x9f: {  	s19 =	simm.s32 $_scs_section_size  }
0xa0: {  	s5 =	simm.s32 $_size__tile_overlayer_lowered;
	s6 =	simm.s32 $_tile_overlayer_lowered  }
0xa1: {  	s22 =	simm.s32 $0x1BFF;
	s21 =	sshll.u32 s6, $0x1;
	s3 =	sadd.s32 s19, s18  }
0xa2: {  	s7 =	simm.s32 $0x0;
	s20 =	sshll.u32 s5, $0x1;
	s5 =	sadd.s32 s21, s3  }
0xa3: {  	[timem:s7], [sflag:s22] =	dma.local [hbm:s5], s20  }
0xa4: {  	_ =	swait.ge [sflag:s22], s20  }
0xa5: {  	s4 =	ssub.s32 $0x0, s20;
	[sflag:s22] =	ssyncset.done $0x0  }
0xa6: {  	[sflag:s22] =	ssyncadd.s32 s4;
	_ =	sdelay $0x1  }
0xa7: {  	s23 =	simm.s32 $0x1B8B  }
0xa8: {  	_ =	swait.ge [sflag:s23], $0x1  }
0xa9: {  	[sflag:s23] =	ssyncset.done $0x0  }
0xaa: {  	s25 =	simm.s32 $0x1B8E;
	s24 =	sld [smem:$0x3FFE];
	[sflag:s23] =	ssyncadd.s32 $0xFFFFFFFF  }
0xab: {  	s26 =	simm.s32 $execute0_lowered;
	[smem:$0x3FD2] =	sst s25  }
0xac: {  	s5 =	sshll.u32 s26, $0x1;
	_ =	strace $0x80000046;
	[dreg:$0x1] =	wrdreg $0xFFFFFFFF  }
0xad: {  	s28 =	simm.s32 $_size_execute0_lowered;
	s3 =	sadd.s32 s3, s5;
	[dreg:$0x0] =	wrdreg $0x0  }
0xae: {  	s5 =	sshll.u32 s28, $0x1;
	[dreg:$0x2] =	wrdreg s3  }
0xaf: {  	[dreg:$0x3] =	wrdreg s5  }
0xb0: {  	[dreg:$0x4] =	wrdreg $0xC0  }
0xb1: {  	_ =	task [dreg:s7], $0x5FFFF  }
0xb2: {  	[dreg:$0x1] =	wrdreg $0xFFFFFFFF  }
0xb3: {  	[dreg:$0x0] =	wrdreg $0x60  }
0xb4: {  	[dreg:$0x2] =	wrdreg s16  }
0xb5: {  	[dreg:$0x3] =	wrdreg s24  }
0xb6: {  	[dreg:$0x4] =	wrdreg $0x2C800  }
0xb7: {  	[dreg:$0x5] =	wrdreg $0x9  }
0xb8: {  	_ =	task.clear_ibuf [dreg:s7], $0x6FFFF;
	_ =	strace $0x90000046  }
0xb9: {  	s29 =	simm.s32 $0x9;
	_ =	strace $0x80000048  }
0xba: {  	_ =	swait.ge [sflag:s29], $0x1  }
0xbb: {  	[sflag:s29] =	ssyncadd.s32 $0xFFFFFFFF  }
0xbc: {  	_ =	strace $0x90000048  }
0xbd: {  	_ =	sfence  }
0xbe: {  	s30 =	sld [smem:$0x0];
	_ =	sdelay $0x2  }
0xbf: {  	s31 =	sshll.u32 s1, $0xD;
	s1 =	sshrl.u32 s1, $0x2  }
0xc0: {  	s3 =	sand.u32 $0x4000, s31;
	s1 =	sadd.s32 s1, s30  }
0xc1: {  	s0 =	sor.u32 s3, s0;
	s1 =	sshll.u32 s1, $0x11  }
0xc2: {  	s0 =	sor.u32 s1, s0  }
0xc3: {  	s0 =	sadd.s32 $0x8F2B, s0  }
0xc4: {  	[sflag:s0] =	ssyncadd.remote.s32 $0x1  }
0xc5: {  	_ =	sfence.sel $0xFFFF  }
0xc6: {  	[dreg:$0x0] =	wrdreg $0xFFFFFFFF;
	(pc) =	sbr.abs _section_cstart, $3  }
0xc7: {  	[dreg:$0x1] =	wrdreg $0xFFFFFFFF  }
0xc8: {  	_ =	task.clear_ibuf [dreg:s7], $0x2FFFF;
	_ =	strace $0x9FFFFFFF  }
0xc9: {  	(tm) =	ssettm $0x7FFFFFFF  }
tec
execute0_lowered:
.L_overlay_start_1:
0x0: {  	(tag) =	ssettag $0x1  }
0x1: {  	s4 =	rddreg [dreg:$0x0]  }
0x2: {  	s5 =	rddreg [dreg:$0x1]  }
0x3: {  	s2 =	rddreg [dreg:$0x2]  }
0x4: {  	s0 =	rddreg [dreg:$0x3]  }
0x5: {  	s3 =	simm.s32 $0x0;
	s6 =	srdreg.scid;
	s1 =	stileid.u32  }
0x6: {  	s11 =	simm.s32 $0x50;
	s12 =	simm.s32 $0x2780;
	s13 =	simm.s32 $0x2980  }
0x7: {  	s14 =	simm.s32 $0x2800;
	s15 =	simm.s32 $0x2880;
	s16 =	simm.s32 $0x2900  }
0x8: {  	s17 =	simm.s32 $0x2;
	s20 =	simm.s32 $0x20;
	s21 =	simm.s32 $0x10  }
0x9: {  	s22 =	simm.s32 $0x0;
	[smem:$0x7FF] =	sst s3;
	s7 =	smul.u32 $0x500, s1  }
0xa: {  	s6 =	sand.u32 $0x1, s6;
	s30 =	smul.u32 $0xA00, s1;
	s18 =	sshll.u32 s1, $0x6  }
0xb: {  	_ =	strace $0x80000047;
	s8 =	sshll.u32 s6, $0x7;
	s9 =	sshll.u32 s6, $0x4  }
0xc: {  	s6 =	ssub.s32 $0x2, s6;
	s18 =	sor.u32 $0x1C03, s18;
	s7 =	sor.u32 s8, s7  }
0xd: {  	s29 =	sor.u32 s1, s9;
	s31 =	sshrl.u32 s6, $0x1;
	s9 =	sshrl.u32 s30, $0x2  }
0xe: {  	s7 =	sshrl.u32 s7, $0x3;
	s8 =	smul.u32 $0x4E2, s29;
	s10 =	ssub.s32 s6, s31  }
0xf: {  	s7 =	sadd.s32 s7, s5;
	s5 =	sadd.s32 s9, s2;
	s9 =	simm.s32 $0x3  }
0x10: {  	s4 =	sadd.s32 s4, s8;
	s6 =	sadd.s32 $0x2A00, s7;
	s7 =	smax.u32 s10, $0x1  }
0x11: {  	v0 =	vimm.f32 $0.0e+00;
	v1 =	vimm.f32 $1.000000000e+00;
	s8 =	simm.s32 $0x2A00;
	s10 =	simm.s32 $0x1;
	s19 =	sshrl.u32 s5, $0x3  }
.LBB2_1:
0x12: {  	[tilespmem:s3], [sflag:$0x1] =	stream.linear.gather [hbm4b:s4+s3], $0x2710, $0x38;
	[tilespmem:$0x2F00] =	vst v63  }
0x13: {  	[tilespmem:$0x2A00] =	vst v0  }
0x14: {  	[tilespmem:$0x2A10] =	vst v0  }
0x15: {  	[tilespmem:$0x2A20] =	vst v0  }
0x16: {  	[tilespmem:$0x2A30] =	vst v0  }
0x17: {  	[tilespmem:$0x2A40] =	vst v0  }
0x18: {  	[tilespmem:$0x2A50] =	vst v0  }
0x19: {  	[tilespmem:$0x2A60] =	vst v0  }
0x1a: {  	[tilespmem:$0x2A70] =	vst v0  }
0x1b: {  	[tilespmem:$0x2A80] =	vst v0  }
0x1c: {  	[tilespmem:$0x2A90] =	vst v0  }
0x1d: {  	[tilespmem:$0x2AA0] =	vst v0  }
0x1e: {  	[tilespmem:$0x2AB0] =	vst v0  }
0x1f: {  	[tilespmem:$0x2AC0] =	vst v0  }
0x20: {  	[tilespmem:$0x2AD0] =	vst v0  }
0x21: {  	[tilespmem:$0x2AE0] =	vst v0  }
0x22: {  	[tilespmem:$0x2AF0] =	vst v0  }
0x23: {  	[tilespmem:$0x2B00] =	vst v0  }
0x24: {  	[tilespmem:$0x2B10] =	vst v0  }
0x25: {  	[tilespmem:$0x2B20] =	vst v0  }
0x26: {  	[tilespmem:$0x2B30] =	vst v0  }
0x27: {  	[tilespmem:$0x2B40] =	vst v0  }
0x28: {  	[tilespmem:$0x2B50] =	vst v0  }
0x29: {  	[tilespmem:$0x2B60] =	vst v0  }
0x2a: {  	[tilespmem:$0x2B70] =	vst v0  }
0x2b: {  	[tilespmem:$0x2B80] =	vst v0  }
0x2c: {  	[tilespmem:$0x2B90] =	vst v0  }
0x2d: {  	[tilespmem:$0x2BA0] =	vst v0  }
0x2e: {  	[tilespmem:$0x2BB0] =	vst v0  }
0x2f: {  	[tilespmem:$0x2BC0] =	vst v0  }
0x30: {  	[tilespmem:$0x2BD0] =	vst v0  }
0x31: {  	[tilespmem:$0x2BE0] =	vst v0  }
0x32: {  	[tilespmem:$0x2BF0] =	vst v0  }
0x33: {  	[tilespmem:$0x2C00] =	vst v0  }
0x34: {  	[tilespmem:$0x2C10] =	vst v0  }
0x35: {  	[tilespmem:$0x2C20] =	vst v0  }
0x36: {  	[tilespmem:$0x2C30] =	vst v0  }
0x37: {  	[tilespmem:$0x2C40] =	vst v0  }
0x38: {  	[tilespmem:$0x2C50] =	vst v0  }
0x39: {  	[tilespmem:$0x2C60] =	vst v0  }
0x3a: {  	[tilespmem:$0x2C70] =	vst v0  }
0x3b: {  	[tilespmem:$0x2980] =	vst v1  }
0x3c: {  	[tilespmem:$0x2990] =	vst v1  }
0x3d: {  	[tilespmem:$0x29A0] =	vst v1  }
0x3e: {  	[tilespmem:$0x29B0] =	vst v1  }
0x3f: {  	[tilespmem:$0x29C0] =	vst v1  }
0x40: {  	[spmem:s5] =	stream.linear.scatter [tilespmem:s8], [sflag:$0x3], $0x280, $0x38;
	[tilespmem:$0x2F00] =	vst v63  }
0x41: {  	_ =	swait.ge [sflag:s9], $0x280  }
0x42: {  	[sflag:s9] =	ssyncset.done $0x0  }
0x43: {  	[sflag:s9] =	ssyncadd.s32 $0xFFFFFD80  }
0x44: {  	_ =	swait.ge [sflag:s10], $0x2710  }
0x45: {  	[sflag:s10] =	ssyncset.done $0x0  }
0x46: {  	[sflag:s10] =	ssyncadd.s32 $0xFFFFD8F0  }
0x47: {  	[bflag:$0x0] =	sbarrier.arrive $0xFFFF  }
0x48: {  	v2 =	vld [tilespmem:$0x0]  }
0x49: {  	v3 =	vld [tilespmem:$0x10]  }
0x4a: {  	v4 =	vld [tilespmem:$0x20]  }
0x4b: {  	v5 =	vld [tilespmem:$0x30]  }
0x4c: {  	v6 =	vld [tilespmem:$0x40]  }
0x4d: {  	[tilespmem:$0x2780] =	vst v2  }
0x4e: {  	[tilespmem:$0x2790] =	vst v3  }
0x4f: {  	[tilespmem:$0x27A0] =	vst v4  }
0x50: {  	[tilespmem:$0x27B0] =	vst v5  }
0x51: {  	[tilespmem:$0x27C0] =	vst v6  }
0x52: {  	[spmem:s2] =	stream.indirect.scatter.add.f32 [tilespmem:s13], [sflag:$0x2], $0x1, s12, s11, $0xb8;
	[tilespmem:$0x2F00] =	vst v63  }
0x53: {  	v2 =	vld [tilespmem:$0x50]  }
0x54: {  	v3 =	vld [tilespmem:$0x60]  }
0x55: {  	v55 =	vld [tilespmem:$0x70]  }
0x56: {  	v56 =	vld [tilespmem:$0x80]  }
0x57: {  	v57 =	vld [tilespmem:$0x90]  }
0x58: {  	[tilespmem:$0x2800] =	vst v2  }
0x59: {  	[tilespmem:$0x2810] =	vst v3  }
0x5a: {  	[tilespmem:$0x2820] =	vst v55  }
0x5b: {  	[tilespmem:$0x2830] =	vst v56  }
0x5c: {  	[tilespmem:$0x2840] =	vst v57  }
0x5d: {  	[spmem:s2] =	stream.indirect.scatter.add.f32 [tilespmem:s13], [sflag:$0x2], $0x1, s14, s11, $0xb8;
	[tilespmem:$0x2F00] =	vst v63  }
0x5e: {  	v2 =	vld [tilespmem:$0xA0]  }
0x5f: {  	v3 =	vld [tilespmem:$0xB0]  }
0x60: {  	v58 =	vld [tilespmem:$0xC0]  }
0x61: {  	v59 =	vld [tilespmem:$0xD0]  }
0x62: {  	v60 =	vld [tilespmem:$0xE0]  }
0x63: {  	[tilespmem:$0x2880] =	vst v2  }
0x64: {  	[tilespmem:$0x2890] =	vst v3  }
0x65: {  	[tilespmem:$0x28A0] =	vst v58  }
0x66: {  	[tilespmem:$0x28B0] =	vst v59  }
0x67: {  	[tilespmem:$0x28C0] =	vst v60  }
0x68: {  	[spmem:s2] =	stream.indirect.scatter.add.f32 [tilespmem:s13], [sflag:$0x2], $0x1, s15, s11, $0xb8;
	[tilespmem:$0x2F00] =	vst v63  }
0x69: {  	v2 =	vld [tilespmem:$0xF0]  }
0x6a: {  	v3 =	vld [tilespmem:$0x100]  }
0x6b: {  	v61 =	vld [tilespmem:$0x110]  }
0x6c: {  	v62 =	vld [tilespmem:$0x120]  }
0x6d: {  	v63 =	vld [tilespmem:$0x130]  }
0x6e: {  	[tilespmem:$0x2900] =	vst v2  }
0x6f: {  	[tilespmem:$0x2910] =	vst v3  }
0x70: {  	[tilespmem:$0x2920] =	vst v61  }
0x71: {  	[tilespmem:$0x2930] =	vst v62  }
0x72: {  	[tilespmem:$0x2940] =	vst v63  }
0x73: {  	[spmem:s2] =	stream.indirect.scatter.add.f32 [tilespmem:s13], [sflag:$0x2], $0x1, s16, s11, $0xb8;
	[tilespmem:$0x2F00] =	vst v63  }
0x74: {  	_ =	swait.ge [sflag:s17], $0x50  }
0x75: {  	[sflag:s17] =	ssyncset.done $0x0  }
0x76: {  	s23 =	simm.s32 $0x270;
	[sflag:s17] =	ssyncadd.s32 $0xFFFFFFB0  }
0x77: {  	v2 =	vld [tilespmem:s23+$0xFFFFFED0];
	_ =	sdelay $0x4  }
0x78: {  	[tilespmem:$0x2780] =	vst v2  }
0x79: {  	v2 =	vld [tilespmem:s23+$0xFFFFFEE0];
	_ =	sdelay $0x4  }
0x7a: {  	[tilespmem:$0x2790] =	vst v2  }
0x7b: {  	v2 =	vld [tilespmem:s23+$0xFFFFFEF0];
	_ =	sdelay $0x4  }
0x7c: {  	[tilespmem:$0x27A0] =	vst v2  }
0x7d: {  	v2 =	vld [tilespmem:s23+$0xFFFFFF00];
	_ =	sdelay $0x4  }
0x7e: {  	s24 =	sand.u32 $0x3FC0, s3;
	[tilespmem:$0x27B0] =	vst v2  }
0x7f: {  	v2 =	vld [tilespmem:s24+$0x180];
	_ =	sdelay $0x4  }
0x80: {  	[tilespmem:$0x27C0] =	vst v2  }
0x81: {  	[spmem:s2] =	stream.indirect.scatter.add.f32 [tilespmem:s13], [sflag:$0x2], $0x1, s12, s11, $0xb8;
	[tilespmem:$0x2F00] =	vst v63  }
0x82: {  	_ =	swait.ge [sflag:s17], $0x50  }
0x83: {  	[sflag:s17] =	ssyncset.done $0x0  }
0x84: {  	[sflag:s17] =	ssyncadd.s32 $0xFFFFFFB0  }
0x85: {  	v2 =	vld [tilespmem:s23+$0xFFFFFF20];
	_ =	sdelay $0x4  }
0x86: {  	[tilespmem:$0x2800] =	vst v2  }
0x87: {  	v2 =	vld [tilespmem:s23+$0xFFFFFF30];
	_ =	sdelay $0x4  }
0x88: {  	[tilespmem:$0x2810] =	vst v2  }
0x89: {  	v2 =	vld [tilespmem:s23+$0xFFFFFF40];
	_ =	sdelay $0x4  }
0x8a: {  	[tilespmem:$0x2820] =	vst v2  }
0x8b: {  	v2 =	vld [tilespmem:s23+$0xFFFFFF50];
	_ =	sdelay $0x4  }
0x8c: {  	[tilespmem:$0x2830] =	vst v2  }
0x8d: {  	v2 =	vld [tilespmem:s23+$0xFFFFFF60];
	_ =	sdelay $0x4  }
0x8e: {  	[tilespmem:$0x2840] =	vst v2  }
0x8f: {  	[spmem:s2] =	stream.indirect.scatter.add.f32 [tilespmem:s13], [sflag:$0x2], $0x1, s14, s11, $0xb8;
	[tilespmem:$0x2F00] =	vst v63  }
0x90: {  	_ =	swait.ge [sflag:s17], $0x50  }
0x91: {  	[sflag:s17] =	ssyncset.done $0x0  }
0x92: {  	[sflag:s17] =	ssyncadd.s32 $0xFFFFFFB0  }
0x93: {  	v2 =	vld [tilespmem:s23+$0xFFFFFF70];
	_ =	sdelay $0x4  }
0x94: {  	[tilespmem:$0x2880] =	vst v2  }
0x95: {  	v2 =	vld [tilespmem:s23+$0xFFFFFF80];
	_ =	sdelay $0x4  }
0x96: {  	[tilespmem:$0x2890] =	vst v2  }
0x97: {  	v2 =	vld [tilespmem:s24+$0x200];
	_ =	sdelay $0x4  }
0x98: {  	[tilespmem:$0x28A0] =	vst v2  }
0x99: {  	v2 =	vld [tilespmem:s23+$0xFFFFFFA0];
	_ =	sdelay $0x4  }
0x9a: {  	[tilespmem:$0x28B0] =	vst v2  }
0x9b: {  	v2 =	vld [tilespmem:s23+$0xFFFFFFB0];
	_ =	sdelay $0x4  }
0x9c: {  	[tilespmem:$0x28C0] =	vst v2  }
0x9d: {  	[spmem:s2] =	stream.indirect.scatter.add.f32 [tilespmem:s13], [sflag:$0x2], $0x1, s15, s11, $0xb8;
	[tilespmem:$0x2F00] =	vst v63  }
0x9e: {  	_ =	swait.ge [sflag:s17], $0x50  }
0x9f: {  	[sflag:s17] =	ssyncset.done $0x0  }
0xa0: {  	[sflag:s17] =	ssyncadd.s32 $0xFFFFFFB0  }
0xa1: {  	v2 =	vld [tilespmem:s23+$0xFFFFFFC0];
	_ =	sdelay $0x4  }
0xa2: {  	[tilespmem:$0x2900] =	vst v2  }
0xa3: {  	v2 =	vld [tilespmem:s23+$0xFFFFFFD0];
	_ =	sdelay $0x4  }
0xa4: {  	[tilespmem:$0x2910] =	vst v2  }
0xa5: {  	v2 =	vld [tilespmem:s23+$0xFFFFFFE0];
	_ =	sdelay $0x4  }
0xa6: {  	[tilespmem:$0x2920] =	vst v2  }
0xa7: {  	v2 =	vld [tilespmem:s23+$0xFFFFFFF0];
	_ =	sdelay $0x4  }
0xa8: {  	[tilespmem:$0x2930] =	vst v2  }
0xa9: {  	v2 =	vld [tilespmem:s23+$0x0];
	_ =	sdelay $0x4  }
0xaa: {  	s24 =	simm.s32 $0x3B0;
	s23 =	simm.s32 $0x140;
	[tilespmem:$0x2940] =	vst v2  }
.LBB2_2:
0xab: {  	[spmem:s2] =	stream.indirect.scatter.add.f32 [tilespmem:s13], [sflag:$0x2], $0x1, s16, s11, $0xb8;
	[tilespmem:$0x2F00] =	vst v63  }
0xac: {  	s25 =	smov.u32 s23  }
0xad: {  	p0 =	sne.s32 s23, $0x2440;
	s23 =	sadd.s32 $0x140, s23;
	_ =	swait.ge [sflag:s17], $0x50  }
0xae: {  	[sflag:s17] =	ssyncset.done $0x0  }
0xaf: {  	[sflag:s17] =	ssyncadd.s32 $0xFFFFFFB0  }
0xb0: {  	v2 =	vld [tilespmem:s24+$0xFFFFFED0];
	_ =	sdelay $0x4  }
0xb1: {  	[tilespmem:$0x2780] =	vst v2  }
0xb2: {  	v2 =	vld [tilespmem:s24+$0xFFFFFEE0];
	_ =	sdelay $0x4  }
0xb3: {  	[tilespmem:$0x2790] =	vst v2  }
0xb4: {  	v2 =	vld [tilespmem:s24+$0xFFFFFEF0];
	_ =	sdelay $0x4  }
0xb5: {  	[tilespmem:$0x27A0] =	vst v2  }
0xb6: {  	v2 =	vld [tilespmem:s24+$0xFFFFFF00];
	_ =	sdelay $0x4  }
0xb7: {  	s25 =	sand.u32 $0x3FC0, s25;
	[tilespmem:$0x27B0] =	vst v2  }
0xb8: {  	v2 =	vld [tilespmem:s25+$0x180];
	_ =	sdelay $0x4  }
0xb9: {  	[tilespmem:$0x27C0] =	vst v2  }
0xba: {  	[spmem:s2] =	stream.indirect.scatter.add.f32 [tilespmem:s13], [sflag:$0x2], $0x1, s12, s11, $0xb8;
	[tilespmem:$0x2F00] =	vst v63  }
0xbb: {  	_ =	swait.ge [sflag:s17], $0x50  }
0xbc: {  	[sflag:s17] =	ssyncset.done $0x0  }
0xbd: {  	[sflag:s17] =	ssyncadd.s32 $0xFFFFFFB0  }
0xbe: {  	v2 =	vld [tilespmem:s24+$0xFFFFFF20];
	_ =	sdelay $0x4  }
0xbf: {  	[tilespmem:$0x2800] =	vst v2  }
0xc0: {  	v2 =	vld [tilespmem:s24+$0xFFFFFF30];
	_ =	sdelay $0x4  }
0xc1: {  	[tilespmem:$0x2810] =	vst v2  }
0xc2: {  	v2 =	vld [tilespmem:s24+$0xFFFFFF40];
	_ =	sdelay $0x4  }
0xc3: {  	[tilespmem:$0x2820] =	vst v2  }
0xc4: {  	v2 =	vld [tilespmem:s24+$0xFFFFFF50];
	_ =	sdelay $0x4  }
0xc5: {  	[tilespmem:$0x2830] =	vst v2  }
0xc6: {  	v2 =	vld [tilespmem:s24+$0xFFFFFF60];
	_ =	sdelay $0x4  }
0xc7: {  	[tilespmem:$0x2840] =	vst v2  }
0xc8: {  	[spmem:s2] =	stream.indirect.scatter.add.f32 [tilespmem:s13], [sflag:$0x2], $0x1, s14, s11, $0xb8;
	[tilespmem:$0x2F00] =	vst v63  }
0xc9: {  	_ =	swait.ge [sflag:s17], $0x50  }
0xca: {  	[sflag:s17] =	ssyncset.done $0x0  }
0xcb: {  	[sflag:s17] =	ssyncadd.s32 $0xFFFFFFB0  }
0xcc: {  	v2 =	vld [tilespmem:s24+$0xFFFFFF70];
	_ =	sdelay $0x4  }
0xcd: {  	[tilespmem:$0x2880] =	vst v2  }
0xce: {  	v2 =	vld [tilespmem:s24+$0xFFFFFF80];
	_ =	sdelay $0x4  }
0xcf: {  	[tilespmem:$0x2890] =	vst v2  }
0xd0: {  	v2 =	vld [tilespmem:s25+$0x200];
	_ =	sdelay $0x4  }
0xd1: {  	[tilespmem:$0x28A0] =	vst v2  }
0xd2: {  	v2 =	vld [tilespmem:s24+$0xFFFFFFA0];
	_ =	sdelay $0x4  }
0xd3: {  	[tilespmem:$0x28B0] =	vst v2  }
0xd4: {  	v2 =	vld [tilespmem:s24+$0xFFFFFFB0];
	_ =	sdelay $0x4  }
0xd5: {  	[tilespmem:$0x28C0] =	vst v2  }
0xd6: {  	[spmem:s2] =	stream.indirect.scatter.add.f32 [tilespmem:s13], [sflag:$0x2], $0x1, s15, s11, $0xb8;
	[tilespmem:$0x2F00] =	vst v63  }
0xd7: {  	_ =	swait.ge [sflag:s17], $0x50  }
0xd8: {  	[sflag:s17] =	ssyncset.done $0x0  }
0xd9: {  	[sflag:s17] =	ssyncadd.s32 $0xFFFFFFB0  }
0xda: {  	v2 =	vld [tilespmem:s24+$0xFFFFFFC0];
	_ =	sdelay $0x4  }
0xdb: {  	[tilespmem:$0x2900] =	vst v2  }
0xdc: {  	v2 =	vld [tilespmem:s24+$0xFFFFFFD0];
	_ =	sdelay $0x4  }
0xdd: {  	[tilespmem:$0x2910] =	vst v2  }
0xde: {  	v2 =	vld [tilespmem:s24+$0xFFFFFFE0];
	_ =	sdelay $0x4  }
0xdf: {  	[tilespmem:$0x2920] =	vst v2  }
0xe0: {  	v2 =	vld [tilespmem:s24+$0xFFFFFFF0];
	_ =	sdelay $0x4  }
0xe1: {  	[tilespmem:$0x2930] =	vst v2  }
0xe2: {  	v2 =	vld [tilespmem:s24+$0x0]  }
.Ltmp0:
0xe3: {  	(pc) =	sbr.rel @p0 .LBB2_2-.Ltmp0, $2  }
0xe4: {  	_ =	sdelay $0x2  }
0xe5: {  	s24 =	sadd.s32 $0x140, s24;
	[tilespmem:$0x2940] =	vst v2  }
0xe6: {  	[spmem:s2] =	stream.indirect.scatter.add.f32 [tilespmem:s13], [sflag:$0x2], $0x1, s16, s11, $0xb8;
	[tilespmem:$0x2F00] =	vst v63  }
0xe7: {  	_ =	swait.ge [sflag:s17], $0x50  }
0xe8: {  	[sflag:s17] =	ssyncset.done $0x0  }
0xe9: {  	[sflag:s17] =	ssyncadd.s32 $0xFFFFFFB0  }
0xea: {  	_ =	swait.ge [sflag:s17], $0x50  }
0xeb: {  	[sflag:s17] =	ssyncset.done $0x0  }
0xec: {  	[sflag:s17] =	ssyncadd.s32 $0xFFFFFFB0  }
0xed: {  	_ =	swait.ge [sflag:s17], $0x50  }
0xee: {  	[sflag:s17] =	ssyncset.done $0x0  }
0xef: {  	[sflag:s17] =	ssyncadd.s32 $0xFFFFFFB0  }
0xf0: {  	_ =	swait.ge [sflag:s17], $0x50  }
0xf1: {  	[sflag:s17] =	ssyncset.done $0x0  }
0xf2: {  	[sflag:s17] =	ssyncadd.s32 $0xFFFFFFB0  }
0xf3: {  	v2 =	vld [tilespmem:$0x26C0]  }
0xf4: {  	v3 =	vld [tilespmem:$0x26D0]  }
0xf5: {  	v4 =	vld [tilespmem:$0x26E0]  }
0xf6: {  	v5 =	vld [tilespmem:$0x26F0]  }
0xf7: {  	v6 =	vld [tilespmem:$0x2700]  }
0xf8: {  	[tilespmem:$0x2780] =	vst v2  }
0xf9: {  	[tilespmem:$0x2790] =	vst v3  }
0xfa: {  	[tilespmem:$0x27A0] =	vst v4  }
0xfb: {  	[tilespmem:$0x27B0] =	vst v5  }
0xfc: {  	[tilespmem:$0x27C0] =	vst v6  }
0xfd: {  	[spmem:s2] =	stream.indirect.scatter.add.f32 [tilespmem:s13], [sflag:$0x3], $0x1, s12, s11, $0xb8;
	[tilespmem:$0x2F00] =	vst v63  }
0xfe: {  	_ =	swait.ge [sflag:s9], $0x50  }
0xff: {  	s22 =	sadd.s32 $0x1, s22;
	[sflag:s9] =	ssyncset.done $0x0  }
0x100: {  	p0 =	sne.s32 s22, s7;
	[sflag:s9] =	ssyncadd.s32 $0xFFFFFFB0  }
.Ltmp1:
0x101: {  	[bflag:$0x0] =	sbarrier.arrive $0xFFFF;
	(pc) =	sbr.rel @p0 .LBB2_1-.Ltmp1, $4  }
0x102: {  	[hbm:s6@s20], [sflag:s18] =	dma.strided [spmem:s19@s21], $0x50, s10, $0x10   }
0x103: {  	_ =	swait.ge [sflag:s9], $0x50  }
0x104: {  	[sflag:s9] =	ssyncset.done $0x0  }
0x105: {  	[sflag:s9] =	ssyncadd.s32 $0xFFFFFFB0  }
0x106: {  	_ =	sfence.sel $0x180000  }
0x107: {  	[bflag:$0x0] =	sbarrier.arrive $0xFFFF  }
0x108: {  	p0 =	sne.s32 s1, $0x0;
	_ =	strace $0x90000047  }
0x109: {  	s0 =	sadd.s32 @!p0 $0x100000, s0;
	[bflag:$0x2] =	sbarrier.arrive $0xFFFF  }
0x10a: {  	[sflag:s0] =	ssyncadd.tile.s32 @!p0 $0x1;
	_ =	shalt  }
.Lfunc_end2:
_tile_overlayer_lowered:
.L_overlay_start_2:
0x10b: {  	(tag) =	ssettag $0x2  }
0x10c: {  	s0 =	rddreg [dreg:$0x0];
	s2 =	stileid.u32  }
0x10d: {  	s1 =	rddreg [dreg:$0x1];
	p0 =	sne.s32 s2, $0x0  }
0x10e: {  	s3 =	rddreg [dreg:$0x2];
	[bflag:$0x3] =	sbarrier.arrive $0xFFFF;
	s2 =	simm.s32 @!p0 $0x1C03  }
0x10f: {  	[timem:s3], [sflag:s2] =	dma.local @!p0 [hbm:s0], s1  }
0x110: {  	s0 =	simm.s32 @!p0 $0x3  }
0x111: {  	_ =	swait.ge @!p0 [sflag:s0], s1  }
0x112: {  	s1 =	ssub.s32 @!p0 $0x0, s1;
	[sflag:s0] =	ssyncset.done @!p0 $0x0  }
0x113: {  	[sflag:s0] =	ssyncadd.s32 @!p0 s1  }
0x114: {  	[bflag:$0x3] =	sbarrier.arrive $0xFFFF  }
0x115: {  	_ =	shalt  }

</sc_bundles>
